<compile_context>
chip_gen: v7x
topology: tpu7x:2x2x1
jax: 0.10.2.dev20260603
libtpu: 0.0.44.dev20260713+nightly
codegen_flags: <defaults>
</compile_context>

<pallas_src>
import jax
import jax.numpy as jnp
from jax import lax
from jax.experimental import pallas as pl
from jax.experimental.pallas import tpu as pltpu
from jax.experimental.pallas import tpu_sc as plsc

_K = 8
_R = 32
_N = 32768
_L = 16
_S = 8
_W = _R // _S
_C = _N // _W
_RPC = _S // 2



def _sc_body(logits_hbm, g_hbm, out_hbm, red_hbm, l_v, acc_v, x_v,
             stg_v, part_v, sem_l, sem_g, sem_r):
    c = lax.axis_index("c")
    s = lax.axis_index("s")
    row_local = s // _W
    chunk = s % _W
    row = c * _RPC + row_local
    col = chunk * _C

    cp_l = pltpu.async_copy(logits_hbm.at[row, pl.ds(col, _C)], l_v, sem_l)
    cps = [
        pltpu.async_copy(g_hbm.at[k, row, pl.ds(col, _C)], x_v.at[k],
                         sem_g.at[k])
        for k in range(_K)
    ]
    cp_l.wait()

    zero = jnp.zeros((_L,), jnp.float32)
    saccs = []
    for k in range(_K):
        cps[k].wait()

        @plsc.parallel_loop(0, _C, 8 * _L, unroll=2, carry=(zero,) * 8)
        def p1(j, accs):
            sls = [pl.ds(pl.multiple_of(j + t * _L, _L), _L) for t in range(8)]
            xs = [l_v[sl] + x_v[k, sl] for sl in sls]
            es = [jnp.exp(x) for x in xs]
            for t in range(8):
                x_v[k, sls[t]] = es[t]
            return tuple(accs[t] + es[t] for t in range(8))

        saccs.append(((p1[0] + p1[1]) + (p1[2] + p1[3])) +
                     ((p1[4] + p1[5]) + (p1[6] + p1[7])))

    for k in range(_K):
        stg_v[k] = saccs[k]
    pltpu.async_copy(stg_v, red_hbm.at[c, s], sem_r).wait()
    plsc.subcore_barrier()
    pltpu.async_copy(
        red_hbm.at[c, pl.ds(row_local * _W, _W)], part_v, sem_r
    ).wait()

    rs = []
    for k in range(_K):
        tot = part_v[0, k]
        for t in range(1, _W):
            tot = tot + part_v[t, k]
        ssum = tot[0]
        for t in range(1, _L):
            ssum = ssum + tot[t]
        rs.append(1.0 / jnp.full((_L,), ssum, dtype=jnp.float32))

    @plsc.parallel_loop(0, _C, 2 * _L, unroll=4)
    def p2(j):
        for t in range(2):
            sl = pl.ds(pl.multiple_of(j + t * _L, _L), _L)
            ps = [x_v[k, sl] * rs[k] for k in range(_K)]
            m01 = jnp.maximum(ps[0], ps[1])
            m23 = jnp.maximum(ps[2], ps[3])
            m45 = jnp.maximum(ps[4], ps[5])
            m67 = jnp.maximum(ps[6], ps[7])
            acc_v[sl] = jnp.maximum(jnp.maximum(m01, m23),
                                    jnp.maximum(m45, m67))

    pltpu.async_copy(acc_v, out_hbm.at[row, pl.ds(col, _C)], sem_l).wait()


def _sc_part(logits, g):
    mesh = plsc.VectorSubcoreMesh(core_axis_name="c", subcore_axis_name="s")
    out, _ = pl.kernel(
        _sc_body,
        mesh=mesh,
        out_type=(
            jax.ShapeDtypeStruct((_S, _N), jnp.float32),
            jax.ShapeDtypeStruct((2, 16, _K, _L), jnp.float32),
        ),
        scratch_types=[
            pltpu.VMEM((_C,), jnp.float32),
            pltpu.VMEM((_C,), jnp.float32),
            pltpu.VMEM((_K, _C), jnp.float32),
            pltpu.VMEM((_K, _L), jnp.float32),
            pltpu.VMEM((_W, _K, _L), jnp.float32),
            pltpu.SemaphoreType.DMA,
            pltpu.SemaphoreType.DMA((_K,)),
            pltpu.SemaphoreType.DMA,
        ],
    )(logits, g)
    return out



_BR = 8


def _tc_body(logits_ref, g_ref, out_ref):
    l = logits_ref[...]
    e = jnp.exp(l[None, :, :] + g_ref[...])
    s = jnp.sum(e, axis=2, keepdims=True)
    p = e * (1.0 / s)
    out_ref[...] = jnp.max(p, axis=0)


def _tc_part(logits, g):
    off = _S // _BR
    return pl.pallas_call(
        _tc_body,
        grid=((_R - _S) // _BR,),
        in_specs=[
            pl.BlockSpec((_BR, _N), lambda i: (i + off, 0)),
            pl.BlockSpec((_K, _BR, _N), lambda i: (0, i + off, 0)),
        ],
        out_specs=pl.BlockSpec((_BR, _N), lambda i: (i + off, 0)),
        out_shape=jax.ShapeDtypeStruct((_R, _N), jnp.float32),
    )(logits, g)


def kernel(logits, g):
    tc_out = _tc_part(logits, g)
    sc_out = _sc_part(logits, g)
    out = lax.dynamic_update_slice(tc_out, sc_out, (0, 0))
    return (out, out)

# --- scband reference (transcript-rebuilt; emitter-appended) ---
"""Pipeline reference for scband-subset-top-ksampling-33844342292792 (READ-ONLY COPY).

The authoritative reference and input builder live on the scoring server;
editing this copy changes nothing except your own understanding.
"""

import jax, jax.numpy as jnp
import numpy as np

K = 8
TAU = 1.0

def setup_inputs(seed: int = 0) -> dict:
    key = jax.random.key(seed)
    k1, k2 = jax.random.split(key)
    logits = jax.random.normal(k1, (32, 32768), dtype=jnp.float32)
    # Gumbel noise sampled with shape (K, *logits.shape), matching
    # torch.distributions.Gumbel(zeros_like, ones_like).sample((K,))
    g = jax.random.gumbel(k2, (K, 32, 32768), dtype=jnp.float32)
    return {"logits": logits, "g": g}

def reference(logits, g):
    # Faithful translation of SubsetTopKSampling.forward in training mode
    # (torch nn.Module default), hard=False:
    #   log_scores = log_softmax(logits, -1)
    #   keys = (log_scores.unsqueeze(0) + g) / tau
    #   khot = max_over_k(softmax(keys, -1))
    #   pert_vec = discrete_on_eval(khot) -> khot (training)
    log_scores = jax.nn.log_softmax(logits, axis=-1)
    keys = (log_scores[None, ...] + g) / TAU
    khot = jnp.max(jax.nn.softmax(keys, axis=-1), axis=0)
    pert_vec = khot
    return (pert_vec, khot)

if __name__ == "__main__":
    import jax
    _d = setup_inputs()
    print(jax.jit(kernel)(*tuple(_d.values())))

</pallas_src>

<mosaic_0001>
#map = affine_map<(d0, d1) -> (0, 0)>
#map1 = affine_map<(d0, d1) -> (0, 0, 0)>
#map2 = affine_map<(d0, d1) -> (0, 0, 0, 0)>
module attributes {stable_mosaic.version = 14 : i64} {
  func.func @_sc_body(%arg0: i32, %arg1: i32, %arg2: memref<32x32768xf32, #tpu.memory_space<hbm>>, %arg3: memref<8x32x32768xf32, #tpu.memory_space<hbm>>, %arg4: memref<8x32768xf32, #tpu.memory_space<hbm>>, %arg5: memref<2x16x8x16xf32, #tpu.memory_space<hbm>>, %arg6: memref<8192xf32, #tpu.memory_space<vmem>>, %arg7: memref<8192xf32, #tpu.memory_space<vmem>>, %arg8: memref<8x8192xf32, #tpu.memory_space<vmem>>, %arg9: memref<8x16xf32, #tpu.memory_space<vmem>>, %arg10: memref<4x8x16xf32, #tpu.memory_space<vmem>>, %arg11: memref<!tpu.dma_semaphore, #tpu.memory_space<semaphore_mem>>, %arg12: memref<8x!tpu.dma_semaphore, #tpu.memory_space<semaphore_mem>>, %arg13: memref<!tpu.dma_semaphore, #tpu.memory_space<semaphore_mem>>) attributes {dimension_semantics = [#tpu.dimension_semantics<core_parallel>, #tpu.dimension_semantics<subcore_parallel>], iteration_bounds = array<i64: 2, 16>, scalar_prefetch = 0 : i64, scratch_operands = 8 : i64, tpu.core_type = #tpu.core_type<sc_vector_subcore>, window_params = [{transform_indices = #map}, {transform_indices = #map1}, {transform_indices = #map}, {transform_indices = #map2}]} {
    %jit3A = arith.constant 4 : i32
    %div3A = arith.divsi %arg1, %jit3A : i32
    %sign3A = arith.constant 0 : i32
    %sign3A_0 = arith.cmpi sgt, %arg1, %sign3A : i32
    %sign3A_1 = arith.extui %sign3A_0 : i1 to i32
    %sign3A_2 = arith.constant 0 : i32
    %sign3A_3 = arith.cmpi slt, %arg1, %sign3A_2 : i32
    %sign3A_4 = arith.extui %sign3A_3 : i1 to i32
    %sign3A_5 = arith.subi %sign3A_1, %sign3A_4 : i32
    %sign3A_6 = arith.constant 0 : i32
    %sign3A_7 = arith.cmpi sgt, %jit3A, %sign3A_6 : i32
    %sign3A_8 = arith.extui %sign3A_7 : i1 to i32
    %sign3A_9 = arith.constant 0 : i32
    %sign3A_10 = arith.cmpi slt, %jit3A, %sign3A_9 : i32
    %sign3A_11 = arith.extui %sign3A_10 : i1 to i32
    %sign3A_12 = arith.subi %sign3A_8, %sign3A_11 : i32
    %ne3A = arith.cmpi ne, %sign3A_5, %sign3A_12 : i32
    %rem3A = arith.remsi %arg1, %jit3A : i32
    %ne3A_13 = arith.constant 0 : i32
    %ne3A_14 = arith.cmpi ne, %rem3A, %ne3A_13 : i32
    %and3A = arith.andi %ne3A, %ne3A_14 : i1
    %sub3A = arith.constant 1 : i32
    %sub3A_15 = arith.subi %div3A, %sub3A : i32
    %select_n3A = arith.select %and3A, %sub3A_15, %div3A : i32
    %jit3A_16 = arith.constant 4 : i32
    %eq3A = arith.constant 0 : i32
    %eq3A_17 = arith.cmpi eq, %jit3A_16, %eq3A : i32
    %jit3A_18 = arith.constant 1 : i32
    %select_n3A_19 = arith.select %eq3A_17, %jit3A_18, %jit3A_16 : i32
    %rem3A_20 = arith.remsi %arg1, %select_n3A_19 : i32
    %ne3A_21 = arith.constant 0 : i32
    %ne3A_22 = arith.cmpi ne, %rem3A_20, %ne3A_21 : i32
    %lt3A = arith.constant 0 : i32
    %lt3A_23 = arith.cmpi slt, %rem3A_20, %lt3A : i32
    %lt3A_24 = arith.constant 0 : i32
    %lt3A_25 = arith.cmpi slt, %select_n3A_19, %lt3A_24 : i32
    %ne3A_26 = arith.xori %lt3A_23, %lt3A_25 : i1
    %and3A_27 = arith.andi %ne3A_26, %ne3A_22 : i1
    %add3A = arith.addi %rem3A_20, %select_n3A_19 : i32
    %select_n3A_28 = arith.select %and3A_27, %add3A, %rem3A_20 : i32
    %mul3A = arith.constant 4 : i32
    %mul3A_29 = arith.muli %arg0, %mul3A : i32
    %add3A_30 = arith.addi %mul3A_29, %select_n3A : i32
    %mul3A_31 = arith.constant 8192 : i32
    %mul3A_32 = arith.muli %select_n3A_28, %mul3A_31 : i32
    %dma_start3A = tpu.memref_slice %arg2[%add3A_30, %mul3A_32] : memref<32x32768xf32, #tpu.memory_space<hbm>> -> memref<1x8192xf32, #tpu.memory_space<hbm>>
    %dma_start3A_33 = tpu.memref_squeeze %dma_start3A : memref<1x8192xf32, #tpu.memory_space<hbm>> -> memref<8192xf32, #tpu.memory_space<hbm>>
    %dma_start3A_34 = tpu.memref_slice %arg2[%add3A_30, %mul3A_32] : memref<32x32768xf32, #tpu.memory_space<hbm>> -> memref<1x8192xf32, #tpu.memory_space<hbm>>
    %dma_start3A_35 = tpu.memref_squeeze %dma_start3A_34 : memref<1x8192xf32, #tpu.memory_space<hbm>> -> memref<8192xf32, #tpu.memory_space<hbm>>
    tpu.enqueue_dma source(%dma_start3A_35 : memref<8192xf32, #tpu.memory_space<hbm>>) target(%arg6 : memref<8192xf32, #tpu.memory_space<vmem>>) target_semaphore(%arg11 : memref<!tpu.dma_semaphore, #tpu.memory_space<semaphore_mem>>)
    %dma_start3A_36 = arith.constant 0 : i32
    %dma_start3A_37 = arith.constant 0 : i32
    %dma_start3A_38 = arith.constant 0 : i32
    %dma_start3A_39 = arith.constant 0 : i32
    %dma_start3A_40 = tpu.memref_slice %arg8[%dma_start3A_37, %dma_start3A_39] : memref<8x8192xf32, #tpu.memory_space<vmem>> -> memref<1x8192xf32, #tpu.memory_space<vmem>>
    %dma_start3A_41 = tpu.memref_squeeze %dma_start3A_40 : memref<1x8192xf32, #tpu.memory_space<vmem>> -> memref<8192xf32, #tpu.memory_space<vmem>>
    %dma_start3A_42 = tpu.memref_slice %arg3[%dma_start3A_36, %add3A_30, %mul3A_32] : memref<8x32x32768xf32, #tpu.memory_space<hbm>> -> memref<1x1x8192xf32, #tpu.memory_space<hbm>>
    %dma_start3A_43 = tpu.memref_squeeze %dma_start3A_42 : memref<1x1x8192xf32, #tpu.memory_space<hbm>> -> memref<8192xf32, #tpu.memory_space<hbm>>
    %dma_start3A_44 = tpu.memref_slice %arg12[%dma_start3A_38] : memref<8x!tpu.dma_semaphore, #tpu.memory_space<semaphore_mem>> -> memref<1x!tpu.dma_semaphore, #tpu.memory_space<semaphore_mem>>
    %dma_start3A_45 = tpu.memref_squeeze %dma_start3A_44 : memref<1x!tpu.dma_semaphore, #tpu.memory_space<semaphore_mem>> -> memref<!tpu.dma_semaphore, #tpu.memory_space<semaphore_mem>>
    %dma_start3A_46 = arith.constant 0 : i32
    %dma_start3A_47 = tpu.memref_slice %arg8[%dma_start3A_37, %dma_start3A_46] : memref<8x8192xf32, #tpu.memory_space<vmem>> -> memref<1x8192xf32, #tpu.memory_space<vmem>>
    %dma_start3A_48 = tpu.memref_squeeze %dma_start3A_47 : memref<1x8192xf32, #tpu.memory_space<vmem>> -> memref<8192xf32, #tpu.memory_space<vmem>>
    %dma_start3A_49 = tpu.memref_slice %arg3[%dma_start3A_36, %add3A_30, %mul3A_32] : memref<8x32x32768xf32, #tpu.memory_space<hbm>> -> memref<1x1x8192xf32, #tpu.memory_space<hbm>>
    %dma_start3A_50 = tpu.memref_squeeze %dma_start3A_49 : memref<1x1x8192xf32, #tpu.memory_space<hbm>> -> memref<8192xf32, #tpu.memory_space<hbm>>
    tpu.enqueue_dma source(%dma_start3A_50 : memref<8192xf32, #tpu.memory_space<hbm>>) target(%dma_start3A_48 : memref<8192xf32, #tpu.memory_space<vmem>>) target_semaphore(%dma_start3A_45 : memref<!tpu.dma_semaphore, #tpu.memory_space<semaphore_mem>>)
    %dma_start3A_51 = arith.constant 1 : i32
    %dma_start3A_52 = arith.constant 1 : i32
    %dma_start3A_53 = arith.constant 1 : i32
    %dma_start3A_54 = arith.constant 0 : i32
    %dma_start3A_55 = tpu.memref_slice %arg8[%dma_start3A_52, %dma_start3A_54] : memref<8x8192xf32, #tpu.memory_space<vmem>> -> memref<1x8192xf32, #tpu.memory_space<vmem>>
    %dma_start3A_56 = tpu.memref_squeeze %dma_start3A_55 : memref<1x8192xf32, #tpu.memory_space<vmem>> -> memref<8192xf32, #tpu.memory_space<vmem>>
    %dma_start3A_57 = tpu.memref_slice %arg3[%dma_start3A_51, %add3A_30, %mul3A_32] : memref<8x32x32768xf32, #tpu.memory_space<hbm>> -> memref<1x1x8192xf32, #tpu.memory_space<hbm>>
    %dma_start3A_58 = tpu.memref_squeeze %dma_start3A_57 : memref<1x1x8192xf32, #tpu.memory_space<hbm>> -> memref<8192xf32, #tpu.memory_space<hbm>>
    %dma_start3A_59 = tpu.memref_slice %arg12[%dma_start3A_53] : memref<8x!tpu.dma_semaphore, #tpu.memory_space<semaphore_mem>> -> memref<1x!tpu.dma_semaphore, #tpu.memory_space<semaphore_mem>>
    %dma_start3A_60 = tpu.memref_squeeze %dma_start3A_59 : memref<1x!tpu.dma_semaphore, #tpu.memory_space<semaphore_mem>> -> memref<!tpu.dma_semaphore, #tpu.memory_space<semaphore_mem>>
    %dma_start3A_61 = arith.constant 0 : i32
    %dma_start3A_62 = tpu.memref_slice %arg8[%dma_start3A_52, %dma_start3A_61] : memref<8x8192xf32, #tpu.memory_space<vmem>> -> memref<1x8192xf32, #tpu.memory_space<vmem>>
    %dma_start3A_63 = tpu.memref_squeeze %dma_start3A_62 : memref<1x8192xf32, #tpu.memory_space<vmem>> -> memref<8192xf32, #tpu.memory_space<vmem>>
    %dma_start3A_64 = tpu.memref_slice %arg3[%dma_start3A_51, %add3A_30, %mul3A_32] : memref<8x32x32768xf32, #tpu.memory_space<hbm>> -> memref<1x1x8192xf32, #tpu.memory_space<hbm>>
    %dma_start3A_65 = tpu.memref_squeeze %dma_start3A_64 : memref<1x1x8192xf32, #tpu.memory_space<hbm>> -> memref<8192xf32, #tpu.memory_space<hbm>>
    tpu.enqueue_dma source(%dma_start3A_65 : memref<8192xf32, #tpu.memory_space<hbm>>) target(%dma_start3A_63 : memref<8192xf32, #tpu.memory_space<vmem>>) target_semaphore(%dma_start3A_60 : memref<!tpu.dma_semaphore, #tpu.memory_space<semaphore_mem>>)
    %dma_start3A_66 = arith.constant 2 : i32
    %dma_start3A_67 = arith.constant 2 : i32
    %dma_start3A_68 = arith.constant 2 : i32
    %dma_start3A_69 = arith.constant 0 : i32
    %dma_start3A_70 = tpu.memref_slice %arg8[%dma_start3A_67, %dma_start3A_69] : memref<8x8192xf32, #tpu.memory_space<vmem>> -> memref<1x8192xf32, #tpu.memory_space<vmem>>
    %dma_start3A_71 = tpu.memref_squeeze %dma_start3A_70 : memref<1x8192xf32, #tpu.memory_space<vmem>> -> memref<8192xf32, #tpu.memory_space<vmem>>
    %dma_start3A_72 = tpu.memref_slice %arg3[%dma_start3A_66, %add3A_30, %mul3A_32] : memref<8x32x32768xf32, #tpu.memory_space<hbm>> -> memref<1x1x8192xf32, #tpu.memory_space<hbm>>
    %dma_start3A_73 = tpu.memref_squeeze %dma_start3A_72 : memref<1x1x8192xf32, #tpu.memory_space<hbm>> -> memref<8192xf32, #tpu.memory_space<hbm>>
    %dma_start3A_74 = tpu.memref_slice %arg12[%dma_start3A_68] : memref<8x!tpu.dma_semaphore, #tpu.memory_space<semaphore_mem>> -> memref<1x!tpu.dma_semaphore, #tpu.memory_space<semaphore_mem>>
    %dma_start3A_75 = tpu.memref_squeeze %dma_start3A_74 : memref<1x!tpu.dma_semaphore, #tpu.memory_space<semaphore_mem>> -> memref<!tpu.dma_semaphore, #tpu.memory_space<semaphore_mem>>
    %dma_start3A_76 = arith.constant 0 : i32
    %dma_start3A_77 = tpu.memref_slice %arg8[%dma_start3A_67, %dma_start3A_76] : memref<8x8192xf32, #tpu.memory_space<vmem>> -> memref<1x8192xf32, #tpu.memory_space<vmem>>
    %dma_start3A_78 = tpu.memref_squeeze %dma_start3A_77 : memref<1x8192xf32, #tpu.memory_space<vmem>> -> memref<8192xf32, #tpu.memory_space<vmem>>
    %dma_start3A_79 = tpu.memref_slice %arg3[%dma_start3A_66, %add3A_30, %mul3A_32] : memref<8x32x32768xf32, #tpu.memory_space<hbm>> -> memref<1x1x8192xf32, #tpu.memory_space<hbm>>
    %dma_start3A_80 = tpu.memref_squeeze %dma_start3A_79 : memref<1x1x8192xf32, #tpu.memory_space<hbm>> -> memref<8192xf32, #tpu.memory_space<hbm>>
    tpu.enqueue_dma source(%dma_start3A_80 : memref<8192xf32, #tpu.memory_space<hbm>>) target(%dma_start3A_78 : memref<8192xf32, #tpu.memory_space<vmem>>) target_semaphore(%dma_start3A_75 : memref<!tpu.dma_semaphore, #tpu.memory_space<semaphore_mem>>)
    %dma_start3A_81 = arith.constant 3 : i32
    %dma_start3A_82 = arith.constant 3 : i32
    %dma_start3A_83 = arith.constant 3 : i32
    %dma_start3A_84 = arith.constant 0 : i32
    %dma_start3A_85 = tpu.memref_slice %arg8[%dma_start3A_82, %dma_start3A_84] : memref<8x8192xf32, #tpu.memory_space<vmem>> -> memref<1x8192xf32, #tpu.memory_space<vmem>>
    %dma_start3A_86 = tpu.memref_squeeze %dma_start3A_85 : memref<1x8192xf32, #tpu.memory_space<vmem>> -> memref<8192xf32, #tpu.memory_space<vmem>>
    %dma_start3A_87 = tpu.memref_slice %arg3[%dma_start3A_81, %add3A_30, %mul3A_32] : memref<8x32x32768xf32, #tpu.memory_space<hbm>> -> memref<1x1x8192xf32, #tpu.memory_space<hbm>>
    %dma_start3A_88 = tpu.memref_squeeze %dma_start3A_87 : memref<1x1x8192xf32, #tpu.memory_space<hbm>> -> memref<8192xf32, #tpu.memory_space<hbm>>
    %dma_start3A_89 = tpu.memref_slice %arg12[%dma_start3A_83] : memref<8x!tpu.dma_semaphore, #tpu.memory_space<semaphore_mem>> -> memref<1x!tpu.dma_semaphore, #tpu.memory_space<semaphore_mem>>
    %dma_start3A_90 = tpu.memref_squeeze %dma_start3A_89 : memref<1x!tpu.dma_semaphore, #tpu.memory_space<semaphore_mem>> -> memref<!tpu.dma_semaphore, #tpu.memory_space<semaphore_mem>>
    %dma_start3A_91 = arith.constant 0 : i32
    %dma_start3A_92 = tpu.memref_slice %arg8[%dma_start3A_82, %dma_start3A_91] : memref<8x8192xf32, #tpu.memory_space<vmem>> -> memref<1x8192xf32, #tpu.memory_space<vmem>>
    %dma_start3A_93 = tpu.memref_squeeze %dma_start3A_92 : memref<1x8192xf32, #tpu.memory_space<vmem>> -> memref<8192xf32, #tpu.memory_space<vmem>>
    %dma_start3A_94 = tpu.memref_slice %arg3[%dma_start3A_81, %add3A_30, %mul3A_32] : memref<8x32x32768xf32, #tpu.memory_space<hbm>> -> memref<1x1x8192xf32, #tpu.memory_space<hbm>>
    %dma_start3A_95 = tpu.memref_squeeze %dma_start3A_94 : memref<1x1x8192xf32, #tpu.memory_space<hbm>> -> memref<8192xf32, #tpu.memory_space<hbm>>
    tpu.enqueue_dma source(%dma_start3A_95 : memref<8192xf32, #tpu.memory_space<hbm>>) target(%dma_start3A_93 : memref<8192xf32, #tpu.memory_space<vmem>>) target_semaphore(%dma_start3A_90 : memref<!tpu.dma_semaphore, #tpu.memory_space<semaphore_mem>>)
    %dma_start3A_96 = arith.constant 4 : i32
    %dma_start3A_97 = arith.constant 4 : i32
    %dma_start3A_98 = arith.constant 4 : i32
    %dma_start3A_99 = arith.constant 0 : i32
    %dma_start3A_100 = tpu.memref_slice %arg8[%dma_start3A_97, %dma_start3A_99] : memref<8x8192xf32, #tpu.memory_space<vmem>> -> memref<1x8192xf32, #tpu.memory_space<vmem>>
    %dma_start3A_101 = tpu.memref_squeeze %dma_start3A_100 : memref<1x8192xf32, #tpu.memory_space<vmem>> -> memref<8192xf32, #tpu.memory_space<vmem>>
    %dma_start3A_102 = tpu.memref_slice %arg3[%dma_start3A_96, %add3A_30, %mul3A_32] : memref<8x32x32768xf32, #tpu.memory_space<hbm>> -> memref<1x1x8192xf32, #tpu.memory_space<hbm>>
    %dma_start3A_103 = tpu.memref_squeeze %dma_start3A_102 : memref<1x1x8192xf32, #tpu.memory_space<hbm>> -> memref<8192xf32, #tpu.memory_space<hbm>>
    %dma_start3A_104 = tpu.memref_slice %arg12[%dma_start3A_98] : memref<8x!tpu.dma_semaphore, #tpu.memory_space<semaphore_mem>> -> memref<1x!tpu.dma_semaphore, #tpu.memory_space<semaphore_mem>>
    %dma_start3A_105 = tpu.memref_squeeze %dma_start3A_104 : memref<1x!tpu.dma_semaphore, #tpu.memory_space<semaphore_mem>> -> memref<!tpu.dma_semaphore, #tpu.memory_space<semaphore_mem>>
    %dma_start3A_106 = arith.constant 0 : i32
    %dma_start3A_107 = tpu.memref_slice %arg8[%dma_start3A_97, %dma_start3A_106] : memref<8x8192xf32, #tpu.memory_space<vmem>> -> memref<1x8192xf32, #tpu.memory_space<vmem>>
    %dma_start3A_108 = tpu.memref_squeeze %dma_start3A_107 : memref<1x8192xf32, #tpu.memory_space<vmem>> -> memref<8192xf32, #tpu.memory_space<vmem>>
    %dma_start3A_109 = tpu.memref_slice %arg3[%dma_start3A_96, %add3A_30, %mul3A_32] : memref<8x32x32768xf32, #tpu.memory_space<hbm>> -> memref<1x1x8192xf32, #tpu.memory_space<hbm>>
    %dma_start3A_110 = tpu.memref_squeeze %dma_start3A_109 : memref<1x1x8192xf32, #tpu.memory_space<hbm>> -> memref<8192xf32, #tpu.memory_space<hbm>>
    tpu.enqueue_dma source(%dma_start3A_110 : memref<8192xf32, #tpu.memory_space<hbm>>) target(%dma_start3A_108 : memref<8192xf32, #tpu.memory_space<vmem>>) target_semaphore(%dma_start3A_105 : memref<!tpu.dma_semaphore, #tpu.memory_space<semaphore_mem>>)
    %dma_start3A_111 = arith.constant 5 : i32
    %dma_start3A_112 = arith.constant 5 : i32
    %dma_start3A_113 = arith.constant 5 : i32
    %dma_start3A_114 = arith.constant 0 : i32
    %dma_start3A_115 = tpu.memref_slice %arg8[%dma_start3A_112, %dma_start3A_114] : memref<8x8192xf32, #tpu.memory_space<vmem>> -> memref<1x8192xf32, #tpu.memory_space<vmem>>
    %dma_start3A_116 = tpu.memref_squeeze %dma_start3A_115 : memref<1x8192xf32, #tpu.memory_space<vmem>> -> memref<8192xf32, #tpu.memory_space<vmem>>
    %dma_start3A_117 = tpu.memref_slice %arg3[%dma_start3A_111, %add3A_30, %mul3A_32] : memref<8x32x32768xf32, #tpu.memory_space<hbm>> -> memref<1x1x8192xf32, #tpu.memory_space<hbm>>
    %dma_start3A_118 = tpu.memref_squeeze %dma_start3A_117 : memref<1x1x8192xf32, #tpu.memory_space<hbm>> -> memref<8192xf32, #tpu.memory_space<hbm>>
    %dma_start3A_119 = tpu.memref_slice %arg12[%dma_start3A_113] : memref<8x!tpu.dma_semaphore, #tpu.memory_space<semaphore_mem>> -> memref<1x!tpu.dma_semaphore, #tpu.memory_space<semaphore_mem>>
    %dma_start3A_120 = tpu.memref_squeeze %dma_start3A_119 : memref<1x!tpu.dma_semaphore, #tpu.memory_space<semaphore_mem>> -> memref<!tpu.dma_semaphore, #tpu.memory_space<semaphore_mem>>
    %dma_start3A_121 = arith.constant 0 : i32
    %dma_start3A_122 = tpu.memref_slice %arg8[%dma_start3A_112, %dma_start3A_121] : memref<8x8192xf32, #tpu.memory_space<vmem>> -> memref<1x8192xf32, #tpu.memory_space<vmem>>
    %dma_start3A_123 = tpu.memref_squeeze %dma_start3A_122 : memref<1x8192xf32, #tpu.memory_space<vmem>> -> memref<8192xf32, #tpu.memory_space<vmem>>
    %dma_start3A_124 = tpu.memref_slice %arg3[%dma_start3A_111, %add3A_30, %mul3A_32] : memref<8x32x32768xf32, #tpu.memory_space<hbm>> -> memref<1x1x8192xf32, #tpu.memory_space<hbm>>
    %dma_start3A_125 = tpu.memref_squeeze %dma_start3A_124 : memref<1x1x8192xf32, #tpu.memory_space<hbm>> -> memref<8192xf32, #tpu.memory_space<hbm>>
    tpu.enqueue_dma source(%dma_start3A_125 : memref<8192xf32, #tpu.memory_space<hbm>>) target(%dma_start3A_123 : memref<8192xf32, #tpu.memory_space<vmem>>) target_semaphore(%dma_start3A_120 : memref<!tpu.dma_semaphore, #tpu.memory_space<semaphore_mem>>)
    %dma_start3A_126 = arith.constant 6 : i32
    %dma_start3A_127 = arith.constant 6 : i32
    %dma_start3A_128 = arith.constant 6 : i32
    %dma_start3A_129 = arith.constant 0 : i32
    %dma_start3A_130 = tpu.memref_slice %arg8[%dma_start3A_127, %dma_start3A_129] : memref<8x8192xf32, #tpu.memory_space<vmem>> -> memref<1x8192xf32, #tpu.memory_space<vmem>>
    %dma_start3A_131 = tpu.memref_squeeze %dma_start3A_130 : memref<1x8192xf32, #tpu.memory_space<vmem>> -> memref<8192xf32, #tpu.memory_space<vmem>>
    %dma_start3A_132 = tpu.memref_slice %arg3[%dma_start3A_126, %add3A_30, %mul3A_32] : memref<8x32x32768xf32, #tpu.memory_space<hbm>> -> memref<1x1x8192xf32, #tpu.memory_space<hbm>>
    %dma_start3A_133 = tpu.memref_squeeze %dma_start3A_132 : memref<1x1x8192xf32, #tpu.memory_space<hbm>> -> memref<8192xf32, #tpu.memory_space<hbm>>
    %dma_start3A_134 = tpu.memref_slice %arg12[%dma_start3A_128] : memref<8x!tpu.dma_semaphore, #tpu.memory_space<semaphore_mem>> -> memref<1x!tpu.dma_semaphore, #tpu.memory_space<semaphore_mem>>
    %dma_start3A_135 = tpu.memref_squeeze %dma_start3A_134 : memref<1x!tpu.dma_semaphore, #tpu.memory_space<semaphore_mem>> -> memref<!tpu.dma_semaphore, #tpu.memory_space<semaphore_mem>>
    %dma_start3A_136 = arith.constant 0 : i32
    %dma_start3A_137 = tpu.memref_slice %arg8[%dma_start3A_127, %dma_start3A_136] : memref<8x8192xf32, #tpu.memory_space<vmem>> -> memref<1x8192xf32, #tpu.memory_space<vmem>>
    %dma_start3A_138 = tpu.memref_squeeze %dma_start3A_137 : memref<1x8192xf32, #tpu.memory_space<vmem>> -> memref<8192xf32, #tpu.memory_space<vmem>>
    %dma_start3A_139 = tpu.memref_slice %arg3[%dma_start3A_126, %add3A_30, %mul3A_32] : memref<8x32x32768xf32, #tpu.memory_space<hbm>> -> memref<1x1x8192xf32, #tpu.memory_space<hbm>>
    %dma_start3A_140 = tpu.memref_squeeze %dma_start3A_139 : memref<1x1x8192xf32, #tpu.memory_space<hbm>> -> memref<8192xf32, #tpu.memory_space<hbm>>
    tpu.enqueue_dma source(%dma_start3A_140 : memref<8192xf32, #tpu.memory_space<hbm>>) target(%dma_start3A_138 : memref<8192xf32, #tpu.memory_space<vmem>>) target_semaphore(%dma_start3A_135 : memref<!tpu.dma_semaphore, #tpu.memory_space<semaphore_mem>>)
    %dma_start3A_141 = arith.constant 7 : i32
    %dma_start3A_142 = arith.constant 7 : i32
    %dma_start3A_143 = arith.constant 7 : i32
    %dma_start3A_144 = arith.constant 0 : i32
    %dma_start3A_145 = tpu.memref_slice %arg8[%dma_start3A_142, %dma_start3A_144] : memref<8x8192xf32, #tpu.memory_space<vmem>> -> memref<1x8192xf32, #tpu.memory_space<vmem>>
    %dma_start3A_146 = tpu.memref_squeeze %dma_start3A_145 : memref<1x8192xf32, #tpu.memory_space<vmem>> -> memref<8192xf32, #tpu.memory_space<vmem>>
    %dma_start3A_147 = tpu.memref_slice %arg3[%dma_start3A_141, %add3A_30, %mul3A_32] : memref<8x32x32768xf32, #tpu.memory_space<hbm>> -> memref<1x1x8192xf32, #tpu.memory_space<hbm>>
    %dma_start3A_148 = tpu.memref_squeeze %dma_start3A_147 : memref<1x1x8192xf32, #tpu.memory_space<hbm>> -> memref<8192xf32, #tpu.memory_space<hbm>>
    %dma_start3A_149 = tpu.memref_slice %arg12[%dma_start3A_143] : memref<8x!tpu.dma_semaphore, #tpu.memory_space<semaphore_mem>> -> memref<1x!tpu.dma_semaphore, #tpu.memory_space<semaphore_mem>>
    %dma_start3A_150 = tpu.memref_squeeze %dma_start3A_149 : memref<1x!tpu.dma_semaphore, #tpu.memory_space<semaphore_mem>> -> memref<!tpu.dma_semaphore, #tpu.memory_space<semaphore_mem>>
    %dma_start3A_151 = arith.constant 0 : i32
    %dma_start3A_152 = tpu.memref_slice %arg8[%dma_start3A_142, %dma_start3A_151] : memref<8x8192xf32, #tpu.memory_space<vmem>> -> memref<1x8192xf32, #tpu.memory_space<vmem>>
    %dma_start3A_153 = tpu.memref_squeeze %dma_start3A_152 : memref<1x8192xf32, #tpu.memory_space<vmem>> -> memref<8192xf32, #tpu.memory_space<vmem>>
    %dma_start3A_154 = tpu.memref_slice %arg3[%dma_start3A_141, %add3A_30, %mul3A_32] : memref<8x32x32768xf32, #tpu.memory_space<hbm>> -> memref<1x1x8192xf32, #tpu.memory_space<hbm>>
    %dma_start3A_155 = tpu.memref_squeeze %dma_start3A_154 : memref<1x1x8192xf32, #tpu.memory_space<hbm>> -> memref<8192xf32, #tpu.memory_space<hbm>>
    tpu.enqueue_dma source(%dma_start3A_155 : memref<8192xf32, #tpu.memory_space<hbm>>) target(%dma_start3A_153 : memref<8192xf32, #tpu.memory_space<vmem>>) target_semaphore(%dma_start3A_150 : memref<!tpu.dma_semaphore, #tpu.memory_space<semaphore_mem>>)
    %dma_wait3A = tpu.memref_slice %arg2[%add3A_30, %mul3A_32] : memref<32x32768xf32, #tpu.memory_space<hbm>> -> memref<1x8192xf32, #tpu.memory_space<hbm>>
    %dma_wait3A_156 = tpu.memref_squeeze %dma_wait3A : memref<1x8192xf32, #tpu.memory_space<hbm>> -> memref<8192xf32, #tpu.memory_space<hbm>>
    %dma_wait3A_157 = tpu.memref_slice %arg2[%add3A_30, %mul3A_32] : memref<32x32768xf32, #tpu.memory_space<hbm>> -> memref<1x8192xf32, #tpu.memory_space<hbm>>
    %dma_wait3A_158 = tpu.memref_squeeze %dma_wait3A_157 : memref<1x8192xf32, #tpu.memory_space<hbm>> -> memref<8192xf32, #tpu.memory_space<hbm>>
    tpu.wait_dma2 semaphore(%arg11 : memref<!tpu.dma_semaphore, #tpu.memory_space<semaphore_mem>>) src(%dma_wait3A_158 : memref<8192xf32, #tpu.memory_space<hbm>>) dst(%arg6 : memref<8192xf32, #tpu.memory_space<vmem>>)
    %broadcast_in_dim3A = arith.constant 0.000000e+00 : f32
    %broadcast_in_dim3A_159 = vector.broadcast %broadcast_in_dim3A : f32 to vector<16xf32>
    %dma_wait3A_160 = arith.constant 0 : i32
    %dma_wait3A_161 = arith.constant 0 : i32
    %dma_wait3A_162 = arith.constant 0 : i32
    %dma_wait3A_163 = arith.constant 0 : i32
    %dma_wait3A_164 = tpu.memref_slice %arg8[%dma_wait3A_161, %dma_wait3A_163] : memref<8x8192xf32, #tpu.memory_space<vmem>> -> memref<1x8192xf32, #tpu.memory_space<vmem>>
    %dma_wait3A_165 = tpu.memref_squeeze %dma_wait3A_164 : memref<1x8192xf32, #tpu.memory_space<vmem>> -> memref<8192xf32, #tpu.memory_space<vmem>>
    %dma_wait3A_166 = tpu.memref_slice %arg3[%dma_wait3A_160, %add3A_30, %mul3A_32] : memref<8x32x32768xf32, #tpu.memory_space<hbm>> -> memref<1x1x8192xf32, #tpu.memory_space<hbm>>
    %dma_wait3A_167 = tpu.memref_squeeze %dma_wait3A_166 : memref<1x1x8192xf32, #tpu.memory_space<hbm>> -> memref<8192xf32, #tpu.memory_space<hbm>>
    %dma_wait3A_168 = tpu.memref_slice %arg12[%dma_wait3A_162] : memref<8x!tpu.dma_semaphore, #tpu.memory_space<semaphore_mem>> -> memref<1x!tpu.dma_semaphore, #tpu.memory_space<semaphore_mem>>
    %dma_wait3A_169 = tpu.memref_squeeze %dma_wait3A_168 : memref<1x!tpu.dma_semaphore, #tpu.memory_space<semaphore_mem>> -> memref<!tpu.dma_semaphore, #tpu.memory_space<semaphore_mem>>
    %dma_wait3A_170 = arith.constant 0 : i32
    %dma_wait3A_171 = tpu.memref_slice %arg8[%dma_wait3A_161, %dma_wait3A_170] : memref<8x8192xf32, #tpu.memory_space<vmem>> -> memref<1x8192xf32, #tpu.memory_space<vmem>>
    %dma_wait3A_172 = tpu.memref_squeeze %dma_wait3A_171 : memref<1x8192xf32, #tpu.memory_space<vmem>> -> memref<8192xf32, #tpu.memory_space<vmem>>
    %dma_wait3A_173 = tpu.memref_slice %arg3[%dma_wait3A_160, %add3A_30, %mul3A_32] : memref<8x32x32768xf32, #tpu.memory_space<hbm>> -> memref<1x1x8192xf32, #tpu.memory_space<hbm>>
    %dma_wait3A_174 = tpu.memref_squeeze %dma_wait3A_173 : memref<1x1x8192xf32, #tpu.memory_space<hbm>> -> memref<8192xf32, #tpu.memory_space<hbm>>
    tpu.wait_dma2 semaphore(%dma_wait3A_169 : memref<!tpu.dma_semaphore, #tpu.memory_space<semaphore_mem>>) src(%dma_wait3A_174 : memref<8192xf32, #tpu.memory_space<hbm>>) dst(%dma_wait3A_172 : memref<8192xf32, #tpu.memory_space<vmem>>)
    %parallel_loop3A = arith.constant 0 : i32
    %parallel_loop3A_175 = arith.constant 8192 : i32
    %parallel_loop3A_176 = arith.constant 128 : i32
    %parallel_loop3A_177:8 = scf.for %parallel_loop3A_1112 = %parallel_loop3A to %parallel_loop3A_175 step %parallel_loop3A_176 iter_args(%parallel_loop3A_1113 = %broadcast_in_dim3A_159, %parallel_loop3A_1114 = %broadcast_in_dim3A_159, %parallel_loop3A_1115 = %broadcast_in_dim3A_159, %parallel_loop3A_1116 = %broadcast_in_dim3A_159, %parallel_loop3A_1117 = %broadcast_in_dim3A_159, %parallel_loop3A_1118 = %broadcast_in_dim3A_159, %parallel_loop3A_1119 = %broadcast_in_dim3A_159, %parallel_loop3A_1120 = %broadcast_in_dim3A_159) -> (vector<16xf32>, vector<16xf32>, vector<16xf32>, vector<16xf32>, vector<16xf32>, vector<16xf32>, vector<16xf32>, vector<16xf32>)  : i32 {
      %parallel_loop3A_1121 = arith.constant 0 : i32
      %parallel_loop3A_1122 = arith.addi %parallel_loop3A_1112, %parallel_loop3A_1121 : i32
      %parallel_loop3A_1123 = tpu.assume_multiple %parallel_loop3A_1122, 16 : i32
      %parallel_loop3A_1124 = arith.constant 16 : i32
      %parallel_loop3A_1125 = arith.addi %parallel_loop3A_1112, %parallel_loop3A_1124 : i32
      %parallel_loop3A_1126 = tpu.assume_multiple %parallel_loop3A_1125, 16 : i32
      %parallel_loop3A_1127 = arith.constant 32 : i32
      %parallel_loop3A_1128 = arith.addi %parallel_loop3A_1112, %parallel_loop3A_1127 : i32
      %parallel_loop3A_1129 = tpu.assume_multiple %parallel_loop3A_1128, 16 : i32
      %parallel_loop3A_1130 = arith.constant 48 : i32
      %parallel_loop3A_1131 = arith.addi %parallel_loop3A_1112, %parallel_loop3A_1130 : i32
      %parallel_loop3A_1132 = tpu.assume_multiple %parallel_loop3A_1131, 16 : i32
      %parallel_loop3A_1133 = arith.constant 64 : i32
      %parallel_loop3A_1134 = arith.addi %parallel_loop3A_1112, %parallel_loop3A_1133 : i32
      %parallel_loop3A_1135 = tpu.assume_multiple %parallel_loop3A_1134, 16 : i32
      %parallel_loop3A_1136 = arith.constant 80 : i32
      %parallel_loop3A_1137 = arith.addi %parallel_loop3A_1112, %parallel_loop3A_1136 : i32
      %parallel_loop3A_1138 = tpu.assume_multiple %parallel_loop3A_1137, 16 : i32
      %parallel_loop3A_1139 = arith.constant 96 : i32
      %parallel_loop3A_1140 = arith.addi %parallel_loop3A_1112, %parallel_loop3A_1139 : i32
      %parallel_loop3A_1141 = tpu.assume_multiple %parallel_loop3A_1140, 16 : i32
      %parallel_loop3A_1142 = arith.constant 112 : i32
      %parallel_loop3A_1143 = arith.addi %parallel_loop3A_1112, %parallel_loop3A_1142 : i32
      %parallel_loop3A_1144 = tpu.assume_multiple %parallel_loop3A_1143, 16 : i32
      %parallel_loop3A_1145 = arith.index_cast %parallel_loop3A_1123 : i32 to index
      %parallel_loop3A_1146 = tpu.vector_load %arg6[%parallel_loop3A_1145] {strides = array<i32>} : memref<8192xf32, #tpu.memory_space<vmem>>, vector<16xf32>,
      %parallel_loop3A_1147 = vector.shape_cast %parallel_loop3A_1146 : vector<16xf32> to vector<16xf32>
      %parallel_loop3A_1148 = arith.constant 0 : i32
      %parallel_loop3A_1149 = arith.index_cast %parallel_loop3A_1148 : i32 to index
      %parallel_loop3A_1150 = arith.index_cast %parallel_loop3A_1123 : i32 to index
      %parallel_loop3A_1151 = tpu.vector_load %arg8[%parallel_loop3A_1149, %parallel_loop3A_1150] {strides = array<i32>} : memref<8x8192xf32, #tpu.memory_space<vmem>>, vector<1x16xf32>,
      %parallel_loop3A_1152 = vector.shape_cast %parallel_loop3A_1151 : vector<1x16xf32> to vector<16xf32>
      %parallel_loop3A_1153 = arith.addf %parallel_loop3A_1147, %parallel_loop3A_1152 : vector<16xf32>
      %parallel_loop3A_1154 = arith.index_cast %parallel_loop3A_1126 : i32 to index
      %parallel_loop3A_1155 = tpu.vector_load %arg6[%parallel_loop3A_1154] {strides = array<i32>} : memref<8192xf32, #tpu.memory_space<vmem>>, vector<16xf32>,
      %parallel_loop3A_1156 = vector.shape_cast %parallel_loop3A_1155 : vector<16xf32> to vector<16xf32>
      %parallel_loop3A_1157 = arith.constant 0 : i32
      %parallel_loop3A_1158 = arith.index_cast %parallel_loop3A_1157 : i32 to index
      %parallel_loop3A_1159 = arith.index_cast %parallel_loop3A_1126 : i32 to index
      %parallel_loop3A_1160 = tpu.vector_load %arg8[%parallel_loop3A_1158, %parallel_loop3A_1159] {strides = array<i32>} : memref<8x8192xf32, #tpu.memory_space<vmem>>, vector<1x16xf32>,
      %parallel_loop3A_1161 = vector.shape_cast %parallel_loop3A_1160 : vector<1x16xf32> to vector<16xf32>
      %parallel_loop3A_1162 = arith.addf %parallel_loop3A_1156, %parallel_loop3A_1161 : vector<16xf32>
      %parallel_loop3A_1163 = arith.index_cast %parallel_loop3A_1129 : i32 to index
      %parallel_loop3A_1164 = tpu.vector_load %arg6[%parallel_loop3A_1163] {strides = array<i32>} : memref<8192xf32, #tpu.memory_space<vmem>>, vector<16xf32>,
      %parallel_loop3A_1165 = vector.shape_cast %parallel_loop3A_1164 : vector<16xf32> to vector<16xf32>
      %parallel_loop3A_1166 = arith.constant 0 : i32
      %parallel_loop3A_1167 = arith.index_cast %parallel_loop3A_1166 : i32 to index
      %parallel_loop3A_1168 = arith.index_cast %parallel_loop3A_1129 : i32 to index
      %parallel_loop3A_1169 = tpu.vector_load %arg8[%parallel_loop3A_1167, %parallel_loop3A_1168] {strides = array<i32>} : memref<8x8192xf32, #tpu.memory_space<vmem>>, vector<1x16xf32>,
      %parallel_loop3A_1170 = vector.shape_cast %parallel_loop3A_1169 : vector<1x16xf32> to vector<16xf32>
      %parallel_loop3A_1171 = arith.addf %parallel_loop3A_1165, %parallel_loop3A_1170 : vector<16xf32>
      %parallel_loop3A_1172 = arith.index_cast %parallel_loop3A_1132 : i32 to index
      %parallel_loop3A_1173 = tpu.vector_load %arg6[%parallel_loop3A_1172] {strides = array<i32>} : memref<8192xf32, #tpu.memory_space<vmem>>, vector<16xf32>,
      %parallel_loop3A_1174 = vector.shape_cast %parallel_loop3A_1173 : vector<16xf32> to vector<16xf32>
      %parallel_loop3A_1175 = arith.constant 0 : i32
      %parallel_loop3A_1176 = arith.index_cast %parallel_loop3A_1175 : i32 to index
      %parallel_loop3A_1177 = arith.index_cast %parallel_loop3A_1132 : i32 to index
      %parallel_loop3A_1178 = tpu.vector_load %arg8[%parallel_loop3A_1176, %parallel_loop3A_1177] {strides = array<i32>} : memref<8x8192xf32, #tpu.memory_space<vmem>>, vector<1x16xf32>,
      %parallel_loop3A_1179 = vector.shape_cast %parallel_loop3A_1178 : vector<1x16xf32> to vector<16xf32>
      %parallel_loop3A_1180 = arith.addf %parallel_loop3A_1174, %parallel_loop3A_1179 : vector<16xf32>
      %parallel_loop3A_1181 = arith.index_cast %parallel_loop3A_1135 : i32 to index
      %parallel_loop3A_1182 = tpu.vector_load %arg6[%parallel_loop3A_1181] {strides = array<i32>} : memref<8192xf32, #tpu.memory_space<vmem>>, vector<16xf32>,
      %parallel_loop3A_1183 = vector.shape_cast %parallel_loop3A_1182 : vector<16xf32> to vector<16xf32>
      %parallel_loop3A_1184 = arith.constant 0 : i32
      %parallel_loop3A_1185 = arith.index_cast %parallel_loop3A_1184 : i32 to index
      %parallel_loop3A_1186 = arith.index_cast %parallel_loop3A_1135 : i32 to index
      %parallel_loop3A_1187 = tpu.vector_load %arg8[%parallel_loop3A_1185, %parallel_loop3A_1186] {strides = array<i32>} : memref<8x8192xf32, #tpu.memory_space<vmem>>, vector<1x16xf32>,
      %parallel_loop3A_1188 = vector.shape_cast %parallel_loop3A_1187 : vector<1x16xf32> to vector<16xf32>
      %parallel_loop3A_1189 = arith.addf %parallel_loop3A_1183, %parallel_loop3A_1188 : vector<16xf32>
      %parallel_loop3A_1190 = arith.index_cast %parallel_loop3A_1138 : i32 to index
      %parallel_loop3A_1191 = tpu.vector_load %arg6[%parallel_loop3A_1190] {strides = array<i32>} : memref<8192xf32, #tpu.memory_space<vmem>>, vector<16xf32>,
      %parallel_loop3A_1192 = vector.shape_cast %parallel_loop3A_1191 : vector<16xf32> to vector<16xf32>
      %parallel_loop3A_1193 = arith.constant 0 : i32
      %parallel_loop3A_1194 = arith.index_cast %parallel_loop3A_1193 : i32 to index
      %parallel_loop3A_1195 = arith.index_cast %parallel_loop3A_1138 : i32 to index
      %parallel_loop3A_1196 = tpu.vector_load %arg8[%parallel_loop3A_1194, %parallel_loop3A_1195] {strides = array<i32>} : memref<8x8192xf32, #tpu.memory_space<vmem>>, vector<1x16xf32>,
      %parallel_loop3A_1197 = vector.shape_cast %parallel_loop3A_1196 : vector<1x16xf32> to vector<16xf32>
      %parallel_loop3A_1198 = arith.addf %parallel_loop3A_1192, %parallel_loop3A_1197 : vector<16xf32>
      %parallel_loop3A_1199 = arith.index_cast %parallel_loop3A_1141 : i32 to index
      %parallel_loop3A_1200 = tpu.vector_load %arg6[%parallel_loop3A_1199] {strides = array<i32>} : memref<8192xf32, #tpu.memory_space<vmem>>, vector<16xf32>,
      %parallel_loop3A_1201 = vector.shape_cast %parallel_loop3A_1200 : vector<16xf32> to vector<16xf32>
      %parallel_loop3A_1202 = arith.constant 0 : i32
      %parallel_loop3A_1203 = arith.index_cast %parallel_loop3A_1202 : i32 to index
      %parallel_loop3A_1204 = arith.index_cast %parallel_loop3A_1141 : i32 to index
      %parallel_loop3A_1205 = tpu.vector_load %arg8[%parallel_loop3A_1203, %parallel_loop3A_1204] {strides = array<i32>} : memref<8x8192xf32, #tpu.memory_space<vmem>>, vector<1x16xf32>,
      %parallel_loop3A_1206 = vector.shape_cast %parallel_loop3A_1205 : vector<1x16xf32> to vector<16xf32>
      %parallel_loop3A_1207 = arith.addf %parallel_loop3A_1201, %parallel_loop3A_1206 : vector<16xf32>
      %parallel_loop3A_1208 = arith.index_cast %parallel_loop3A_1144 : i32 to index
      %parallel_loop3A_1209 = tpu.vector_load %arg6[%parallel_loop3A_1208] {strides = array<i32>} : memref<8192xf32, #tpu.memory_space<vmem>>, vector<16xf32>,
      %parallel_loop3A_1210 = vector.shape_cast %parallel_loop3A_1209 : vector<16xf32> to vector<16xf32>
      %parallel_loop3A_1211 = arith.constant 0 : i32
      %parallel_loop3A_1212 = arith.index_cast %parallel_loop3A_1211 : i32 to index
      %parallel_loop3A_1213 = arith.index_cast %parallel_loop3A_1144 : i32 to index
      %parallel_loop3A_1214 = tpu.vector_load %arg8[%parallel_loop3A_1212, %parallel_loop3A_1213] {strides = array<i32>} : memref<8x8192xf32, #tpu.memory_space<vmem>>, vector<1x16xf32>,
      %parallel_loop3A_1215 = vector.shape_cast %parallel_loop3A_1214 : vector<1x16xf32> to vector<16xf32>
      %parallel_loop3A_1216 = arith.addf %parallel_loop3A_1210, %parallel_loop3A_1215 : vector<16xf32>
      %parallel_loop3A_1217 = math.exp %parallel_loop3A_1153 : vector<16xf32>
      %parallel_loop3A_1218 = math.exp %parallel_loop3A_1162 : vector<16xf32>
      %parallel_loop3A_1219 = math.exp %parallel_loop3A_1171 : vector<16xf32>
      %parallel_loop3A_1220 = math.exp %parallel_loop3A_1180 : vector<16xf32>
      %parallel_loop3A_1221 = math.exp %parallel_loop3A_1189 : vector<16xf32>
      %parallel_loop3A_1222 = math.exp %parallel_loop3A_1198 : vector<16xf32>
      %parallel_loop3A_1223 = math.exp %parallel_loop3A_1207 : vector<16xf32>
      %parallel_loop3A_1224 = math.exp %parallel_loop3A_1216 : vector<16xf32>
      %parallel_loop3A_1225 = arith.constant 0 : i32
      %parallel_loop3A_1226 = arith.index_cast %parallel_loop3A_1225 : i32 to index
      %parallel_loop3A_1227 = arith.index_cast %parallel_loop3A_1123 : i32 to index
      %parallel_loop3A_1228 = tpu.vector_load %arg8[%parallel_loop3A_1226, %parallel_loop3A_1227] {strides = array<i32>} : memref<8x8192xf32, #tpu.memory_space<vmem>>, vector<1x16xf32>,
      %parallel_loop3A_1229 = vector.shape_cast %parallel_loop3A_1228 : vector<1x16xf32> to vector<16xf32>
      %parallel_loop3A_1230 = vector.shape_cast %parallel_loop3A_1217 : vector<16xf32> to vector<1x16xf32>
      tpu.vector_store %arg8[%parallel_loop3A_1226, %parallel_loop3A_1227], %parallel_loop3A_1230 {strides = array<i32>} : memref<8x8192xf32, #tpu.memory_space<vmem>>, vector<1x16xf32>,
      %parallel_loop3A_1231 = arith.constant 0 : i32
      %parallel_loop3A_1232 = arith.index_cast %parallel_loop3A_1231 : i32 to index
      %parallel_loop3A_1233 = arith.index_cast %parallel_loop3A_1126 : i32 to index
      %parallel_loop3A_1234 = tpu.vector_load %arg8[%parallel_loop3A_1232, %parallel_loop3A_1233] {strides = array<i32>} : memref<8x8192xf32, #tpu.memory_space<vmem>>, vector<1x16xf32>,
      %parallel_loop3A_1235 = vector.shape_cast %parallel_loop3A_1234 : vector<1x16xf32> to vector<16xf32>
      %parallel_loop3A_1236 = vector.shape_cast %parallel_loop3A_1218 : vector<16xf32> to vector<1x16xf32>
      tpu.vector_store %arg8[%parallel_loop3A_1232, %parallel_loop3A_1233], %parallel_loop3A_1236 {strides = array<i32>} : memref<8x8192xf32, #tpu.memory_space<vmem>>, vector<1x16xf32>,
      %parallel_loop3A_1237 = arith.constant 0 : i32
      %parallel_loop3A_1238 = arith.index_cast %parallel_loop3A_1237 : i32 to index
      %parallel_loop3A_1239 = arith.index_cast %parallel_loop3A_1129 : i32 to index
      %parallel_loop3A_1240 = tpu.vector_load %arg8[%parallel_loop3A_1238, %parallel_loop3A_1239] {strides = array<i32>} : memref<8x8192xf32, #tpu.memory_space<vmem>>, vector<1x16xf32>,
      %parallel_loop3A_1241 = vector.shape_cast %parallel_loop3A_1240 : vector<1x16xf32> to vector<16xf32>
      %parallel_loop3A_1242 = vector.shape_cast %parallel_loop3A_1219 : vector<16xf32> to vector<1x16xf32>
      tpu.vector_store %arg8[%parallel_loop3A_1238, %parallel_loop3A_1239], %parallel_loop3A_1242 {strides = array<i32>} : memref<8x8192xf32, #tpu.memory_space<vmem>>, vector<1x16xf32>,
      %parallel_loop3A_1243 = arith.constant 0 : i32
      %parallel_loop3A_1244 = arith.index_cast %parallel_loop3A_1243 : i32 to index
      %parallel_loop3A_1245 = arith.index_cast %parallel_loop3A_1132 : i32 to index
      %parallel_loop3A_1246 = tpu.vector_load %arg8[%parallel_loop3A_1244, %parallel_loop3A_1245] {strides = array<i32>} : memref<8x8192xf32, #tpu.memory_space<vmem>>, vector<1x16xf32>,
      %parallel_loop3A_1247 = vector.shape_cast %parallel_loop3A_1246 : vector<1x16xf32> to vector<16xf32>
      %parallel_loop3A_1248 = vector.shape_cast %parallel_loop3A_1220 : vector<16xf32> to vector<1x16xf32>
      tpu.vector_store %arg8[%parallel_loop3A_1244, %parallel_loop3A_1245], %parallel_loop3A_1248 {strides = array<i32>} : memref<8x8192xf32, #tpu.memory_space<vmem>>, vector<1x16xf32>,
      %parallel_loop3A_1249 = arith.constant 0 : i32
      %parallel_loop3A_1250 = arith.index_cast %parallel_loop3A_1249 : i32 to index
      %parallel_loop3A_1251 = arith.index_cast %parallel_loop3A_1135 : i32 to index
      %parallel_loop3A_1252 = tpu.vector_load %arg8[%parallel_loop3A_1250, %parallel_loop3A_1251] {strides = array<i32>} : memref<8x8192xf32, #tpu.memory_space<vmem>>, vector<1x16xf32>,
      %parallel_loop3A_1253 = vector.shape_cast %parallel_loop3A_1252 : vector<1x16xf32> to vector<16xf32>
      %parallel_loop3A_1254 = vector.shape_cast %parallel_loop3A_1221 : vector<16xf32> to vector<1x16xf32>
      tpu.vector_store %arg8[%parallel_loop3A_1250, %parallel_loop3A_1251], %parallel_loop3A_1254 {strides = array<i32>} : memref<8x8192xf32, #tpu.memory_space<vmem>>, vector<1x16xf32>,
      %parallel_loop3A_1255 = arith.constant 0 : i32
      %parallel_loop3A_1256 = arith.index_cast %parallel_loop3A_1255 : i32 to index
      %parallel_loop3A_1257 = arith.index_cast %parallel_loop3A_1138 : i32 to index
      %parallel_loop3A_1258 = tpu.vector_load %arg8[%parallel_loop3A_1256, %parallel_loop3A_1257] {strides = array<i32>} : memref<8x8192xf32, #tpu.memory_space<vmem>>, vector<1x16xf32>,
      %parallel_loop3A_1259 = vector.shape_cast %parallel_loop3A_1258 : vector<1x16xf32> to vector<16xf32>
      %parallel_loop3A_1260 = vector.shape_cast %parallel_loop3A_1222 : vector<16xf32> to vector<1x16xf32>
      tpu.vector_store %arg8[%parallel_loop3A_1256, %parallel_loop3A_1257], %parallel_loop3A_1260 {strides = array<i32>} : memref<8x8192xf32, #tpu.memory_space<vmem>>, vector<1x16xf32>,
      %parallel_loop3A_1261 = arith.constant 0 : i32
      %parallel_loop3A_1262 = arith.index_cast %parallel_loop3A_1261 : i32 to index
      %parallel_loop3A_1263 = arith.index_cast %parallel_loop3A_1141 : i32 to index
      %parallel_loop3A_1264 = tpu.vector_load %arg8[%parallel_loop3A_1262, %parallel_loop3A_1263] {strides = array<i32>} : memref<8x8192xf32, #tpu.memory_space<vmem>>, vector<1x16xf32>,
      %parallel_loop3A_1265 = vector.shape_cast %parallel_loop3A_1264 : vector<1x16xf32> to vector<16xf32>
      %parallel_loop3A_1266 = vector.shape_cast %parallel_loop3A_1223 : vector<16xf32> to vector<1x16xf32>
      tpu.vector_store %arg8[%parallel_loop3A_1262, %parallel_loop3A_1263], %parallel_loop3A_1266 {strides = array<i32>} : memref<8x8192xf32, #tpu.memory_space<vmem>>, vector<1x16xf32>,
      %parallel_loop3A_1267 = arith.constant 0 : i32
      %parallel_loop3A_1268 = arith.index_cast %parallel_loop3A_1267 : i32 to index
      %parallel_loop3A_1269 = arith.index_cast %parallel_loop3A_1144 : i32 to index
      %parallel_loop3A_1270 = tpu.vector_load %arg8[%parallel_loop3A_1268, %parallel_loop3A_1269] {strides = array<i32>} : memref<8x8192xf32, #tpu.memory_space<vmem>>, vector<1x16xf32>,
      %parallel_loop3A_1271 = vector.shape_cast %parallel_loop3A_1270 : vector<1x16xf32> to vector<16xf32>
      %parallel_loop3A_1272 = vector.shape_cast %parallel_loop3A_1224 : vector<16xf32> to vector<1x16xf32>
      tpu.vector_store %arg8[%parallel_loop3A_1268, %parallel_loop3A_1269], %parallel_loop3A_1272 {strides = array<i32>} : memref<8x8192xf32, #tpu.memory_space<vmem>>, vector<1x16xf32>,
      %parallel_loop3A_1273 = arith.addf %parallel_loop3A_1113, %parallel_loop3A_1217 : vector<16xf32>
      %parallel_loop3A_1274 = arith.addf %parallel_loop3A_1114, %parallel_loop3A_1218 : vector<16xf32>
      %parallel_loop3A_1275 = arith.addf %parallel_loop3A_1115, %parallel_loop3A_1219 : vector<16xf32>
      %parallel_loop3A_1276 = arith.addf %parallel_loop3A_1116, %parallel_loop3A_1220 : vector<16xf32>
      %parallel_loop3A_1277 = arith.addf %parallel_loop3A_1117, %parallel_loop3A_1221 : vector<16xf32>
      %parallel_loop3A_1278 = arith.addf %parallel_loop3A_1118, %parallel_loop3A_1222 : vector<16xf32>
      %parallel_loop3A_1279 = arith.addf %parallel_loop3A_1119, %parallel_loop3A_1223 : vector<16xf32>
      %parallel_loop3A_1280 = arith.addf %parallel_loop3A_1120, %parallel_loop3A_1224 : vector<16xf32>
      scf.yield %parallel_loop3A_1273, %parallel_loop3A_1274, %parallel_loop3A_1275, %parallel_loop3A_1276, %parallel_loop3A_1277, %parallel_loop3A_1278, %parallel_loop3A_1279, %parallel_loop3A_1280 : vector<16xf32>, vector<16xf32>, vector<16xf32>, vector<16xf32>, vector<16xf32>, vector<16xf32>, vector<16xf32>, vector<16xf32>
    } {sc.loop_unroll_factor = 2 : i64, sc.parallel_access}
    %add3A_178 = arith.addf %parallel_loop3A_177#0, %parallel_loop3A_177#1 : vector<16xf32>
    %add3A_179 = arith.addf %parallel_loop3A_177#2, %parallel_loop3A_177#3 : vector<16xf32>
    %add3A_180 = arith.addf %add3A_178, %add3A_179 : vector<16xf32>
    %add3A_181 = arith.addf %parallel_loop3A_177#4, %parallel_loop3A_177#5 : vector<16xf32>
    %add3A_182 = arith.addf %parallel_loop3A_177#6, %parallel_loop3A_177#7 : vector<16xf32>
    %add3A_183 = arith.addf %add3A_181, %add3A_182 : vector<16xf32>
    %add3A_184 = arith.addf %add3A_180, %add3A_183 : vector<16xf32>
    %dma_wait3A_185 = arith.constant 1 : i32
    %dma_wait3A_186 = arith.constant 1 : i32
    %dma_wait3A_187 = arith.constant 1 : i32
    %dma_wait3A_188 = arith.constant 0 : i32
    %dma_wait3A_189 = tpu.memref_slice %arg8[%dma_wait3A_186, %dma_wait3A_188] : memref<8x8192xf32, #tpu.memory_space<vmem>> -> memref<1x8192xf32, #tpu.memory_space<vmem>>
    %dma_wait3A_190 = tpu.memref_squeeze %dma_wait3A_189 : memref<1x8192xf32, #tpu.memory_space<vmem>> -> memref<8192xf32, #tpu.memory_space<vmem>>
    %dma_wait3A_191 = tpu.memref_slice %arg3[%dma_wait3A_185, %add3A_30, %mul3A_32] : memref<8x32x32768xf32, #tpu.memory_space<hbm>> -> memref<1x1x8192xf32, #tpu.memory_space<hbm>>
    %dma_wait3A_192 = tpu.memref_squeeze %dma_wait3A_191 : memref<1x1x8192xf32, #tpu.memory_space<hbm>> -> memref<8192xf32, #tpu.memory_space<hbm>>
    %dma_wait3A_193 = tpu.memref_slice %arg12[%dma_wait3A_187] : memref<8x!tpu.dma_semaphore, #tpu.memory_space<semaphore_mem>> -> memref<1x!tpu.dma_semaphore, #tpu.memory_space<semaphore_mem>>
    %dma_wait3A_194 = tpu.memref_squeeze %dma_wait3A_193 : memref<1x!tpu.dma_semaphore, #tpu.memory_space<semaphore_mem>> -> memref<!tpu.dma_semaphore, #tpu.memory_space<semaphore_mem>>
    %dma_wait3A_195 = arith.constant 0 : i32
    %dma_wait3A_196 = tpu.memref_slice %arg8[%dma_wait3A_186, %dma_wait3A_195] : memref<8x8192xf32, #tpu.memory_space<vmem>> -> memref<1x8192xf32, #tpu.memory_space<vmem>>
    %dma_wait3A_197 = tpu.memref_squeeze %dma_wait3A_196 : memref<1x8192xf32, #tpu.memory_space<vmem>> -> memref<8192xf32, #tpu.memory_space<vmem>>
    %dma_wait3A_198 = tpu.memref_slice %arg3[%dma_wait3A_185, %add3A_30, %mul3A_32] : memref<8x32x32768xf32, #tpu.memory_space<hbm>> -> memref<1x1x8192xf32, #tpu.memory_space<hbm>>
    %dma_wait3A_199 = tpu.memref_squeeze %dma_wait3A_198 : memref<1x1x8192xf32, #tpu.memory_space<hbm>> -> memref<8192xf32, #tpu.memory_space<hbm>>
    tpu.wait_dma2 semaphore(%dma_wait3A_194 : memref<!tpu.dma_semaphore, #tpu.memory_space<semaphore_mem>>) src(%dma_wait3A_199 : memref<8192xf32, #tpu.memory_space<hbm>>) dst(%dma_wait3A_197 : memref<8192xf32, #tpu.memory_space<vmem>>)
    %parallel_loop3A_200 = arith.constant 0 : i32
    %parallel_loop3A_201 = arith.constant 8192 : i32
    %parallel_loop3A_202 = arith.constant 128 : i32
    %parallel_loop3A_203:8 = scf.for %parallel_loop3A_1112 = %parallel_loop3A_200 to %parallel_loop3A_201 step %parallel_loop3A_202 iter_args(%parallel_loop3A_1113 = %broadcast_in_dim3A_159, %parallel_loop3A_1114 = %broadcast_in_dim3A_159, %parallel_loop3A_1115 = %broadcast_in_dim3A_159, %parallel_loop3A_1116 = %broadcast_in_dim3A_159, %parallel_loop3A_1117 = %broadcast_in_dim3A_159, %parallel_loop3A_1118 = %broadcast_in_dim3A_159, %parallel_loop3A_1119 = %broadcast_in_dim3A_159, %parallel_loop3A_1120 = %broadcast_in_dim3A_159) -> (vector<16xf32>, vector<16xf32>, vector<16xf32>, vector<16xf32>, vector<16xf32>, vector<16xf32>, vector<16xf32>, vector<16xf32>)  : i32 {
      %parallel_loop3A_1121 = arith.constant 0 : i32
      %parallel_loop3A_1122 = arith.addi %parallel_loop3A_1112, %parallel_loop3A_1121 : i32
      %parallel_loop3A_1123 = tpu.assume_multiple %parallel_loop3A_1122, 16 : i32
      %parallel_loop3A_1124 = arith.constant 16 : i32
      %parallel_loop3A_1125 = arith.addi %parallel_loop3A_1112, %parallel_loop3A_1124 : i32
      %parallel_loop3A_1126 = tpu.assume_multiple %parallel_loop3A_1125, 16 : i32
      %parallel_loop3A_1127 = arith.constant 32 : i32
      %parallel_loop3A_1128 = arith.addi %parallel_loop3A_1112, %parallel_loop3A_1127 : i32
      %parallel_loop3A_1129 = tpu.assume_multiple %parallel_loop3A_1128, 16 : i32
      %parallel_loop3A_1130 = arith.constant 48 : i32
      %parallel_loop3A_1131 = arith.addi %parallel_loop3A_1112, %parallel_loop3A_1130 : i32
      %parallel_loop3A_1132 = tpu.assume_multiple %parallel_loop3A_1131, 16 : i32
      %parallel_loop3A_1133 = arith.constant 64 : i32
      %parallel_loop3A_1134 = arith.addi %parallel_loop3A_1112, %parallel_loop3A_1133 : i32
      %parallel_loop3A_1135 = tpu.assume_multiple %parallel_loop3A_1134, 16 : i32
      %parallel_loop3A_1136 = arith.constant 80 : i32
      %parallel_loop3A_1137 = arith.addi %parallel_loop3A_1112, %parallel_loop3A_1136 : i32
      %parallel_loop3A_1138 = tpu.assume_multiple %parallel_loop3A_1137, 16 : i32
      %parallel_loop3A_1139 = arith.constant 96 : i32
      %parallel_loop3A_1140 = arith.addi %parallel_loop3A_1112, %parallel_loop3A_1139 : i32
      %parallel_loop3A_1141 = tpu.assume_multiple %parallel_loop3A_1140, 16 : i32
      %parallel_loop3A_1142 = arith.constant 112 : i32
      %parallel_loop3A_1143 = arith.addi %parallel_loop3A_1112, %parallel_loop3A_1142 : i32
      %parallel_loop3A_1144 = tpu.assume_multiple %parallel_loop3A_1143, 16 : i32
      %parallel_loop3A_1145 = arith.index_cast %parallel_loop3A_1123 : i32 to index
      %parallel_loop3A_1146 = tpu.vector_load %arg6[%parallel_loop3A_1145] {strides = array<i32>} : memref<8192xf32, #tpu.memory_space<vmem>>, vector<16xf32>,
      %parallel_loop3A_1147 = vector.shape_cast %parallel_loop3A_1146 : vector<16xf32> to vector<16xf32>
      %parallel_loop3A_1148 = arith.constant 1 : i32
      %parallel_loop3A_1149 = arith.index_cast %parallel_loop3A_1148 : i32 to index
      %parallel_loop3A_1150 = arith.index_cast %parallel_loop3A_1123 : i32 to index
      %parallel_loop3A_1151 = tpu.vector_load %arg8[%parallel_loop3A_1149, %parallel_loop3A_1150] {strides = array<i32>} : memref<8x8192xf32, #tpu.memory_space<vmem>>, vector<1x16xf32>,
      %parallel_loop3A_1152 = vector.shape_cast %parallel_loop3A_1151 : vector<1x16xf32> to vector<16xf32>
      %parallel_loop3A_1153 = arith.addf %parallel_loop3A_1147, %parallel_loop3A_1152 : vector<16xf32>
      %parallel_loop3A_1154 = arith.index_cast %parallel_loop3A_1126 : i32 to index
      %parallel_loop3A_1155 = tpu.vector_load %arg6[%parallel_loop3A_1154] {strides = array<i32>} : memref<8192xf32, #tpu.memory_space<vmem>>, vector<16xf32>,
      %parallel_loop3A_1156 = vector.shape_cast %parallel_loop3A_1155 : vector<16xf32> to vector<16xf32>
      %parallel_loop3A_1157 = arith.constant 1 : i32
      %parallel_loop3A_1158 = arith.index_cast %parallel_loop3A_1157 : i32 to index
      %parallel_loop3A_1159 = arith.index_cast %parallel_loop3A_1126 : i32 to index
      %parallel_loop3A_1160 = tpu.vector_load %arg8[%parallel_loop3A_1158, %parallel_loop3A_1159] {strides = array<i32>} : memref<8x8192xf32, #tpu.memory_space<vmem>>, vector<1x16xf32>,
      %parallel_loop3A_1161 = vector.shape_cast %parallel_loop3A_1160 : vector<1x16xf32> to vector<16xf32>
      %parallel_loop3A_1162 = arith.addf %parallel_loop3A_1156, %parallel_loop3A_1161 : vector<16xf32>
      %parallel_loop3A_1163 = arith.index_cast %parallel_loop3A_1129 : i32 to index
      %parallel_loop3A_1164 = tpu.vector_load %arg6[%parallel_loop3A_1163] {strides = array<i32>} : memref<8192xf32, #tpu.memory_space<vmem>>, vector<16xf32>,
      %parallel_loop3A_1165 = vector.shape_cast %parallel_loop3A_1164 : vector<16xf32> to vector<16xf32>
      %parallel_loop3A_1166 = arith.constant 1 : i32
      %parallel_loop3A_1167 = arith.index_cast %parallel_loop3A_1166 : i32 to index
      %parallel_loop3A_1168 = arith.index_cast %parallel_loop3A_1129 : i32 to index
      %parallel_loop3A_1169 = tpu.vector_load %arg8[%parallel_loop3A_1167, %parallel_loop3A_1168] {strides = array<i32>} : memref<8x8192xf32, #tpu.memory_space<vmem>>, vector<1x16xf32>,
      %parallel_loop3A_1170 = vector.shape_cast %parallel_loop3A_1169 : vector<1x16xf32> to vector<16xf32>
      %parallel_loop3A_1171 = arith.addf %parallel_loop3A_1165, %parallel_loop3A_1170 : vector<16xf32>
      %parallel_loop3A_1172 = arith.index_cast %parallel_loop3A_1132 : i32 to index
      %parallel_loop3A_1173 = tpu.vector_load %arg6[%parallel_loop3A_1172] {strides = array<i32>} : memref<8192xf32, #tpu.memory_space<vmem>>, vector<16xf32>,
      %parallel_loop3A_1174 = vector.shape_cast %parallel_loop3A_1173 : vector<16xf32> to vector<16xf32>
      %parallel_loop3A_1175 = arith.constant 1 : i32
      %parallel_loop3A_1176 = arith.index_cast %parallel_loop3A_1175 : i32 to index
      %parallel_loop3A_1177 = arith.index_cast %parallel_loop3A_1132 : i32 to index
      %parallel_loop3A_1178 = tpu.vector_load %arg8[%parallel_loop3A_1176, %parallel_loop3A_1177] {strides = array<i32>} : memref<8x8192xf32, #tpu.memory_space<vmem>>, vector<1x16xf32>,
      %parallel_loop3A_1179 = vector.shape_cast %parallel_loop3A_1178 : vector<1x16xf32> to vector<16xf32>
      %parallel_loop3A_1180 = arith.addf %parallel_loop3A_1174, %parallel_loop3A_1179 : vector<16xf32>
      %parallel_loop3A_1181 = arith.index_cast %parallel_loop3A_1135 : i32 to index
      %parallel_loop3A_1182 = tpu.vector_load %arg6[%parallel_loop3A_1181] {strides = array<i32>} : memref<8192xf32, #tpu.memory_space<vmem>>, vector<16xf32>,
      %parallel_loop3A_1183 = vector.shape_cast %parallel_loop3A_1182 : vector<16xf32> to vector<16xf32>
      %parallel_loop3A_1184 = arith.constant 1 : i32
      %parallel_loop3A_1185 = arith.index_cast %parallel_loop3A_1184 : i32 to index
      %parallel_loop3A_1186 = arith.index_cast %parallel_loop3A_1135 : i32 to index
      %parallel_loop3A_1187 = tpu.vector_load %arg8[%parallel_loop3A_1185, %parallel_loop3A_1186] {strides = array<i32>} : memref<8x8192xf32, #tpu.memory_space<vmem>>, vector<1x16xf32>,
      %parallel_loop3A_1188 = vector.shape_cast %parallel_loop3A_1187 : vector<1x16xf32> to vector<16xf32>
      %parallel_loop3A_1189 = arith.addf %parallel_loop3A_1183, %parallel_loop3A_1188 : vector<16xf32>
      %parallel_loop3A_1190 = arith.index_cast %parallel_loop3A_1138 : i32 to index
      %parallel_loop3A_1191 = tpu.vector_load %arg6[%parallel_loop3A_1190] {strides = array<i32>} : memref<8192xf32, #tpu.memory_space<vmem>>, vector<16xf32>,
      %parallel_loop3A_1192 = vector.shape_cast %parallel_loop3A_1191 : vector<16xf32> to vector<16xf32>
      %parallel_loop3A_1193 = arith.constant 1 : i32
      %parallel_loop3A_1194 = arith.index_cast %parallel_loop3A_1193 : i32 to index
      %parallel_loop3A_1195 = arith.index_cast %parallel_loop3A_1138 : i32 to index
      %parallel_loop3A_1196 = tpu.vector_load %arg8[%parallel_loop3A_1194, %parallel_loop3A_1195] {strides = array<i32>} : memref<8x8192xf32, #tpu.memory_space<vmem>>, vector<1x16xf32>,
      %parallel_loop3A_1197 = vector.shape_cast %parallel_loop3A_1196 : vector<1x16xf32> to vector<16xf32>
      %parallel_loop3A_1198 = arith.addf %parallel_loop3A_1192, %parallel_loop3A_1197 : vector<16xf32>
      %parallel_loop3A_1199 = arith.index_cast %parallel_loop3A_1141 : i32 to index
      %parallel_loop3A_1200 = tpu.vector_load %arg6[%parallel_loop3A_1199] {strides = array<i32>} : memref<8192xf32, #tpu.memory_space<vmem>>, vector<16xf32>,
      %parallel_loop3A_1201 = vector.shape_cast %parallel_loop3A_1200 : vector<16xf32> to vector<16xf32>
      %parallel_loop3A_1202 = arith.constant 1 : i32
      %parallel_loop3A_1203 = arith.index_cast %parallel_loop3A_1202 : i32 to index
      %parallel_loop3A_1204 = arith.index_cast %parallel_loop3A_1141 : i32 to index
      %parallel_loop3A_1205 = tpu.vector_load %arg8[%parallel_loop3A_1203, %parallel_loop3A_1204] {strides = array<i32>} : memref<8x8192xf32, #tpu.memory_space<vmem>>, vector<1x16xf32>,
      %parallel_loop3A_1206 = vector.shape_cast %parallel_loop3A_1205 : vector<1x16xf32> to vector<16xf32>
      %parallel_loop3A_1207 = arith.addf %parallel_loop3A_1201, %parallel_loop3A_1206 : vector<16xf32>
      %parallel_loop3A_1208 = arith.index_cast %parallel_loop3A_1144 : i32 to index
      %parallel_loop3A_1209 = tpu.vector_load %arg6[%parallel_loop3A_1208] {strides = array<i32>} : memref<8192xf32, #tpu.memory_space<vmem>>, vector<16xf32>,
      %parallel_loop3A_1210 = vector.shape_cast %parallel_loop3A_1209 : vector<16xf32> to vector<16xf32>
      %parallel_loop3A_1211 = arith.constant 1 : i32
      %parallel_loop3A_1212 = arith.index_cast %parallel_loop3A_1211 : i32 to index
      %parallel_loop3A_1213 = arith.index_cast %parallel_loop3A_1144 : i32 to index
      %parallel_loop3A_1214 = tpu.vector_load %arg8[%parallel_loop3A_1212, %parallel_loop3A_1213] {strides = array<i32>} : memref<8x8192xf32, #tpu.memory_space<vmem>>, vector<1x16xf32>,
      %parallel_loop3A_1215 = vector.shape_cast %parallel_loop3A_1214 : vector<1x16xf32> to vector<16xf32>
      %parallel_loop3A_1216 = arith.addf %parallel_loop3A_1210, %parallel_loop3A_1215 : vector<16xf32>
      %parallel_loop3A_1217 = math.exp %parallel_loop3A_1153 : vector<16xf32>
      %parallel_loop3A_1218 = math.exp %parallel_loop3A_1162 : vector<16xf32>
      %parallel_loop3A_1219 = math.exp %parallel_loop3A_1171 : vector<16xf32>
      %parallel_loop3A_1220 = math.exp %parallel_loop3A_1180 : vector<16xf32>
      %parallel_loop3A_1221 = math.exp %parallel_loop3A_1189 : vector<16xf32>
      %parallel_loop3A_1222 = math.exp %parallel_loop3A_1198 : vector<16xf32>
      %parallel_loop3A_1223 = math.exp %parallel_loop3A_1207 : vector<16xf32>
      %parallel_loop3A_1224 = math.exp %parallel_loop3A_1216 : vector<16xf32>
      %parallel_loop3A_1225 = arith.constant 1 : i32
      %parallel_loop3A_1226 = arith.index_cast %parallel_loop3A_1225 : i32 to index
      %parallel_loop3A_1227 = arith.index_cast %parallel_loop3A_1123 : i32 to index
      %parallel_loop3A_1228 = tpu.vector_load %arg8[%parallel_loop3A_1226, %parallel_loop3A_1227] {strides = array<i32>} : memref<8x8192xf32, #tpu.memory_space<vmem>>, vector<1x16xf32>,
      %parallel_loop3A_1229 = vector.shape_cast %parallel_loop3A_1228 : vector<1x16xf32> to vector<16xf32>
      %parallel_loop3A_1230 = vector.shape_cast %parallel_loop3A_1217 : vector<16xf32> to vector<1x16xf32>
      tpu.vector_store %arg8[%parallel_loop3A_1226, %parallel_loop3A_1227], %parallel_loop3A_1230 {strides = array<i32>} : memref<8x8192xf32, #tpu.memory_space<vmem>>, vector<1x16xf32>,
      %parallel_loop3A_1231 = arith.constant 1 : i32
      %parallel_loop3A_1232 = arith.index_cast %parallel_loop3A_1231 : i32 to index
      %parallel_loop3A_1233 = arith.index_cast %parallel_loop3A_1126 : i32 to index
      %parallel_loop3A_1234 = tpu.vector_load %arg8[%parallel_loop3A_1232, %parallel_loop3A_1233] {strides = array<i32>} : memref<8x8192xf32, #tpu.memory_space<vmem>>, vector<1x16xf32>,
      %parallel_loop3A_1235 = vector.shape_cast %parallel_loop3A_1234 : vector<1x16xf32> to vector<16xf32>
      %parallel_loop3A_1236 = vector.shape_cast %parallel_loop3A_1218 : vector<16xf32> to vector<1x16xf32>
      tpu.vector_store %arg8[%parallel_loop3A_1232, %parallel_loop3A_1233], %parallel_loop3A_1236 {strides = array<i32>} : memref<8x8192xf32, #tpu.memory_space<vmem>>, vector<1x16xf32>,
      %parallel_loop3A_1237 = arith.constant 1 : i32
      %parallel_loop3A_1238 = arith.index_cast %parallel_loop3A_1237 : i32 to index
      %parallel_loop3A_1239 = arith.index_cast %parallel_loop3A_1129 : i32 to index
      %parallel_loop3A_1240 = tpu.vector_load %arg8[%parallel_loop3A_1238, %parallel_loop3A_1239] {strides = array<i32>} : memref<8x8192xf32, #tpu.memory_space<vmem>>, vector<1x16xf32>,
      %parallel_loop3A_1241 = vector.shape_cast %parallel_loop3A_1240 : vector<1x16xf32> to vector<16xf32>
      %parallel_loop3A_1242 = vector.shape_cast %parallel_loop3A_1219 : vector<16xf32> to vector<1x16xf32>
      tpu.vector_store %arg8[%parallel_loop3A_1238, %parallel_loop3A_1239], %parallel_loop3A_1242 {strides = array<i32>} : memref<8x8192xf32, #tpu.memory_space<vmem>>, vector<1x16xf32>,
      %parallel_loop3A_1243 = arith.constant 1 : i32
      %parallel_loop3A_1244 = arith.index_cast %parallel_loop3A_1243 : i32 to index
      %parallel_loop3A_1245 = arith.index_cast %parallel_loop3A_1132 : i32 to index
      %parallel_loop3A_1246 = tpu.vector_load %arg8[%parallel_loop3A_1244, %parallel_loop3A_1245] {strides = array<i32>} : memref<8x8192xf32, #tpu.memory_space<vmem>>, vector<1x16xf32>,
      %parallel_loop3A_1247 = vector.shape_cast %parallel_loop3A_1246 : vector<1x16xf32> to vector<16xf32>
      %parallel_loop3A_1248 = vector.shape_cast %parallel_loop3A_1220 : vector<16xf32> to vector<1x16xf32>
      tpu.vector_store %arg8[%parallel_loop3A_1244, %parallel_loop3A_1245], %parallel_loop3A_1248 {strides = array<i32>} : memref<8x8192xf32, #tpu.memory_space<vmem>>, vector<1x16xf32>,
      %parallel_loop3A_1249 = arith.constant 1 : i32
      %parallel_loop3A_1250 = arith.index_cast %parallel_loop3A_1249 : i32 to index
      %parallel_loop3A_1251 = arith.index_cast %parallel_loop3A_1135 : i32 to index
      %parallel_loop3A_1252 = tpu.vector_load %arg8[%parallel_loop3A_1250, %parallel_loop3A_1251] {strides = array<i32>} : memref<8x8192xf32, #tpu.memory_space<vmem>>, vector<1x16xf32>,
      %parallel_loop3A_1253 = vector.shape_cast %parallel_loop3A_1252 : vector<1x16xf32> to vector<16xf32>
      %parallel_loop3A_1254 = vector.shape_cast %parallel_loop3A_1221 : vector<16xf32> to vector<1x16xf32>
      tpu.vector_store %arg8[%parallel_loop3A_1250, %parallel_loop3A_1251], %parallel_loop3A_1254 {strides = array<i32>} : memref<8x8192xf32, #tpu.memory_space<vmem>>, vector<1x16xf32>,
      %parallel_loop3A_1255 = arith.constant 1 : i32
      %parallel_loop3A_1256 = arith.index_cast %parallel_loop3A_1255 : i32 to index
      %parallel_loop3A_1257 = arith.index_cast %parallel_loop3A_1138 : i32 to index
      %parallel_loop3A_1258 = tpu.vector_load %arg8[%parallel_loop3A_1256, %parallel_loop3A_1257] {strides = array<i32>} : memref<8x8192xf32, #tpu.memory_space<vmem>>, vector<1x16xf32>,
      %parallel_loop3A_1259 = vector.shape_cast %parallel_loop3A_1258 : vector<1x16xf32> to vector<16xf32>
      %parallel_loop3A_1260 = vector.shape_cast %parallel_loop3A_1222 : vector<16xf32> to vector<1x16xf32>
      tpu.vector_store %arg8[%parallel_loop3A_1256, %parallel_loop3A_1257], %parallel_loop3A_1260 {strides = array<i32>} : memref<8x8192xf32, #tpu.memory_space<vmem>>, vector<1x16xf32>,
      %parallel_loop3A_1261 = arith.constant 1 : i32
      %parallel_loop3A_1262 = arith.index_cast %parallel_loop3A_1261 : i32 to index
      %parallel_loop3A_1263 = arith.index_cast %parallel_loop3A_1141 : i32 to index
      %parallel_loop3A_1264 = tpu.vector_load %arg8[%parallel_loop3A_1262, %parallel_loop3A_1263] {strides = array<i32>} : memref<8x8192xf32, #tpu.memory_space<vmem>>, vector<1x16xf32>,
      %parallel_loop3A_1265 = vector.shape_cast %parallel_loop3A_1264 : vector<1x16xf32> to vector<16xf32>
      %parallel_loop3A_1266 = vector.shape_cast %parallel_loop3A_1223 : vector<16xf32> to vector<1x16xf32>
      tpu.vector_store %arg8[%parallel_loop3A_1262, %parallel_loop3A_1263], %parallel_loop3A_1266 {strides = array<i32>} : memref<8x8192xf32, #tpu.memory_space<vmem>>, vector<1x16xf32>,
      %parallel_loop3A_1267 = arith.constant 1 : i32
      %parallel_loop3A_1268 = arith.index_cast %parallel_loop3A_1267 : i32 to index
      %parallel_loop3A_1269 = arith.index_cast %parallel_loop3A_1144 : i32 to index
      %parallel_loop3A_1270 = tpu.vector_load %arg8[%parallel_loop3A_1268, %parallel_loop3A_1269] {strides = array<i32>} : memref<8x8192xf32, #tpu.memory_space<vmem>>, vector<1x16xf32>,
      %parallel_loop3A_1271 = vector.shape_cast %parallel_loop3A_1270 : vector<1x16xf32> to vector<16xf32>
      %parallel_loop3A_1272 = vector.shape_cast %parallel_loop3A_1224 : vector<16xf32> to vector<1x16xf32>
      tpu.vector_store %arg8[%parallel_loop3A_1268, %parallel_loop3A_1269], %parallel_loop3A_1272 {strides = array<i32>} : memref<8x8192xf32, #tpu.memory_space<vmem>>, vector<1x16xf32>,
      %parallel_loop3A_1273 = arith.addf %parallel_loop3A_1113, %parallel_loop3A_1217 : vector<16xf32>
      %parallel_loop3A_1274 = arith.addf %parallel_loop3A_1114, %parallel_loop3A_1218 : vector<16xf32>
      %parallel_loop3A_1275 = arith.addf %parallel_loop3A_1115, %parallel_loop3A_1219 : vector<16xf32>
      %parallel_loop3A_1276 = arith.addf %parallel_loop3A_1116, %parallel_loop3A_1220 : vector<16xf32>
      %parallel_loop3A_1277 = arith.addf %parallel_loop3A_1117, %parallel_loop3A_1221 : vector<16xf32>
      %parallel_loop3A_1278 = arith.addf %parallel_loop3A_1118, %parallel_loop3A_1222 : vector<16xf32>
      %parallel_loop3A_1279 = arith.addf %parallel_loop3A_1119, %parallel_loop3A_1223 : vector<16xf32>
      %parallel_loop3A_1280 = arith.addf %parallel_loop3A_1120, %parallel_loop3A_1224 : vector<16xf32>
      scf.yield %parallel_loop3A_1273, %parallel_loop3A_1274, %parallel_loop3A_1275, %parallel_loop3A_1276, %parallel_loop3A_1277, %parallel_loop3A_1278, %parallel_loop3A_1279, %parallel_loop3A_1280 : vector<16xf32>, vector<16xf32>, vector<16xf32>, vector<16xf32>, vector<16xf32>, vector<16xf32>, vector<16xf32>, vector<16xf32>
    } {sc.loop_unroll_factor = 2 : i64, sc.parallel_access}
    %add3A_204 = arith.addf %parallel_loop3A_203#0, %parallel_loop3A_203#1 : vector<16xf32>
    %add3A_205 = arith.addf %parallel_loop3A_203#2, %parallel_loop3A_203#3 : vector<16xf32>
    %add3A_206 = arith.addf %add3A_204, %add3A_205 : vector<16xf32>
    %add3A_207 = arith.addf %parallel_loop3A_203#4, %parallel_loop3A_203#5 : vector<16xf32>
    %add3A_208 = arith.addf %parallel_loop3A_203#6, %parallel_loop3A_203#7 : vector<16xf32>
    %add3A_209 = arith.addf %add3A_207, %add3A_208 : vector<16xf32>
    %add3A_210 = arith.addf %add3A_206, %add3A_209 : vector<16xf32>
    %dma_wait3A_211 = arith.constant 2 : i32
    %dma_wait3A_212 = arith.constant 2 : i32
    %dma_wait3A_213 = arith.constant 2 : i32
    %dma_wait3A_214 = arith.constant 0 : i32
    %dma_wait3A_215 = tpu.memref_slice %arg8[%dma_wait3A_212, %dma_wait3A_214] : memref<8x8192xf32, #tpu.memory_space<vmem>> -> memref<1x8192xf32, #tpu.memory_space<vmem>>
    %dma_wait3A_216 = tpu.memref_squeeze %dma_wait3A_215 : memref<1x8192xf32, #tpu.memory_space<vmem>> -> memref<8192xf32, #tpu.memory_space<vmem>>
    %dma_wait3A_217 = tpu.memref_slice %arg3[%dma_wait3A_211, %add3A_30, %mul3A_32] : memref<8x32x32768xf32, #tpu.memory_space<hbm>> -> memref<1x1x8192xf32, #tpu.memory_space<hbm>>
    %dma_wait3A_218 = tpu.memref_squeeze %dma_wait3A_217 : memref<1x1x8192xf32, #tpu.memory_space<hbm>> -> memref<8192xf32, #tpu.memory_space<hbm>>
    %dma_wait3A_219 = tpu.memref_slice %arg12[%dma_wait3A_213] : memref<8x!tpu.dma_semaphore, #tpu.memory_space<semaphore_mem>> -> memref<1x!tpu.dma_semaphore, #tpu.memory_space<semaphore_mem>>
    %dma_wait3A_220 = tpu.memref_squeeze %dma_wait3A_219 : memref<1x!tpu.dma_semaphore, #tpu.memory_space<semaphore_mem>> -> memref<!tpu.dma_semaphore, #tpu.memory_space<semaphore_mem>>
    %dma_wait3A_221 = arith.constant 0 : i32
    %dma_wait3A_222 = tpu.memref_slice %arg8[%dma_wait3A_212, %dma_wait3A_221] : memref<8x8192xf32, #tpu.memory_space<vmem>> -> memref<1x8192xf32, #tpu.memory_space<vmem>>
    %dma_wait3A_223 = tpu.memref_squeeze %dma_wait3A_222 : memref<1x8192xf32, #tpu.memory_space<vmem>> -> memref<8192xf32, #tpu.memory_space<vmem>>
    %dma_wait3A_224 = tpu.memref_slice %arg3[%dma_wait3A_211, %add3A_30, %mul3A_32] : memref<8x32x32768xf32, #tpu.memory_space<hbm>> -> memref<1x1x8192xf32, #tpu.memory_space<hbm>>
    %dma_wait3A_225 = tpu.memref_squeeze %dma_wait3A_224 : memref<1x1x8192xf32, #tpu.memory_space<hbm>> -> memref<8192xf32, #tpu.memory_space<hbm>>
    tpu.wait_dma2 semaphore(%dma_wait3A_220 : memref<!tpu.dma_semaphore, #tpu.memory_space<semaphore_mem>>) src(%dma_wait3A_225 : memref<8192xf32, #tpu.memory_space<hbm>>) dst(%dma_wait3A_223 : memref<8192xf32, #tpu.memory_space<vmem>>)
    %parallel_loop3A_226 = arith.constant 0 : i32
    %parallel_loop3A_227 = arith.constant 8192 : i32
    %parallel_loop3A_228 = arith.constant 128 : i32
    %parallel_loop3A_229:8 = scf.for %parallel_loop3A_1112 = %parallel_loop3A_226 to %parallel_loop3A_227 step %parallel_loop3A_228 iter_args(%parallel_loop3A_1113 = %broadcast_in_dim3A_159, %parallel_loop3A_1114 = %broadcast_in_dim3A_159, %parallel_loop3A_1115 = %broadcast_in_dim3A_159, %parallel_loop3A_1116 = %broadcast_in_dim3A_159, %parallel_loop3A_1117 = %broadcast_in_dim3A_159, %parallel_loop3A_1118 = %broadcast_in_dim3A_159, %parallel_loop3A_1119 = %broadcast_in_dim3A_159, %parallel_loop3A_1120 = %broadcast_in_dim3A_159) -> (vector<16xf32>, vector<16xf32>, vector<16xf32>, vector<16xf32>, vector<16xf32>, vector<16xf32>, vector<16xf32>, vector<16xf32>)  : i32 {
      %parallel_loop3A_1121 = arith.constant 0 : i32
      %parallel_loop3A_1122 = arith.addi %parallel_loop3A_1112, %parallel_loop3A_1121 : i32
      %parallel_loop3A_1123 = tpu.assume_multiple %parallel_loop3A_1122, 16 : i32
      %parallel_loop3A_1124 = arith.constant 16 : i32
      %parallel_loop3A_1125 = arith.addi %parallel_loop3A_1112, %parallel_loop3A_1124 : i32
      %parallel_loop3A_1126 = tpu.assume_multiple %parallel_loop3A_1125, 16 : i32
      %parallel_loop3A_1127 = arith.constant 32 : i32
      %parallel_loop3A_1128 = arith.addi %parallel_loop3A_1112, %parallel_loop3A_1127 : i32
      %parallel_loop3A_1129 = tpu.assume_multiple %parallel_loop3A_1128, 16 : i32
      %parallel_loop3A_1130 = arith.constant 48 : i32
      %parallel_loop3A_1131 = arith.addi %parallel_loop3A_1112, %parallel_loop3A_1130 : i32
      %parallel_loop3A_1132 = tpu.assume_multiple %parallel_loop3A_1131, 16 : i32
      %parallel_loop3A_1133 = arith.constant 64 : i32
      %parallel_loop3A_1134 = arith.addi %parallel_loop3A_1112, %parallel_loop3A_1133 : i32
      %parallel_loop3A_1135 = tpu.assume_multiple %parallel_loop3A_1134, 16 : i32
      %parallel_loop3A_1136 = arith.constant 80 : i32
      %parallel_loop3A_1137 = arith.addi %parallel_loop3A_1112, %parallel_loop3A_1136 : i32
      %parallel_loop3A_1138 = tpu.assume_multiple %parallel_loop3A_1137, 16 : i32
      %parallel_loop3A_1139 = arith.constant 96 : i32
      %parallel_loop3A_1140 = arith.addi %parallel_loop3A_1112, %parallel_loop3A_1139 : i32
      %parallel_loop3A_1141 = tpu.assume_multiple %parallel_loop3A_1140, 16 : i32
      %parallel_loop3A_1142 = arith.constant 112 : i32
      %parallel_loop3A_1143 = arith.addi %parallel_loop3A_1112, %parallel_loop3A_1142 : i32
      %parallel_loop3A_1144 = tpu.assume_multiple %parallel_loop3A_1143, 16 : i32
      %parallel_loop3A_1145 = arith.index_cast %parallel_loop3A_1123 : i32 to index
      %parallel_loop3A_1146 = tpu.vector_load %arg6[%parallel_loop3A_1145] {strides = array<i32>} : memref<8192xf32, #tpu.memory_space<vmem>>, vector<16xf32>,
      %parallel_loop3A_1147 = vector.shape_cast %parallel_loop3A_1146 : vector<16xf32> to vector<16xf32>
      %parallel_loop3A_1148 = arith.constant 2 : i32
      %parallel_loop3A_1149 = arith.index_cast %parallel_loop3A_1148 : i32 to index
      %parallel_loop3A_1150 = arith.index_cast %parallel_loop3A_1123 : i32 to index
      %parallel_loop3A_1151 = tpu.vector_load %arg8[%parallel_loop3A_1149, %parallel_loop3A_1150] {strides = array<i32>} : memref<8x8192xf32, #tpu.memory_space<vmem>>, vector<1x16xf32>,
      %parallel_loop3A_1152 = vector.shape_cast %parallel_loop3A_1151 : vector<1x16xf32> to vector<16xf32>
      %parallel_loop3A_1153 = arith.addf %parallel_loop3A_1147, %parallel_loop3A_1152 : vector<16xf32>
      %parallel_loop3A_1154 = arith.index_cast %parallel_loop3A_1126 : i32 to index
      %parallel_loop3A_1155 = tpu.vector_load %arg6[%parallel_loop3A_1154] {strides = array<i32>} : memref<8192xf32, #tpu.memory_space<vmem>>, vector<16xf32>,
      %parallel_loop3A_1156 = vector.shape_cast %parallel_loop3A_1155 : vector<16xf32> to vector<16xf32>
      %parallel_loop3A_1157 = arith.constant 2 : i32
      %parallel_loop3A_1158 = arith.index_cast %parallel_loop3A_1157 : i32 to index
      %parallel_loop3A_1159 = arith.index_cast %parallel_loop3A_1126 : i32 to index
      %parallel_loop3A_1160 = tpu.vector_load %arg8[%parallel_loop3A_1158, %parallel_loop3A_1159] {strides = array<i32>} : memref<8x8192xf32, #tpu.memory_space<vmem>>, vector<1x16xf32>,
      %parallel_loop3A_1161 = vector.shape_cast %parallel_loop3A_1160 : vector<1x16xf32> to vector<16xf32>
      %parallel_loop3A_1162 = arith.addf %parallel_loop3A_1156, %parallel_loop3A_1161 : vector<16xf32>
      %parallel_loop3A_1163 = arith.index_cast %parallel_loop3A_1129 : i32 to index
      %parallel_loop3A_1164 = tpu.vector_load %arg6[%parallel_loop3A_1163] {strides = array<i32>} : memref<8192xf32, #tpu.memory_space<vmem>>, vector<16xf32>,
      %parallel_loop3A_1165 = vector.shape_cast %parallel_loop3A_1164 : vector<16xf32> to vector<16xf32>
      %parallel_loop3A_1166 = arith.constant 2 : i32
      %parallel_loop3A_1167 = arith.index_cast %parallel_loop3A_1166 : i32 to index
      %parallel_loop3A_1168 = arith.index_cast %parallel_loop3A_1129 : i32 to index
      %parallel_loop3A_1169 = tpu.vector_load %arg8[%parallel_loop3A_1167, %parallel_loop3A_1168] {strides = array<i32>} : memref<8x8192xf32, #tpu.memory_space<vmem>>, vector<1x16xf32>,
      %parallel_loop3A_1170 = vector.shape_cast %parallel_loop3A_1169 : vector<1x16xf32> to vector<16xf32>
      %parallel_loop3A_1171 = arith.addf %parallel_loop3A_1165, %parallel_loop3A_1170 : vector<16xf32>
      %parallel_loop3A_1172 = arith.index_cast %parallel_loop3A_1132 : i32 to index
      %parallel_loop3A_1173 = tpu.vector_load %arg6[%parallel_loop3A_1172] {strides = array<i32>} : memref<8192xf32, #tpu.memory_space<vmem>>, vector<16xf32>,
      %parallel_loop3A_1174 = vector.shape_cast %parallel_loop3A_1173 : vector<16xf32> to vector<16xf32>
      %parallel_loop3A_1175 = arith.constant 2 : i32
      %parallel_loop3A_1176 = arith.index_cast %parallel_loop3A_1175 : i32 to index
      %parallel_loop3A_1177 = arith.index_cast %parallel_loop3A_1132 : i32 to index
      %parallel_loop3A_1178 = tpu.vector_load %arg8[%parallel_loop3A_1176, %parallel_loop3A_1177] {strides = array<i32>} : memref<8x8192xf32, #tpu.memory_space<vmem>>, vector<1x16xf32>,
      %parallel_loop3A_1179 = vector.shape_cast %parallel_loop3A_1178 : vector<1x16xf32> to vector<16xf32>
      %parallel_loop3A_1180 = arith.addf %parallel_loop3A_1174, %parallel_loop3A_1179 : vector<16xf32>
      %parallel_loop3A_1181 = arith.index_cast %parallel_loop3A_1135 : i32 to index
      %parallel_loop3A_1182 = tpu.vector_load %arg6[%parallel_loop3A_1181] {strides = array<i32>} : memref<8192xf32, #tpu.memory_space<vmem>>, vector<16xf32>,
      %parallel_loop3A_1183 = vector.shape_cast %parallel_loop3A_1182 : vector<16xf32> to vector<16xf32>
      %parallel_loop3A_1184 = arith.constant 2 : i32
      %parallel_loop3A_1185 = arith.index_cast %parallel_loop3A_1184 : i32 to index
      %parallel_loop3A_1186 = arith.index_cast %parallel_loop3A_1135 : i32 to index
      %parallel_loop3A_1187 = tpu.vector_load %arg8[%parallel_loop3A_1185, %parallel_loop3A_1186] {strides = array<i32>} : memref<8x8192xf32, #tpu.memory_space<vmem>>, vector<1x16xf32>,
      %parallel_loop3A_1188 = vector.shape_cast %parallel_loop3A_1187 : vector<1x16xf32> to vector<16xf32>
      %parallel_loop3A_1189 = arith.addf %parallel_loop3A_1183, %parallel_loop3A_1188 : vector<16xf32>
      %parallel_loop3A_1190 = arith.index_cast %parallel_loop3A_1138 : i32 to index
      %parallel_loop3A_1191 = tpu.vector_load %arg6[%parallel_loop3A_1190] {strides = array<i32>} : memref<8192xf32, #tpu.memory_space<vmem>>, vector<16xf32>,
      %parallel_loop3A_1192 = vector.shape_cast %parallel_loop3A_1191 : vector<16xf32> to vector<16xf32>
      %parallel_loop3A_1193 = arith.constant 2 : i32
      %parallel_loop3A_1194 = arith.index_cast %parallel_loop3A_1193 : i32 to index
      %parallel_loop3A_1195 = arith.index_cast %parallel_loop3A_1138 : i32 to index
      %parallel_loop3A_1196 = tpu.vector_load %arg8[%parallel_loop3A_1194, %parallel_loop3A_1195] {strides = array<i32>} : memref<8x8192xf32, #tpu.memory_space<vmem>>, vector<1x16xf32>,
      %parallel_loop3A_1197 = vector.shape_cast %parallel_loop3A_1196 : vector<1x16xf32> to vector<16xf32>
      %parallel_loop3A_1198 = arith.addf %parallel_loop3A_1192, %parallel_loop3A_1197 : vector<16xf32>
      %parallel_loop3A_1199 = arith.index_cast %parallel_loop3A_1141 : i32 to index
      %parallel_loop3A_1200 = tpu.vector_load %arg6[%parallel_loop3A_1199] {strides = array<i32>} : memref<8192xf32, #tpu.memory_space<vmem>>, vector<16xf32>,
      %parallel_loop3A_1201 = vector.shape_cast %parallel_loop3A_1200 : vector<16xf32> to vector<16xf32>
      %parallel_loop3A_1202 = arith.constant 2 : i32
      %parallel_loop3A_1203 = arith.index_cast %parallel_loop3A_1202 : i32 to index
      %parallel_loop3A_1204 = arith.index_cast %parallel_loop3A_1141 : i32 to index
      %parallel_loop3A_1205 = tpu.vector_load %arg8[%parallel_loop3A_1203, %parallel_loop3A_1204] {strides = array<i32>} : memref<8x8192xf32, #tpu.memory_space<vmem>>, vector<1x16xf32>,
      %parallel_loop3A_1206 = vector.shape_cast %parallel_loop3A_1205 : vector<1x16xf32> to vector<16xf32>
      %parallel_loop3A_1207 = arith.addf %parallel_loop3A_1201, %parallel_loop3A_1206 : vector<16xf32>
      %parallel_loop3A_1208 = arith.index_cast %parallel_loop3A_1144 : i32 to index
      %parallel_loop3A_1209 = tpu.vector_load %arg6[%parallel_loop3A_1208] {strides = array<i32>} : memref<8192xf32, #tpu.memory_space<vmem>>, vector<16xf32>,
      %parallel_loop3A_1210 = vector.shape_cast %parallel_loop3A_1209 : vector<16xf32> to vector<16xf32>
      %parallel_loop3A_1211 = arith.constant 2 : i32
      %parallel_loop3A_1212 = arith.index_cast %parallel_loop3A_1211 : i32 to index
      %parallel_loop3A_1213 = arith.index_cast %parallel_loop3A_1144 : i32 to index
      %parallel_loop3A_1214 = tpu.vector_load %arg8[%parallel_loop3A_1212, %parallel_loop3A_1213] {strides = array<i32>} : memref<8x8192xf32, #tpu.memory_space<vmem>>, vector<1x16xf32>,
      %parallel_loop3A_1215 = vector.shape_cast %parallel_loop3A_1214 : vector<1x16xf32> to vector<16xf32>
      %parallel_loop3A_1216 = arith.addf %parallel_loop3A_1210, %parallel_loop3A_1215 : vector<16xf32>
      %parallel_loop3A_1217 = math.exp %parallel_loop3A_1153 : vector<16xf32>
      %parallel_loop3A_1218 = math.exp %parallel_loop3A_1162 : vector<16xf32>
      %parallel_loop3A_1219 = math.exp %parallel_loop3A_1171 : vector<16xf32>
      %parallel_loop3A_1220 = math.exp %parallel_loop3A_1180 : vector<16xf32>
      %parallel_loop3A_1221 = math.exp %parallel_loop3A_1189 : vector<16xf32>
      %parallel_loop3A_1222 = math.exp %parallel_loop3A_1198 : vector<16xf32>
      %parallel_loop3A_1223 = math.exp %parallel_loop3A_1207 : vector<16xf32>
      %parallel_loop3A_1224 = math.exp %parallel_loop3A_1216 : vector<16xf32>
      %parallel_loop3A_1225 = arith.constant 2 : i32
      %parallel_loop3A_1226 = arith.index_cast %parallel_loop3A_1225 : i32 to index
      %parallel_loop3A_1227 = arith.index_cast %parallel_loop3A_1123 : i32 to index
      %parallel_loop3A_1228 = tpu.vector_load %arg8[%parallel_loop3A_1226, %parallel_loop3A_1227] {strides = array<i32>} : memref<8x8192xf32, #tpu.memory_space<vmem>>, vector<1x16xf32>,
      %parallel_loop3A_1229 = vector.shape_cast %parallel_loop3A_1228 : vector<1x16xf32> to vector<16xf32>
      %parallel_loop3A_1230 = vector.shape_cast %parallel_loop3A_1217 : vector<16xf32> to vector<1x16xf32>
      tpu.vector_store %arg8[%parallel_loop3A_1226, %parallel_loop3A_1227], %parallel_loop3A_1230 {strides = array<i32>} : memref<8x8192xf32, #tpu.memory_space<vmem>>, vector<1x16xf32>,
      %parallel_loop3A_1231 = arith.constant 2 : i32
      %parallel_loop3A_1232 = arith.index_cast %parallel_loop3A_1231 : i32 to index
      %parallel_loop3A_1233 = arith.index_cast %parallel_loop3A_1126 : i32 to index
      %parallel_loop3A_1234 = tpu.vector_load %arg8[%parallel_loop3A_1232, %parallel_loop3A_1233] {strides = array<i32>} : memref<8x8192xf32, #tpu.memory_space<vmem>>, vector<1x16xf32>,
      %parallel_loop3A_1235 = vector.shape_cast %parallel_loop3A_1234 : vector<1x16xf32> to vector<16xf32>
      %parallel_loop3A_1236 = vector.shape_cast %parallel_loop3A_1218 : vector<16xf32> to vector<1x16xf32>
      tpu.vector_store %arg8[%parallel_loop3A_1232, %parallel_loop3A_1233], %parallel_loop3A_1236 {strides = array<i32>} : memref<8x8192xf32, #tpu.memory_space<vmem>>, vector<1x16xf32>,
      %parallel_loop3A_1237 = arith.constant 2 : i32
      %parallel_loop3A_1238 = arith.index_cast %parallel_loop3A_1237 : i32 to index
      %parallel_loop3A_1239 = arith.index_cast %parallel_loop3A_1129 : i32 to index
      %parallel_loop3A_1240 = tpu.vector_load %arg8[%parallel_loop3A_1238, %parallel_loop3A_1239] {strides = array<i32>} : memref<8x8192xf32, #tpu.memory_space<vmem>>, vector<1x16xf32>,
      %parallel_loop3A_1241 = vector.shape_cast %parallel_loop3A_1240 : vector<1x16xf32> to vector<16xf32>
      %parallel_loop3A_1242 = vector.shape_cast %parallel_loop3A_1219 : vector<16xf32> to vector<1x16xf32>
      tpu.vector_store %arg8[%parallel_loop3A_1238, %parallel_loop3A_1239], %parallel_loop3A_1242 {strides = array<i32>} : memref<8x8192xf32, #tpu.memory_space<vmem>>, vector<1x16xf32>,
      %parallel_loop3A_1243 = arith.constant 2 : i32
      %parallel_loop3A_1244 = arith.index_cast %parallel_loop3A_1243 : i32 to index
      %parallel_loop3A_1245 = arith.index_cast %parallel_loop3A_1132 : i32 to index
      %parallel_loop3A_1246 = tpu.vector_load %arg8[%parallel_loop3A_1244, %parallel_loop3A_1245] {strides = array<i32>} : memref<8x8192xf32, #tpu.memory_space<vmem>>, vector<1x16xf32>,
      %parallel_loop3A_1247 = vector.shape_cast %parallel_loop3A_1246 : vector<1x16xf32> to vector<16xf32>
      %parallel_loop3A_1248 = vector.shape_cast %parallel_loop3A_1220 : vector<16xf32> to vector<1x16xf32>
      tpu.vector_store %arg8[%parallel_loop3A_1244, %parallel_loop3A_1245], %parallel_loop3A_1248 {strides = array<i32>} : memref<8x8192xf32, #tpu.memory_space<vmem>>, vector<1x16xf32>,
      %parallel_loop3A_1249 = arith.constant 2 : i32
      %parallel_loop3A_1250 = arith.index_cast %parallel_loop3A_1249 : i32 to index
      %parallel_loop3A_1251 = arith.index_cast %parallel_loop3A_1135 : i32 to index
      %parallel_loop3A_1252 = tpu.vector_load %arg8[%parallel_loop3A_1250, %parallel_loop3A_1251] {strides = array<i32>} : memref<8x8192xf32, #tpu.memory_space<vmem>>, vector<1x16xf32>,
      %parallel_loop3A_1253 = vector.shape_cast %parallel_loop3A_1252 : vector<1x16xf32> to vector<16xf32>
      %parallel_loop3A_1254 = vector.shape_cast %parallel_loop3A_1221 : vector<16xf32> to vector<1x16xf32>
      tpu.vector_store %arg8[%parallel_loop3A_1250, %parallel_loop3A_1251], %parallel_loop3A_1254 {strides = array<i32>} : memref<8x8192xf32, #tpu.memory_space<vmem>>, vector<1x16xf32>,
      %parallel_loop3A_1255 = arith.constant 2 : i32
      %parallel_loop3A_1256 = arith.index_cast %parallel_loop3A_1255 : i32 to index
      %parallel_loop3A_1257 = arith.index_cast %parallel_loop3A_1138 : i32 to index
      %parallel_loop3A_1258 = tpu.vector_load %arg8[%parallel_loop3A_1256, %parallel_loop3A_1257] {strides = array<i32>} : memref<8x8192xf32, #tpu.memory_space<vmem>>, vector<1x16xf32>,
      %parallel_loop3A_1259 = vector.shape_cast %parallel_loop3A_1258 : vector<1x16xf32> to vector<16xf32>
      %parallel_loop3A_1260 = vector.shape_cast %parallel_loop3A_1222 : vector<16xf32> to vector<1x16xf32>
      tpu.vector_store %arg8[%parallel_loop3A_1256, %parallel_loop3A_1257], %parallel_loop3A_1260 {strides = array<i32>} : memref<8x8192xf32, #tpu.memory_space<vmem>>, vector<1x16xf32>,
      %parallel_loop3A_1261 = arith.constant 2 : i32
      %parallel_loop3A_1262 = arith.index_cast %parallel_loop3A_1261 : i32 to index
      %parallel_loop3A_1263 = arith.index_cast %parallel_loop3A_1141 : i32 to index
      %parallel_loop3A_1264 = tpu.vector_load %arg8[%parallel_loop3A_1262, %parallel_loop3A_1263] {strides = array<i32>} : memref<8x8192xf32, #tpu.memory_space<vmem>>, vector<1x16xf32>,
      %parallel_loop3A_1265 = vector.shape_cast %parallel_loop3A_1264 : vector<1x16xf32> to vector<16xf32>
      %parallel_loop3A_1266 = vector.shape_cast %parallel_loop3A_1223 : vector<16xf32> to vector<1x16xf32>
      tpu.vector_store %arg8[%parallel_loop3A_1262, %parallel_loop3A_1263], %parallel_loop3A_1266 {strides = array<i32>} : memref<8x8192xf32, #tpu.memory_space<vmem>>, vector<1x16xf32>,
      %parallel_loop3A_1267 = arith.constant 2 : i32
      %parallel_loop3A_1268 = arith.index_cast %parallel_loop3A_1267 : i32 to index
      %parallel_loop3A_1269 = arith.index_cast %parallel_loop3A_1144 : i32 to index
      %parallel_loop3A_1270 = tpu.vector_load %arg8[%parallel_loop3A_1268, %parallel_loop3A_1269] {strides = array<i32>} : memref<8x8192xf32, #tpu.memory_space<vmem>>, vector<1x16xf32>,
      %parallel_loop3A_1271 = vector.shape_cast %parallel_loop3A_1270 : vector<1x16xf32> to vector<16xf32>
      %parallel_loop3A_1272 = vector.shape_cast %parallel_loop3A_1224 : vector<16xf32> to vector<1x16xf32>
      tpu.vector_store %arg8[%parallel_loop3A_1268, %parallel_loop3A_1269], %parallel_loop3A_1272 {strides = array<i32>} : memref<8x8192xf32, #tpu.memory_space<vmem>>, vector<1x16xf32>,
      %parallel_loop3A_1273 = arith.addf %parallel_loop3A_1113, %parallel_loop3A_1217 : vector<16xf32>
      %parallel_loop3A_1274 = arith.addf %parallel_loop3A_1114, %parallel_loop3A_1218 : vector<16xf32>
      %parallel_loop3A_1275 = arith.addf %parallel_loop3A_1115, %parallel_loop3A_1219 : vector<16xf32>
      %parallel_loop3A_1276 = arith.addf %parallel_loop3A_1116, %parallel_loop3A_1220 : vector<16xf32>
      %parallel_loop3A_1277 = arith.addf %parallel_loop3A_1117, %parallel_loop3A_1221 : vector<16xf32>
      %parallel_loop3A_1278 = arith.addf %parallel_loop3A_1118, %parallel_loop3A_1222 : vector<16xf32>
      %parallel_loop3A_1279 = arith.addf %parallel_loop3A_1119, %parallel_loop3A_1223 : vector<16xf32>
      %parallel_loop3A_1280 = arith.addf %parallel_loop3A_1120, %parallel_loop3A_1224 : vector<16xf32>
      scf.yield %parallel_loop3A_1273, %parallel_loop3A_1274, %parallel_loop3A_1275, %parallel_loop3A_1276, %parallel_loop3A_1277, %parallel_loop3A_1278, %parallel_loop3A_1279, %parallel_loop3A_1280 : vector<16xf32>, vector<16xf32>, vector<16xf32>, vector<16xf32>, vector<16xf32>, vector<16xf32>, vector<16xf32>, vector<16xf32>
    } {sc.loop_unroll_factor = 2 : i64, sc.parallel_access}
    %add3A_230 = arith.addf %parallel_loop3A_229#0, %parallel_loop3A_229#1 : vector<16xf32>
    %add3A_231 = arith.addf %parallel_loop3A_229#2, %parallel_loop3A_229#3 : vector<16xf32>
    %add3A_232 = arith.addf %add3A_230, %add3A_231 : vector<16xf32>
    %add3A_233 = arith.addf %parallel_loop3A_229#4, %parallel_loop3A_229#5 : vector<16xf32>
    %add3A_234 = arith.addf %parallel_loop3A_229#6, %parallel_loop3A_229#7 : vector<16xf32>
    %add3A_235 = arith.addf %add3A_233, %add3A_234 : vector<16xf32>
    %add3A_236 = arith.addf %add3A_232, %add3A_235 : vector<16xf32>
    %dma_wait3A_237 = arith.constant 3 : i32
    %dma_wait3A_238 = arith.constant 3 : i32
    %dma_wait3A_239 = arith.constant 3 : i32
    %dma_wait3A_240 = arith.constant 0 : i32
    %dma_wait3A_241 = tpu.memref_slice %arg8[%dma_wait3A_238, %dma_wait3A_240] : memref<8x8192xf32, #tpu.memory_space<vmem>> -> memref<1x8192xf32, #tpu.memory_space<vmem>>
    %dma_wait3A_242 = tpu.memref_squeeze %dma_wait3A_241 : memref<1x8192xf32, #tpu.memory_space<vmem>> -> memref<8192xf32, #tpu.memory_space<vmem>>
    %dma_wait3A_243 = tpu.memref_slice %arg3[%dma_wait3A_237, %add3A_30, %mul3A_32] : memref<8x32x32768xf32, #tpu.memory_space<hbm>> -> memref<1x1x8192xf32, #tpu.memory_space<hbm>>
    %dma_wait3A_244 = tpu.memref_squeeze %dma_wait3A_243 : memref<1x1x8192xf32, #tpu.memory_space<hbm>> -> memref<8192xf32, #tpu.memory_space<hbm>>
    %dma_wait3A_245 = tpu.memref_slice %arg12[%dma_wait3A_239] : memref<8x!tpu.dma_semaphore, #tpu.memory_space<semaphore_mem>> -> memref<1x!tpu.dma_semaphore, #tpu.memory_space<semaphore_mem>>
    %dma_wait3A_246 = tpu.memref_squeeze %dma_wait3A_245 : memref<1x!tpu.dma_semaphore, #tpu.memory_space<semaphore_mem>> -> memref<!tpu.dma_semaphore, #tpu.memory_space<semaphore_mem>>
    %dma_wait3A_247 = arith.constant 0 : i32
    %dma_wait3A_248 = tpu.memref_slice %arg8[%dma_wait3A_238, %dma_wait3A_247] : memref<8x8192xf32, #tpu.memory_space<vmem>> -> memref<1x8192xf32, #tpu.memory_space<vmem>>
    %dma_wait3A_249 = tpu.memref_squeeze %dma_wait3A_248 : memref<1x8192xf32, #tpu.memory_space<vmem>> -> memref<8192xf32, #tpu.memory_space<vmem>>
    %dma_wait3A_250 = tpu.memref_slice %arg3[%dma_wait3A_237, %add3A_30, %mul3A_32] : memref<8x32x32768xf32, #tpu.memory_space<hbm>> -> memref<1x1x8192xf32, #tpu.memory_space<hbm>>
    %dma_wait3A_251 = tpu.memref_squeeze %dma_wait3A_250 : memref<1x1x8192xf32, #tpu.memory_space<hbm>> -> memref<8192xf32, #tpu.memory_space<hbm>>
    tpu.wait_dma2 semaphore(%dma_wait3A_246 : memref<!tpu.dma_semaphore, #tpu.memory_space<semaphore_mem>>) src(%dma_wait3A_251 : memref<8192xf32, #tpu.memory_space<hbm>>) dst(%dma_wait3A_249 : memref<8192xf32, #tpu.memory_space<vmem>>)
    %parallel_loop3A_252 = arith.constant 0 : i32
    %parallel_loop3A_253 = arith.constant 8192 : i32
    %parallel_loop3A_254 = arith.constant 128 : i32
    %parallel_loop3A_255:8 = scf.for %parallel_loop3A_1112 = %parallel_loop3A_252 to %parallel_loop3A_253 step %parallel_loop3A_254 iter_args(%parallel_loop3A_1113 = %broadcast_in_dim3A_159, %parallel_loop3A_1114 = %broadcast_in_dim3A_159, %parallel_loop3A_1115 = %broadcast_in_dim3A_159, %parallel_loop3A_1116 = %broadcast_in_dim3A_159, %parallel_loop3A_1117 = %broadcast_in_dim3A_159, %parallel_loop3A_1118 = %broadcast_in_dim3A_159, %parallel_loop3A_1119 = %broadcast_in_dim3A_159, %parallel_loop3A_1120 = %broadcast_in_dim3A_159) -> (vector<16xf32>, vector<16xf32>, vector<16xf32>, vector<16xf32>, vector<16xf32>, vector<16xf32>, vector<16xf32>, vector<16xf32>)  : i32 {
      %parallel_loop3A_1121 = arith.constant 0 : i32
      %parallel_loop3A_1122 = arith.addi %parallel_loop3A_1112, %parallel_loop3A_1121 : i32
      %parallel_loop3A_1123 = tpu.assume_multiple %parallel_loop3A_1122, 16 : i32
      %parallel_loop3A_1124 = arith.constant 16 : i32
      %parallel_loop3A_1125 = arith.addi %parallel_loop3A_1112, %parallel_loop3A_1124 : i32
      %parallel_loop3A_1126 = tpu.assume_multiple %parallel_loop3A_1125, 16 : i32
      %parallel_loop3A_1127 = arith.constant 32 : i32
      %parallel_loop3A_1128 = arith.addi %parallel_loop3A_1112, %parallel_loop3A_1127 : i32
      %parallel_loop3A_1129 = tpu.assume_multiple %parallel_loop3A_1128, 16 : i32
      %parallel_loop3A_1130 = arith.constant 48 : i32
      %parallel_loop3A_1131 = arith.addi %parallel_loop3A_1112, %parallel_loop3A_1130 : i32
      %parallel_loop3A_1132 = tpu.assume_multiple %parallel_loop3A_1131, 16 : i32
      %parallel_loop3A_1133 = arith.constant 64 : i32
      %parallel_loop3A_1134 = arith.addi %parallel_loop3A_1112, %parallel_loop3A_1133 : i32
      %parallel_loop3A_1135 = tpu.assume_multiple %parallel_loop3A_1134, 16 : i32
      %parallel_loop3A_1136 = arith.constant 80 : i32
      %parallel_loop3A_1137 = arith.addi %parallel_loop3A_1112, %parallel_loop3A_1136 : i32
      %parallel_loop3A_1138 = tpu.assume_multiple %parallel_loop3A_1137, 16 : i32
      %parallel_loop3A_1139 = arith.constant 96 : i32
      %parallel_loop3A_1140 = arith.addi %parallel_loop3A_1112, %parallel_loop3A_1139 : i32
      %parallel_loop3A_1141 = tpu.assume_multiple %parallel_loop3A_1140, 16 : i32
      %parallel_loop3A_1142 = arith.constant 112 : i32
      %parallel_loop3A_1143 = arith.addi %parallel_loop3A_1112, %parallel_loop3A_1142 : i32
      %parallel_loop3A_1144 = tpu.assume_multiple %parallel_loop3A_1143, 16 : i32
      %parallel_loop3A_1145 = arith.index_cast %parallel_loop3A_1123 : i32 to index
      %parallel_loop3A_1146 = tpu.vector_load %arg6[%parallel_loop3A_1145] {strides = array<i32>} : memref<8192xf32, #tpu.memory_space<vmem>>, vector<16xf32>,
      %parallel_loop3A_1147 = vector.shape_cast %parallel_loop3A_1146 : vector<16xf32> to vector<16xf32>
      %parallel_loop3A_1148 = arith.constant 3 : i32
      %parallel_loop3A_1149 = arith.index_cast %parallel_loop3A_1148 : i32 to index
      %parallel_loop3A_1150 = arith.index_cast %parallel_loop3A_1123 : i32 to index
      %parallel_loop3A_1151 = tpu.vector_load %arg8[%parallel_loop3A_1149, %parallel_loop3A_1150] {strides = array<i32>} : memref<8x8192xf32, #tpu.memory_space<vmem>>, vector<1x16xf32>,
      %parallel_loop3A_1152 = vector.shape_cast %parallel_loop3A_1151 : vector<1x16xf32> to vector<16xf32>
      %parallel_loop3A_1153 = arith.addf %parallel_loop3A_1147, %parallel_loop3A_1152 : vector<16xf32>
      %parallel_loop3A_1154 = arith.index_cast %parallel_loop3A_1126 : i32 to index
      %parallel_loop3A_1155 = tpu.vector_load %arg6[%parallel_loop3A_1154] {strides = array<i32>} : memref<8192xf32, #tpu.memory_space<vmem>>, vector<16xf32>,
      %parallel_loop3A_1156 = vector.shape_cast %parallel_loop3A_1155 : vector<16xf32> to vector<16xf32>
      %parallel_loop3A_1157 = arith.constant 3 : i32
      %parallel_loop3A_1158 = arith.index_cast %parallel_loop3A_1157 : i32 to index
      %parallel_loop3A_1159 = arith.index_cast %parallel_loop3A_1126 : i32 to index
      %parallel_loop3A_1160 = tpu.vector_load %arg8[%parallel_loop3A_1158, %parallel_loop3A_1159] {strides = array<i32>} : memref<8x8192xf32, #tpu.memory_space<vmem>>, vector<1x16xf32>,
      %parallel_loop3A_1161 = vector.shape_cast %parallel_loop3A_1160 : vector<1x16xf32> to vector<16xf32>
      %parallel_loop3A_1162 = arith.addf %parallel_loop3A_1156, %parallel_loop3A_1161 : vector<16xf32>
      %parallel_loop3A_1163 = arith.index_cast %parallel_loop3A_1129 : i32 to index
      %parallel_loop3A_1164 = tpu.vector_load %arg6[%parallel_loop3A_1163] {strides = array<i32>} : memref<8192xf32, #tpu.memory_space<vmem>>, vector<16xf32>,
      %parallel_loop3A_1165 = vector.shape_cast %parallel_loop3A_1164 : vector<16xf32> to vector<16xf32>
      %parallel_loop3A_1166 = arith.constant 3 : i32
      %parallel_loop3A_1167 = arith.index_cast %parallel_loop3A_1166 : i32 to index
      %parallel_loop3A_1168 = arith.index_cast %parallel_loop3A_1129 : i32 to index
      %parallel_loop3A_1169 = tpu.vector_load %arg8[%parallel_loop3A_1167, %parallel_loop3A_1168] {strides = array<i32>} : memref<8x8192xf32, #tpu.memory_space<vmem>>, vector<1x16xf32>,
      %parallel_loop3A_1170 = vector.shape_cast %parallel_loop3A_1169 : vector<1x16xf32> to vector<16xf32>
      %parallel_loop3A_1171 = arith.addf %parallel_loop3A_1165, %parallel_loop3A_1170 : vector<16xf32>
      %parallel_loop3A_1172 = arith.index_cast %parallel_loop3A_1132 : i32 to index
      %parallel_loop3A_1173 = tpu.vector_load %arg6[%parallel_loop3A_1172] {strides = array<i32>} : memref<8192xf32, #tpu.memory_space<vmem>>, vector<16xf32>,
      %parallel_loop3A_1174 = vector.shape_cast %parallel_loop3A_1173 : vector<16xf32> to vector<16xf32>
      %parallel_loop3A_1175 = arith.constant 3 : i32
      %parallel_loop3A_1176 = arith.index_cast %parallel_loop3A_1175 : i32 to index
      %parallel_loop3A_1177 = arith.index_cast %parallel_loop3A_1132 : i32 to index
      %parallel_loop3A_1178 = tpu.vector_load %arg8[%parallel_loop3A_1176, %parallel_loop3A_1177] {strides = array<i32>} : memref<8x8192xf32, #tpu.memory_space<vmem>>, vector<1x16xf32>,
      %parallel_loop3A_1179 = vector.shape_cast %parallel_loop3A_1178 : vector<1x16xf32> to vector<16xf32>
      %parallel_loop3A_1180 = arith.addf %parallel_loop3A_1174, %parallel_loop3A_1179 : vector<16xf32>
      %parallel_loop3A_1181 = arith.index_cast %parallel_loop3A_1135 : i32 to index
      %parallel_loop3A_1182 = tpu.vector_load %arg6[%parallel_loop3A_1181] {strides = array<i32>} : memref<8192xf32, #tpu.memory_space<vmem>>, vector<16xf32>,
      %parallel_loop3A_1183 = vector.shape_cast %parallel_loop3A_1182 : vector<16xf32> to vector<16xf32>
      %parallel_loop3A_1184 = arith.constant 3 : i32
      %parallel_loop3A_1185 = arith.index_cast %parallel_loop3A_1184 : i32 to index
      %parallel_loop3A_1186 = arith.index_cast %parallel_loop3A_1135 : i32 to index
      %parallel_loop3A_1187 = tpu.vector_load %arg8[%parallel_loop3A_1185, %parallel_loop3A_1186] {strides = array<i32>} : memref<8x8192xf32, #tpu.memory_space<vmem>>, vector<1x16xf32>,
      %parallel_loop3A_1188 = vector.shape_cast %parallel_loop3A_1187 : vector<1x16xf32> to vector<16xf32>
      %parallel_loop3A_1189 = arith.addf %parallel_loop3A_1183, %parallel_loop3A_1188 : vector<16xf32>
      %parallel_loop3A_1190 = arith.index_cast %parallel_loop3A_1138 : i32 to index
      %parallel_loop3A_1191 = tpu.vector_load %arg6[%parallel_loop3A_1190] {strides = array<i32>} : memref<8192xf32, #tpu.memory_space<vmem>>, vector<16xf32>,
      %parallel_loop3A_1192 = vector.shape_cast %parallel_loop3A_1191 : vector<16xf32> to vector<16xf32>
      %parallel_loop3A_1193 = arith.constant 3 : i32
      %parallel_loop3A_1194 = arith.index_cast %parallel_loop3A_1193 : i32 to index
      %parallel_loop3A_1195 = arith.index_cast %parallel_loop3A_1138 : i32 to index
      %parallel_loop3A_1196 = tpu.vector_load %arg8[%parallel_loop3A_1194, %parallel_loop3A_1195] {strides = array<i32>} : memref<8x8192xf32, #tpu.memory_space<vmem>>, vector<1x16xf32>,
      %parallel_loop3A_1197 = vector.shape_cast %parallel_loop3A_1196 : vector<1x16xf32> to vector<16xf32>
      %parallel_loop3A_1198 = arith.addf %parallel_loop3A_1192, %parallel_loop3A_1197 : vector<16xf32>
      %parallel_loop3A_1199 = arith.index_cast %parallel_loop3A_1141 : i32 to index
      %parallel_loop3A_1200 = tpu.vector_load %arg6[%parallel_loop3A_1199] {strides = array<i32>} : memref<8192xf32, #tpu.memory_space<vmem>>, vector<16xf32>,
      %parallel_loop3A_1201 = vector.shape_cast %parallel_loop3A_1200 : vector<16xf32> to vector<16xf32>
      %parallel_loop3A_1202 = arith.constant 3 : i32
      %parallel_loop3A_1203 = arith.index_cast %parallel_loop3A_1202 : i32 to index
      %parallel_loop3A_1204 = arith.index_cast %parallel_loop3A_1141 : i32 to index
      %parallel_loop3A_1205 = tpu.vector_load %arg8[%parallel_loop3A_1203, %parallel_loop3A_1204] {strides = array<i32>} : memref<8x8192xf32, #tpu.memory_space<vmem>>, vector<1x16xf32>,
      %parallel_loop3A_1206 = vector.shape_cast %parallel_loop3A_1205 : vector<1x16xf32> to vector<16xf32>
      %parallel_loop3A_1207 = arith.addf %parallel_loop3A_1201, %parallel_loop3A_1206 : vector<16xf32>
      %parallel_loop3A_1208 = arith.index_cast %parallel_loop3A_1144 : i32 to index
      %parallel_loop3A_1209 = tpu.vector_load %arg6[%parallel_loop3A_1208] {strides = array<i32>} : memref<8192xf32, #tpu.memory_space<vmem>>, vector<16xf32>,
      %parallel_loop3A_1210 = vector.shape_cast %parallel_loop3A_1209 : vector<16xf32> to vector<16xf32>
      %parallel_loop3A_1211 = arith.constant 3 : i32
      %parallel_loop3A_1212 = arith.index_cast %parallel_loop3A_1211 : i32 to index
      %parallel_loop3A_1213 = arith.index_cast %parallel_loop3A_1144 : i32 to index
      %parallel_loop3A_1214 = tpu.vector_load %arg8[%parallel_loop3A_1212, %parallel_loop3A_1213] {strides = array<i32>} : memref<8x8192xf32, #tpu.memory_space<vmem>>, vector<1x16xf32>,
      %parallel_loop3A_1215 = vector.shape_cast %parallel_loop3A_1214 : vector<1x16xf32> to vector<16xf32>
      %parallel_loop3A_1216 = arith.addf %parallel_loop3A_1210, %parallel_loop3A_1215 : vector<16xf32>
      %parallel_loop3A_1217 = math.exp %parallel_loop3A_1153 : vector<16xf32>
      %parallel_loop3A_1218 = math.exp %parallel_loop3A_1162 : vector<16xf32>
      %parallel_loop3A_1219 = math.exp %parallel_loop3A_1171 : vector<16xf32>
      %parallel_loop3A_1220 = math.exp %parallel_loop3A_1180 : vector<16xf32>
      %parallel_loop3A_1221 = math.exp %parallel_loop3A_1189 : vector<16xf32>
      %parallel_loop3A_1222 = math.exp %parallel_loop3A_1198 : vector<16xf32>
      %parallel_loop3A_1223 = math.exp %parallel_loop3A_1207 : vector<16xf32>
      %parallel_loop3A_1224 = math.exp %parallel_loop3A_1216 : vector<16xf32>
      %parallel_loop3A_1225 = arith.constant 3 : i32
      %parallel_loop3A_1226 = arith.index_cast %parallel_loop3A_1225 : i32 to index
      %parallel_loop3A_1227 = arith.index_cast %parallel_loop3A_1123 : i32 to index
      %parallel_loop3A_1228 = tpu.vector_load %arg8[%parallel_loop3A_1226, %parallel_loop3A_1227] {strides = array<i32>} : memref<8x8192xf32, #tpu.memory_space<vmem>>, vector<1x16xf32>,
      %parallel_loop3A_1229 = vector.shape_cast %parallel_loop3A_1228 : vector<1x16xf32> to vector<16xf32>
      %parallel_loop3A_1230 = vector.shape_cast %parallel_loop3A_1217 : vector<16xf32> to vector<1x16xf32>
      tpu.vector_store %arg8[%parallel_loop3A_1226, %parallel_loop3A_1227], %parallel_loop3A_1230 {strides = array<i32>} : memref<8x8192xf32, #tpu.memory_space<vmem>>, vector<1x16xf32>,
      %parallel_loop3A_1231 = arith.constant 3 : i32
      %parallel_loop3A_1232 = arith.index_cast %parallel_loop3A_1231 : i32 to index
      %parallel_loop3A_1233 = arith.index_cast %parallel_loop3A_1126 : i32 to index
      %parallel_loop3A_1234 = tpu.vector_load %arg8[%parallel_loop3A_1232, %parallel_loop3A_1233] {strides = array<i32>} : memref<8x8192xf32, #tpu.memory_space<vmem>>, vector<1x16xf32>,
      %parallel_loop3A_1235 = vector.shape_cast %parallel_loop3A_1234 : vector<1x16xf32> to vector<16xf32>
      %parallel_loop3A_1236 = vector.shape_cast %parallel_loop3A_1218 : vector<16xf32> to vector<1x16xf32>
      tpu.vector_store %arg8[%parallel_loop3A_1232, %parallel_loop3A_1233], %parallel_loop3A_1236 {strides = array<i32>} : memref<8x8192xf32, #tpu.memory_space<vmem>>, vector<1x16xf32>,
      %parallel_loop3A_1237 = arith.constant 3 : i32
      %parallel_loop3A_1238 = arith.index_cast %parallel_loop3A_1237 : i32 to index
      %parallel_loop3A_1239 = arith.index_cast %parallel_loop3A_1129 : i32 to index
      %parallel_loop3A_1240 = tpu.vector_load %arg8[%parallel_loop3A_1238, %parallel_loop3A_1239] {strides = array<i32>} : memref<8x8192xf32, #tpu.memory_space<vmem>>, vector<1x16xf32>,
      %parallel_loop3A_1241 = vector.shape_cast %parallel_loop3A_1240 : vector<1x16xf32> to vector<16xf32>
      %parallel_loop3A_1242 = vector.shape_cast %parallel_loop3A_1219 : vector<16xf32> to vector<1x16xf32>
      tpu.vector_store %arg8[%parallel_loop3A_1238, %parallel_loop3A_1239], %parallel_loop3A_1242 {strides = array<i32>} : memref<8x8192xf32, #tpu.memory_space<vmem>>, vector<1x16xf32>,
      %parallel_loop3A_1243 = arith.constant 3 : i32
      %parallel_loop3A_1244 = arith.index_cast %parallel_loop3A_1243 : i32 to index
      %parallel_loop3A_1245 = arith.index_cast %parallel_loop3A_1132 : i32 to index
      %parallel_loop3A_1246 = tpu.vector_load %arg8[%parallel_loop3A_1244, %parallel_loop3A_1245] {strides = array<i32>} : memref<8x8192xf32, #tpu.memory_space<vmem>>, vector<1x16xf32>,
      %parallel_loop3A_1247 = vector.shape_cast %parallel_loop3A_1246 : vector<1x16xf32> to vector<16xf32>
      %parallel_loop3A_1248 = vector.shape_cast %parallel_loop3A_1220 : vector<16xf32> to vector<1x16xf32>
      tpu.vector_store %arg8[%parallel_loop3A_1244, %parallel_loop3A_1245], %parallel_loop3A_1248 {strides = array<i32>} : memref<8x8192xf32, #tpu.memory_space<vmem>>, vector<1x16xf32>,
      %parallel_loop3A_1249 = arith.constant 3 : i32
      %parallel_loop3A_1250 = arith.index_cast %parallel_loop3A_1249 : i32 to index
      %parallel_loop3A_1251 = arith.index_cast %parallel_loop3A_1135 : i32 to index
      %parallel_loop3A_1252 = tpu.vector_load %arg8[%parallel_loop3A_1250, %parallel_loop3A_1251] {strides = array<i32>} : memref<8x8192xf32, #tpu.memory_space<vmem>>, vector<1x16xf32>,
      %parallel_loop3A_1253 = vector.shape_cast %parallel_loop3A_1252 : vector<1x16xf32> to vector<16xf32>
      %parallel_loop3A_1254 = vector.shape_cast %parallel_loop3A_1221 : vector<16xf32> to vector<1x16xf32>
      tpu.vector_store %arg8[%parallel_loop3A_1250, %parallel_loop3A_1251], %parallel_loop3A_1254 {strides = array<i32>} : memref<8x8192xf32, #tpu.memory_space<vmem>>, vector<1x16xf32>,
      %parallel_loop3A_1255 = arith.constant 3 : i32
      %parallel_loop3A_1256 = arith.index_cast %parallel_loop3A_1255 : i32 to index
      %parallel_loop3A_1257 = arith.index_cast %parallel_loop3A_1138 : i32 to index
      %parallel_loop3A_1258 = tpu.vector_load %arg8[%parallel_loop3A_1256, %parallel_loop3A_1257] {strides = array<i32>} : memref<8x8192xf32, #tpu.memory_space<vmem>>, vector<1x16xf32>,
      %parallel_loop3A_1259 = vector.shape_cast %parallel_loop3A_1258 : vector<1x16xf32> to vector<16xf32>
      %parallel_loop3A_1260 = vector.shape_cast %parallel_loop3A_1222 : vector<16xf32> to vector<1x16xf32>
      tpu.vector_store %arg8[%parallel_loop3A_1256, %parallel_loop3A_1257], %parallel_loop3A_1260 {strides = array<i32>} : memref<8x8192xf32, #tpu.memory_space<vmem>>, vector<1x16xf32>,
      %parallel_loop3A_1261 = arith.constant 3 : i32
      %parallel_loop3A_1262 = arith.index_cast %parallel_loop3A_1261 : i32 to index
      %parallel_loop3A_1263 = arith.index_cast %parallel_loop3A_1141 : i32 to index
      %parallel_loop3A_1264 = tpu.vector_load %arg8[%parallel_loop3A_1262, %parallel_loop3A_1263] {strides = array<i32>} : memref<8x8192xf32, #tpu.memory_space<vmem>>, vector<1x16xf32>,
      %parallel_loop3A_1265 = vector.shape_cast %parallel_loop3A_1264 : vector<1x16xf32> to vector<16xf32>
      %parallel_loop3A_1266 = vector.shape_cast %parallel_loop3A_1223 : vector<16xf32> to vector<1x16xf32>
      tpu.vector_store %arg8[%parallel_loop3A_1262, %parallel_loop3A_1263], %parallel_loop3A_1266 {strides = array<i32>} : memref<8x8192xf32, #tpu.memory_space<vmem>>, vector<1x16xf32>,
      %parallel_loop3A_1267 = arith.constant 3 : i32
      %parallel_loop3A_1268 = arith.index_cast %parallel_loop3A_1267 : i32 to index
      %parallel_loop3A_1269 = arith.index_cast %parallel_loop3A_1144 : i32 to index
      %parallel_loop3A_1270 = tpu.vector_load %arg8[%parallel_loop3A_1268, %parallel_loop3A_1269] {strides = array<i32>} : memref<8x8192xf32, #tpu.memory_space<vmem>>, vector<1x16xf32>,
      %parallel_loop3A_1271 = vector.shape_cast %parallel_loop3A_1270 : vector<1x16xf32> to vector<16xf32>
      %parallel_loop3A_1272 = vector.shape_cast %parallel_loop3A_1224 : vector<16xf32> to vector<1x16xf32>
      tpu.vector_store %arg8[%parallel_loop3A_1268, %parallel_loop3A_1269], %parallel_loop3A_1272 {strides = array<i32>} : memref<8x8192xf32, #tpu.memory_space<vmem>>, vector<1x16xf32>,
      %parallel_loop3A_1273 = arith.addf %parallel_loop3A_1113, %parallel_loop3A_1217 : vector<16xf32>
      %parallel_loop3A_1274 = arith.addf %parallel_loop3A_1114, %parallel_loop3A_1218 : vector<16xf32>
      %parallel_loop3A_1275 = arith.addf %parallel_loop3A_1115, %parallel_loop3A_1219 : vector<16xf32>
      %parallel_loop3A_1276 = arith.addf %parallel_loop3A_1116, %parallel_loop3A_1220 : vector<16xf32>
      %parallel_loop3A_1277 = arith.addf %parallel_loop3A_1117, %parallel_loop3A_1221 : vector<16xf32>
      %parallel_loop3A_1278 = arith.addf %parallel_loop3A_1118, %parallel_loop3A_1222 : vector<16xf32>
      %parallel_loop3A_1279 = arith.addf %parallel_loop3A_1119, %parallel_loop3A_1223 : vector<16xf32>
      %parallel_loop3A_1280 = arith.addf %parallel_loop3A_1120, %parallel_loop3A_1224 : vector<16xf32>
      scf.yield %parallel_loop3A_1273, %parallel_loop3A_1274, %parallel_loop3A_1275, %parallel_loop3A_1276, %parallel_loop3A_1277, %parallel_loop3A_1278, %parallel_loop3A_1279, %parallel_loop3A_1280 : vector<16xf32>, vector<16xf32>, vector<16xf32>, vector<16xf32>, vector<16xf32>, vector<16xf32>, vector<16xf32>, vector<16xf32>
    } {sc.loop_unroll_factor = 2 : i64, sc.parallel_access}
    %add3A_256 = arith.addf %parallel_loop3A_255#0, %parallel_loop3A_255#1 : vector<16xf32>
    %add3A_257 = arith.addf %parallel_loop3A_255#2, %parallel_loop3A_255#3 : vector<16xf32>
    %add3A_258 = arith.addf %add3A_256, %add3A_257 : vector<16xf32>
    %add3A_259 = arith.addf %parallel_loop3A_255#4, %parallel_loop3A_255#5 : vector<16xf32>
    %add3A_260 = arith.addf %parallel_loop3A_255#6, %parallel_loop3A_255#7 : vector<16xf32>
    %add3A_261 = arith.addf %add3A_259, %add3A_260 : vector<16xf32>
    %add3A_262 = arith.addf %add3A_258, %add3A_261 : vector<16xf32>
    %dma_wait3A_263 = arith.constant 4 : i32
    %dma_wait3A_264 = arith.constant 4 : i32
    %dma_wait3A_265 = arith.constant 4 : i32
    %dma_wait3A_266 = arith.constant 0 : i32
    %dma_wait3A_267 = tpu.memref_slice %arg8[%dma_wait3A_264, %dma_wait3A_266] : memref<8x8192xf32, #tpu.memory_space<vmem>> -> memref<1x8192xf32, #tpu.memory_space<vmem>>
    %dma_wait3A_268 = tpu.memref_squeeze %dma_wait3A_267 : memref<1x8192xf32, #tpu.memory_space<vmem>> -> memref<8192xf32, #tpu.memory_space<vmem>>
    %dma_wait3A_269 = tpu.memref_slice %arg3[%dma_wait3A_263, %add3A_30, %mul3A_32] : memref<8x32x32768xf32, #tpu.memory_space<hbm>> -> memref<1x1x8192xf32, #tpu.memory_space<hbm>>
    %dma_wait3A_270 = tpu.memref_squeeze %dma_wait3A_269 : memref<1x1x8192xf32, #tpu.memory_space<hbm>> -> memref<8192xf32, #tpu.memory_space<hbm>>
    %dma_wait3A_271 = tpu.memref_slice %arg12[%dma_wait3A_265] : memref<8x!tpu.dma_semaphore, #tpu.memory_space<semaphore_mem>> -> memref<1x!tpu.dma_semaphore, #tpu.memory_space<semaphore_mem>>
    %dma_wait3A_272 = tpu.memref_squeeze %dma_wait3A_271 : memref<1x!tpu.dma_semaphore, #tpu.memory_space<semaphore_mem>> -> memref<!tpu.dma_semaphore, #tpu.memory_space<semaphore_mem>>
    %dma_wait3A_273 = arith.constant 0 : i32
    %dma_wait3A_274 = tpu.memref_slice %arg8[%dma_wait3A_264, %dma_wait3A_273] : memref<8x8192xf32, #tpu.memory_space<vmem>> -> memref<1x8192xf32, #tpu.memory_space<vmem>>
    %dma_wait3A_275 = tpu.memref_squeeze %dma_wait3A_274 : memref<1x8192xf32, #tpu.memory_space<vmem>> -> memref<8192xf32, #tpu.memory_space<vmem>>
    %dma_wait3A_276 = tpu.memref_slice %arg3[%dma_wait3A_263, %add3A_30, %mul3A_32] : memref<8x32x32768xf32, #tpu.memory_space<hbm>> -> memref<1x1x8192xf32, #tpu.memory_space<hbm>>
    %dma_wait3A_277 = tpu.memref_squeeze %dma_wait3A_276 : memref<1x1x8192xf32, #tpu.memory_space<hbm>> -> memref<8192xf32, #tpu.memory_space<hbm>>
    tpu.wait_dma2 semaphore(%dma_wait3A_272 : memref<!tpu.dma_semaphore, #tpu.memory_space<semaphore_mem>>) src(%dma_wait3A_277 : memref<8192xf32, #tpu.memory_space<hbm>>) dst(%dma_wait3A_275 : memref<8192xf32, #tpu.memory_space<vmem>>)
    %parallel_loop3A_278 = arith.constant 0 : i32
    %parallel_loop3A_279 = arith.constant 8192 : i32
    %parallel_loop3A_280 = arith.constant 128 : i32
    %parallel_loop3A_281:8 = scf.for %parallel_loop3A_1112 = %parallel_loop3A_278 to %parallel_loop3A_279 step %parallel_loop3A_280 iter_args(%parallel_loop3A_1113 = %broadcast_in_dim3A_159, %parallel_loop3A_1114 = %broadcast_in_dim3A_159, %parallel_loop3A_1115 = %broadcast_in_dim3A_159, %parallel_loop3A_1116 = %broadcast_in_dim3A_159, %parallel_loop3A_1117 = %broadcast_in_dim3A_159, %parallel_loop3A_1118 = %broadcast_in_dim3A_159, %parallel_loop3A_1119 = %broadcast_in_dim3A_159, %parallel_loop3A_1120 = %broadcast_in_dim3A_159) -> (vector<16xf32>, vector<16xf32>, vector<16xf32>, vector<16xf32>, vector<16xf32>, vector<16xf32>, vector<16xf32>, vector<16xf32>)  : i32 {
      %parallel_loop3A_1121 = arith.constant 0 : i32
      %parallel_loop3A_1122 = arith.addi %parallel_loop3A_1112, %parallel_loop3A_1121 : i32
      %parallel_loop3A_1123 = tpu.assume_multiple %parallel_loop3A_1122, 16 : i32
      %parallel_loop3A_1124 = arith.constant 16 : i32
      %parallel_loop3A_1125 = arith.addi %parallel_loop3A_1112, %parallel_loop3A_1124 : i32
      %parallel_loop3A_1126 = tpu.assume_multiple %parallel_loop3A_1125, 16 : i32
      %parallel_loop3A_1127 = arith.constant 32 : i32
      %parallel_loop3A_1128 = arith.addi %parallel_loop3A_1112, %parallel_loop3A_1127 : i32
      %parallel_loop3A_1129 = tpu.assume_multiple %parallel_loop3A_1128, 16 : i32
      %parallel_loop3A_1130 = arith.constant 48 : i32
      %parallel_loop3A_1131 = arith.addi %parallel_loop3A_1112, %parallel_loop3A_1130 : i32
      %parallel_loop3A_1132 = tpu.assume_multiple %parallel_loop3A_1131, 16 : i32
      %parallel_loop3A_1133 = arith.constant 64 : i32
      %parallel_loop3A_1134 = arith.addi %parallel_loop3A_1112, %parallel_loop3A_1133 : i32
      %parallel_loop3A_1135 = tpu.assume_multiple %parallel_loop3A_1134, 16 : i32
      %parallel_loop3A_1136 = arith.constant 80 : i32
      %parallel_loop3A_1137 = arith.addi %parallel_loop3A_1112, %parallel_loop3A_1136 : i32
      %parallel_loop3A_1138 = tpu.assume_multiple %parallel_loop3A_1137, 16 : i32
      %parallel_loop3A_1139 = arith.constant 96 : i32
      %parallel_loop3A_1140 = arith.addi %parallel_loop3A_1112, %parallel_loop3A_1139 : i32
      %parallel_loop3A_1141 = tpu.assume_multiple %parallel_loop3A_1140, 16 : i32
      %parallel_loop3A_1142 = arith.constant 112 : i32
      %parallel_loop3A_1143 = arith.addi %parallel_loop3A_1112, %parallel_loop3A_1142 : i32
      %parallel_loop3A_1144 = tpu.assume_multiple %parallel_loop3A_1143, 16 : i32
      %parallel_loop3A_1145 = arith.index_cast %parallel_loop3A_1123 : i32 to index
      %parallel_loop3A_1146 = tpu.vector_load %arg6[%parallel_loop3A_1145] {strides = array<i32>} : memref<8192xf32, #tpu.memory_space<vmem>>, vector<16xf32>,
      %parallel_loop3A_1147 = vector.shape_cast %parallel_loop3A_1146 : vector<16xf32> to vector<16xf32>
      %parallel_loop3A_1148 = arith.constant 4 : i32
      %parallel_loop3A_1149 = arith.index_cast %parallel_loop3A_1148 : i32 to index
      %parallel_loop3A_1150 = arith.index_cast %parallel_loop3A_1123 : i32 to index
      %parallel_loop3A_1151 = tpu.vector_load %arg8[%parallel_loop3A_1149, %parallel_loop3A_1150] {strides = array<i32>} : memref<8x8192xf32, #tpu.memory_space<vmem>>, vector<1x16xf32>,
      %parallel_loop3A_1152 = vector.shape_cast %parallel_loop3A_1151 : vector<1x16xf32> to vector<16xf32>
      %parallel_loop3A_1153 = arith.addf %parallel_loop3A_1147, %parallel_loop3A_1152 : vector<16xf32>
      %parallel_loop3A_1154 = arith.index_cast %parallel_loop3A_1126 : i32 to index
      %parallel_loop3A_1155 = tpu.vector_load %arg6[%parallel_loop3A_1154] {strides = array<i32>} : memref<8192xf32, #tpu.memory_space<vmem>>, vector<16xf32>,
      %parallel_loop3A_1156 = vector.shape_cast %parallel_loop3A_1155 : vector<16xf32> to vector<16xf32>
      %parallel_loop3A_1157 = arith.constant 4 : i32
      %parallel_loop3A_1158 = arith.index_cast %parallel_loop3A_1157 : i32 to index
      %parallel_loop3A_1159 = arith.index_cast %parallel_loop3A_1126 : i32 to index
      %parallel_loop3A_1160 = tpu.vector_load %arg8[%parallel_loop3A_1158, %parallel_loop3A_1159] {strides = array<i32>} : memref<8x8192xf32, #tpu.memory_space<vmem>>, vector<1x16xf32>,
      %parallel_loop3A_1161 = vector.shape_cast %parallel_loop3A_1160 : vector<1x16xf32> to vector<16xf32>
      %parallel_loop3A_1162 = arith.addf %parallel_loop3A_1156, %parallel_loop3A_1161 : vector<16xf32>
      %parallel_loop3A_1163 = arith.index_cast %parallel_loop3A_1129 : i32 to index
      %parallel_loop3A_1164 = tpu.vector_load %arg6[%parallel_loop3A_1163] {strides = array<i32>} : memref<8192xf32, #tpu.memory_space<vmem>>, vector<16xf32>,
      %parallel_loop3A_1165 = vector.shape_cast %parallel_loop3A_1164 : vector<16xf32> to vector<16xf32>
      %parallel_loop3A_1166 = arith.constant 4 : i32
      %parallel_loop3A_1167 = arith.index_cast %parallel_loop3A_1166 : i32 to index
      %parallel_loop3A_1168 = arith.index_cast %parallel_loop3A_1129 : i32 to index
      %parallel_loop3A_1169 = tpu.vector_load %arg8[%parallel_loop3A_1167, %parallel_loop3A_1168] {strides = array<i32>} : memref<8x8192xf32, #tpu.memory_space<vmem>>, vector<1x16xf32>,
      %parallel_loop3A_1170 = vector.shape_cast %parallel_loop3A_1169 : vector<1x16xf32> to vector<16xf32>
      %parallel_loop3A_1171 = arith.addf %parallel_loop3A_1165, %parallel_loop3A_1170 : vector<16xf32>
      %parallel_loop3A_1172 = arith.index_cast %parallel_loop3A_1132 : i32 to index
      %parallel_loop3A_1173 = tpu.vector_load %arg6[%parallel_loop3A_1172] {strides = array<i32>} : memref<8192xf32, #tpu.memory_space<vmem>>, vector<16xf32>,
      %parallel_loop3A_1174 = vector.shape_cast %parallel_loop3A_1173 : vector<16xf32> to vector<16xf32>
      %parallel_loop3A_1175 = arith.constant 4 : i32
      %parallel_loop3A_1176 = arith.index_cast %parallel_loop3A_1175 : i32 to index
      %parallel_loop3A_1177 = arith.index_cast %parallel_loop3A_1132 : i32 to index
      %parallel_loop3A_1178 = tpu.vector_load %arg8[%parallel_loop3A_1176, %parallel_loop3A_1177] {strides = array<i32>} : memref<8x8192xf32, #tpu.memory_space<vmem>>, vector<1x16xf32>,
      %parallel_loop3A_1179 = vector.shape_cast %parallel_loop3A_1178 : vector<1x16xf32> to vector<16xf32>
      %parallel_loop3A_1180 = arith.addf %parallel_loop3A_1174, %parallel_loop3A_1179 : vector<16xf32>
      %parallel_loop3A_1181 = arith.index_cast %parallel_loop3A_1135 : i32 to index
      %parallel_loop3A_1182 = tpu.vector_load %arg6[%parallel_loop3A_1181] {strides = array<i32>} : memref<8192xf32, #tpu.memory_space<vmem>>, vector<16xf32>,
      %parallel_loop3A_1183 = vector.shape_cast %parallel_loop3A_1182 : vector<16xf32> to vector<16xf32>
      %parallel_loop3A_1184 = arith.constant 4 : i32
      %parallel_loop3A_1185 = arith.index_cast %parallel_loop3A_1184 : i32 to index
      %parallel_loop3A_1186 = arith.index_cast %parallel_loop3A_1135 : i32 to index
      %parallel_loop3A_1187 = tpu.vector_load %arg8[%parallel_loop3A_1185, %parallel_loop3A_1186] {strides = array<i32>} : memref<8x8192xf32, #tpu.memory_space<vmem>>, vector<1x16xf32>,
      %parallel_loop3A_1188 = vector.shape_cast %parallel_loop3A_1187 : vector<1x16xf32> to vector<16xf32>
      %parallel_loop3A_1189 = arith.addf %parallel_loop3A_1183, %parallel_loop3A_1188 : vector<16xf32>
      %parallel_loop3A_1190 = arith.index_cast %parallel_loop3A_1138 : i32 to index
      %parallel_loop3A_1191 = tpu.vector_load %arg6[%parallel_loop3A_1190] {strides = array<i32>} : memref<8192xf32, #tpu.memory_space<vmem>>, vector<16xf32>,
      %parallel_loop3A_1192 = vector.shape_cast %parallel_loop3A_1191 : vector<16xf32> to vector<16xf32>
      %parallel_loop3A_1193 = arith.constant 4 : i32
      %parallel_loop3A_1194 = arith.index_cast %parallel_loop3A_1193 : i32 to index
      %parallel_loop3A_1195 = arith.index_cast %parallel_loop3A_1138 : i32 to index
      %parallel_loop3A_1196 = tpu.vector_load %arg8[%parallel_loop3A_1194, %parallel_loop3A_1195] {strides = array<i32>} : memref<8x8192xf32, #tpu.memory_space<vmem>>, vector<1x16xf32>,
      %parallel_loop3A_1197 = vector.shape_cast %parallel_loop3A_1196 : vector<1x16xf32> to vector<16xf32>
      %parallel_loop3A_1198 = arith.addf %parallel_loop3A_1192, %parallel_loop3A_1197 : vector<16xf32>
      %parallel_loop3A_1199 = arith.index_cast %parallel_loop3A_1141 : i32 to index
      %parallel_loop3A_1200 = tpu.vector_load %arg6[%parallel_loop3A_1199] {strides = array<i32>} : memref<8192xf32, #tpu.memory_space<vmem>>, vector<16xf32>,
      %parallel_loop3A_1201 = vector.shape_cast %parallel_loop3A_1200 : vector<16xf32> to vector<16xf32>
      %parallel_loop3A_1202 = arith.constant 4 : i32
      %parallel_loop3A_1203 = arith.index_cast %parallel_loop3A_1202 : i32 to index
      %parallel_loop3A_1204 = arith.index_cast %parallel_loop3A_1141 : i32 to index
      %parallel_loop3A_1205 = tpu.vector_load %arg8[%parallel_loop3A_1203, %parallel_loop3A_1204] {strides = array<i32>} : memref<8x8192xf32, #tpu.memory_space<vmem>>, vector<1x16xf32>,
      %parallel_loop3A_1206 = vector.shape_cast %parallel_loop3A_1205 : vector<1x16xf32> to vector<16xf32>
      %parallel_loop3A_1207 = arith.addf %parallel_loop3A_1201, %parallel_loop3A_1206 : vector<16xf32>
      %parallel_loop3A_1208 = arith.index_cast %parallel_loop3A_1144 : i32 to index
      %parallel_loop3A_1209 = tpu.vector_load %arg6[%parallel_loop3A_1208] {strides = array<i32>} : memref<8192xf32, #tpu.memory_space<vmem>>, vector<16xf32>,
      %parallel_loop3A_1210 = vector.shape_cast %parallel_loop3A_1209 : vector<16xf32> to vector<16xf32>
      %parallel_loop3A_1211 = arith.constant 4 : i32
      %parallel_loop3A_1212 = arith.index_cast %parallel_loop3A_1211 : i32 to index
      %parallel_loop3A_1213 = arith.index_cast %parallel_loop3A_1144 : i32 to index
      %parallel_loop3A_1214 = tpu.vector_load %arg8[%parallel_loop3A_1212, %parallel_loop3A_1213] {strides = array<i32>} : memref<8x8192xf32, #tpu.memory_space<vmem>>, vector<1x16xf32>,
      %parallel_loop3A_1215 = vector.shape_cast %parallel_loop3A_1214 : vector<1x16xf32> to vector<16xf32>
      %parallel_loop3A_1216 = arith.addf %parallel_loop3A_1210, %parallel_loop3A_1215 : vector<16xf32>
      %parallel_loop3A_1217 = math.exp %parallel_loop3A_1153 : vector<16xf32>
      %parallel_loop3A_1218 = math.exp %parallel_loop3A_1162 : vector<16xf32>
      %parallel_loop3A_1219 = math.exp %parallel_loop3A_1171 : vector<16xf32>
      %parallel_loop3A_1220 = math.exp %parallel_loop3A_1180 : vector<16xf32>
      %parallel_loop3A_1221 = math.exp %parallel_loop3A_1189 : vector<16xf32>
      %parallel_loop3A_1222 = math.exp %parallel_loop3A_1198 : vector<16xf32>
      %parallel_loop3A_1223 = math.exp %parallel_loop3A_1207 : vector<16xf32>
      %parallel_loop3A_1224 = math.exp %parallel_loop3A_1216 : vector<16xf32>
      %parallel_loop3A_1225 = arith.constant 4 : i32
      %parallel_loop3A_1226 = arith.index_cast %parallel_loop3A_1225 : i32 to index
      %parallel_loop3A_1227 = arith.index_cast %parallel_loop3A_1123 : i32 to index
      %parallel_loop3A_1228 = tpu.vector_load %arg8[%parallel_loop3A_1226, %parallel_loop3A_1227] {strides = array<i32>} : memref<8x8192xf32, #tpu.memory_space<vmem>>, vector<1x16xf32>,
      %parallel_loop3A_1229 = vector.shape_cast %parallel_loop3A_1228 : vector<1x16xf32> to vector<16xf32>
      %parallel_loop3A_1230 = vector.shape_cast %parallel_loop3A_1217 : vector<16xf32> to vector<1x16xf32>
      tpu.vector_store %arg8[%parallel_loop3A_1226, %parallel_loop3A_1227], %parallel_loop3A_1230 {strides = array<i32>} : memref<8x8192xf32, #tpu.memory_space<vmem>>, vector<1x16xf32>,
      %parallel_loop3A_1231 = arith.constant 4 : i32
      %parallel_loop3A_1232 = arith.index_cast %parallel_loop3A_1231 : i32 to index
      %parallel_loop3A_1233 = arith.index_cast %parallel_loop3A_1126 : i32 to index
      %parallel_loop3A_1234 = tpu.vector_load %arg8[%parallel_loop3A_1232, %parallel_loop3A_1233] {strides = array<i32>} : memref<8x8192xf32, #tpu.memory_space<vmem>>, vector<1x16xf32>,
      %parallel_loop3A_1235 = vector.shape_cast %parallel_loop3A_1234 : vector<1x16xf32> to vector<16xf32>
      %parallel_loop3A_1236 = vector.shape_cast %parallel_loop3A_1218 : vector<16xf32> to vector<1x16xf32>
      tpu.vector_store %arg8[%parallel_loop3A_1232, %parallel_loop3A_1233], %parallel_loop3A_1236 {strides = array<i32>} : memref<8x8192xf32, #tpu.memory_space<vmem>>, vector<1x16xf32>,
      %parallel_loop3A_1237 = arith.constant 4 : i32
      %parallel_loop3A_1238 = arith.index_cast %parallel_loop3A_1237 : i32 to index
      %parallel_loop3A_1239 = arith.index_cast %parallel_loop3A_1129 : i32 to index
      %parallel_loop3A_1240 = tpu.vector_load %arg8[%parallel_loop3A_1238, %parallel_loop3A_1239] {strides = array<i32>} : memref<8x8192xf32, #tpu.memory_space<vmem>>, vector<1x16xf32>,
      %parallel_loop3A_1241 = vector.shape_cast %parallel_loop3A_1240 : vector<1x16xf32> to vector<16xf32>
      %parallel_loop3A_1242 = vector.shape_cast %parallel_loop3A_1219 : vector<16xf32> to vector<1x16xf32>
      tpu.vector_store %arg8[%parallel_loop3A_1238, %parallel_loop3A_1239], %parallel_loop3A_1242 {strides = array<i32>} : memref<8x8192xf32, #tpu.memory_space<vmem>>, vector<1x16xf32>,
      %parallel_loop3A_1243 = arith.constant 4 : i32
      %parallel_loop3A_1244 = arith.index_cast %parallel_loop3A_1243 : i32 to index
      %parallel_loop3A_1245 = arith.index_cast %parallel_loop3A_1132 : i32 to index
      %parallel_loop3A_1246 = tpu.vector_load %arg8[%parallel_loop3A_1244, %parallel_loop3A_1245] {strides = array<i32>} : memref<8x8192xf32, #tpu.memory_space<vmem>>, vector<1x16xf32>,
      %parallel_loop3A_1247 = vector.shape_cast %parallel_loop3A_1246 : vector<1x16xf32> to vector<16xf32>
      %parallel_loop3A_1248 = vector.shape_cast %parallel_loop3A_1220 : vector<16xf32> to vector<1x16xf32>
      tpu.vector_store %arg8[%parallel_loop3A_1244, %parallel_loop3A_1245], %parallel_loop3A_1248 {strides = array<i32>} : memref<8x8192xf32, #tpu.memory_space<vmem>>, vector<1x16xf32>,
      %parallel_loop3A_1249 = arith.constant 4 : i32
      %parallel_loop3A_1250 = arith.index_cast %parallel_loop3A_1249 : i32 to index
      %parallel_loop3A_1251 = arith.index_cast %parallel_loop3A_1135 : i32 to index
      %parallel_loop3A_1252 = tpu.vector_load %arg8[%parallel_loop3A_1250, %parallel_loop3A_1251] {strides = array<i32>} : memref<8x8192xf32, #tpu.memory_space<vmem>>, vector<1x16xf32>,
      %parallel_loop3A_1253 = vector.shape_cast %parallel_loop3A_1252 : vector<1x16xf32> to vector<16xf32>
      %parallel_loop3A_1254 = vector.shape_cast %parallel_loop3A_1221 : vector<16xf32> to vector<1x16xf32>
      tpu.vector_store %arg8[%parallel_loop3A_1250, %parallel_loop3A_1251], %parallel_loop3A_1254 {strides = array<i32>} : memref<8x8192xf32, #tpu.memory_space<vmem>>, vector<1x16xf32>,
      %parallel_loop3A_1255 = arith.constant 4 : i32
      %parallel_loop3A_1256 = arith.index_cast %parallel_loop3A_1255 : i32 to index
      %parallel_loop3A_1257 = arith.index_cast %parallel_loop3A_1138 : i32 to index
      %parallel_loop3A_1258 = tpu.vector_load %arg8[%parallel_loop3A_1256, %parallel_loop3A_1257] {strides = array<i32>} : memref<8x8192xf32, #tpu.memory_space<vmem>>, vector<1x16xf32>,
      %parallel_loop3A_1259 = vector.shape_cast %parallel_loop3A_1258 : vector<1x16xf32> to vector<16xf32>
      %parallel_loop3A_1260 = vector.shape_cast %parallel_loop3A_1222 : vector<16xf32> to vector<1x16xf32>
      tpu.vector_store %arg8[%parallel_loop3A_1256, %parallel_loop3A_1257], %parallel_loop3A_1260 {strides = array<i32>} : memref<8x8192xf32, #tpu.memory_space<vmem>>, vector<1x16xf32>,
      %parallel_loop3A_1261 = arith.constant 4 : i32
      %parallel_loop3A_1262 = arith.index_cast %parallel_loop3A_1261 : i32 to index
      %parallel_loop3A_1263 = arith.index_cast %parallel_loop3A_1141 : i32 to index
      %parallel_loop3A_1264 = tpu.vector_load %arg8[%parallel_loop3A_1262, %parallel_loop3A_1263] {strides = array<i32>} : memref<8x8192xf32, #tpu.memory_space<vmem>>, vector<1x16xf32>,
      %parallel_loop3A_1265 = vector.shape_cast %parallel_loop3A_1264 : vector<1x16xf32> to vector<16xf32>
      %parallel_loop3A_1266 = vector.shape_cast %parallel_loop3A_1223 : vector<16xf32> to vector<1x16xf32>
      tpu.vector_store %arg8[%parallel_loop3A_1262, %parallel_loop3A_1263], %parallel_loop3A_1266 {strides = array<i32>} : memref<8x8192xf32, #tpu.memory_space<vmem>>, vector<1x16xf32>,
      %parallel_loop3A_1267 = arith.constant 4 : i32
      %parallel_loop3A_1268 = arith.index_cast %parallel_loop3A_1267 : i32 to index
      %parallel_loop3A_1269 = arith.index_cast %parallel_loop3A_1144 : i32 to index
      %parallel_loop3A_1270 = tpu.vector_load %arg8[%parallel_loop3A_1268, %parallel_loop3A_1269] {strides = array<i32>} : memref<8x8192xf32, #tpu.memory_space<vmem>>, vector<1x16xf32>,
      %parallel_loop3A_1271 = vector.shape_cast %parallel_loop3A_1270 : vector<1x16xf32> to vector<16xf32>
      %parallel_loop3A_1272 = vector.shape_cast %parallel_loop3A_1224 : vector<16xf32> to vector<1x16xf32>
      tpu.vector_store %arg8[%parallel_loop3A_1268, %parallel_loop3A_1269], %parallel_loop3A_1272 {strides = array<i32>} : memref<8x8192xf32, #tpu.memory_space<vmem>>, vector<1x16xf32>,
      %parallel_loop3A_1273 = arith.addf %parallel_loop3A_1113, %parallel_loop3A_1217 : vector<16xf32>
      %parallel_loop3A_1274 = arith.addf %parallel_loop3A_1114, %parallel_loop3A_1218 : vector<16xf32>
      %parallel_loop3A_1275 = arith.addf %parallel_loop3A_1115, %parallel_loop3A_1219 : vector<16xf32>
      %parallel_loop3A_1276 = arith.addf %parallel_loop3A_1116, %parallel_loop3A_1220 : vector<16xf32>
      %parallel_loop3A_1277 = arith.addf %parallel_loop3A_1117, %parallel_loop3A_1221 : vector<16xf32>
      %parallel_loop3A_1278 = arith.addf %parallel_loop3A_1118, %parallel_loop3A_1222 : vector<16xf32>
      %parallel_loop3A_1279 = arith.addf %parallel_loop3A_1119, %parallel_loop3A_1223 : vector<16xf32>
      %parallel_loop3A_1280 = arith.addf %parallel_loop3A_1120, %parallel_loop3A_1224 : vector<16xf32>
      scf.yield %parallel_loop3A_1273, %parallel_loop3A_1274, %parallel_loop3A_1275, %parallel_loop3A_1276, %parallel_loop3A_1277, %parallel_loop3A_1278, %parallel_loop3A_1279, %parallel_loop3A_1280 : vector<16xf32>, vector<16xf32>, vector<16xf32>, vector<16xf32>, vector<16xf32>, vector<16xf32>, vector<16xf32>, vector<16xf32>
    } {sc.loop_unroll_factor = 2 : i64, sc.parallel_access}
    %add3A_282 = arith.addf %parallel_loop3A_281#0, %parallel_loop3A_281#1 : vector<16xf32>
    %add3A_283 = arith.addf %parallel_loop3A_281#2, %parallel_loop3A_281#3 : vector<16xf32>
    %add3A_284 = arith.addf %add3A_282, %add3A_283 : vector<16xf32>
    %add3A_285 = arith.addf %parallel_loop3A_281#4, %parallel_loop3A_281#5 : vector<16xf32>
    %add3A_286 = arith.addf %parallel_loop3A_281#6, %parallel_loop3A_281#7 : vector<16xf32>
    %add3A_287 = arith.addf %add3A_285, %add3A_286 : vector<16xf32>
    %add3A_288 = arith.addf %add3A_284, %add3A_287 : vector<16xf32>
    %dma_wait3A_289 = arith.constant 5 : i32
    %dma_wait3A_290 = arith.constant 5 : i32
    %dma_wait3A_291 = arith.constant 5 : i32
    %dma_wait3A_292 = arith.constant 0 : i32
    %dma_wait3A_293 = tpu.memref_slice %arg8[%dma_wait3A_290, %dma_wait3A_292] : memref<8x8192xf32, #tpu.memory_space<vmem>> -> memref<1x8192xf32, #tpu.memory_space<vmem>>
    %dma_wait3A_294 = tpu.memref_squeeze %dma_wait3A_293 : memref<1x8192xf32, #tpu.memory_space<vmem>> -> memref<8192xf32, #tpu.memory_space<vmem>>
    %dma_wait3A_295 = tpu.memref_slice %arg3[%dma_wait3A_289, %add3A_30, %mul3A_32] : memref<8x32x32768xf32, #tpu.memory_space<hbm>> -> memref<1x1x8192xf32, #tpu.memory_space<hbm>>
    %dma_wait3A_296 = tpu.memref_squeeze %dma_wait3A_295 : memref<1x1x8192xf32, #tpu.memory_space<hbm>> -> memref<8192xf32, #tpu.memory_space<hbm>>
    %dma_wait3A_297 = tpu.memref_slice %arg12[%dma_wait3A_291] : memref<8x!tpu.dma_semaphore, #tpu.memory_space<semaphore_mem>> -> memref<1x!tpu.dma_semaphore, #tpu.memory_space<semaphore_mem>>
    %dma_wait3A_298 = tpu.memref_squeeze %dma_wait3A_297 : memref<1x!tpu.dma_semaphore, #tpu.memory_space<semaphore_mem>> -> memref<!tpu.dma_semaphore, #tpu.memory_space<semaphore_mem>>
    %dma_wait3A_299 = arith.constant 0 : i32
    %dma_wait3A_300 = tpu.memref_slice %arg8[%dma_wait3A_290, %dma_wait3A_299] : memref<8x8192xf32, #tpu.memory_space<vmem>> -> memref<1x8192xf32, #tpu.memory_space<vmem>>
    %dma_wait3A_301 = tpu.memref_squeeze %dma_wait3A_300 : memref<1x8192xf32, #tpu.memory_space<vmem>> -> memref<8192xf32, #tpu.memory_space<vmem>>
    %dma_wait3A_302 = tpu.memref_slice %arg3[%dma_wait3A_289, %add3A_30, %mul3A_32] : memref<8x32x32768xf32, #tpu.memory_space<hbm>> -> memref<1x1x8192xf32, #tpu.memory_space<hbm>>
    %dma_wait3A_303 = tpu.memref_squeeze %dma_wait3A_302 : memref<1x1x8192xf32, #tpu.memory_space<hbm>> -> memref<8192xf32, #tpu.memory_space<hbm>>
    tpu.wait_dma2 semaphore(%dma_wait3A_298 : memref<!tpu.dma_semaphore, #tpu.memory_space<semaphore_mem>>) src(%dma_wait3A_303 : memref<8192xf32, #tpu.memory_space<hbm>>) dst(%dma_wait3A_301 : memref<8192xf32, #tpu.memory_space<vmem>>)
    %parallel_loop3A_304 = arith.constant 0 : i32
    %parallel_loop3A_305 = arith.constant 8192 : i32
    %parallel_loop3A_306 = arith.constant 128 : i32
    %parallel_loop3A_307:8 = scf.for %parallel_loop3A_1112 = %parallel_loop3A_304 to %parallel_loop3A_305 step %parallel_loop3A_306 iter_args(%parallel_loop3A_1113 = %broadcast_in_dim3A_159, %parallel_loop3A_1114 = %broadcast_in_dim3A_159, %parallel_loop3A_1115 = %broadcast_in_dim3A_159, %parallel_loop3A_1116 = %broadcast_in_dim3A_159, %parallel_loop3A_1117 = %broadcast_in_dim3A_159, %parallel_loop3A_1118 = %broadcast_in_dim3A_159, %parallel_loop3A_1119 = %broadcast_in_dim3A_159, %parallel_loop3A_1120 = %broadcast_in_dim3A_159) -> (vector<16xf32>, vector<16xf32>, vector<16xf32>, vector<16xf32>, vector<16xf32>, vector<16xf32>, vector<16xf32>, vector<16xf32>)  : i32 {
      %parallel_loop3A_1121 = arith.constant 0 : i32
      %parallel_loop3A_1122 = arith.addi %parallel_loop3A_1112, %parallel_loop3A_1121 : i32
      %parallel_loop3A_1123 = tpu.assume_multiple %parallel_loop3A_1122, 16 : i32
      %parallel_loop3A_1124 = arith.constant 16 : i32
      %parallel_loop3A_1125 = arith.addi %parallel_loop3A_1112, %parallel_loop3A_1124 : i32
      %parallel_loop3A_1126 = tpu.assume_multiple %parallel_loop3A_1125, 16 : i32
      %parallel_loop3A_1127 = arith.constant 32 : i32
      %parallel_loop3A_1128 = arith.addi %parallel_loop3A_1112, %parallel_loop3A_1127 : i32
      %parallel_loop3A_1129 = tpu.assume_multiple %parallel_loop3A_1128, 16 : i32
      %parallel_loop3A_1130 = arith.constant 48 : i32
      %parallel_loop3A_1131 = arith.addi %parallel_loop3A_1112, %parallel_loop3A_1130 : i32
      %parallel_loop3A_1132 = tpu.assume_multiple %parallel_loop3A_1131, 16 : i32
      %parallel_loop3A_1133 = arith.constant 64 : i32
      %parallel_loop3A_1134 = arith.addi %parallel_loop3A_1112, %parallel_loop3A_1133 : i32
      %parallel_loop3A_1135 = tpu.assume_multiple %parallel_loop3A_1134, 16 : i32
      %parallel_loop3A_1136 = arith.constant 80 : i32
      %parallel_loop3A_1137 = arith.addi %parallel_loop3A_1112, %parallel_loop3A_1136 : i32
      %parallel_loop3A_1138 = tpu.assume_multiple %parallel_loop3A_1137, 16 : i32
      %parallel_loop3A_1139 = arith.constant 96 : i32
      %parallel_loop3A_1140 = arith.addi %parallel_loop3A_1112, %parallel_loop3A_1139 : i32
      %parallel_loop3A_1141 = tpu.assume_multiple %parallel_loop3A_1140, 16 : i32
      %parallel_loop3A_1142 = arith.constant 112 : i32
      %parallel_loop3A_1143 = arith.addi %parallel_loop3A_1112, %parallel_loop3A_1142 : i32
      %parallel_loop3A_1144 = tpu.assume_multiple %parallel_loop3A_1143, 16 : i32
      %parallel_loop3A_1145 = arith.index_cast %parallel_loop3A_1123 : i32 to index
      %parallel_loop3A_1146 = tpu.vector_load %arg6[%parallel_loop3A_1145] {strides = array<i32>} : memref<8192xf32, #tpu.memory_space<vmem>>, vector<16xf32>,
      %parallel_loop3A_1147 = vector.shape_cast %parallel_loop3A_1146 : vector<16xf32> to vector<16xf32>
      %parallel_loop3A_1148 = arith.constant 5 : i32
      %parallel_loop3A_1149 = arith.index_cast %parallel_loop3A_1148 : i32 to index
      %parallel_loop3A_1150 = arith.index_cast %parallel_loop3A_1123 : i32 to index
      %parallel_loop3A_1151 = tpu.vector_load %arg8[%parallel_loop3A_1149, %parallel_loop3A_1150] {strides = array<i32>} : memref<8x8192xf32, #tpu.memory_space<vmem>>, vector<1x16xf32>,
      %parallel_loop3A_1152 = vector.shape_cast %parallel_loop3A_1151 : vector<1x16xf32> to vector<16xf32>
      %parallel_loop3A_1153 = arith.addf %parallel_loop3A_1147, %parallel_loop3A_1152 : vector<16xf32>
      %parallel_loop3A_1154 = arith.index_cast %parallel_loop3A_1126 : i32 to index
      %parallel_loop3A_1155 = tpu.vector_load %arg6[%parallel_loop3A_1154] {strides = array<i32>} : memref<8192xf32, #tpu.memory_space<vmem>>, vector<16xf32>,
      %parallel_loop3A_1156 = vector.shape_cast %parallel_loop3A_1155 : vector<16xf32> to vector<16xf32>
      %parallel_loop3A_1157 = arith.constant 5 : i32
      %parallel_loop3A_1158 = arith.index_cast %parallel_loop3A_1157 : i32 to index
      %parallel_loop3A_1159 = arith.index_cast %parallel_loop3A_1126 : i32 to index
      %parallel_loop3A_1160 = tpu.vector_load %arg8[%parallel_loop3A_1158, %parallel_loop3A_1159] {strides = array<i32>} : memref<8x8192xf32, #tpu.memory_space<vmem>>, vector<1x16xf32>,
      %parallel_loop3A_1161 = vector.shape_cast %parallel_loop3A_1160 : vector<1x16xf32> to vector<16xf32>
      %parallel_loop3A_1162 = arith.addf %parallel_loop3A_1156, %parallel_loop3A_1161 : vector<16xf32>
      %parallel_loop3A_1163 = arith.index_cast %parallel_loop3A_1129 : i32 to index
      %parallel_loop3A_1164 = tpu.vector_load %arg6[%parallel_loop3A_1163] {strides = array<i32>} : memref<8192xf32, #tpu.memory_space<vmem>>, vector<16xf32>,
      %parallel_loop3A_1165 = vector.shape_cast %parallel_loop3A_1164 : vector<16xf32> to vector<16xf32>
      %parallel_loop3A_1166 = arith.constant 5 : i32
      %parallel_loop3A_1167 = arith.index_cast %parallel_loop3A_1166 : i32 to index
      %parallel_loop3A_1168 = arith.index_cast %parallel_loop3A_1129 : i32 to index
      %parallel_loop3A_1169 = tpu.vector_load %arg8[%parallel_loop3A_1167, %parallel_loop3A_1168] {strides = array<i32>} : memref<8x8192xf32, #tpu.memory_space<vmem>>, vector<1x16xf32>,
      %parallel_loop3A_1170 = vector.shape_cast %parallel_loop3A_1169 : vector<1x16xf32> to vector<16xf32>
      %parallel_loop3A_1171 = arith.addf %parallel_loop3A_1165, %parallel_loop3A_1170 : vector<16xf32>
      %parallel_loop3A_1172 = arith.index_cast %parallel_loop3A_1132 : i32 to index
      %parallel_loop3A_1173 = tpu.vector_load %arg6[%parallel_loop3A_1172] {strides = array<i32>} : memref<8192xf32, #tpu.memory_space<vmem>>, vector<16xf32>,
      %parallel_loop3A_1174 = vector.shape_cast %parallel_loop3A_1173 : vector<16xf32> to vector<16xf32>
      %parallel_loop3A_1175 = arith.constant 5 : i32
      %parallel_loop3A_1176 = arith.index_cast %parallel_loop3A_1175 : i32 to index
      %parallel_loop3A_1177 = arith.index_cast %parallel_loop3A_1132 : i32 to index
      %parallel_loop3A_1178 = tpu.vector_load %arg8[%parallel_loop3A_1176, %parallel_loop3A_1177] {strides = array<i32>} : memref<8x8192xf32, #tpu.memory_space<vmem>>, vector<1x16xf32>,
      %parallel_loop3A_1179 = vector.shape_cast %parallel_loop3A_1178 : vector<1x16xf32> to vector<16xf32>
      %parallel_loop3A_1180 = arith.addf %parallel_loop3A_1174, %parallel_loop3A_1179 : vector<16xf32>
      %parallel_loop3A_1181 = arith.index_cast %parallel_loop3A_1135 : i32 to index
      %parallel_loop3A_1182 = tpu.vector_load %arg6[%parallel_loop3A_1181] {strides = array<i32>} : memref<8192xf32, #tpu.memory_space<vmem>>, vector<16xf32>,
      %parallel_loop3A_1183 = vector.shape_cast %parallel_loop3A_1182 : vector<16xf32> to vector<16xf32>
      %parallel_loop3A_1184 = arith.constant 5 : i32
      %parallel_loop3A_1185 = arith.index_cast %parallel_loop3A_1184 : i32 to index
      %parallel_loop3A_1186 = arith.index_cast %parallel_loop3A_1135 : i32 to index
      %parallel_loop3A_1187 = tpu.vector_load %arg8[%parallel_loop3A_1185, %parallel_loop3A_1186] {strides = array<i32>} : memref<8x8192xf32, #tpu.memory_space<vmem>>, vector<1x16xf32>,
      %parallel_loop3A_1188 = vector.shape_cast %parallel_loop3A_1187 : vector<1x16xf32> to vector<16xf32>
      %parallel_loop3A_1189 = arith.addf %parallel_loop3A_1183, %parallel_loop3A_1188 : vector<16xf32>
      %parallel_loop3A_1190 = arith.index_cast %parallel_loop3A_1138 : i32 to index
      %parallel_loop3A_1191 = tpu.vector_load %arg6[%parallel_loop3A_1190] {strides = array<i32>} : memref<8192xf32, #tpu.memory_space<vmem>>, vector<16xf32>,
      %parallel_loop3A_1192 = vector.shape_cast %parallel_loop3A_1191 : vector<16xf32> to vector<16xf32>
      %parallel_loop3A_1193 = arith.constant 5 : i32
      %parallel_loop3A_1194 = arith.index_cast %parallel_loop3A_1193 : i32 to index
      %parallel_loop3A_1195 = arith.index_cast %parallel_loop3A_1138 : i32 to index
      %parallel_loop3A_1196 = tpu.vector_load %arg8[%parallel_loop3A_1194, %parallel_loop3A_1195] {strides = array<i32>} : memref<8x8192xf32, #tpu.memory_space<vmem>>, vector<1x16xf32>,
      %parallel_loop3A_1197 = vector.shape_cast %parallel_loop3A_1196 : vector<1x16xf32> to vector<16xf32>
      %parallel_loop3A_1198 = arith.addf %parallel_loop3A_1192, %parallel_loop3A_1197 : vector<16xf32>
      %parallel_loop3A_1199 = arith.index_cast %parallel_loop3A_1141 : i32 to index
      %parallel_loop3A_1200 = tpu.vector_load %arg6[%parallel_loop3A_1199] {strides = array<i32>} : memref<8192xf32, #tpu.memory_space<vmem>>, vector<16xf32>,
      %parallel_loop3A_1201 = vector.shape_cast %parallel_loop3A_1200 : vector<16xf32> to vector<16xf32>
      %parallel_loop3A_1202 = arith.constant 5 : i32
      %parallel_loop3A_1203 = arith.index_cast %parallel_loop3A_1202 : i32 to index
      %parallel_loop3A_1204 = arith.index_cast %parallel_loop3A_1141 : i32 to index
      %parallel_loop3A_1205 = tpu.vector_load %arg8[%parallel_loop3A_1203, %parallel_loop3A_1204] {strides = array<i32>} : memref<8x8192xf32, #tpu.memory_space<vmem>>, vector<1x16xf32>,
      %parallel_loop3A_1206 = vector.shape_cast %parallel_loop3A_1205 : vector<1x16xf32> to vector<16xf32>
      %parallel_loop3A_1207 = arith.addf %parallel_loop3A_1201, %parallel_loop3A_1206 : vector<16xf32>
      %parallel_loop3A_1208 = arith.index_cast %parallel_loop3A_1144 : i32 to index
      %parallel_loop3A_1209 = tpu.vector_load %arg6[%parallel_loop3A_1208] {strides = array<i32>} : memref<8192xf32, #tpu.memory_space<vmem>>, vector<16xf32>,
      %parallel_loop3A_1210 = vector.shape_cast %parallel_loop3A_1209 : vector<16xf32> to vector<16xf32>
      %parallel_loop3A_1211 = arith.constant 5 : i32
      %parallel_loop3A_1212 = arith.index_cast %parallel_loop3A_1211 : i32 to index
      %parallel_loop3A_1213 = arith.index_cast %parallel_loop3A_1144 : i32 to index
      %parallel_loop3A_1214 = tpu.vector_load %arg8[%parallel_loop3A_1212, %parallel_loop3A_1213] {strides = array<i32>} : memref<8x8192xf32, #tpu.memory_space<vmem>>, vector<1x16xf32>,
      %parallel_loop3A_1215 = vector.shape_cast %parallel_loop3A_1214 : vector<1x16xf32> to vector<16xf32>
      %parallel_loop3A_1216 = arith.addf %parallel_loop3A_1210, %parallel_loop3A_1215 : vector<16xf32>
      %parallel_loop3A_1217 = math.exp %parallel_loop3A_1153 : vector<16xf32>
      %parallel_loop3A_1218 = math.exp %parallel_loop3A_1162 : vector<16xf32>
      %parallel_loop3A_1219 = math.exp %parallel_loop3A_1171 : vector<16xf32>
      %parallel_loop3A_1220 = math.exp %parallel_loop3A_1180 : vector<16xf32>
      %parallel_loop3A_1221 = math.exp %parallel_loop3A_1189 : vector<16xf32>
      %parallel_loop3A_1222 = math.exp %parallel_loop3A_1198 : vector<16xf32>
      %parallel_loop3A_1223 = math.exp %parallel_loop3A_1207 : vector<16xf32>
      %parallel_loop3A_1224 = math.exp %parallel_loop3A_1216 : vector<16xf32>
      %parallel_loop3A_1225 = arith.constant 5 : i32
      %parallel_loop3A_1226 = arith.index_cast %parallel_loop3A_1225 : i32 to index
      %parallel_loop3A_1227 = arith.index_cast %parallel_loop3A_1123 : i32 to index
      %parallel_loop3A_1228 = tpu.vector_load %arg8[%parallel_loop3A_1226, %parallel_loop3A_1227] {strides = array<i32>} : memref<8x8192xf32, #tpu.memory_space<vmem>>, vector<1x16xf32>,
      %parallel_loop3A_1229 = vector.shape_cast %parallel_loop3A_1228 : vector<1x16xf32> to vector<16xf32>
      %parallel_loop3A_1230 = vector.shape_cast %parallel_loop3A_1217 : vector<16xf32> to vector<1x16xf32>
      tpu.vector_store %arg8[%parallel_loop3A_1226, %parallel_loop3A_1227], %parallel_loop3A_1230 {strides = array<i32>} : memref<8x8192xf32, #tpu.memory_space<vmem>>, vector<1x16xf32>,
      %parallel_loop3A_1231 = arith.constant 5 : i32
      %parallel_loop3A_1232 = arith.index_cast %parallel_loop3A_1231 : i32 to index
      %parallel_loop3A_1233 = arith.index_cast %parallel_loop3A_1126 : i32 to index
      %parallel_loop3A_1234 = tpu.vector_load %arg8[%parallel_loop3A_1232, %parallel_loop3A_1233] {strides = array<i32>} : memref<8x8192xf32, #tpu.memory_space<vmem>>, vector<1x16xf32>,
      %parallel_loop3A_1235 = vector.shape_cast %parallel_loop3A_1234 : vector<1x16xf32> to vector<16xf32>
      %parallel_loop3A_1236 = vector.shape_cast %parallel_loop3A_1218 : vector<16xf32> to vector<1x16xf32>
      tpu.vector_store %arg8[%parallel_loop3A_1232, %parallel_loop3A_1233], %parallel_loop3A_1236 {strides = array<i32>} : memref<8x8192xf32, #tpu.memory_space<vmem>>, vector<1x16xf32>,
      %parallel_loop3A_1237 = arith.constant 5 : i32
      %parallel_loop3A_1238 = arith.index_cast %parallel_loop3A_1237 : i32 to index
      %parallel_loop3A_1239 = arith.index_cast %parallel_loop3A_1129 : i32 to index
      %parallel_loop3A_1240 = tpu.vector_load %arg8[%parallel_loop3A_1238, %parallel_loop3A_1239] {strides = array<i32>} : memref<8x8192xf32, #tpu.memory_space<vmem>>, vector<1x16xf32>,
      %parallel_loop3A_1241 = vector.shape_cast %parallel_loop3A_1240 : vector<1x16xf32> to vector<16xf32>
      %parallel_loop3A_1242 = vector.shape_cast %parallel_loop3A_1219 : vector<16xf32> to vector<1x16xf32>
      tpu.vector_store %arg8[%parallel_loop3A_1238, %parallel_loop3A_1239], %parallel_loop3A_1242 {strides = array<i32>} : memref<8x8192xf32, #tpu.memory_space<vmem>>, vector<1x16xf32>,
      %parallel_loop3A_1243 = arith.constant 5 : i32
      %parallel_loop3A_1244 = arith.index_cast %parallel_loop3A_1243 : i32 to index
      %parallel_loop3A_1245 = arith.index_cast %parallel_loop3A_1132 : i32 to index
      %parallel_loop3A_1246 = tpu.vector_load %arg8[%parallel_loop3A_1244, %parallel_loop3A_1245] {strides = array<i32>} : memref<8x8192xf32, #tpu.memory_space<vmem>>, vector<1x16xf32>,
      %parallel_loop3A_1247 = vector.shape_cast %parallel_loop3A_1246 : vector<1x16xf32> to vector<16xf32>
      %parallel_loop3A_1248 = vector.shape_cast %parallel_loop3A_1220 : vector<16xf32> to vector<1x16xf32>
      tpu.vector_store %arg8[%parallel_loop3A_1244, %parallel_loop3A_1245], %parallel_loop3A_1248 {strides = array<i32>} : memref<8x8192xf32, #tpu.memory_space<vmem>>, vector<1x16xf32>,
      %parallel_loop3A_1249 = arith.constant 5 : i32
      %parallel_loop3A_1250 = arith.index_cast %parallel_loop3A_1249 : i32 to index
      %parallel_loop3A_1251 = arith.index_cast %parallel_loop3A_1135 : i32 to index
      %parallel_loop3A_1252 = tpu.vector_load %arg8[%parallel_loop3A_1250, %parallel_loop3A_1251] {strides = array<i32>} : memref<8x8192xf32, #tpu.memory_space<vmem>>, vector<1x16xf32>,
      %parallel_loop3A_1253 = vector.shape_cast %parallel_loop3A_1252 : vector<1x16xf32> to vector<16xf32>
      %parallel_loop3A_1254 = vector.shape_cast %parallel_loop3A_1221 : vector<16xf32> to vector<1x16xf32>
      tpu.vector_store %arg8[%parallel_loop3A_1250, %parallel_loop3A_1251], %parallel_loop3A_1254 {strides = array<i32>} : memref<8x8192xf32, #tpu.memory_space<vmem>>, vector<1x16xf32>,
      %parallel_loop3A_1255 = arith.constant 5 : i32
      %parallel_loop3A_1256 = arith.index_cast %parallel_loop3A_1255 : i32 to index
      %parallel_loop3A_1257 = arith.index_cast %parallel_loop3A_1138 : i32 to index
      %parallel_loop3A_1258 = tpu.vector_load %arg8[%parallel_loop3A_1256, %parallel_loop3A_1257] {strides = array<i32>} : memref<8x8192xf32, #tpu.memory_space<vmem>>, vector<1x16xf32>,
      %parallel_loop3A_1259 = vector.shape_cast %parallel_loop3A_1258 : vector<1x16xf32> to vector<16xf32>
      %parallel_loop3A_1260 = vector.shape_cast %parallel_loop3A_1222 : vector<16xf32> to vector<1x16xf32>
      tpu.vector_store %arg8[%parallel_loop3A_1256, %parallel_loop3A_1257], %parallel_loop3A_1260 {strides = array<i32>} : memref<8x8192xf32, #tpu.memory_space<vmem>>, vector<1x16xf32>,
      %parallel_loop3A_1261 = arith.constant 5 : i32
      %parallel_loop3A_1262 = arith.index_cast %parallel_loop3A_1261 : i32 to index
      %parallel_loop3A_1263 = arith.index_cast %parallel_loop3A_1141 : i32 to index
      %parallel_loop3A_1264 = tpu.vector_load %arg8[%parallel_loop3A_1262, %parallel_loop3A_1263] {strides = array<i32>} : memref<8x8192xf32, #tpu.memory_space<vmem>>, vector<1x16xf32>,
      %parallel_loop3A_1265 = vector.shape_cast %parallel_loop3A_1264 : vector<1x16xf32> to vector<16xf32>
      %parallel_loop3A_1266 = vector.shape_cast %parallel_loop3A_1223 : vector<16xf32> to vector<1x16xf32>
      tpu.vector_store %arg8[%parallel_loop3A_1262, %parallel_loop3A_1263], %parallel_loop3A_1266 {strides = array<i32>} : memref<8x8192xf32, #tpu.memory_space<vmem>>, vector<1x16xf32>,
      %parallel_loop3A_1267 = arith.constant 5 : i32
      %parallel_loop3A_1268 = arith.index_cast %parallel_loop3A_1267 : i32 to index
      %parallel_loop3A_1269 = arith.index_cast %parallel_loop3A_1144 : i32 to index
      %parallel_loop3A_1270 = tpu.vector_load %arg8[%parallel_loop3A_1268, %parallel_loop3A_1269] {strides = array<i32>} : memref<8x8192xf32, #tpu.memory_space<vmem>>, vector<1x16xf32>,
      %parallel_loop3A_1271 = vector.shape_cast %parallel_loop3A_1270 : vector<1x16xf32> to vector<16xf32>
      %parallel_loop3A_1272 = vector.shape_cast %parallel_loop3A_1224 : vector<16xf32> to vector<1x16xf32>
      tpu.vector_store %arg8[%parallel_loop3A_1268, %parallel_loop3A_1269], %parallel_loop3A_1272 {strides = array<i32>} : memref<8x8192xf32, #tpu.memory_space<vmem>>, vector<1x16xf32>,
      %parallel_loop3A_1273 = arith.addf %parallel_loop3A_1113, %parallel_loop3A_1217 : vector<16xf32>
      %parallel_loop3A_1274 = arith.addf %parallel_loop3A_1114, %parallel_loop3A_1218 : vector<16xf32>
      %parallel_loop3A_1275 = arith.addf %parallel_loop3A_1115, %parallel_loop3A_1219 : vector<16xf32>
      %parallel_loop3A_1276 = arith.addf %parallel_loop3A_1116, %parallel_loop3A_1220 : vector<16xf32>
      %parallel_loop3A_1277 = arith.addf %parallel_loop3A_1117, %parallel_loop3A_1221 : vector<16xf32>
      %parallel_loop3A_1278 = arith.addf %parallel_loop3A_1118, %parallel_loop3A_1222 : vector<16xf32>
      %parallel_loop3A_1279 = arith.addf %parallel_loop3A_1119, %parallel_loop3A_1223 : vector<16xf32>
      %parallel_loop3A_1280 = arith.addf %parallel_loop3A_1120, %parallel_loop3A_1224 : vector<16xf32>
      scf.yield %parallel_loop3A_1273, %parallel_loop3A_1274, %parallel_loop3A_1275, %parallel_loop3A_1276, %parallel_loop3A_1277, %parallel_loop3A_1278, %parallel_loop3A_1279, %parallel_loop3A_1280 : vector<16xf32>, vector<16xf32>, vector<16xf32>, vector<16xf32>, vector<16xf32>, vector<16xf32>, vector<16xf32>, vector<16xf32>
    } {sc.loop_unroll_factor = 2 : i64, sc.parallel_access}
    %add3A_308 = arith.addf %parallel_loop3A_307#0, %parallel_loop3A_307#1 : vector<16xf32>
    %add3A_309 = arith.addf %parallel_loop3A_307#2, %parallel_loop3A_307#3 : vector<16xf32>
    %add3A_310 = arith.addf %add3A_308, %add3A_309 : vector<16xf32>
    %add3A_311 = arith.addf %parallel_loop3A_307#4, %parallel_loop3A_307#5 : vector<16xf32>
    %add3A_312 = arith.addf %parallel_loop3A_307#6, %parallel_loop3A_307#7 : vector<16xf32>
    %add3A_313 = arith.addf %add3A_311, %add3A_312 : vector<16xf32>
    %add3A_314 = arith.addf %add3A_310, %add3A_313 : vector<16xf32>
    %dma_wait3A_315 = arith.constant 6 : i32
    %dma_wait3A_316 = arith.constant 6 : i32
    %dma_wait3A_317 = arith.constant 6 : i32
    %dma_wait3A_318 = arith.constant 0 : i32
    %dma_wait3A_319 = tpu.memref_slice %arg8[%dma_wait3A_316, %dma_wait3A_318] : memref<8x8192xf32, #tpu.memory_space<vmem>> -> memref<1x8192xf32, #tpu.memory_space<vmem>>
    %dma_wait3A_320 = tpu.memref_squeeze %dma_wait3A_319 : memref<1x8192xf32, #tpu.memory_space<vmem>> -> memref<8192xf32, #tpu.memory_space<vmem>>
    %dma_wait3A_321 = tpu.memref_slice %arg3[%dma_wait3A_315, %add3A_30, %mul3A_32] : memref<8x32x32768xf32, #tpu.memory_space<hbm>> -> memref<1x1x8192xf32, #tpu.memory_space<hbm>>
    %dma_wait3A_322 = tpu.memref_squeeze %dma_wait3A_321 : memref<1x1x8192xf32, #tpu.memory_space<hbm>> -> memref<8192xf32, #tpu.memory_space<hbm>>
    %dma_wait3A_323 = tpu.memref_slice %arg12[%dma_wait3A_317] : memref<8x!tpu.dma_semaphore, #tpu.memory_space<semaphore_mem>> -> memref<1x!tpu.dma_semaphore, #tpu.memory_space<semaphore_mem>>
    %dma_wait3A_324 = tpu.memref_squeeze %dma_wait3A_323 : memref<1x!tpu.dma_semaphore, #tpu.memory_space<semaphore_mem>> -> memref<!tpu.dma_semaphore, #tpu.memory_space<semaphore_mem>>
    %dma_wait3A_325 = arith.constant 0 : i32
    %dma_wait3A_326 = tpu.memref_slice %arg8[%dma_wait3A_316, %dma_wait3A_325] : memref<8x8192xf32, #tpu.memory_space<vmem>> -> memref<1x8192xf32, #tpu.memory_space<vmem>>
    %dma_wait3A_327 = tpu.memref_squeeze %dma_wait3A_326 : memref<1x8192xf32, #tpu.memory_space<vmem>> -> memref<8192xf32, #tpu.memory_space<vmem>>
    %dma_wait3A_328 = tpu.memref_slice %arg3[%dma_wait3A_315, %add3A_30, %mul3A_32] : memref<8x32x32768xf32, #tpu.memory_space<hbm>> -> memref<1x1x8192xf32, #tpu.memory_space<hbm>>
    %dma_wait3A_329 = tpu.memref_squeeze %dma_wait3A_328 : memref<1x1x8192xf32, #tpu.memory_space<hbm>> -> memref<8192xf32, #tpu.memory_space<hbm>>
    tpu.wait_dma2 semaphore(%dma_wait3A_324 : memref<!tpu.dma_semaphore, #tpu.memory_space<semaphore_mem>>) src(%dma_wait3A_329 : memref<8192xf32, #tpu.memory_space<hbm>>) dst(%dma_wait3A_327 : memref<8192xf32, #tpu.memory_space<vmem>>)
    %parallel_loop3A_330 = arith.constant 0 : i32
    %parallel_loop3A_331 = arith.constant 8192 : i32
    %parallel_loop3A_332 = arith.constant 128 : i32
    %parallel_loop3A_333:8 = scf.for %parallel_loop3A_1112 = %parallel_loop3A_330 to %parallel_loop3A_331 step %parallel_loop3A_332 iter_args(%parallel_loop3A_1113 = %broadcast_in_dim3A_159, %parallel_loop3A_1114 = %broadcast_in_dim3A_159, %parallel_loop3A_1115 = %broadcast_in_dim3A_159, %parallel_loop3A_1116 = %broadcast_in_dim3A_159, %parallel_loop3A_1117 = %broadcast_in_dim3A_159, %parallel_loop3A_1118 = %broadcast_in_dim3A_159, %parallel_loop3A_1119 = %broadcast_in_dim3A_159, %parallel_loop3A_1120 = %broadcast_in_dim3A_159) -> (vector<16xf32>, vector<16xf32>, vector<16xf32>, vector<16xf32>, vector<16xf32>, vector<16xf32>, vector<16xf32>, vector<16xf32>)  : i32 {
      %parallel_loop3A_1121 = arith.constant 0 : i32
      %parallel_loop3A_1122 = arith.addi %parallel_loop3A_1112, %parallel_loop3A_1121 : i32
      %parallel_loop3A_1123 = tpu.assume_multiple %parallel_loop3A_1122, 16 : i32
      %parallel_loop3A_1124 = arith.constant 16 : i32
      %parallel_loop3A_1125 = arith.addi %parallel_loop3A_1112, %parallel_loop3A_1124 : i32
      %parallel_loop3A_1126 = tpu.assume_multiple %parallel_loop3A_1125, 16 : i32
      %parallel_loop3A_1127 = arith.constant 32 : i32
      %parallel_loop3A_1128 = arith.addi %parallel_loop3A_1112, %parallel_loop3A_1127 : i32
      %parallel_loop3A_1129 = tpu.assume_multiple %parallel_loop3A_1128, 16 : i32
      %parallel_loop3A_1130 = arith.constant 48 : i32
      %parallel_loop3A_1131 = arith.addi %parallel_loop3A_1112, %parallel_loop3A_1130 : i32
      %parallel_loop3A_1132 = tpu.assume_multiple %parallel_loop3A_1131, 16 : i32
      %parallel_loop3A_1133 = arith.constant 64 : i32
      %parallel_loop3A_1134 = arith.addi %parallel_loop3A_1112, %parallel_loop3A_1133 : i32
      %parallel_loop3A_1135 = tpu.assume_multiple %parallel_loop3A_1134, 16 : i32
      %parallel_loop3A_1136 = arith.constant 80 : i32
      %parallel_loop3A_1137 = arith.addi %parallel_loop3A_1112, %parallel_loop3A_1136 : i32
      %parallel_loop3A_1138 = tpu.assume_multiple %parallel_loop3A_1137, 16 : i32
      %parallel_loop3A_1139 = arith.constant 96 : i32
      %parallel_loop3A_1140 = arith.addi %parallel_loop3A_1112, %parallel_loop3A_1139 : i32
      %parallel_loop3A_1141 = tpu.assume_multiple %parallel_loop3A_1140, 16 : i32
      %parallel_loop3A_1142 = arith.constant 112 : i32
      %parallel_loop3A_1143 = arith.addi %parallel_loop3A_1112, %parallel_loop3A_1142 : i32
      %parallel_loop3A_1144 = tpu.assume_multiple %parallel_loop3A_1143, 16 : i32
      %parallel_loop3A_1145 = arith.index_cast %parallel_loop3A_1123 : i32 to index
      %parallel_loop3A_1146 = tpu.vector_load %arg6[%parallel_loop3A_1145] {strides = array<i32>} : memref<8192xf32, #tpu.memory_space<vmem>>, vector<16xf32>,
      %parallel_loop3A_1147 = vector.shape_cast %parallel_loop3A_1146 : vector<16xf32> to vector<16xf32>
      %parallel_loop3A_1148 = arith.constant 6 : i32
      %parallel_loop3A_1149 = arith.index_cast %parallel_loop3A_1148 : i32 to index
      %parallel_loop3A_1150 = arith.index_cast %parallel_loop3A_1123 : i32 to index
      %parallel_loop3A_1151 = tpu.vector_load %arg8[%parallel_loop3A_1149, %parallel_loop3A_1150] {strides = array<i32>} : memref<8x8192xf32, #tpu.memory_space<vmem>>, vector<1x16xf32>,
      %parallel_loop3A_1152 = vector.shape_cast %parallel_loop3A_1151 : vector<1x16xf32> to vector<16xf32>
      %parallel_loop3A_1153 = arith.addf %parallel_loop3A_1147, %parallel_loop3A_1152 : vector<16xf32>
      %parallel_loop3A_1154 = arith.index_cast %parallel_loop3A_1126 : i32 to index
      %parallel_loop3A_1155 = tpu.vector_load %arg6[%parallel_loop3A_1154] {strides = array<i32>} : memref<8192xf32, #tpu.memory_space<vmem>>, vector<16xf32>,
      %parallel_loop3A_1156 = vector.shape_cast %parallel_loop3A_1155 : vector<16xf32> to vector<16xf32>
      %parallel_loop3A_1157 = arith.constant 6 : i32
      %parallel_loop3A_1158 = arith.index_cast %parallel_loop3A_1157 : i32 to index
      %parallel_loop3A_1159 = arith.index_cast %parallel_loop3A_1126 : i32 to index
      %parallel_loop3A_1160 = tpu.vector_load %arg8[%parallel_loop3A_1158, %parallel_loop3A_1159] {strides = array<i32>} : memref<8x8192xf32, #tpu.memory_space<vmem>>, vector<1x16xf32>,
      %parallel_loop3A_1161 = vector.shape_cast %parallel_loop3A_1160 : vector<1x16xf32> to vector<16xf32>
      %parallel_loop3A_1162 = arith.addf %parallel_loop3A_1156, %parallel_loop3A_1161 : vector<16xf32>
      %parallel_loop3A_1163 = arith.index_cast %parallel_loop3A_1129 : i32 to index
      %parallel_loop3A_1164 = tpu.vector_load %arg6[%parallel_loop3A_1163] {strides = array<i32>} : memref<8192xf32, #tpu.memory_space<vmem>>, vector<16xf32>,
      %parallel_loop3A_1165 = vector.shape_cast %parallel_loop3A_1164 : vector<16xf32> to vector<16xf32>
      %parallel_loop3A_1166 = arith.constant 6 : i32
      %parallel_loop3A_1167 = arith.index_cast %parallel_loop3A_1166 : i32 to index
      %parallel_loop3A_1168 = arith.index_cast %parallel_loop3A_1129 : i32 to index
      %parallel_loop3A_1169 = tpu.vector_load %arg8[%parallel_loop3A_1167, %parallel_loop3A_1168] {strides = array<i32>} : memref<8x8192xf32, #tpu.memory_space<vmem>>, vector<1x16xf32>,
      %parallel_loop3A_1170 = vector.shape_cast %parallel_loop3A_1169 : vector<1x16xf32> to vector<16xf32>
      %parallel_loop3A_1171 = arith.addf %parallel_loop3A_1165, %parallel_loop3A_1170 : vector<16xf32>
      %parallel_loop3A_1172 = arith.index_cast %parallel_loop3A_1132 : i32 to index
      %parallel_loop3A_1173 = tpu.vector_load %arg6[%parallel_loop3A_1172] {strides = array<i32>} : memref<8192xf32, #tpu.memory_space<vmem>>, vector<16xf32>,
      %parallel_loop3A_1174 = vector.shape_cast %parallel_loop3A_1173 : vector<16xf32> to vector<16xf32>
      %parallel_loop3A_1175 = arith.constant 6 : i32
      %parallel_loop3A_1176 = arith.index_cast %parallel_loop3A_1175 : i32 to index
      %parallel_loop3A_1177 = arith.index_cast %parallel_loop3A_1132 : i32 to index
      %parallel_loop3A_1178 = tpu.vector_load %arg8[%parallel_loop3A_1176, %parallel_loop3A_1177] {strides = array<i32>} : memref<8x8192xf32, #tpu.memory_space<vmem>>, vector<1x16xf32>,
      %parallel_loop3A_1179 = vector.shape_cast %parallel_loop3A_1178 : vector<1x16xf32> to vector<16xf32>
      %parallel_loop3A_1180 = arith.addf %parallel_loop3A_1174, %parallel_loop3A_1179 : vector<16xf32>
      %parallel_loop3A_1181 = arith.index_cast %parallel_loop3A_1135 : i32 to index
      %parallel_loop3A_1182 = tpu.vector_load %arg6[%parallel_loop3A_1181] {strides = array<i32>} : memref<8192xf32, #tpu.memory_space<vmem>>, vector<16xf32>,
      %parallel_loop3A_1183 = vector.shape_cast %parallel_loop3A_1182 : vector<16xf32> to vector<16xf32>
      %parallel_loop3A_1184 = arith.constant 6 : i32
      %parallel_loop3A_1185 = arith.index_cast %parallel_loop3A_1184 : i32 to index
      %parallel_loop3A_1186 = arith.index_cast %parallel_loop3A_1135 : i32 to index
      %parallel_loop3A_1187 = tpu.vector_load %arg8[%parallel_loop3A_1185, %parallel_loop3A_1186] {strides = array<i32>} : memref<8x8192xf32, #tpu.memory_space<vmem>>, vector<1x16xf32>,
      %parallel_loop3A_1188 = vector.shape_cast %parallel_loop3A_1187 : vector<1x16xf32> to vector<16xf32>
      %parallel_loop3A_1189 = arith.addf %parallel_loop3A_1183, %parallel_loop3A_1188 : vector<16xf32>
      %parallel_loop3A_1190 = arith.index_cast %parallel_loop3A_1138 : i32 to index
      %parallel_loop3A_1191 = tpu.vector_load %arg6[%parallel_loop3A_1190] {strides = array<i32>} : memref<8192xf32, #tpu.memory_space<vmem>>, vector<16xf32>,
      %parallel_loop3A_1192 = vector.shape_cast %parallel_loop3A_1191 : vector<16xf32> to vector<16xf32>
      %parallel_loop3A_1193 = arith.constant 6 : i32
      %parallel_loop3A_1194 = arith.index_cast %parallel_loop3A_1193 : i32 to index
      %parallel_loop3A_1195 = arith.index_cast %parallel_loop3A_1138 : i32 to index
      %parallel_loop3A_1196 = tpu.vector_load %arg8[%parallel_loop3A_1194, %parallel_loop3A_1195] {strides = array<i32>} : memref<8x8192xf32, #tpu.memory_space<vmem>>, vector<1x16xf32>,
      %parallel_loop3A_1197 = vector.shape_cast %parallel_loop3A_1196 : vector<1x16xf32> to vector<16xf32>
      %parallel_loop3A_1198 = arith.addf %parallel_loop3A_1192, %parallel_loop3A_1197 : vector<16xf32>
      %parallel_loop3A_1199 = arith.index_cast %parallel_loop3A_1141 : i32 to index
      %parallel_loop3A_1200 = tpu.vector_load %arg6[%parallel_loop3A_1199] {strides = array<i32>} : memref<8192xf32, #tpu.memory_space<vmem>>, vector<16xf32>,
      %parallel_loop3A_1201 = vector.shape_cast %parallel_loop3A_1200 : vector<16xf32> to vector<16xf32>
      %parallel_loop3A_1202 = arith.constant 6 : i32
      %parallel_loop3A_1203 = arith.index_cast %parallel_loop3A_1202 : i32 to index
      %parallel_loop3A_1204 = arith.index_cast %parallel_loop3A_1141 : i32 to index
      %parallel_loop3A_1205 = tpu.vector_load %arg8[%parallel_loop3A_1203, %parallel_loop3A_1204] {strides = array<i32>} : memref<8x8192xf32, #tpu.memory_space<vmem>>, vector<1x16xf32>,
      %parallel_loop3A_1206 = vector.shape_cast %parallel_loop3A_1205 : vector<1x16xf32> to vector<16xf32>
      %parallel_loop3A_1207 = arith.addf %parallel_loop3A_1201, %parallel_loop3A_1206 : vector<16xf32>
      %parallel_loop3A_1208 = arith.index_cast %parallel_loop3A_1144 : i32 to index
      %parallel_loop3A_1209 = tpu.vector_load %arg6[%parallel_loop3A_1208] {strides = array<i32>} : memref<8192xf32, #tpu.memory_space<vmem>>, vector<16xf32>,
      %parallel_loop3A_1210 = vector.shape_cast %parallel_loop3A_1209 : vector<16xf32> to vector<16xf32>
      %parallel_loop3A_1211 = arith.constant 6 : i32
      %parallel_loop3A_1212 = arith.index_cast %parallel_loop3A_1211 : i32 to index
      %parallel_loop3A_1213 = arith.index_cast %parallel_loop3A_1144 : i32 to index
      %parallel_loop3A_1214 = tpu.vector_load %arg8[%parallel_loop3A_1212, %parallel_loop3A_1213] {strides = array<i32>} : memref<8x8192xf32, #tpu.memory_space<vmem>>, vector<1x16xf32>,
      %parallel_loop3A_1215 = vector.shape_cast %parallel_loop3A_1214 : vector<1x16xf32> to vector<16xf32>
      %parallel_loop3A_1216 = arith.addf %parallel_loop3A_1210, %parallel_loop3A_1215 : vector<16xf32>
      %parallel_loop3A_1217 = math.exp %parallel_loop3A_1153 : vector<16xf32>
      %parallel_loop3A_1218 = math.exp %parallel_loop3A_1162 : vector<16xf32>
      %parallel_loop3A_1219 = math.exp %parallel_loop3A_1171 : vector<16xf32>
      %parallel_loop3A_1220 = math.exp %parallel_loop3A_1180 : vector<16xf32>
      %parallel_loop3A_1221 = math.exp %parallel_loop3A_1189 : vector<16xf32>
      %parallel_loop3A_1222 = math.exp %parallel_loop3A_1198 : vector<16xf32>
      %parallel_loop3A_1223 = math.exp %parallel_loop3A_1207 : vector<16xf32>
      %parallel_loop3A_1224 = math.exp %parallel_loop3A_1216 : vector<16xf32>
      %parallel_loop3A_1225 = arith.constant 6 : i32
      %parallel_loop3A_1226 = arith.index_cast %parallel_loop3A_1225 : i32 to index
      %parallel_loop3A_1227 = arith.index_cast %parallel_loop3A_1123 : i32 to index
      %parallel_loop3A_1228 = tpu.vector_load %arg8[%parallel_loop3A_1226, %parallel_loop3A_1227] {strides = array<i32>} : memref<8x8192xf32, #tpu.memory_space<vmem>>, vector<1x16xf32>,
      %parallel_loop3A_1229 = vector.shape_cast %parallel_loop3A_1228 : vector<1x16xf32> to vector<16xf32>
      %parallel_loop3A_1230 = vector.shape_cast %parallel_loop3A_1217 : vector<16xf32> to vector<1x16xf32>
      tpu.vector_store %arg8[%parallel_loop3A_1226, %parallel_loop3A_1227], %parallel_loop3A_1230 {strides = array<i32>} : memref<8x8192xf32, #tpu.memory_space<vmem>>, vector<1x16xf32>,
      %parallel_loop3A_1231 = arith.constant 6 : i32
      %parallel_loop3A_1232 = arith.index_cast %parallel_loop3A_1231 : i32 to index
      %parallel_loop3A_1233 = arith.index_cast %parallel_loop3A_1126 : i32 to index
      %parallel_loop3A_1234 = tpu.vector_load %arg8[%parallel_loop3A_1232, %parallel_loop3A_1233] {strides = array<i32>} : memref<8x8192xf32, #tpu.memory_space<vmem>>, vector<1x16xf32>,
      %parallel_loop3A_1235 = vector.shape_cast %parallel_loop3A_1234 : vector<1x16xf32> to vector<16xf32>
      %parallel_loop3A_1236 = vector.shape_cast %parallel_loop3A_1218 : vector<16xf32> to vector<1x16xf32>
      tpu.vector_store %arg8[%parallel_loop3A_1232, %parallel_loop3A_1233], %parallel_loop3A_1236 {strides = array<i32>} : memref<8x8192xf32, #tpu.memory_space<vmem>>, vector<1x16xf32>,
      %parallel_loop3A_1237 = arith.constant 6 : i32
      %parallel_loop3A_1238 = arith.index_cast %parallel_loop3A_1237 : i32 to index
      %parallel_loop3A_1239 = arith.index_cast %parallel_loop3A_1129 : i32 to index
      %parallel_loop3A_1240 = tpu.vector_load %arg8[%parallel_loop3A_1238, %parallel_loop3A_1239] {strides = array<i32>} : memref<8x8192xf32, #tpu.memory_space<vmem>>, vector<1x16xf32>,
      %parallel_loop3A_1241 = vector.shape_cast %parallel_loop3A_1240 : vector<1x16xf32> to vector<16xf32>
      %parallel_loop3A_1242 = vector.shape_cast %parallel_loop3A_1219 : vector<16xf32> to vector<1x16xf32>
      tpu.vector_store %arg8[%parallel_loop3A_1238, %parallel_loop3A_1239], %parallel_loop3A_1242 {strides = array<i32>} : memref<8x8192xf32, #tpu.memory_space<vmem>>, vector<1x16xf32>,
      %parallel_loop3A_1243 = arith.constant 6 : i32
      %parallel_loop3A_1244 = arith.index_cast %parallel_loop3A_1243 : i32 to index
      %parallel_loop3A_1245 = arith.index_cast %parallel_loop3A_1132 : i32 to index
      %parallel_loop3A_1246 = tpu.vector_load %arg8[%parallel_loop3A_1244, %parallel_loop3A_1245] {strides = array<i32>} : memref<8x8192xf32, #tpu.memory_space<vmem>>, vector<1x16xf32>,
      %parallel_loop3A_1247 = vector.shape_cast %parallel_loop3A_1246 : vector<1x16xf32> to vector<16xf32>
      %parallel_loop3A_1248 = vector.shape_cast %parallel_loop3A_1220 : vector<16xf32> to vector<1x16xf32>
      tpu.vector_store %arg8[%parallel_loop3A_1244, %parallel_loop3A_1245], %parallel_loop3A_1248 {strides = array<i32>} : memref<8x8192xf32, #tpu.memory_space<vmem>>, vector<1x16xf32>,
      %parallel_loop3A_1249 = arith.constant 6 : i32
      %parallel_loop3A_1250 = arith.index_cast %parallel_loop3A_1249 : i32 to index
      %parallel_loop3A_1251 = arith.index_cast %parallel_loop3A_1135 : i32 to index
      %parallel_loop3A_1252 = tpu.vector_load %arg8[%parallel_loop3A_1250, %parallel_loop3A_1251] {strides = array<i32>} : memref<8x8192xf32, #tpu.memory_space<vmem>>, vector<1x16xf32>,
      %parallel_loop3A_1253 = vector.shape_cast %parallel_loop3A_1252 : vector<1x16xf32> to vector<16xf32>
      %parallel_loop3A_1254 = vector.shape_cast %parallel_loop3A_1221 : vector<16xf32> to vector<1x16xf32>
      tpu.vector_store %arg8[%parallel_loop3A_1250, %parallel_loop3A_1251], %parallel_loop3A_1254 {strides = array<i32>} : memref<8x8192xf32, #tpu.memory_space<vmem>>, vector<1x16xf32>,
      %parallel_loop3A_1255 = arith.constant 6 : i32
      %parallel_loop3A_1256 = arith.index_cast %parallel_loop3A_1255 : i32 to index
      %parallel_loop3A_1257 = arith.index_cast %parallel_loop3A_1138 : i32 to index
      %parallel_loop3A_1258 = tpu.vector_load %arg8[%parallel_loop3A_1256, %parallel_loop3A_1257] {strides = array<i32>} : memref<8x8192xf32, #tpu.memory_space<vmem>>, vector<1x16xf32>,
      %parallel_loop3A_1259 = vector.shape_cast %parallel_loop3A_1258 : vector<1x16xf32> to vector<16xf32>
      %parallel_loop3A_1260 = vector.shape_cast %parallel_loop3A_1222 : vector<16xf32> to vector<1x16xf32>
      tpu.vector_store %arg8[%parallel_loop3A_1256, %parallel_loop3A_1257], %parallel_loop3A_1260 {strides = array<i32>} : memref<8x8192xf32, #tpu.memory_space<vmem>>, vector<1x16xf32>,
      %parallel_loop3A_1261 = arith.constant 6 : i32
      %parallel_loop3A_1262 = arith.index_cast %parallel_loop3A_1261 : i32 to index
      %parallel_loop3A_1263 = arith.index_cast %parallel_loop3A_1141 : i32 to index
      %parallel_loop3A_1264 = tpu.vector_load %arg8[%parallel_loop3A_1262, %parallel_loop3A_1263] {strides = array<i32>} : memref<8x8192xf32, #tpu.memory_space<vmem>>, vector<1x16xf32>,
      %parallel_loop3A_1265 = vector.shape_cast %parallel_loop3A_1264 : vector<1x16xf32> to vector<16xf32>
      %parallel_loop3A_1266 = vector.shape_cast %parallel_loop3A_1223 : vector<16xf32> to vector<1x16xf32>
      tpu.vector_store %arg8[%parallel_loop3A_1262, %parallel_loop3A_1263], %parallel_loop3A_1266 {strides = array<i32>} : memref<8x8192xf32, #tpu.memory_space<vmem>>, vector<1x16xf32>,
      %parallel_loop3A_1267 = arith.constant 6 : i32
      %parallel_loop3A_1268 = arith.index_cast %parallel_loop3A_1267 : i32 to index
      %parallel_loop3A_1269 = arith.index_cast %parallel_loop3A_1144 : i32 to index
      %parallel_loop3A_1270 = tpu.vector_load %arg8[%parallel_loop3A_1268, %parallel_loop3A_1269] {strides = array<i32>} : memref<8x8192xf32, #tpu.memory_space<vmem>>, vector<1x16xf32>,
      %parallel_loop3A_1271 = vector.shape_cast %parallel_loop3A_1270 : vector<1x16xf32> to vector<16xf32>
      %parallel_loop3A_1272 = vector.shape_cast %parallel_loop3A_1224 : vector<16xf32> to vector<1x16xf32>
      tpu.vector_store %arg8[%parallel_loop3A_1268, %parallel_loop3A_1269], %parallel_loop3A_1272 {strides = array<i32>} : memref<8x8192xf32, #tpu.memory_space<vmem>>, vector<1x16xf32>,
      %parallel_loop3A_1273 = arith.addf %parallel_loop3A_1113, %parallel_loop3A_1217 : vector<16xf32>
      %parallel_loop3A_1274 = arith.addf %parallel_loop3A_1114, %parallel_loop3A_1218 : vector<16xf32>
      %parallel_loop3A_1275 = arith.addf %parallel_loop3A_1115, %parallel_loop3A_1219 : vector<16xf32>
      %parallel_loop3A_1276 = arith.addf %parallel_loop3A_1116, %parallel_loop3A_1220 : vector<16xf32>
      %parallel_loop3A_1277 = arith.addf %parallel_loop3A_1117, %parallel_loop3A_1221 : vector<16xf32>
      %parallel_loop3A_1278 = arith.addf %parallel_loop3A_1118, %parallel_loop3A_1222 : vector<16xf32>
      %parallel_loop3A_1279 = arith.addf %parallel_loop3A_1119, %parallel_loop3A_1223 : vector<16xf32>
      %parallel_loop3A_1280 = arith.addf %parallel_loop3A_1120, %parallel_loop3A_1224 : vector<16xf32>
      scf.yield %parallel_loop3A_1273, %parallel_loop3A_1274, %parallel_loop3A_1275, %parallel_loop3A_1276, %parallel_loop3A_1277, %parallel_loop3A_1278, %parallel_loop3A_1279, %parallel_loop3A_1280 : vector<16xf32>, vector<16xf32>, vector<16xf32>, vector<16xf32>, vector<16xf32>, vector<16xf32>, vector<16xf32>, vector<16xf32>
    } {sc.loop_unroll_factor = 2 : i64, sc.parallel_access}
    %add3A_334 = arith.addf %parallel_loop3A_333#0, %parallel_loop3A_333#1 : vector<16xf32>
    %add3A_335 = arith.addf %parallel_loop3A_333#2, %parallel_loop3A_333#3 : vector<16xf32>
    %add3A_336 = arith.addf %add3A_334, %add3A_335 : vector<16xf32>
    %add3A_337 = arith.addf %parallel_loop3A_333#4, %parallel_loop3A_333#5 : vector<16xf32>
    %add3A_338 = arith.addf %parallel_loop3A_333#6, %parallel_loop3A_333#7 : vector<16xf32>
    %add3A_339 = arith.addf %add3A_337, %add3A_338 : vector<16xf32>
    %add3A_340 = arith.addf %add3A_336, %add3A_339 : vector<16xf32>
    %dma_wait3A_341 = arith.constant 7 : i32
    %dma_wait3A_342 = arith.constant 7 : i32
    %dma_wait3A_343 = arith.constant 7 : i32
    %dma_wait3A_344 = arith.constant 0 : i32
    %dma_wait3A_345 = tpu.memref_slice %arg8[%dma_wait3A_342, %dma_wait3A_344] : memref<8x8192xf32, #tpu.memory_space<vmem>> -> memref<1x8192xf32, #tpu.memory_space<vmem>>
    %dma_wait3A_346 = tpu.memref_squeeze %dma_wait3A_345 : memref<1x8192xf32, #tpu.memory_space<vmem>> -> memref<8192xf32, #tpu.memory_space<vmem>>
    %dma_wait3A_347 = tpu.memref_slice %arg3[%dma_wait3A_341, %add3A_30, %mul3A_32] : memref<8x32x32768xf32, #tpu.memory_space<hbm>> -> memref<1x1x8192xf32, #tpu.memory_space<hbm>>
    %dma_wait3A_348 = tpu.memref_squeeze %dma_wait3A_347 : memref<1x1x8192xf32, #tpu.memory_space<hbm>> -> memref<8192xf32, #tpu.memory_space<hbm>>
    %dma_wait3A_349 = tpu.memref_slice %arg12[%dma_wait3A_343] : memref<8x!tpu.dma_semaphore, #tpu.memory_space<semaphore_mem>> -> memref<1x!tpu.dma_semaphore, #tpu.memory_space<semaphore_mem>>
    %dma_wait3A_350 = tpu.memref_squeeze %dma_wait3A_349 : memref<1x!tpu.dma_semaphore, #tpu.memory_space<semaphore_mem>> -> memref<!tpu.dma_semaphore, #tpu.memory_space<semaphore_mem>>
    %dma_wait3A_351 = arith.constant 0 : i32
    %dma_wait3A_352 = tpu.memref_slice %arg8[%dma_wait3A_342, %dma_wait3A_351] : memref<8x8192xf32, #tpu.memory_space<vmem>> -> memref<1x8192xf32, #tpu.memory_space<vmem>>
    %dma_wait3A_353 = tpu.memref_squeeze %dma_wait3A_352 : memref<1x8192xf32, #tpu.memory_space<vmem>> -> memref<8192xf32, #tpu.memory_space<vmem>>
    %dma_wait3A_354 = tpu.memref_slice %arg3[%dma_wait3A_341, %add3A_30, %mul3A_32] : memref<8x32x32768xf32, #tpu.memory_space<hbm>> -> memref<1x1x8192xf32, #tpu.memory_space<hbm>>
    %dma_wait3A_355 = tpu.memref_squeeze %dma_wait3A_354 : memref<1x1x8192xf32, #tpu.memory_space<hbm>> -> memref<8192xf32, #tpu.memory_space<hbm>>
    tpu.wait_dma2 semaphore(%dma_wait3A_350 : memref<!tpu.dma_semaphore, #tpu.memory_space<semaphore_mem>>) src(%dma_wait3A_355 : memref<8192xf32, #tpu.memory_space<hbm>>) dst(%dma_wait3A_353 : memref<8192xf32, #tpu.memory_space<vmem>>)
    %parallel_loop3A_356 = arith.constant 0 : i32
    %parallel_loop3A_357 = arith.constant 8192 : i32
    %parallel_loop3A_358 = arith.constant 128 : i32
    %parallel_loop3A_359:8 = scf.for %parallel_loop3A_1112 = %parallel_loop3A_356 to %parallel_loop3A_357 step %parallel_loop3A_358 iter_args(%parallel_loop3A_1113 = %broadcast_in_dim3A_159, %parallel_loop3A_1114 = %broadcast_in_dim3A_159, %parallel_loop3A_1115 = %broadcast_in_dim3A_159, %parallel_loop3A_1116 = %broadcast_in_dim3A_159, %parallel_loop3A_1117 = %broadcast_in_dim3A_159, %parallel_loop3A_1118 = %broadcast_in_dim3A_159, %parallel_loop3A_1119 = %broadcast_in_dim3A_159, %parallel_loop3A_1120 = %broadcast_in_dim3A_159) -> (vector<16xf32>, vector<16xf32>, vector<16xf32>, vector<16xf32>, vector<16xf32>, vector<16xf32>, vector<16xf32>, vector<16xf32>)  : i32 {
      %parallel_loop3A_1121 = arith.constant 0 : i32
      %parallel_loop3A_1122 = arith.addi %parallel_loop3A_1112, %parallel_loop3A_1121 : i32
      %parallel_loop3A_1123 = tpu.assume_multiple %parallel_loop3A_1122, 16 : i32
      %parallel_loop3A_1124 = arith.constant 16 : i32
      %parallel_loop3A_1125 = arith.addi %parallel_loop3A_1112, %parallel_loop3A_1124 : i32
      %parallel_loop3A_1126 = tpu.assume_multiple %parallel_loop3A_1125, 16 : i32
      %parallel_loop3A_1127 = arith.constant 32 : i32
      %parallel_loop3A_1128 = arith.addi %parallel_loop3A_1112, %parallel_loop3A_1127 : i32
      %parallel_loop3A_1129 = tpu.assume_multiple %parallel_loop3A_1128, 16 : i32
      %parallel_loop3A_1130 = arith.constant 48 : i32
      %parallel_loop3A_1131 = arith.addi %parallel_loop3A_1112, %parallel_loop3A_1130 : i32
      %parallel_loop3A_1132 = tpu.assume_multiple %parallel_loop3A_1131, 16 : i32
      %parallel_loop3A_1133 = arith.constant 64 : i32
      %parallel_loop3A_1134 = arith.addi %parallel_loop3A_1112, %parallel_loop3A_1133 : i32
      %parallel_loop3A_1135 = tpu.assume_multiple %parallel_loop3A_1134, 16 : i32
      %parallel_loop3A_1136 = arith.constant 80 : i32
      %parallel_loop3A_1137 = arith.addi %parallel_loop3A_1112, %parallel_loop3A_1136 : i32
      %parallel_loop3A_1138 = tpu.assume_multiple %parallel_loop3A_1137, 16 : i32
      %parallel_loop3A_1139 = arith.constant 96 : i32
      %parallel_loop3A_1140 = arith.addi %parallel_loop3A_1112, %parallel_loop3A_1139 : i32
      %parallel_loop3A_1141 = tpu.assume_multiple %parallel_loop3A_1140, 16 : i32
      %parallel_loop3A_1142 = arith.constant 112 : i32
      %parallel_loop3A_1143 = arith.addi %parallel_loop3A_1112, %parallel_loop3A_1142 : i32
      %parallel_loop3A_1144 = tpu.assume_multiple %parallel_loop3A_1143, 16 : i32
      %parallel_loop3A_1145 = arith.index_cast %parallel_loop3A_1123 : i32 to index
      %parallel_loop3A_1146 = tpu.vector_load %arg6[%parallel_loop3A_1145] {strides = array<i32>} : memref<8192xf32, #tpu.memory_space<vmem>>, vector<16xf32>,
      %parallel_loop3A_1147 = vector.shape_cast %parallel_loop3A_1146 : vector<16xf32> to vector<16xf32>
      %parallel_loop3A_1148 = arith.constant 7 : i32
      %parallel_loop3A_1149 = arith.index_cast %parallel_loop3A_1148 : i32 to index
      %parallel_loop3A_1150 = arith.index_cast %parallel_loop3A_1123 : i32 to index
      %parallel_loop3A_1151 = tpu.vector_load %arg8[%parallel_loop3A_1149, %parallel_loop3A_1150] {strides = array<i32>} : memref<8x8192xf32, #tpu.memory_space<vmem>>, vector<1x16xf32>,
      %parallel_loop3A_1152 = vector.shape_cast %parallel_loop3A_1151 : vector<1x16xf32> to vector<16xf32>
      %parallel_loop3A_1153 = arith.addf %parallel_loop3A_1147, %parallel_loop3A_1152 : vector<16xf32>
      %parallel_loop3A_1154 = arith.index_cast %parallel_loop3A_1126 : i32 to index
      %parallel_loop3A_1155 = tpu.vector_load %arg6[%parallel_loop3A_1154] {strides = array<i32>} : memref<8192xf32, #tpu.memory_space<vmem>>, vector<16xf32>,
      %parallel_loop3A_1156 = vector.shape_cast %parallel_loop3A_1155 : vector<16xf32> to vector<16xf32>
      %parallel_loop3A_1157 = arith.constant 7 : i32
      %parallel_loop3A_1158 = arith.index_cast %parallel_loop3A_1157 : i32 to index
      %parallel_loop3A_1159 = arith.index_cast %parallel_loop3A_1126 : i32 to index
      %parallel_loop3A_1160 = tpu.vector_load %arg8[%parallel_loop3A_1158, %parallel_loop3A_1159] {strides = array<i32>} : memref<8x8192xf32, #tpu.memory_space<vmem>>, vector<1x16xf32>,
      %parallel_loop3A_1161 = vector.shape_cast %parallel_loop3A_1160 : vector<1x16xf32> to vector<16xf32>
      %parallel_loop3A_1162 = arith.addf %parallel_loop3A_1156, %parallel_loop3A_1161 : vector<16xf32>
      %parallel_loop3A_1163 = arith.index_cast %parallel_loop3A_1129 : i32 to index
      %parallel_loop3A_1164 = tpu.vector_load %arg6[%parallel_loop3A_1163] {strides = array<i32>} : memref<8192xf32, #tpu.memory_space<vmem>>, vector<16xf32>,
      %parallel_loop3A_1165 = vector.shape_cast %parallel_loop3A_1164 : vector<16xf32> to vector<16xf32>
      %parallel_loop3A_1166 = arith.constant 7 : i32
      %parallel_loop3A_1167 = arith.index_cast %parallel_loop3A_1166 : i32 to index
      %parallel_loop3A_1168 = arith.index_cast %parallel_loop3A_1129 : i32 to index
      %parallel_loop3A_1169 = tpu.vector_load %arg8[%parallel_loop3A_1167, %parallel_loop3A_1168] {strides = array<i32>} : memref<8x8192xf32, #tpu.memory_space<vmem>>, vector<1x16xf32>,
      %parallel_loop3A_1170 = vector.shape_cast %parallel_loop3A_1169 : vector<1x16xf32> to vector<16xf32>
      %parallel_loop3A_1171 = arith.addf %parallel_loop3A_1165, %parallel_loop3A_1170 : vector<16xf32>
      %parallel_loop3A_1172 = arith.index_cast %parallel_loop3A_1132 : i32 to index
      %parallel_loop3A_1173 = tpu.vector_load %arg6[%parallel_loop3A_1172] {strides = array<i32>} : memref<8192xf32, #tpu.memory_space<vmem>>, vector<16xf32>,
      %parallel_loop3A_1174 = vector.shape_cast %parallel_loop3A_1173 : vector<16xf32> to vector<16xf32>
      %parallel_loop3A_1175 = arith.constant 7 : i32
      %parallel_loop3A_1176 = arith.index_cast %parallel_loop3A_1175 : i32 to index
      %parallel_loop3A_1177 = arith.index_cast %parallel_loop3A_1132 : i32 to index
      %parallel_loop3A_1178 = tpu.vector_load %arg8[%parallel_loop3A_1176, %parallel_loop3A_1177] {strides = array<i32>} : memref<8x8192xf32, #tpu.memory_space<vmem>>, vector<1x16xf32>,
      %parallel_loop3A_1179 = vector.shape_cast %parallel_loop3A_1178 : vector<1x16xf32> to vector<16xf32>
      %parallel_loop3A_1180 = arith.addf %parallel_loop3A_1174, %parallel_loop3A_1179 : vector<16xf32>
      %parallel_loop3A_1181 = arith.index_cast %parallel_loop3A_1135 : i32 to index
      %parallel_loop3A_1182 = tpu.vector_load %arg6[%parallel_loop3A_1181] {strides = array<i32>} : memref<8192xf32, #tpu.memory_space<vmem>>, vector<16xf32>,
      %parallel_loop3A_1183 = vector.shape_cast %parallel_loop3A_1182 : vector<16xf32> to vector<16xf32>
      %parallel_loop3A_1184 = arith.constant 7 : i32
      %parallel_loop3A_1185 = arith.index_cast %parallel_loop3A_1184 : i32 to index
      %parallel_loop3A_1186 = arith.index_cast %parallel_loop3A_1135 : i32 to index
      %parallel_loop3A_1187 = tpu.vector_load %arg8[%parallel_loop3A_1185, %parallel_loop3A_1186] {strides = array<i32>} : memref<8x8192xf32, #tpu.memory_space<vmem>>, vector<1x16xf32>,
      %parallel_loop3A_1188 = vector.shape_cast %parallel_loop3A_1187 : vector<1x16xf32> to vector<16xf32>
      %parallel_loop3A_1189 = arith.addf %parallel_loop3A_1183, %parallel_loop3A_1188 : vector<16xf32>
      %parallel_loop3A_1190 = arith.index_cast %parallel_loop3A_1138 : i32 to index
      %parallel_loop3A_1191 = tpu.vector_load %arg6[%parallel_loop3A_1190] {strides = array<i32>} : memref<8192xf32, #tpu.memory_space<vmem>>, vector<16xf32>,
      %parallel_loop3A_1192 = vector.shape_cast %parallel_loop3A_1191 : vector<16xf32> to vector<16xf32>
      %parallel_loop3A_1193 = arith.constant 7 : i32
      %parallel_loop3A_1194 = arith.index_cast %parallel_loop3A_1193 : i32 to index
      %parallel_loop3A_1195 = arith.index_cast %parallel_loop3A_1138 : i32 to index
      %parallel_loop3A_1196 = tpu.vector_load %arg8[%parallel_loop3A_1194, %parallel_loop3A_1195] {strides = array<i32>} : memref<8x8192xf32, #tpu.memory_space<vmem>>, vector<1x16xf32>,
      %parallel_loop3A_1197 = vector.shape_cast %parallel_loop3A_1196 : vector<1x16xf32> to vector<16xf32>
      %parallel_loop3A_1198 = arith.addf %parallel_loop3A_1192, %parallel_loop3A_1197 : vector<16xf32>
      %parallel_loop3A_1199 = arith.index_cast %parallel_loop3A_1141 : i32 to index
      %parallel_loop3A_1200 = tpu.vector_load %arg6[%parallel_loop3A_1199] {strides = array<i32>} : memref<8192xf32, #tpu.memory_space<vmem>>, vector<16xf32>,
      %parallel_loop3A_1201 = vector.shape_cast %parallel_loop3A_1200 : vector<16xf32> to vector<16xf32>
      %parallel_loop3A_1202 = arith.constant 7 : i32
      %parallel_loop3A_1203 = arith.index_cast %parallel_loop3A_1202 : i32 to index
      %parallel_loop3A_1204 = arith.index_cast %parallel_loop3A_1141 : i32 to index
      %parallel_loop3A_1205 = tpu.vector_load %arg8[%parallel_loop3A_1203, %parallel_loop3A_1204] {strides = array<i32>} : memref<8x8192xf32, #tpu.memory_space<vmem>>, vector<1x16xf32>,
      %parallel_loop3A_1206 = vector.shape_cast %parallel_loop3A_1205 : vector<1x16xf32> to vector<16xf32>
      %parallel_loop3A_1207 = arith.addf %parallel_loop3A_1201, %parallel_loop3A_1206 : vector<16xf32>
      %parallel_loop3A_1208 = arith.index_cast %parallel_loop3A_1144 : i32 to index
      %parallel_loop3A_1209 = tpu.vector_load %arg6[%parallel_loop3A_1208] {strides = array<i32>} : memref<8192xf32, #tpu.memory_space<vmem>>, vector<16xf32>,
      %parallel_loop3A_1210 = vector.shape_cast %parallel_loop3A_1209 : vector<16xf32> to vector<16xf32>
      %parallel_loop3A_1211 = arith.constant 7 : i32
      %parallel_loop3A_1212 = arith.index_cast %parallel_loop3A_1211 : i32 to index
      %parallel_loop3A_1213 = arith.index_cast %parallel_loop3A_1144 : i32 to index
      %parallel_loop3A_1214 = tpu.vector_load %arg8[%parallel_loop3A_1212, %parallel_loop3A_1213] {strides = array<i32>} : memref<8x8192xf32, #tpu.memory_space<vmem>>, vector<1x16xf32>,
      %parallel_loop3A_1215 = vector.shape_cast %parallel_loop3A_1214 : vector<1x16xf32> to vector<16xf32>
      %parallel_loop3A_1216 = arith.addf %parallel_loop3A_1210, %parallel_loop3A_1215 : vector<16xf32>
      %parallel_loop3A_1217 = math.exp %parallel_loop3A_1153 : vector<16xf32>
      %parallel_loop3A_1218 = math.exp %parallel_loop3A_1162 : vector<16xf32>
      %parallel_loop3A_1219 = math.exp %parallel_loop3A_1171 : vector<16xf32>
      %parallel_loop3A_1220 = math.exp %parallel_loop3A_1180 : vector<16xf32>
      %parallel_loop3A_1221 = math.exp %parallel_loop3A_1189 : vector<16xf32>
      %parallel_loop3A_1222 = math.exp %parallel_loop3A_1198 : vector<16xf32>
      %parallel_loop3A_1223 = math.exp %parallel_loop3A_1207 : vector<16xf32>
      %parallel_loop3A_1224 = math.exp %parallel_loop3A_1216 : vector<16xf32>
      %parallel_loop3A_1225 = arith.constant 7 : i32
      %parallel_loop3A_1226 = arith.index_cast %parallel_loop3A_1225 : i32 to index
      %parallel_loop3A_1227 = arith.index_cast %parallel_loop3A_1123 : i32 to index
      %parallel_loop3A_1228 = tpu.vector_load %arg8[%parallel_loop3A_1226, %parallel_loop3A_1227] {strides = array<i32>} : memref<8x8192xf32, #tpu.memory_space<vmem>>, vector<1x16xf32>,
      %parallel_loop3A_1229 = vector.shape_cast %parallel_loop3A_1228 : vector<1x16xf32> to vector<16xf32>
      %parallel_loop3A_1230 = vector.shape_cast %parallel_loop3A_1217 : vector<16xf32> to vector<1x16xf32>
      tpu.vector_store %arg8[%parallel_loop3A_1226, %parallel_loop3A_1227], %parallel_loop3A_1230 {strides = array<i32>} : memref<8x8192xf32, #tpu.memory_space<vmem>>, vector<1x16xf32>,
      %parallel_loop3A_1231 = arith.constant 7 : i32
      %parallel_loop3A_1232 = arith.index_cast %parallel_loop3A_1231 : i32 to index
      %parallel_loop3A_1233 = arith.index_cast %parallel_loop3A_1126 : i32 to index
      %parallel_loop3A_1234 = tpu.vector_load %arg8[%parallel_loop3A_1232, %parallel_loop3A_1233] {strides = array<i32>} : memref<8x8192xf32, #tpu.memory_space<vmem>>, vector<1x16xf32>,
      %parallel_loop3A_1235 = vector.shape_cast %parallel_loop3A_1234 : vector<1x16xf32> to vector<16xf32>
      %parallel_loop3A_1236 = vector.shape_cast %parallel_loop3A_1218 : vector<16xf32> to vector<1x16xf32>
      tpu.vector_store %arg8[%parallel_loop3A_1232, %parallel_loop3A_1233], %parallel_loop3A_1236 {strides = array<i32>} : memref<8x8192xf32, #tpu.memory_space<vmem>>, vector<1x16xf32>,
      %parallel_loop3A_1237 = arith.constant 7 : i32
      %parallel_loop3A_1238 = arith.index_cast %parallel_loop3A_1237 : i32 to index
      %parallel_loop3A_1239 = arith.index_cast %parallel_loop3A_1129 : i32 to index
      %parallel_loop3A_1240 = tpu.vector_load %arg8[%parallel_loop3A_1238, %parallel_loop3A_1239] {strides = array<i32>} : memref<8x8192xf32, #tpu.memory_space<vmem>>, vector<1x16xf32>,
      %parallel_loop3A_1241 = vector.shape_cast %parallel_loop3A_1240 : vector<1x16xf32> to vector<16xf32>
      %parallel_loop3A_1242 = vector.shape_cast %parallel_loop3A_1219 : vector<16xf32> to vector<1x16xf32>
      tpu.vector_store %arg8[%parallel_loop3A_1238, %parallel_loop3A_1239], %parallel_loop3A_1242 {strides = array<i32>} : memref<8x8192xf32, #tpu.memory_space<vmem>>, vector<1x16xf32>,
      %parallel_loop3A_1243 = arith.constant 7 : i32
      %parallel_loop3A_1244 = arith.index_cast %parallel_loop3A_1243 : i32 to index
      %parallel_loop3A_1245 = arith.index_cast %parallel_loop3A_1132 : i32 to index
      %parallel_loop3A_1246 = tpu.vector_load %arg8[%parallel_loop3A_1244, %parallel_loop3A_1245] {strides = array<i32>} : memref<8x8192xf32, #tpu.memory_space<vmem>>, vector<1x16xf32>,
      %parallel_loop3A_1247 = vector.shape_cast %parallel_loop3A_1246 : vector<1x16xf32> to vector<16xf32>
      %parallel_loop3A_1248 = vector.shape_cast %parallel_loop3A_1220 : vector<16xf32> to vector<1x16xf32>
      tpu.vector_store %arg8[%parallel_loop3A_1244, %parallel_loop3A_1245], %parallel_loop3A_1248 {strides = array<i32>} : memref<8x8192xf32, #tpu.memory_space<vmem>>, vector<1x16xf32>,
      %parallel_loop3A_1249 = arith.constant 7 : i32
      %parallel_loop3A_1250 = arith.index_cast %parallel_loop3A_1249 : i32 to index
      %parallel_loop3A_1251 = arith.index_cast %parallel_loop3A_1135 : i32 to index
      %parallel_loop3A_1252 = tpu.vector_load %arg8[%parallel_loop3A_1250, %parallel_loop3A_1251] {strides = array<i32>} : memref<8x8192xf32, #tpu.memory_space<vmem>>, vector<1x16xf32>,
      %parallel_loop3A_1253 = vector.shape_cast %parallel_loop3A_1252 : vector<1x16xf32> to vector<16xf32>
      %parallel_loop3A_1254 = vector.shape_cast %parallel_loop3A_1221 : vector<16xf32> to vector<1x16xf32>
      tpu.vector_store %arg8[%parallel_loop3A_1250, %parallel_loop3A_1251], %parallel_loop3A_1254 {strides = array<i32>} : memref<8x8192xf32, #tpu.memory_space<vmem>>, vector<1x16xf32>,
      %parallel_loop3A_1255 = arith.constant 7 : i32
      %parallel_loop3A_1256 = arith.index_cast %parallel_loop3A_1255 : i32 to index
      %parallel_loop3A_1257 = arith.index_cast %parallel_loop3A_1138 : i32 to index
      %parallel_loop3A_1258 = tpu.vector_load %arg8[%parallel_loop3A_1256, %parallel_loop3A_1257] {strides = array<i32>} : memref<8x8192xf32, #tpu.memory_space<vmem>>, vector<1x16xf32>,
      %parallel_loop3A_1259 = vector.shape_cast %parallel_loop3A_1258 : vector<1x16xf32> to vector<16xf32>
      %parallel_loop3A_1260 = vector.shape_cast %parallel_loop3A_1222 : vector<16xf32> to vector<1x16xf32>
      tpu.vector_store %arg8[%parallel_loop3A_1256, %parallel_loop3A_1257], %parallel_loop3A_1260 {strides = array<i32>} : memref<8x8192xf32, #tpu.memory_space<vmem>>, vector<1x16xf32>,
      %parallel_loop3A_1261 = arith.constant 7 : i32
      %parallel_loop3A_1262 = arith.index_cast %parallel_loop3A_1261 : i32 to index
      %parallel_loop3A_1263 = arith.index_cast %parallel_loop3A_1141 : i32 to index
      %parallel_loop3A_1264 = tpu.vector_load %arg8[%parallel_loop3A_1262, %parallel_loop3A_1263] {strides = array<i32>} : memref<8x8192xf32, #tpu.memory_space<vmem>>, vector<1x16xf32>,
      %parallel_loop3A_1265 = vector.shape_cast %parallel_loop3A_1264 : vector<1x16xf32> to vector<16xf32>
      %parallel_loop3A_1266 = vector.shape_cast %parallel_loop3A_1223 : vector<16xf32> to vector<1x16xf32>
      tpu.vector_store %arg8[%parallel_loop3A_1262, %parallel_loop3A_1263], %parallel_loop3A_1266 {strides = array<i32>} : memref<8x8192xf32, #tpu.memory_space<vmem>>, vector<1x16xf32>,
      %parallel_loop3A_1267 = arith.constant 7 : i32
      %parallel_loop3A_1268 = arith.index_cast %parallel_loop3A_1267 : i32 to index
      %parallel_loop3A_1269 = arith.index_cast %parallel_loop3A_1144 : i32 to index
      %parallel_loop3A_1270 = tpu.vector_load %arg8[%parallel_loop3A_1268, %parallel_loop3A_1269] {strides = array<i32>} : memref<8x8192xf32, #tpu.memory_space<vmem>>, vector<1x16xf32>,
      %parallel_loop3A_1271 = vector.shape_cast %parallel_loop3A_1270 : vector<1x16xf32> to vector<16xf32>
      %parallel_loop3A_1272 = vector.shape_cast %parallel_loop3A_1224 : vector<16xf32> to vector<1x16xf32>
      tpu.vector_store %arg8[%parallel_loop3A_1268, %parallel_loop3A_1269], %parallel_loop3A_1272 {strides = array<i32>} : memref<8x8192xf32, #tpu.memory_space<vmem>>, vector<1x16xf32>,
      %parallel_loop3A_1273 = arith.addf %parallel_loop3A_1113, %parallel_loop3A_1217 : vector<16xf32>
      %parallel_loop3A_1274 = arith.addf %parallel_loop3A_1114, %parallel_loop3A_1218 : vector<16xf32>
      %parallel_loop3A_1275 = arith.addf %parallel_loop3A_1115, %parallel_loop3A_1219 : vector<16xf32>
      %parallel_loop3A_1276 = arith.addf %parallel_loop3A_1116, %parallel_loop3A_1220 : vector<16xf32>
      %parallel_loop3A_1277 = arith.addf %parallel_loop3A_1117, %parallel_loop3A_1221 : vector<16xf32>
      %parallel_loop3A_1278 = arith.addf %parallel_loop3A_1118, %parallel_loop3A_1222 : vector<16xf32>
      %parallel_loop3A_1279 = arith.addf %parallel_loop3A_1119, %parallel_loop3A_1223 : vector<16xf32>
      %parallel_loop3A_1280 = arith.addf %parallel_loop3A_1120, %parallel_loop3A_1224 : vector<16xf32>
      scf.yield %parallel_loop3A_1273, %parallel_loop3A_1274, %parallel_loop3A_1275, %parallel_loop3A_1276, %parallel_loop3A_1277, %parallel_loop3A_1278, %parallel_loop3A_1279, %parallel_loop3A_1280 : vector<16xf32>, vector<16xf32>, vector<16xf32>, vector<16xf32>, vector<16xf32>, vector<16xf32>, vector<16xf32>, vector<16xf32>
    } {sc.loop_unroll_factor = 2 : i64, sc.parallel_access}
    %add3A_360 = arith.addf %parallel_loop3A_359#0, %parallel_loop3A_359#1 : vector<16xf32>
    %add3A_361 = arith.addf %parallel_loop3A_359#2, %parallel_loop3A_359#3 : vector<16xf32>
    %add3A_362 = arith.addf %add3A_360, %add3A_361 : vector<16xf32>
    %add3A_363 = arith.addf %parallel_loop3A_359#4, %parallel_loop3A_359#5 : vector<16xf32>
    %add3A_364 = arith.addf %parallel_loop3A_359#6, %parallel_loop3A_359#7 : vector<16xf32>
    %add3A_365 = arith.addf %add3A_363, %add3A_364 : vector<16xf32>
    %add3A_366 = arith.addf %add3A_362, %add3A_365 : vector<16xf32>
    %swap3A = arith.constant 0 : i32
    %swap3A_367 = arith.index_cast %swap3A : i32 to index
    %swap3A_368 = arith.constant 0 : index
    %swap3A_369 = tpu.vector_load %arg9[%swap3A_367, %swap3A_368] {strides = array<i32>} : memref<8x16xf32, #tpu.memory_space<vmem>>, vector<1x16xf32>,
    %swap3A_370 = vector.shape_cast %swap3A_369 : vector<1x16xf32> to vector<16xf32>
    %swap3A_371 = vector.shape_cast %add3A_184 : vector<16xf32> to vector<1x16xf32>
    tpu.vector_store %arg9[%swap3A_367, %swap3A_368], %swap3A_371 {strides = array<i32>} : memref<8x16xf32, #tpu.memory_space<vmem>>, vector<1x16xf32>,
    %swap3A_372 = arith.constant 1 : i32
    %swap3A_373 = arith.index_cast %swap3A_372 : i32 to index
    %swap3A_374 = arith.constant 0 : index
    %swap3A_375 = tpu.vector_load %arg9[%swap3A_373, %swap3A_374] {strides = array<i32>} : memref<8x16xf32, #tpu.memory_space<vmem>>, vector<1x16xf32>,
    %swap3A_376 = vector.shape_cast %swap3A_375 : vector<1x16xf32> to vector<16xf32>
    %swap3A_377 = vector.shape_cast %add3A_210 : vector<16xf32> to vector<1x16xf32>
    tpu.vector_store %arg9[%swap3A_373, %swap3A_374], %swap3A_377 {strides = array<i32>} : memref<8x16xf32, #tpu.memory_space<vmem>>, vector<1x16xf32>,
    %swap3A_378 = arith.constant 2 : i32
    %swap3A_379 = arith.index_cast %swap3A_378 : i32 to index
    %swap3A_380 = arith.constant 0 : index
    %swap3A_381 = tpu.vector_load %arg9[%swap3A_379, %swap3A_380] {strides = array<i32>} : memref<8x16xf32, #tpu.memory_space<vmem>>, vector<1x16xf32>,
    %swap3A_382 = vector.shape_cast %swap3A_381 : vector<1x16xf32> to vector<16xf32>
    %swap3A_383 = vector.shape_cast %add3A_236 : vector<16xf32> to vector<1x16xf32>
    tpu.vector_store %arg9[%swap3A_379, %swap3A_380], %swap3A_383 {strides = array<i32>} : memref<8x16xf32, #tpu.memory_space<vmem>>, vector<1x16xf32>,
    %swap3A_384 = arith.constant 3 : i32
    %swap3A_385 = arith.index_cast %swap3A_384 : i32 to index
    %swap3A_386 = arith.constant 0 : index
    %swap3A_387 = tpu.vector_load %arg9[%swap3A_385, %swap3A_386] {strides = array<i32>} : memref<8x16xf32, #tpu.memory_space<vmem>>, vector<1x16xf32>,
    %swap3A_388 = vector.shape_cast %swap3A_387 : vector<1x16xf32> to vector<16xf32>
    %swap3A_389 = vector.shape_cast %add3A_262 : vector<16xf32> to vector<1x16xf32>
    tpu.vector_store %arg9[%swap3A_385, %swap3A_386], %swap3A_389 {strides = array<i32>} : memref<8x16xf32, #tpu.memory_space<vmem>>, vector<1x16xf32>,
    %swap3A_390 = arith.constant 4 : i32
    %swap3A_391 = arith.index_cast %swap3A_390 : i32 to index
    %swap3A_392 = arith.constant 0 : index
    %swap3A_393 = tpu.vector_load %arg9[%swap3A_391, %swap3A_392] {strides = array<i32>} : memref<8x16xf32, #tpu.memory_space<vmem>>, vector<1x16xf32>,
    %swap3A_394 = vector.shape_cast %swap3A_393 : vector<1x16xf32> to vector<16xf32>
    %swap3A_395 = vector.shape_cast %add3A_288 : vector<16xf32> to vector<1x16xf32>
    tpu.vector_store %arg9[%swap3A_391, %swap3A_392], %swap3A_395 {strides = array<i32>} : memref<8x16xf32, #tpu.memory_space<vmem>>, vector<1x16xf32>,
    %swap3A_396 = arith.constant 5 : i32
    %swap3A_397 = arith.index_cast %swap3A_396 : i32 to index
    %swap3A_398 = arith.constant 0 : index
    %swap3A_399 = tpu.vector_load %arg9[%swap3A_397, %swap3A_398] {strides = array<i32>} : memref<8x16xf32, #tpu.memory_space<vmem>>, vector<1x16xf32>,
    %swap3A_400 = vector.shape_cast %swap3A_399 : vector<1x16xf32> to vector<16xf32>
    %swap3A_401 = vector.shape_cast %add3A_314 : vector<16xf32> to vector<1x16xf32>
    tpu.vector_store %arg9[%swap3A_397, %swap3A_398], %swap3A_401 {strides = array<i32>} : memref<8x16xf32, #tpu.memory_space<vmem>>, vector<1x16xf32>,
    %swap3A_402 = arith.constant 6 : i32
    %swap3A_403 = arith.index_cast %swap3A_402 : i32 to index
    %swap3A_404 = arith.constant 0 : index
    %swap3A_405 = tpu.vector_load %arg9[%swap3A_403, %swap3A_404] {strides = array<i32>} : memref<8x16xf32, #tpu.memory_space<vmem>>, vector<1x16xf32>,
    %swap3A_406 = vector.shape_cast %swap3A_405 : vector<1x16xf32> to vector<16xf32>
    %swap3A_407 = vector.shape_cast %add3A_340 : vector<16xf32> to vector<1x16xf32>
    tpu.vector_store %arg9[%swap3A_403, %swap3A_404], %swap3A_407 {strides = array<i32>} : memref<8x16xf32, #tpu.memory_space<vmem>>, vector<1x16xf32>,
    %swap3A_408 = arith.constant 7 : i32
    %swap3A_409 = arith.index_cast %swap3A_408 : i32 to index
    %swap3A_410 = arith.constant 0 : index
    %swap3A_411 = tpu.vector_load %arg9[%swap3A_409, %swap3A_410] {strides = array<i32>} : memref<8x16xf32, #tpu.memory_space<vmem>>, vector<1x16xf32>,
    %swap3A_412 = vector.shape_cast %swap3A_411 : vector<1x16xf32> to vector<16xf32>
    %swap3A_413 = vector.shape_cast %add3A_366 : vector<16xf32> to vector<1x16xf32>
    tpu.vector_store %arg9[%swap3A_409, %swap3A_410], %swap3A_413 {strides = array<i32>} : memref<8x16xf32, #tpu.memory_space<vmem>>, vector<1x16xf32>,
    %dma_start3A_414 = arith.constant 0 : i32
    %dma_start3A_415 = arith.constant 0 : i32
    %dma_start3A_416 = tpu.memref_slice %arg5[%arg0, %arg1, %dma_start3A_414, %dma_start3A_415] : memref<2x16x8x16xf32, #tpu.memory_space<hbm>> -> memref<1x1x8x16xf32, #tpu.memory_space<hbm>>
    %dma_start3A_417 = tpu.memref_squeeze %dma_start3A_416 : memref<1x1x8x16xf32, #tpu.memory_space<hbm>> -> memref<8x16xf32, #tpu.memory_space<hbm>>
    %dma_start3A_418 = arith.constant 0 : i32
    %dma_start3A_419 = arith.constant 0 : i32
    %dma_start3A_420 = tpu.memref_slice %arg5[%arg0, %arg1, %dma_start3A_418, %dma_start3A_419] : memref<2x16x8x16xf32, #tpu.memory_space<hbm>> -> memref<1x1x8x16xf32, #tpu.memory_space<hbm>>
    %dma_start3A_421 = tpu.memref_squeeze %dma_start3A_420 : memref<1x1x8x16xf32, #tpu.memory_space<hbm>> -> memref<8x16xf32, #tpu.memory_space<hbm>>
    tpu.enqueue_dma source(%arg9 : memref<8x16xf32, #tpu.memory_space<vmem>>) target(%dma_start3A_421 : memref<8x16xf32, #tpu.memory_space<hbm>>) target_semaphore(%arg13 : memref<!tpu.dma_semaphore, #tpu.memory_space<semaphore_mem>>)
    %dma_wait3A_422 = arith.constant 0 : i32
    %dma_wait3A_423 = arith.constant 0 : i32
    %dma_wait3A_424 = tpu.memref_slice %arg5[%arg0, %arg1, %dma_wait3A_422, %dma_wait3A_423] : memref<2x16x8x16xf32, #tpu.memory_space<hbm>> -> memref<1x1x8x16xf32, #tpu.memory_space<hbm>>
    %dma_wait3A_425 = tpu.memref_squeeze %dma_wait3A_424 : memref<1x1x8x16xf32, #tpu.memory_space<hbm>> -> memref<8x16xf32, #tpu.memory_space<hbm>>
    %dma_wait3A_426 = arith.constant 0 : i32
    %dma_wait3A_427 = arith.constant 0 : i32
    %dma_wait3A_428 = tpu.memref_slice %arg5[%arg0, %arg1, %dma_wait3A_426, %dma_wait3A_427] : memref<2x16x8x16xf32, #tpu.memory_space<hbm>> -> memref<1x1x8x16xf32, #tpu.memory_space<hbm>>
    %dma_wait3A_429 = tpu.memref_squeeze %dma_wait3A_428 : memref<1x1x8x16xf32, #tpu.memory_space<hbm>> -> memref<8x16xf32, #tpu.memory_space<hbm>>
    tpu.wait_dma2 semaphore(%arg13 : memref<!tpu.dma_semaphore, #tpu.memory_space<semaphore_mem>>) src(%arg9 : memref<8x16xf32, #tpu.memory_space<vmem>>) dst(%dma_wait3A_429 : memref<8x16xf32, #tpu.memory_space<hbm>>)
    %barrier3A = arith.constant 0 : index
    tpu.barrier barrier_id(%barrier3A)
    %mul3A_430 = arith.constant 4 : i32
    %mul3A_431 = arith.muli %select_n3A, %mul3A_430 : i32
    %dma_start3A_432 = arith.constant 0 : i32
    %dma_start3A_433 = arith.constant 0 : i32
    %dma_start3A_434 = tpu.memref_slice %arg5[%arg0, %mul3A_431, %dma_start3A_432, %dma_start3A_433] : memref<2x16x8x16xf32, #tpu.memory_space<hbm>> -> memref<1x4x8x16xf32, #tpu.memory_space<hbm>>
    %dma_start3A_435 = tpu.memref_squeeze %dma_start3A_434 : memref<1x4x8x16xf32, #tpu.memory_space<hbm>> -> memref<4x8x16xf32, #tpu.memory_space<hbm>>
    %dma_start3A_436 = arith.constant 0 : i32
    %dma_start3A_437 = arith.constant 0 : i32
    %dma_start3A_438 = tpu.memref_slice %arg5[%arg0, %mul3A_431, %dma_start3A_436, %dma_start3A_437] : memref<2x16x8x16xf32, #tpu.memory_space<hbm>> -> memref<1x4x8x16xf32, #tpu.memory_space<hbm>>
    %dma_start3A_439 = tpu.memref_squeeze %dma_start3A_438 : memref<1x4x8x16xf32, #tpu.memory_space<hbm>> -> memref<4x8x16xf32, #tpu.memory_space<hbm>>
    tpu.enqueue_dma source(%dma_start3A_439 : memref<4x8x16xf32, #tpu.memory_space<hbm>>) target(%arg10 : memref<4x8x16xf32, #tpu.memory_space<vmem>>) target_semaphore(%arg13 : memref<!tpu.dma_semaphore, #tpu.memory_space<semaphore_mem>>)
    %dma_wait3A_440 = arith.constant 0 : i32
    %dma_wait3A_441 = arith.constant 0 : i32
    %dma_wait3A_442 = tpu.memref_slice %arg5[%arg0, %mul3A_431, %dma_wait3A_440, %dma_wait3A_441] : memref<2x16x8x16xf32, #tpu.memory_space<hbm>> -> memref<1x4x8x16xf32, #tpu.memory_space<hbm>>
    %dma_wait3A_443 = tpu.memref_squeeze %dma_wait3A_442 : memref<1x4x8x16xf32, #tpu.memory_space<hbm>> -> memref<4x8x16xf32, #tpu.memory_space<hbm>>
    %dma_wait3A_444 = arith.constant 0 : i32
    %dma_wait3A_445 = arith.constant 0 : i32
    %dma_wait3A_446 = tpu.memref_slice %arg5[%arg0, %mul3A_431, %dma_wait3A_444, %dma_wait3A_445] : memref<2x16x8x16xf32, #tpu.memory_space<hbm>> -> memref<1x4x8x16xf32, #tpu.memory_space<hbm>>
    %dma_wait3A_447 = tpu.memref_squeeze %dma_wait3A_446 : memref<1x4x8x16xf32, #tpu.memory_space<hbm>> -> memref<4x8x16xf32, #tpu.memory_space<hbm>>
    tpu.wait_dma2 semaphore(%arg13 : memref<!tpu.dma_semaphore, #tpu.memory_space<semaphore_mem>>) src(%dma_wait3A_447 : memref<4x8x16xf32, #tpu.memory_space<hbm>>) dst(%arg10 : memref<4x8x16xf32, #tpu.memory_space<vmem>>)
    %get3A = arith.constant 0 : i32
    %get3A_448 = arith.constant 0 : i32
    %get3A_449 = arith.index_cast %get3A : i32 to index
    %get3A_450 = arith.index_cast %get3A_448 : i32 to index
    %get3A_451 = arith.constant 0 : index
    %get3A_452 = tpu.vector_load %arg10[%get3A_449, %get3A_450, %get3A_451] {strides = array<i32>} : memref<4x8x16xf32, #tpu.memory_space<vmem>>, vector<1x1x16xf32>,
    %get3A_453 = vector.shape_cast %get3A_452 : vector<1x1x16xf32> to vector<16xf32>
    %get3A_454 = arith.constant 1 : i32
    %get3A_455 = arith.constant 0 : i32
    %get3A_456 = arith.index_cast %get3A_454 : i32 to index
    %get3A_457 = arith.index_cast %get3A_455 : i32 to index
    %get3A_458 = arith.constant 0 : index
    %get3A_459 = tpu.vector_load %arg10[%get3A_456, %get3A_457, %get3A_458] {strides = array<i32>} : memref<4x8x16xf32, #tpu.memory_space<vmem>>, vector<1x1x16xf32>,
    %get3A_460 = vector.shape_cast %get3A_459 : vector<1x1x16xf32> to vector<16xf32>
    %add3A_461 = arith.addf %get3A_453, %get3A_460 : vector<16xf32>
    %get3A_462 = arith.constant 2 : i32
    %get3A_463 = arith.constant 0 : i32
    %get3A_464 = arith.index_cast %get3A_462 : i32 to index
    %get3A_465 = arith.index_cast %get3A_463 : i32 to index
    %get3A_466 = arith.constant 0 : index
    %get3A_467 = tpu.vector_load %arg10[%get3A_464, %get3A_465, %get3A_466] {strides = array<i32>} : memref<4x8x16xf32, #tpu.memory_space<vmem>>, vector<1x1x16xf32>,
    %get3A_468 = vector.shape_cast %get3A_467 : vector<1x1x16xf32> to vector<16xf32>
    %add3A_469 = arith.addf %add3A_461, %get3A_468 : vector<16xf32>
    %get3A_470 = arith.constant 3 : i32
    %get3A_471 = arith.constant 0 : i32
    %get3A_472 = arith.index_cast %get3A_470 : i32 to index
    %get3A_473 = arith.index_cast %get3A_471 : i32 to index
    %get3A_474 = arith.constant 0 : index
    %get3A_475 = tpu.vector_load %arg10[%get3A_472, %get3A_473, %get3A_474] {strides = array<i32>} : memref<4x8x16xf32, #tpu.memory_space<vmem>>, vector<1x1x16xf32>,
    %get3A_476 = vector.shape_cast %get3A_475 : vector<1x1x16xf32> to vector<16xf32>
    %add3A_477 = arith.addf %add3A_469, %get3A_476 : vector<16xf32>
    %slice3A = vector.extract_strided_slice %add3A_477 {offsets = [0], sizes = [1], strides = [1]} : vector<16xf32> to vector<1xf32>
    %squeeze3A = vector.extract %slice3A[0] : f32 from vector<1xf32>
    %slice3A_478 = vector.extract_strided_slice %add3A_477 {offsets = [1], sizes = [1], strides = [1]} : vector<16xf32> to vector<1xf32>
    %squeeze3A_479 = vector.extract %slice3A_478[0] : f32 from vector<1xf32>
    %add3A_480 = arith.addf %squeeze3A, %squeeze3A_479 : f32
    %slice3A_481 = vector.extract_strided_slice %add3A_477 {offsets = [2], sizes = [1], strides = [1]} : vector<16xf32> to vector<1xf32>
    %squeeze3A_482 = vector.extract %slice3A_481[0] : f32 from vector<1xf32>
    %add3A_483 = arith.addf %add3A_480, %squeeze3A_482 : f32
    %slice3A_484 = vector.extract_strided_slice %add3A_477 {offsets = [3], sizes = [1], strides = [1]} : vector<16xf32> to vector<1xf32>
    %squeeze3A_485 = vector.extract %slice3A_484[0] : f32 from vector<1xf32>
    %add3A_486 = arith.addf %add3A_483, %squeeze3A_485 : f32
    %slice3A_487 = vector.extract_strided_slice %add3A_477 {offsets = [4], sizes = [1], strides = [1]} : vector<16xf32> to vector<1xf32>
    %squeeze3A_488 = vector.extract %slice3A_487[0] : f32 from vector<1xf32>
    %add3A_489 = arith.addf %add3A_486, %squeeze3A_488 : f32
    %slice3A_490 = vector.extract_strided_slice %add3A_477 {offsets = [5], sizes = [1], strides = [1]} : vector<16xf32> to vector<1xf32>
    %squeeze3A_491 = vector.extract %slice3A_490[0] : f32 from vector<1xf32>
    %add3A_492 = arith.addf %add3A_489, %squeeze3A_491 : f32
    %slice3A_493 = vector.extract_strided_slice %add3A_477 {offsets = [6], sizes = [1], strides = [1]} : vector<16xf32> to vector<1xf32>
    %squeeze3A_494 = vector.extract %slice3A_493[0] : f32 from vector<1xf32>
    %add3A_495 = arith.addf %add3A_492, %squeeze3A_494 : f32
    %slice3A_496 = vector.extract_strided_slice %add3A_477 {offsets = [7], sizes = [1], strides = [1]} : vector<16xf32> to vector<1xf32>
    %squeeze3A_497 = vector.extract %slice3A_496[0] : f32 from vector<1xf32>
    %add3A_498 = arith.addf %add3A_495, %squeeze3A_497 : f32
    %slice3A_499 = vector.extract_strided_slice %add3A_477 {offsets = [8], sizes = [1], strides = [1]} : vector<16xf32> to vector<1xf32>
    %squeeze3A_500 = vector.extract %slice3A_499[0] : f32 from vector<1xf32>
    %add3A_501 = arith.addf %add3A_498, %squeeze3A_500 : f32
    %slice3A_502 = vector.extract_strided_slice %add3A_477 {offsets = [9], sizes = [1], strides = [1]} : vector<16xf32> to vector<1xf32>
    %squeeze3A_503 = vector.extract %slice3A_502[0] : f32 from vector<1xf32>
    %add3A_504 = arith.addf %add3A_501, %squeeze3A_503 : f32
    %slice3A_505 = vector.extract_strided_slice %add3A_477 {offsets = [10], sizes = [1], strides = [1]} : vector<16xf32> to vector<1xf32>
    %squeeze3A_506 = vector.extract %slice3A_505[0] : f32 from vector<1xf32>
    %add3A_507 = arith.addf %add3A_504, %squeeze3A_506 : f32
    %slice3A_508 = vector.extract_strided_slice %add3A_477 {offsets = [11], sizes = [1], strides = [1]} : vector<16xf32> to vector<1xf32>
    %squeeze3A_509 = vector.extract %slice3A_508[0] : f32 from vector<1xf32>
    %add3A_510 = arith.addf %add3A_507, %squeeze3A_509 : f32
    %slice3A_511 = vector.extract_strided_slice %add3A_477 {offsets = [12], sizes = [1], strides = [1]} : vector<16xf32> to vector<1xf32>
    %squeeze3A_512 = vector.extract %slice3A_511[0] : f32 from vector<1xf32>
    %add3A_513 = arith.addf %add3A_510, %squeeze3A_512 : f32
    %slice3A_514 = vector.extract_strided_slice %add3A_477 {offsets = [13], sizes = [1], strides = [1]} : vector<16xf32> to vector<1xf32>
    %squeeze3A_515 = vector.extract %slice3A_514[0] : f32 from vector<1xf32>
    %add3A_516 = arith.addf %add3A_513, %squeeze3A_515 : f32
    %slice3A_517 = vector.extract_strided_slice %add3A_477 {offsets = [14], sizes = [1], strides = [1]} : vector<16xf32> to vector<1xf32>
    %squeeze3A_518 = vector.extract %slice3A_517[0] : f32 from vector<1xf32>
    %add3A_519 = arith.addf %add3A_516, %squeeze3A_518 : f32
    %slice3A_520 = vector.extract_strided_slice %add3A_477 {offsets = [15], sizes = [1], strides = [1]} : vector<16xf32> to vector<1xf32>
    %squeeze3A_521 = vector.extract %slice3A_520[0] : f32 from vector<1xf32>
    %add3A_522 = arith.addf %add3A_519, %squeeze3A_521 : f32
    %broadcast_in_dim3A_523 = vector.broadcast %add3A_522 : f32 to vector<16xf32>
    %div3A_524 = arith.constant 1.000000e+00 : f32
    %div3A_525 = vector.broadcast %div3A_524 : f32 to vector<16xf32>
    %div3A_526 = arith.divf %div3A_525, %broadcast_in_dim3A_523 : vector<16xf32>
    %get3A_527 = arith.constant 0 : i32
    %get3A_528 = arith.constant 1 : i32
    %get3A_529 = arith.index_cast %get3A_527 : i32 to index
    %get3A_530 = arith.index_cast %get3A_528 : i32 to index
    %get3A_531 = arith.constant 0 : index
    %get3A_532 = tpu.vector_load %arg10[%get3A_529, %get3A_530, %get3A_531] {strides = array<i32>} : memref<4x8x16xf32, #tpu.memory_space<vmem>>, vector<1x1x16xf32>,
    %get3A_533 = vector.shape_cast %get3A_532 : vector<1x1x16xf32> to vector<16xf32>
    %get3A_534 = arith.constant 1 : i32
    %get3A_535 = arith.constant 1 : i32
    %get3A_536 = arith.index_cast %get3A_534 : i32 to index
    %get3A_537 = arith.index_cast %get3A_535 : i32 to index
    %get3A_538 = arith.constant 0 : index
    %get3A_539 = tpu.vector_load %arg10[%get3A_536, %get3A_537, %get3A_538] {strides = array<i32>} : memref<4x8x16xf32, #tpu.memory_space<vmem>>, vector<1x1x16xf32>,
    %get3A_540 = vector.shape_cast %get3A_539 : vector<1x1x16xf32> to vector<16xf32>
    %add3A_541 = arith.addf %get3A_533, %get3A_540 : vector<16xf32>
    %get3A_542 = arith.constant 2 : i32
    %get3A_543 = arith.constant 1 : i32
    %get3A_544 = arith.index_cast %get3A_542 : i32 to index
    %get3A_545 = arith.index_cast %get3A_543 : i32 to index
    %get3A_546 = arith.constant 0 : index
    %get3A_547 = tpu.vector_load %arg10[%get3A_544, %get3A_545, %get3A_546] {strides = array<i32>} : memref<4x8x16xf32, #tpu.memory_space<vmem>>, vector<1x1x16xf32>,
    %get3A_548 = vector.shape_cast %get3A_547 : vector<1x1x16xf32> to vector<16xf32>
    %add3A_549 = arith.addf %add3A_541, %get3A_548 : vector<16xf32>
    %get3A_550 = arith.constant 3 : i32
    %get3A_551 = arith.constant 1 : i32
    %get3A_552 = arith.index_cast %get3A_550 : i32 to index
    %get3A_553 = arith.index_cast %get3A_551 : i32 to index
    %get3A_554 = arith.constant 0 : index
    %get3A_555 = tpu.vector_load %arg10[%get3A_552, %get3A_553, %get3A_554] {strides = array<i32>} : memref<4x8x16xf32, #tpu.memory_space<vmem>>, vector<1x1x16xf32>,
    %get3A_556 = vector.shape_cast %get3A_555 : vector<1x1x16xf32> to vector<16xf32>
    %add3A_557 = arith.addf %add3A_549, %get3A_556 : vector<16xf32>
    %slice3A_558 = vector.extract_strided_slice %add3A_557 {offsets = [0], sizes = [1], strides = [1]} : vector<16xf32> to vector<1xf32>
    %squeeze3A_559 = vector.extract %slice3A_558[0] : f32 from vector<1xf32>
    %slice3A_560 = vector.extract_strided_slice %add3A_557 {offsets = [1], sizes = [1], strides = [1]} : vector<16xf32> to vector<1xf32>
    %squeeze3A_561 = vector.extract %slice3A_560[0] : f32 from vector<1xf32>
    %add3A_562 = arith.addf %squeeze3A_559, %squeeze3A_561 : f32
    %slice3A_563 = vector.extract_strided_slice %add3A_557 {offsets = [2], sizes = [1], strides = [1]} : vector<16xf32> to vector<1xf32>
    %squeeze3A_564 = vector.extract %slice3A_563[0] : f32 from vector<1xf32>
    %add3A_565 = arith.addf %add3A_562, %squeeze3A_564 : f32
    %slice3A_566 = vector.extract_strided_slice %add3A_557 {offsets = [3], sizes = [1], strides = [1]} : vector<16xf32> to vector<1xf32>
    %squeeze3A_567 = vector.extract %slice3A_566[0] : f32 from vector<1xf32>
    %add3A_568 = arith.addf %add3A_565, %squeeze3A_567 : f32
    %slice3A_569 = vector.extract_strided_slice %add3A_557 {offsets = [4], sizes = [1], strides = [1]} : vector<16xf32> to vector<1xf32>
    %squeeze3A_570 = vector.extract %slice3A_569[0] : f32 from vector<1xf32>
    %add3A_571 = arith.addf %add3A_568, %squeeze3A_570 : f32
    %slice3A_572 = vector.extract_strided_slice %add3A_557 {offsets = [5], sizes = [1], strides = [1]} : vector<16xf32> to vector<1xf32>
    %squeeze3A_573 = vector.extract %slice3A_572[0] : f32 from vector<1xf32>
    %add3A_574 = arith.addf %add3A_571, %squeeze3A_573 : f32
    %slice3A_575 = vector.extract_strided_slice %add3A_557 {offsets = [6], sizes = [1], strides = [1]} : vector<16xf32> to vector<1xf32>
    %squeeze3A_576 = vector.extract %slice3A_575[0] : f32 from vector<1xf32>
    %add3A_577 = arith.addf %add3A_574, %squeeze3A_576 : f32
    %slice3A_578 = vector.extract_strided_slice %add3A_557 {offsets = [7], sizes = [1], strides = [1]} : vector<16xf32> to vector<1xf32>
    %squeeze3A_579 = vector.extract %slice3A_578[0] : f32 from vector<1xf32>
    %add3A_580 = arith.addf %add3A_577, %squeeze3A_579 : f32
    %slice3A_581 = vector.extract_strided_slice %add3A_557 {offsets = [8], sizes = [1], strides = [1]} : vector<16xf32> to vector<1xf32>
    %squeeze3A_582 = vector.extract %slice3A_581[0] : f32 from vector<1xf32>
    %add3A_583 = arith.addf %add3A_580, %squeeze3A_582 : f32
    %slice3A_584 = vector.extract_strided_slice %add3A_557 {offsets = [9], sizes = [1], strides = [1]} : vector<16xf32> to vector<1xf32>
    %squeeze3A_585 = vector.extract %slice3A_584[0] : f32 from vector<1xf32>
    %add3A_586 = arith.addf %add3A_583, %squeeze3A_585 : f32
    %slice3A_587 = vector.extract_strided_slice %add3A_557 {offsets = [10], sizes = [1], strides = [1]} : vector<16xf32> to vector<1xf32>
    %squeeze3A_588 = vector.extract %slice3A_587[0] : f32 from vector<1xf32>
    %add3A_589 = arith.addf %add3A_586, %squeeze3A_588 : f32
    %slice3A_590 = vector.extract_strided_slice %add3A_557 {offsets = [11], sizes = [1], strides = [1]} : vector<16xf32> to vector<1xf32>
    %squeeze3A_591 = vector.extract %slice3A_590[0] : f32 from vector<1xf32>
    %add3A_592 = arith.addf %add3A_589, %squeeze3A_591 : f32
    %slice3A_593 = vector.extract_strided_slice %add3A_557 {offsets = [12], sizes = [1], strides = [1]} : vector<16xf32> to vector<1xf32>
    %squeeze3A_594 = vector.extract %slice3A_593[0] : f32 from vector<1xf32>
    %add3A_595 = arith.addf %add3A_592, %squeeze3A_594 : f32
    %slice3A_596 = vector.extract_strided_slice %add3A_557 {offsets = [13], sizes = [1], strides = [1]} : vector<16xf32> to vector<1xf32>
    %squeeze3A_597 = vector.extract %slice3A_596[0] : f32 from vector<1xf32>
    %add3A_598 = arith.addf %add3A_595, %squeeze3A_597 : f32
    %slice3A_599 = vector.extract_strided_slice %add3A_557 {offsets = [14], sizes = [1], strides = [1]} : vector<16xf32> to vector<1xf32>
    %squeeze3A_600 = vector.extract %slice3A_599[0] : f32 from vector<1xf32>
    %add3A_601 = arith.addf %add3A_598, %squeeze3A_600 : f32
    %slice3A_602 = vector.extract_strided_slice %add3A_557 {offsets = [15], sizes = [1], strides = [1]} : vector<16xf32> to vector<1xf32>
    %squeeze3A_603 = vector.extract %slice3A_602[0] : f32 from vector<1xf32>
    %add3A_604 = arith.addf %add3A_601, %squeeze3A_603 : f32
    %broadcast_in_dim3A_605 = vector.broadcast %add3A_604 : f32 to vector<16xf32>
    %div3A_606 = arith.constant 1.000000e+00 : f32
    %div3A_607 = vector.broadcast %div3A_606 : f32 to vector<16xf32>
    %div3A_608 = arith.divf %div3A_607, %broadcast_in_dim3A_605 : vector<16xf32>
    %get3A_609 = arith.constant 0 : i32
    %get3A_610 = arith.constant 2 : i32
    %get3A_611 = arith.index_cast %get3A_609 : i32 to index
    %get3A_612 = arith.index_cast %get3A_610 : i32 to index
    %get3A_613 = arith.constant 0 : index
    %get3A_614 = tpu.vector_load %arg10[%get3A_611, %get3A_612, %get3A_613] {strides = array<i32>} : memref<4x8x16xf32, #tpu.memory_space<vmem>>, vector<1x1x16xf32>,
    %get3A_615 = vector.shape_cast %get3A_614 : vector<1x1x16xf32> to vector<16xf32>
    %get3A_616 = arith.constant 1 : i32
    %get3A_617 = arith.constant 2 : i32
    %get3A_618 = arith.index_cast %get3A_616 : i32 to index
    %get3A_619 = arith.index_cast %get3A_617 : i32 to index
    %get3A_620 = arith.constant 0 : index
    %get3A_621 = tpu.vector_load %arg10[%get3A_618, %get3A_619, %get3A_620] {strides = array<i32>} : memref<4x8x16xf32, #tpu.memory_space<vmem>>, vector<1x1x16xf32>,
    %get3A_622 = vector.shape_cast %get3A_621 : vector<1x1x16xf32> to vector<16xf32>
    %add3A_623 = arith.addf %get3A_615, %get3A_622 : vector<16xf32>
    %get3A_624 = arith.constant 2 : i32
    %get3A_625 = arith.constant 2 : i32
    %get3A_626 = arith.index_cast %get3A_624 : i32 to index
    %get3A_627 = arith.index_cast %get3A_625 : i32 to index
    %get3A_628 = arith.constant 0 : index
    %get3A_629 = tpu.vector_load %arg10[%get3A_626, %get3A_627, %get3A_628] {strides = array<i32>} : memref<4x8x16xf32, #tpu.memory_space<vmem>>, vector<1x1x16xf32>,
    %get3A_630 = vector.shape_cast %get3A_629 : vector<1x1x16xf32> to vector<16xf32>
    %add3A_631 = arith.addf %add3A_623, %get3A_630 : vector<16xf32>
    %get3A_632 = arith.constant 3 : i32
    %get3A_633 = arith.constant 2 : i32
    %get3A_634 = arith.index_cast %get3A_632 : i32 to index
    %get3A_635 = arith.index_cast %get3A_633 : i32 to index
    %get3A_636 = arith.constant 0 : index
    %get3A_637 = tpu.vector_load %arg10[%get3A_634, %get3A_635, %get3A_636] {strides = array<i32>} : memref<4x8x16xf32, #tpu.memory_space<vmem>>, vector<1x1x16xf32>,
    %get3A_638 = vector.shape_cast %get3A_637 : vector<1x1x16xf32> to vector<16xf32>
    %add3A_639 = arith.addf %add3A_631, %get3A_638 : vector<16xf32>
    %slice3A_640 = vector.extract_strided_slice %add3A_639 {offsets = [0], sizes = [1], strides = [1]} : vector<16xf32> to vector<1xf32>
    %squeeze3A_641 = vector.extract %slice3A_640[0] : f32 from vector<1xf32>
    %slice3A_642 = vector.extract_strided_slice %add3A_639 {offsets = [1], sizes = [1], strides = [1]} : vector<16xf32> to vector<1xf32>
    %squeeze3A_643 = vector.extract %slice3A_642[0] : f32 from vector<1xf32>
    %add3A_644 = arith.addf %squeeze3A_641, %squeeze3A_643 : f32
    %slice3A_645 = vector.extract_strided_slice %add3A_639 {offsets = [2], sizes = [1], strides = [1]} : vector<16xf32> to vector<1xf32>
    %squeeze3A_646 = vector.extract %slice3A_645[0] : f32 from vector<1xf32>
    %add3A_647 = arith.addf %add3A_644, %squeeze3A_646 : f32
    %slice3A_648 = vector.extract_strided_slice %add3A_639 {offsets = [3], sizes = [1], strides = [1]} : vector<16xf32> to vector<1xf32>
    %squeeze3A_649 = vector.extract %slice3A_648[0] : f32 from vector<1xf32>
    %add3A_650 = arith.addf %add3A_647, %squeeze3A_649 : f32
    %slice3A_651 = vector.extract_strided_slice %add3A_639 {offsets = [4], sizes = [1], strides = [1]} : vector<16xf32> to vector<1xf32>
    %squeeze3A_652 = vector.extract %slice3A_651[0] : f32 from vector<1xf32>
    %add3A_653 = arith.addf %add3A_650, %squeeze3A_652 : f32
    %slice3A_654 = vector.extract_strided_slice %add3A_639 {offsets = [5], sizes = [1], strides = [1]} : vector<16xf32> to vector<1xf32>
    %squeeze3A_655 = vector.extract %slice3A_654[0] : f32 from vector<1xf32>
    %add3A_656 = arith.addf %add3A_653, %squeeze3A_655 : f32
    %slice3A_657 = vector.extract_strided_slice %add3A_639 {offsets = [6], sizes = [1], strides = [1]} : vector<16xf32> to vector<1xf32>
    %squeeze3A_658 = vector.extract %slice3A_657[0] : f32 from vector<1xf32>
    %add3A_659 = arith.addf %add3A_656, %squeeze3A_658 : f32
    %slice3A_660 = vector.extract_strided_slice %add3A_639 {offsets = [7], sizes = [1], strides = [1]} : vector<16xf32> to vector<1xf32>
    %squeeze3A_661 = vector.extract %slice3A_660[0] : f32 from vector<1xf32>
    %add3A_662 = arith.addf %add3A_659, %squeeze3A_661 : f32
    %slice3A_663 = vector.extract_strided_slice %add3A_639 {offsets = [8], sizes = [1], strides = [1]} : vector<16xf32> to vector<1xf32>
    %squeeze3A_664 = vector.extract %slice3A_663[0] : f32 from vector<1xf32>
    %add3A_665 = arith.addf %add3A_662, %squeeze3A_664 : f32
    %slice3A_666 = vector.extract_strided_slice %add3A_639 {offsets = [9], sizes = [1], strides = [1]} : vector<16xf32> to vector<1xf32>
    %squeeze3A_667 = vector.extract %slice3A_666[0] : f32 from vector<1xf32>
    %add3A_668 = arith.addf %add3A_665, %squeeze3A_667 : f32
    %slice3A_669 = vector.extract_strided_slice %add3A_639 {offsets = [10], sizes = [1], strides = [1]} : vector<16xf32> to vector<1xf32>
    %squeeze3A_670 = vector.extract %slice3A_669[0] : f32 from vector<1xf32>
    %add3A_671 = arith.addf %add3A_668, %squeeze3A_670 : f32
    %slice3A_672 = vector.extract_strided_slice %add3A_639 {offsets = [11], sizes = [1], strides = [1]} : vector<16xf32> to vector<1xf32>
    %squeeze3A_673 = vector.extract %slice3A_672[0] : f32 from vector<1xf32>
    %add3A_674 = arith.addf %add3A_671, %squeeze3A_673 : f32
    %slice3A_675 = vector.extract_strided_slice %add3A_639 {offsets = [12], sizes = [1], strides = [1]} : vector<16xf32> to vector<1xf32>
    %squeeze3A_676 = vector.extract %slice3A_675[0] : f32 from vector<1xf32>
    %add3A_677 = arith.addf %add3A_674, %squeeze3A_676 : f32
    %slice3A_678 = vector.extract_strided_slice %add3A_639 {offsets = [13], sizes = [1], strides = [1]} : vector<16xf32> to vector<1xf32>
    %squeeze3A_679 = vector.extract %slice3A_678[0] : f32 from vector<1xf32>
    %add3A_680 = arith.addf %add3A_677, %squeeze3A_679 : f32
    %slice3A_681 = vector.extract_strided_slice %add3A_639 {offsets = [14], sizes = [1], strides = [1]} : vector<16xf32> to vector<1xf32>
    %squeeze3A_682 = vector.extract %slice3A_681[0] : f32 from vector<1xf32>
    %add3A_683 = arith.addf %add3A_680, %squeeze3A_682 : f32
    %slice3A_684 = vector.extract_strided_slice %add3A_639 {offsets = [15], sizes = [1], strides = [1]} : vector<16xf32> to vector<1xf32>
    %squeeze3A_685 = vector.extract %slice3A_684[0] : f32 from vector<1xf32>
    %add3A_686 = arith.addf %add3A_683, %squeeze3A_685 : f32
    %broadcast_in_dim3A_687 = vector.broadcast %add3A_686 : f32 to vector<16xf32>
    %div3A_688 = arith.constant 1.000000e+00 : f32
    %div3A_689 = vector.broadcast %div3A_688 : f32 to vector<16xf32>
    %div3A_690 = arith.divf %div3A_689, %broadcast_in_dim3A_687 : vector<16xf32>
    %get3A_691 = arith.constant 0 : i32
    %get3A_692 = arith.constant 3 : i32
    %get3A_693 = arith.index_cast %get3A_691 : i32 to index
    %get3A_694 = arith.index_cast %get3A_692 : i32 to index
    %get3A_695 = arith.constant 0 : index
    %get3A_696 = tpu.vector_load %arg10[%get3A_693, %get3A_694, %get3A_695] {strides = array<i32>} : memref<4x8x16xf32, #tpu.memory_space<vmem>>, vector<1x1x16xf32>,
    %get3A_697 = vector.shape_cast %get3A_696 : vector<1x1x16xf32> to vector<16xf32>
    %get3A_698 = arith.constant 1 : i32
    %get3A_699 = arith.constant 3 : i32
    %get3A_700 = arith.index_cast %get3A_698 : i32 to index
    %get3A_701 = arith.index_cast %get3A_699 : i32 to index
    %get3A_702 = arith.constant 0 : index
    %get3A_703 = tpu.vector_load %arg10[%get3A_700, %get3A_701, %get3A_702] {strides = array<i32>} : memref<4x8x16xf32, #tpu.memory_space<vmem>>, vector<1x1x16xf32>,
    %get3A_704 = vector.shape_cast %get3A_703 : vector<1x1x16xf32> to vector<16xf32>
    %add3A_705 = arith.addf %get3A_697, %get3A_704 : vector<16xf32>
    %get3A_706 = arith.constant 2 : i32
    %get3A_707 = arith.constant 3 : i32
    %get3A_708 = arith.index_cast %get3A_706 : i32 to index
    %get3A_709 = arith.index_cast %get3A_707 : i32 to index
    %get3A_710 = arith.constant 0 : index
    %get3A_711 = tpu.vector_load %arg10[%get3A_708, %get3A_709, %get3A_710] {strides = array<i32>} : memref<4x8x16xf32, #tpu.memory_space<vmem>>, vector<1x1x16xf32>,
    %get3A_712 = vector.shape_cast %get3A_711 : vector<1x1x16xf32> to vector<16xf32>
    %add3A_713 = arith.addf %add3A_705, %get3A_712 : vector<16xf32>
    %get3A_714 = arith.constant 3 : i32
    %get3A_715 = arith.constant 3 : i32
    %get3A_716 = arith.index_cast %get3A_714 : i32 to index
    %get3A_717 = arith.index_cast %get3A_715 : i32 to index
    %get3A_718 = arith.constant 0 : index
    %get3A_719 = tpu.vector_load %arg10[%get3A_716, %get3A_717, %get3A_718] {strides = array<i32>} : memref<4x8x16xf32, #tpu.memory_space<vmem>>, vector<1x1x16xf32>,
    %get3A_720 = vector.shape_cast %get3A_719 : vector<1x1x16xf32> to vector<16xf32>
    %add3A_721 = arith.addf %add3A_713, %get3A_720 : vector<16xf32>
    %slice3A_722 = vector.extract_strided_slice %add3A_721 {offsets = [0], sizes = [1], strides = [1]} : vector<16xf32> to vector<1xf32>
    %squeeze3A_723 = vector.extract %slice3A_722[0] : f32 from vector<1xf32>
    %slice3A_724 = vector.extract_strided_slice %add3A_721 {offsets = [1], sizes = [1], strides = [1]} : vector<16xf32> to vector<1xf32>
    %squeeze3A_725 = vector.extract %slice3A_724[0] : f32 from vector<1xf32>
    %add3A_726 = arith.addf %squeeze3A_723, %squeeze3A_725 : f32
    %slice3A_727 = vector.extract_strided_slice %add3A_721 {offsets = [2], sizes = [1], strides = [1]} : vector<16xf32> to vector<1xf32>
    %squeeze3A_728 = vector.extract %slice3A_727[0] : f32 from vector<1xf32>
    %add3A_729 = arith.addf %add3A_726, %squeeze3A_728 : f32
    %slice3A_730 = vector.extract_strided_slice %add3A_721 {offsets = [3], sizes = [1], strides = [1]} : vector<16xf32> to vector<1xf32>
    %squeeze3A_731 = vector.extract %slice3A_730[0] : f32 from vector<1xf32>
    %add3A_732 = arith.addf %add3A_729, %squeeze3A_731 : f32
    %slice3A_733 = vector.extract_strided_slice %add3A_721 {offsets = [4], sizes = [1], strides = [1]} : vector<16xf32> to vector<1xf32>
    %squeeze3A_734 = vector.extract %slice3A_733[0] : f32 from vector<1xf32>
    %add3A_735 = arith.addf %add3A_732, %squeeze3A_734 : f32
    %slice3A_736 = vector.extract_strided_slice %add3A_721 {offsets = [5], sizes = [1], strides = [1]} : vector<16xf32> to vector<1xf32>
    %squeeze3A_737 = vector.extract %slice3A_736[0] : f32 from vector<1xf32>
    %add3A_738 = arith.addf %add3A_735, %squeeze3A_737 : f32
    %slice3A_739 = vector.extract_strided_slice %add3A_721 {offsets = [6], sizes = [1], strides = [1]} : vector<16xf32> to vector<1xf32>
    %squeeze3A_740 = vector.extract %slice3A_739[0] : f32 from vector<1xf32>
    %add3A_741 = arith.addf %add3A_738, %squeeze3A_740 : f32
    %slice3A_742 = vector.extract_strided_slice %add3A_721 {offsets = [7], sizes = [1], strides = [1]} : vector<16xf32> to vector<1xf32>
    %squeeze3A_743 = vector.extract %slice3A_742[0] : f32 from vector<1xf32>
    %add3A_744 = arith.addf %add3A_741, %squeeze3A_743 : f32
    %slice3A_745 = vector.extract_strided_slice %add3A_721 {offsets = [8], sizes = [1], strides = [1]} : vector<16xf32> to vector<1xf32>
    %squeeze3A_746 = vector.extract %slice3A_745[0] : f32 from vector<1xf32>
    %add3A_747 = arith.addf %add3A_744, %squeeze3A_746 : f32
    %slice3A_748 = vector.extract_strided_slice %add3A_721 {offsets = [9], sizes = [1], strides = [1]} : vector<16xf32> to vector<1xf32>
    %squeeze3A_749 = vector.extract %slice3A_748[0] : f32 from vector<1xf32>
    %add3A_750 = arith.addf %add3A_747, %squeeze3A_749 : f32
    %slice3A_751 = vector.extract_strided_slice %add3A_721 {offsets = [10], sizes = [1], strides = [1]} : vector<16xf32> to vector<1xf32>
    %squeeze3A_752 = vector.extract %slice3A_751[0] : f32 from vector<1xf32>
    %add3A_753 = arith.addf %add3A_750, %squeeze3A_752 : f32
    %slice3A_754 = vector.extract_strided_slice %add3A_721 {offsets = [11], sizes = [1], strides = [1]} : vector<16xf32> to vector<1xf32>
    %squeeze3A_755 = vector.extract %slice3A_754[0] : f32 from vector<1xf32>
    %add3A_756 = arith.addf %add3A_753, %squeeze3A_755 : f32
    %slice3A_757 = vector.extract_strided_slice %add3A_721 {offsets = [12], sizes = [1], strides = [1]} : vector<16xf32> to vector<1xf32>
    %squeeze3A_758 = vector.extract %slice3A_757[0] : f32 from vector<1xf32>
    %add3A_759 = arith.addf %add3A_756, %squeeze3A_758 : f32
    %slice3A_760 = vector.extract_strided_slice %add3A_721 {offsets = [13], sizes = [1], strides = [1]} : vector<16xf32> to vector<1xf32>
    %squeeze3A_761 = vector.extract %slice3A_760[0] : f32 from vector<1xf32>
    %add3A_762 = arith.addf %add3A_759, %squeeze3A_761 : f32
    %slice3A_763 = vector.extract_strided_slice %add3A_721 {offsets = [14], sizes = [1], strides = [1]} : vector<16xf32> to vector<1xf32>
    %squeeze3A_764 = vector.extract %slice3A_763[0] : f32 from vector<1xf32>
    %add3A_765 = arith.addf %add3A_762, %squeeze3A_764 : f32
    %slice3A_766 = vector.extract_strided_slice %add3A_721 {offsets = [15], sizes = [1], strides = [1]} : vector<16xf32> to vector<1xf32>
    %squeeze3A_767 = vector.extract %slice3A_766[0] : f32 from vector<1xf32>
    %add3A_768 = arith.addf %add3A_765, %squeeze3A_767 : f32
    %broadcast_in_dim3A_769 = vector.broadcast %add3A_768 : f32 to vector<16xf32>
    %div3A_770 = arith.constant 1.000000e+00 : f32
    %div3A_771 = vector.broadcast %div3A_770 : f32 to vector<16xf32>
    %div3A_772 = arith.divf %div3A_771, %broadcast_in_dim3A_769 : vector<16xf32>
    %get3A_773 = arith.constant 0 : i32
    %get3A_774 = arith.constant 4 : i32
    %get3A_775 = arith.index_cast %get3A_773 : i32 to index
    %get3A_776 = arith.index_cast %get3A_774 : i32 to index
    %get3A_777 = arith.constant 0 : index
    %get3A_778 = tpu.vector_load %arg10[%get3A_775, %get3A_776, %get3A_777] {strides = array<i32>} : memref<4x8x16xf32, #tpu.memory_space<vmem>>, vector<1x1x16xf32>,
    %get3A_779 = vector.shape_cast %get3A_778 : vector<1x1x16xf32> to vector<16xf32>
    %get3A_780 = arith.constant 1 : i32
    %get3A_781 = arith.constant 4 : i32
    %get3A_782 = arith.index_cast %get3A_780 : i32 to index
    %get3A_783 = arith.index_cast %get3A_781 : i32 to index
    %get3A_784 = arith.constant 0 : index
    %get3A_785 = tpu.vector_load %arg10[%get3A_782, %get3A_783, %get3A_784] {strides = array<i32>} : memref<4x8x16xf32, #tpu.memory_space<vmem>>, vector<1x1x16xf32>,
    %get3A_786 = vector.shape_cast %get3A_785 : vector<1x1x16xf32> to vector<16xf32>
    %add3A_787 = arith.addf %get3A_779, %get3A_786 : vector<16xf32>
    %get3A_788 = arith.constant 2 : i32
    %get3A_789 = arith.constant 4 : i32
    %get3A_790 = arith.index_cast %get3A_788 : i32 to index
    %get3A_791 = arith.index_cast %get3A_789 : i32 to index
    %get3A_792 = arith.constant 0 : index
    %get3A_793 = tpu.vector_load %arg10[%get3A_790, %get3A_791, %get3A_792] {strides = array<i32>} : memref<4x8x16xf32, #tpu.memory_space<vmem>>, vector<1x1x16xf32>,
    %get3A_794 = vector.shape_cast %get3A_793 : vector<1x1x16xf32> to vector<16xf32>
    %add3A_795 = arith.addf %add3A_787, %get3A_794 : vector<16xf32>
    %get3A_796 = arith.constant 3 : i32
    %get3A_797 = arith.constant 4 : i32
    %get3A_798 = arith.index_cast %get3A_796 : i32 to index
    %get3A_799 = arith.index_cast %get3A_797 : i32 to index
    %get3A_800 = arith.constant 0 : index
    %get3A_801 = tpu.vector_load %arg10[%get3A_798, %get3A_799, %get3A_800] {strides = array<i32>} : memref<4x8x16xf32, #tpu.memory_space<vmem>>, vector<1x1x16xf32>,
    %get3A_802 = vector.shape_cast %get3A_801 : vector<1x1x16xf32> to vector<16xf32>
    %add3A_803 = arith.addf %add3A_795, %get3A_802 : vector<16xf32>
    %slice3A_804 = vector.extract_strided_slice %add3A_803 {offsets = [0], sizes = [1], strides = [1]} : vector<16xf32> to vector<1xf32>
    %squeeze3A_805 = vector.extract %slice3A_804[0] : f32 from vector<1xf32>
    %slice3A_806 = vector.extract_strided_slice %add3A_803 {offsets = [1], sizes = [1], strides = [1]} : vector<16xf32> to vector<1xf32>
    %squeeze3A_807 = vector.extract %slice3A_806[0] : f32 from vector<1xf32>
    %add3A_808 = arith.addf %squeeze3A_805, %squeeze3A_807 : f32
    %slice3A_809 = vector.extract_strided_slice %add3A_803 {offsets = [2], sizes = [1], strides = [1]} : vector<16xf32> to vector<1xf32>
    %squeeze3A_810 = vector.extract %slice3A_809[0] : f32 from vector<1xf32>
    %add3A_811 = arith.addf %add3A_808, %squeeze3A_810 : f32
    %slice3A_812 = vector.extract_strided_slice %add3A_803 {offsets = [3], sizes = [1], strides = [1]} : vector<16xf32> to vector<1xf32>
    %squeeze3A_813 = vector.extract %slice3A_812[0] : f32 from vector<1xf32>
    %add3A_814 = arith.addf %add3A_811, %squeeze3A_813 : f32
    %slice3A_815 = vector.extract_strided_slice %add3A_803 {offsets = [4], sizes = [1], strides = [1]} : vector<16xf32> to vector<1xf32>
    %squeeze3A_816 = vector.extract %slice3A_815[0] : f32 from vector<1xf32>
    %add3A_817 = arith.addf %add3A_814, %squeeze3A_816 : f32
    %slice3A_818 = vector.extract_strided_slice %add3A_803 {offsets = [5], sizes = [1], strides = [1]} : vector<16xf32> to vector<1xf32>
    %squeeze3A_819 = vector.extract %slice3A_818[0] : f32 from vector<1xf32>
    %add3A_820 = arith.addf %add3A_817, %squeeze3A_819 : f32
    %slice3A_821 = vector.extract_strided_slice %add3A_803 {offsets = [6], sizes = [1], strides = [1]} : vector<16xf32> to vector<1xf32>
    %squeeze3A_822 = vector.extract %slice3A_821[0] : f32 from vector<1xf32>
    %add3A_823 = arith.addf %add3A_820, %squeeze3A_822 : f32
    %slice3A_824 = vector.extract_strided_slice %add3A_803 {offsets = [7], sizes = [1], strides = [1]} : vector<16xf32> to vector<1xf32>
    %squeeze3A_825 = vector.extract %slice3A_824[0] : f32 from vector<1xf32>
    %add3A_826 = arith.addf %add3A_823, %squeeze3A_825 : f32
    %slice3A_827 = vector.extract_strided_slice %add3A_803 {offsets = [8], sizes = [1], strides = [1]} : vector<16xf32> to vector<1xf32>
    %squeeze3A_828 = vector.extract %slice3A_827[0] : f32 from vector<1xf32>
    %add3A_829 = arith.addf %add3A_826, %squeeze3A_828 : f32
    %slice3A_830 = vector.extract_strided_slice %add3A_803 {offsets = [9], sizes = [1], strides = [1]} : vector<16xf32> to vector<1xf32>
    %squeeze3A_831 = vector.extract %slice3A_830[0] : f32 from vector<1xf32>
    %add3A_832 = arith.addf %add3A_829, %squeeze3A_831 : f32
    %slice3A_833 = vector.extract_strided_slice %add3A_803 {offsets = [10], sizes = [1], strides = [1]} : vector<16xf32> to vector<1xf32>
    %squeeze3A_834 = vector.extract %slice3A_833[0] : f32 from vector<1xf32>
    %add3A_835 = arith.addf %add3A_832, %squeeze3A_834 : f32
    %slice3A_836 = vector.extract_strided_slice %add3A_803 {offsets = [11], sizes = [1], strides = [1]} : vector<16xf32> to vector<1xf32>
    %squeeze3A_837 = vector.extract %slice3A_836[0] : f32 from vector<1xf32>
    %add3A_838 = arith.addf %add3A_835, %squeeze3A_837 : f32
    %slice3A_839 = vector.extract_strided_slice %add3A_803 {offsets = [12], sizes = [1], strides = [1]} : vector<16xf32> to vector<1xf32>
    %squeeze3A_840 = vector.extract %slice3A_839[0] : f32 from vector<1xf32>
    %add3A_841 = arith.addf %add3A_838, %squeeze3A_840 : f32
    %slice3A_842 = vector.extract_strided_slice %add3A_803 {offsets = [13], sizes = [1], strides = [1]} : vector<16xf32> to vector<1xf32>
    %squeeze3A_843 = vector.extract %slice3A_842[0] : f32 from vector<1xf32>
    %add3A_844 = arith.addf %add3A_841, %squeeze3A_843 : f32
    %slice3A_845 = vector.extract_strided_slice %add3A_803 {offsets = [14], sizes = [1], strides = [1]} : vector<16xf32> to vector<1xf32>
    %squeeze3A_846 = vector.extract %slice3A_845[0] : f32 from vector<1xf32>
    %add3A_847 = arith.addf %add3A_844, %squeeze3A_846 : f32
    %slice3A_848 = vector.extract_strided_slice %add3A_803 {offsets = [15], sizes = [1], strides = [1]} : vector<16xf32> to vector<1xf32>
    %squeeze3A_849 = vector.extract %slice3A_848[0] : f32 from vector<1xf32>
    %add3A_850 = arith.addf %add3A_847, %squeeze3A_849 : f32
    %broadcast_in_dim3A_851 = vector.broadcast %add3A_850 : f32 to vector<16xf32>
    %div3A_852 = arith.constant 1.000000e+00 : f32
    %div3A_853 = vector.broadcast %div3A_852 : f32 to vector<16xf32>
    %div3A_854 = arith.divf %div3A_853, %broadcast_in_dim3A_851 : vector<16xf32>
    %get3A_855 = arith.constant 0 : i32
    %get3A_856 = arith.constant 5 : i32
    %get3A_857 = arith.index_cast %get3A_855 : i32 to index
    %get3A_858 = arith.index_cast %get3A_856 : i32 to index
    %get3A_859 = arith.constant 0 : index
    %get3A_860 = tpu.vector_load %arg10[%get3A_857, %get3A_858, %get3A_859] {strides = array<i32>} : memref<4x8x16xf32, #tpu.memory_space<vmem>>, vector<1x1x16xf32>,
    %get3A_861 = vector.shape_cast %get3A_860 : vector<1x1x16xf32> to vector<16xf32>
    %get3A_862 = arith.constant 1 : i32
    %get3A_863 = arith.constant 5 : i32
    %get3A_864 = arith.index_cast %get3A_862 : i32 to index
    %get3A_865 = arith.index_cast %get3A_863 : i32 to index
    %get3A_866 = arith.constant 0 : index
    %get3A_867 = tpu.vector_load %arg10[%get3A_864, %get3A_865, %get3A_866] {strides = array<i32>} : memref<4x8x16xf32, #tpu.memory_space<vmem>>, vector<1x1x16xf32>,
    %get3A_868 = vector.shape_cast %get3A_867 : vector<1x1x16xf32> to vector<16xf32>
    %add3A_869 = arith.addf %get3A_861, %get3A_868 : vector<16xf32>
    %get3A_870 = arith.constant 2 : i32
    %get3A_871 = arith.constant 5 : i32
    %get3A_872 = arith.index_cast %get3A_870 : i32 to index
    %get3A_873 = arith.index_cast %get3A_871 : i32 to index
    %get3A_874 = arith.constant 0 : index
    %get3A_875 = tpu.vector_load %arg10[%get3A_872, %get3A_873, %get3A_874] {strides = array<i32>} : memref<4x8x16xf32, #tpu.memory_space<vmem>>, vector<1x1x16xf32>,
    %get3A_876 = vector.shape_cast %get3A_875 : vector<1x1x16xf32> to vector<16xf32>
    %add3A_877 = arith.addf %add3A_869, %get3A_876 : vector<16xf32>
    %get3A_878 = arith.constant 3 : i32
    %get3A_879 = arith.constant 5 : i32
    %get3A_880 = arith.index_cast %get3A_878 : i32 to index
    %get3A_881 = arith.index_cast %get3A_879 : i32 to index
    %get3A_882 = arith.constant 0 : index
    %get3A_883 = tpu.vector_load %arg10[%get3A_880, %get3A_881, %get3A_882] {strides = array<i32>} : memref<4x8x16xf32, #tpu.memory_space<vmem>>, vector<1x1x16xf32>,
    %get3A_884 = vector.shape_cast %get3A_883 : vector<1x1x16xf32> to vector<16xf32>
    %add3A_885 = arith.addf %add3A_877, %get3A_884 : vector<16xf32>
    %slice3A_886 = vector.extract_strided_slice %add3A_885 {offsets = [0], sizes = [1], strides = [1]} : vector<16xf32> to vector<1xf32>
    %squeeze3A_887 = vector.extract %slice3A_886[0] : f32 from vector<1xf32>
    %slice3A_888 = vector.extract_strided_slice %add3A_885 {offsets = [1], sizes = [1], strides = [1]} : vector<16xf32> to vector<1xf32>
    %squeeze3A_889 = vector.extract %slice3A_888[0] : f32 from vector<1xf32>
    %add3A_890 = arith.addf %squeeze3A_887, %squeeze3A_889 : f32
    %slice3A_891 = vector.extract_strided_slice %add3A_885 {offsets = [2], sizes = [1], strides = [1]} : vector<16xf32> to vector<1xf32>
    %squeeze3A_892 = vector.extract %slice3A_891[0] : f32 from vector<1xf32>
    %add3A_893 = arith.addf %add3A_890, %squeeze3A_892 : f32
    %slice3A_894 = vector.extract_strided_slice %add3A_885 {offsets = [3], sizes = [1], strides = [1]} : vector<16xf32> to vector<1xf32>
    %squeeze3A_895 = vector.extract %slice3A_894[0] : f32 from vector<1xf32>
    %add3A_896 = arith.addf %add3A_893, %squeeze3A_895 : f32
    %slice3A_897 = vector.extract_strided_slice %add3A_885 {offsets = [4], sizes = [1], strides = [1]} : vector<16xf32> to vector<1xf32>
    %squeeze3A_898 = vector.extract %slice3A_897[0] : f32 from vector<1xf32>
    %add3A_899 = arith.addf %add3A_896, %squeeze3A_898 : f32
    %slice3A_900 = vector.extract_strided_slice %add3A_885 {offsets = [5], sizes = [1], strides = [1]} : vector<16xf32> to vector<1xf32>
    %squeeze3A_901 = vector.extract %slice3A_900[0] : f32 from vector<1xf32>
    %add3A_902 = arith.addf %add3A_899, %squeeze3A_901 : f32
    %slice3A_903 = vector.extract_strided_slice %add3A_885 {offsets = [6], sizes = [1], strides = [1]} : vector<16xf32> to vector<1xf32>
    %squeeze3A_904 = vector.extract %slice3A_903[0] : f32 from vector<1xf32>
    %add3A_905 = arith.addf %add3A_902, %squeeze3A_904 : f32
    %slice3A_906 = vector.extract_strided_slice %add3A_885 {offsets = [7], sizes = [1], strides = [1]} : vector<16xf32> to vector<1xf32>
    %squeeze3A_907 = vector.extract %slice3A_906[0] : f32 from vector<1xf32>
    %add3A_908 = arith.addf %add3A_905, %squeeze3A_907 : f32
    %slice3A_909 = vector.extract_strided_slice %add3A_885 {offsets = [8], sizes = [1], strides = [1]} : vector<16xf32> to vector<1xf32>
    %squeeze3A_910 = vector.extract %slice3A_909[0] : f32 from vector<1xf32>
    %add3A_911 = arith.addf %add3A_908, %squeeze3A_910 : f32
    %slice3A_912 = vector.extract_strided_slice %add3A_885 {offsets = [9], sizes = [1], strides = [1]} : vector<16xf32> to vector<1xf32>
    %squeeze3A_913 = vector.extract %slice3A_912[0] : f32 from vector<1xf32>
    %add3A_914 = arith.addf %add3A_911, %squeeze3A_913 : f32
    %slice3A_915 = vector.extract_strided_slice %add3A_885 {offsets = [10], sizes = [1], strides = [1]} : vector<16xf32> to vector<1xf32>
    %squeeze3A_916 = vector.extract %slice3A_915[0] : f32 from vector<1xf32>
    %add3A_917 = arith.addf %add3A_914, %squeeze3A_916 : f32
    %slice3A_918 = vector.extract_strided_slice %add3A_885 {offsets = [11], sizes = [1], strides = [1]} : vector<16xf32> to vector<1xf32>
    %squeeze3A_919 = vector.extract %slice3A_918[0] : f32 from vector<1xf32>
    %add3A_920 = arith.addf %add3A_917, %squeeze3A_919 : f32
    %slice3A_921 = vector.extract_strided_slice %add3A_885 {offsets = [12], sizes = [1], strides = [1]} : vector<16xf32> to vector<1xf32>
    %squeeze3A_922 = vector.extract %slice3A_921[0] : f32 from vector<1xf32>
    %add3A_923 = arith.addf %add3A_920, %squeeze3A_922 : f32
    %slice3A_924 = vector.extract_strided_slice %add3A_885 {offsets = [13], sizes = [1], strides = [1]} : vector<16xf32> to vector<1xf32>
    %squeeze3A_925 = vector.extract %slice3A_924[0] : f32 from vector<1xf32>
    %add3A_926 = arith.addf %add3A_923, %squeeze3A_925 : f32
    %slice3A_927 = vector.extract_strided_slice %add3A_885 {offsets = [14], sizes = [1], strides = [1]} : vector<16xf32> to vector<1xf32>
    %squeeze3A_928 = vector.extract %slice3A_927[0] : f32 from vector<1xf32>
    %add3A_929 = arith.addf %add3A_926, %squeeze3A_928 : f32
    %slice3A_930 = vector.extract_strided_slice %add3A_885 {offsets = [15], sizes = [1], strides = [1]} : vector<16xf32> to vector<1xf32>
    %squeeze3A_931 = vector.extract %slice3A_930[0] : f32 from vector<1xf32>
    %add3A_932 = arith.addf %add3A_929, %squeeze3A_931 : f32
    %broadcast_in_dim3A_933 = vector.broadcast %add3A_932 : f32 to vector<16xf32>
    %div3A_934 = arith.constant 1.000000e+00 : f32
    %div3A_935 = vector.broadcast %div3A_934 : f32 to vector<16xf32>
    %div3A_936 = arith.divf %div3A_935, %broadcast_in_dim3A_933 : vector<16xf32>
    %get3A_937 = arith.constant 0 : i32
    %get3A_938 = arith.constant 6 : i32
    %get3A_939 = arith.index_cast %get3A_937 : i32 to index
    %get3A_940 = arith.index_cast %get3A_938 : i32 to index
    %get3A_941 = arith.constant 0 : index
    %get3A_942 = tpu.vector_load %arg10[%get3A_939, %get3A_940, %get3A_941] {strides = array<i32>} : memref<4x8x16xf32, #tpu.memory_space<vmem>>, vector<1x1x16xf32>,
    %get3A_943 = vector.shape_cast %get3A_942 : vector<1x1x16xf32> to vector<16xf32>
    %get3A_944 = arith.constant 1 : i32
    %get3A_945 = arith.constant 6 : i32
    %get3A_946 = arith.index_cast %get3A_944 : i32 to index
    %get3A_947 = arith.index_cast %get3A_945 : i32 to index
    %get3A_948 = arith.constant 0 : index
    %get3A_949 = tpu.vector_load %arg10[%get3A_946, %get3A_947, %get3A_948] {strides = array<i32>} : memref<4x8x16xf32, #tpu.memory_space<vmem>>, vector<1x1x16xf32>,
    %get3A_950 = vector.shape_cast %get3A_949 : vector<1x1x16xf32> to vector<16xf32>
    %add3A_951 = arith.addf %get3A_943, %get3A_950 : vector<16xf32>
    %get3A_952 = arith.constant 2 : i32
    %get3A_953 = arith.constant 6 : i32
    %get3A_954 = arith.index_cast %get3A_952 : i32 to index
    %get3A_955 = arith.index_cast %get3A_953 : i32 to index
    %get3A_956 = arith.constant 0 : index
    %get3A_957 = tpu.vector_load %arg10[%get3A_954, %get3A_955, %get3A_956] {strides = array<i32>} : memref<4x8x16xf32, #tpu.memory_space<vmem>>, vector<1x1x16xf32>,
    %get3A_958 = vector.shape_cast %get3A_957 : vector<1x1x16xf32> to vector<16xf32>
    %add3A_959 = arith.addf %add3A_951, %get3A_958 : vector<16xf32>
    %get3A_960 = arith.constant 3 : i32
    %get3A_961 = arith.constant 6 : i32
    %get3A_962 = arith.index_cast %get3A_960 : i32 to index
    %get3A_963 = arith.index_cast %get3A_961 : i32 to index
    %get3A_964 = arith.constant 0 : index
    %get3A_965 = tpu.vector_load %arg10[%get3A_962, %get3A_963, %get3A_964] {strides = array<i32>} : memref<4x8x16xf32, #tpu.memory_space<vmem>>, vector<1x1x16xf32>,
    %get3A_966 = vector.shape_cast %get3A_965 : vector<1x1x16xf32> to vector<16xf32>
    %add3A_967 = arith.addf %add3A_959, %get3A_966 : vector<16xf32>
    %slice3A_968 = vector.extract_strided_slice %add3A_967 {offsets = [0], sizes = [1], strides = [1]} : vector<16xf32> to vector<1xf32>
    %squeeze3A_969 = vector.extract %slice3A_968[0] : f32 from vector<1xf32>
    %slice3A_970 = vector.extract_strided_slice %add3A_967 {offsets = [1], sizes = [1], strides = [1]} : vector<16xf32> to vector<1xf32>
    %squeeze3A_971 = vector.extract %slice3A_970[0] : f32 from vector<1xf32>
    %add3A_972 = arith.addf %squeeze3A_969, %squeeze3A_971 : f32
    %slice3A_973 = vector.extract_strided_slice %add3A_967 {offsets = [2], sizes = [1], strides = [1]} : vector<16xf32> to vector<1xf32>
    %squeeze3A_974 = vector.extract %slice3A_973[0] : f32 from vector<1xf32>
    %add3A_975 = arith.addf %add3A_972, %squeeze3A_974 : f32
    %slice3A_976 = vector.extract_strided_slice %add3A_967 {offsets = [3], sizes = [1], strides = [1]} : vector<16xf32> to vector<1xf32>
    %squeeze3A_977 = vector.extract %slice3A_976[0] : f32 from vector<1xf32>
    %add3A_978 = arith.addf %add3A_975, %squeeze3A_977 : f32
    %slice3A_979 = vector.extract_strided_slice %add3A_967 {offsets = [4], sizes = [1], strides = [1]} : vector<16xf32> to vector<1xf32>
    %squeeze3A_980 = vector.extract %slice3A_979[0] : f32 from vector<1xf32>
    %add3A_981 = arith.addf %add3A_978, %squeeze3A_980 : f32
    %slice3A_982 = vector.extract_strided_slice %add3A_967 {offsets = [5], sizes = [1], strides = [1]} : vector<16xf32> to vector<1xf32>
    %squeeze3A_983 = vector.extract %slice3A_982[0] : f32 from vector<1xf32>
    %add3A_984 = arith.addf %add3A_981, %squeeze3A_983 : f32
    %slice3A_985 = vector.extract_strided_slice %add3A_967 {offsets = [6], sizes = [1], strides = [1]} : vector<16xf32> to vector<1xf32>
    %squeeze3A_986 = vector.extract %slice3A_985[0] : f32 from vector<1xf32>
    %add3A_987 = arith.addf %add3A_984, %squeeze3A_986 : f32
    %slice3A_988 = vector.extract_strided_slice %add3A_967 {offsets = [7], sizes = [1], strides = [1]} : vector<16xf32> to vector<1xf32>
    %squeeze3A_989 = vector.extract %slice3A_988[0] : f32 from vector<1xf32>
    %add3A_990 = arith.addf %add3A_987, %squeeze3A_989 : f32
    %slice3A_991 = vector.extract_strided_slice %add3A_967 {offsets = [8], sizes = [1], strides = [1]} : vector<16xf32> to vector<1xf32>
    %squeeze3A_992 = vector.extract %slice3A_991[0] : f32 from vector<1xf32>
    %add3A_993 = arith.addf %add3A_990, %squeeze3A_992 : f32
    %slice3A_994 = vector.extract_strided_slice %add3A_967 {offsets = [9], sizes = [1], strides = [1]} : vector<16xf32> to vector<1xf32>
    %squeeze3A_995 = vector.extract %slice3A_994[0] : f32 from vector<1xf32>
    %add3A_996 = arith.addf %add3A_993, %squeeze3A_995 : f32
    %slice3A_997 = vector.extract_strided_slice %add3A_967 {offsets = [10], sizes = [1], strides = [1]} : vector<16xf32> to vector<1xf32>
    %squeeze3A_998 = vector.extract %slice3A_997[0] : f32 from vector<1xf32>
    %add3A_999 = arith.addf %add3A_996, %squeeze3A_998 : f32
    %slice3A_1000 = vector.extract_strided_slice %add3A_967 {offsets = [11], sizes = [1], strides = [1]} : vector<16xf32> to vector<1xf32>
    %squeeze3A_1001 = vector.extract %slice3A_1000[0] : f32 from vector<1xf32>
    %add3A_1002 = arith.addf %add3A_999, %squeeze3A_1001 : f32
    %slice3A_1003 = vector.extract_strided_slice %add3A_967 {offsets = [12], sizes = [1], strides = [1]} : vector<16xf32> to vector<1xf32>
    %squeeze3A_1004 = vector.extract %slice3A_1003[0] : f32 from vector<1xf32>
    %add3A_1005 = arith.addf %add3A_1002, %squeeze3A_1004 : f32
    %slice3A_1006 = vector.extract_strided_slice %add3A_967 {offsets = [13], sizes = [1], strides = [1]} : vector<16xf32> to vector<1xf32>
    %squeeze3A_1007 = vector.extract %slice3A_1006[0] : f32 from vector<1xf32>
    %add3A_1008 = arith.addf %add3A_1005, %squeeze3A_1007 : f32
    %slice3A_1009 = vector.extract_strided_slice %add3A_967 {offsets = [14], sizes = [1], strides = [1]} : vector<16xf32> to vector<1xf32>
    %squeeze3A_1010 = vector.extract %slice3A_1009[0] : f32 from vector<1xf32>
    %add3A_1011 = arith.addf %add3A_1008, %squeeze3A_1010 : f32
    %slice3A_1012 = vector.extract_strided_slice %add3A_967 {offsets = [15], sizes = [1], strides = [1]} : vector<16xf32> to vector<1xf32>
    %squeeze3A_1013 = vector.extract %slice3A_1012[0] : f32 from vector<1xf32>
    %add3A_1014 = arith.addf %add3A_1011, %squeeze3A_1013 : f32
    %broadcast_in_dim3A_1015 = vector.broadcast %add3A_1014 : f32 to vector<16xf32>
    %div3A_1016 = arith.constant 1.000000e+00 : f32
    %div3A_1017 = vector.broadcast %div3A_1016 : f32 to vector<16xf32>
    %div3A_1018 = arith.divf %div3A_1017, %broadcast_in_dim3A_1015 : vector<16xf32>
    %get3A_1019 = arith.constant 0 : i32
    %get3A_1020 = arith.constant 7 : i32
    %get3A_1021 = arith.index_cast %get3A_1019 : i32 to index
    %get3A_1022 = arith.index_cast %get3A_1020 : i32 to index
    %get3A_1023 = arith.constant 0 : index
    %get3A_1024 = tpu.vector_load %arg10[%get3A_1021, %get3A_1022, %get3A_1023] {strides = array<i32>} : memref<4x8x16xf32, #tpu.memory_space<vmem>>, vector<1x1x16xf32>,
    %get3A_1025 = vector.shape_cast %get3A_1024 : vector<1x1x16xf32> to vector<16xf32>
    %get3A_1026 = arith.constant 1 : i32
    %get3A_1027 = arith.constant 7 : i32
    %get3A_1028 = arith.index_cast %get3A_1026 : i32 to index
    %get3A_1029 = arith.index_cast %get3A_1027 : i32 to index
    %get3A_1030 = arith.constant 0 : index
    %get3A_1031 = tpu.vector_load %arg10[%get3A_1028, %get3A_1029, %get3A_1030] {strides = array<i32>} : memref<4x8x16xf32, #tpu.memory_space<vmem>>, vector<1x1x16xf32>,
    %get3A_1032 = vector.shape_cast %get3A_1031 : vector<1x1x16xf32> to vector<16xf32>
    %add3A_1033 = arith.addf %get3A_1025, %get3A_1032 : vector<16xf32>
    %get3A_1034 = arith.constant 2 : i32
    %get3A_1035 = arith.constant 7 : i32
    %get3A_1036 = arith.index_cast %get3A_1034 : i32 to index
    %get3A_1037 = arith.index_cast %get3A_1035 : i32 to index
    %get3A_1038 = arith.constant 0 : index
    %get3A_1039 = tpu.vector_load %arg10[%get3A_1036, %get3A_1037, %get3A_1038] {strides = array<i32>} : memref<4x8x16xf32, #tpu.memory_space<vmem>>, vector<1x1x16xf32>,
    %get3A_1040 = vector.shape_cast %get3A_1039 : vector<1x1x16xf32> to vector<16xf32>
    %add3A_1041 = arith.addf %add3A_1033, %get3A_1040 : vector<16xf32>
    %get3A_1042 = arith.constant 3 : i32
    %get3A_1043 = arith.constant 7 : i32
    %get3A_1044 = arith.index_cast %get3A_1042 : i32 to index
    %get3A_1045 = arith.index_cast %get3A_1043 : i32 to index
    %get3A_1046 = arith.constant 0 : index
    %get3A_1047 = tpu.vector_load %arg10[%get3A_1044, %get3A_1045, %get3A_1046] {strides = array<i32>} : memref<4x8x16xf32, #tpu.memory_space<vmem>>, vector<1x1x16xf32>,
    %get3A_1048 = vector.shape_cast %get3A_1047 : vector<1x1x16xf32> to vector<16xf32>
    %add3A_1049 = arith.addf %add3A_1041, %get3A_1048 : vector<16xf32>
    %slice3A_1050 = vector.extract_strided_slice %add3A_1049 {offsets = [0], sizes = [1], strides = [1]} : vector<16xf32> to vector<1xf32>
    %squeeze3A_1051 = vector.extract %slice3A_1050[0] : f32 from vector<1xf32>
    %slice3A_1052 = vector.extract_strided_slice %add3A_1049 {offsets = [1], sizes = [1], strides = [1]} : vector<16xf32> to vector<1xf32>
    %squeeze3A_1053 = vector.extract %slice3A_1052[0] : f32 from vector<1xf32>
    %add3A_1054 = arith.addf %squeeze3A_1051, %squeeze3A_1053 : f32
    %slice3A_1055 = vector.extract_strided_slice %add3A_1049 {offsets = [2], sizes = [1], strides = [1]} : vector<16xf32> to vector<1xf32>
    %squeeze3A_1056 = vector.extract %slice3A_1055[0] : f32 from vector<1xf32>
    %add3A_1057 = arith.addf %add3A_1054, %squeeze3A_1056 : f32
    %slice3A_1058 = vector.extract_strided_slice %add3A_1049 {offsets = [3], sizes = [1], strides = [1]} : vector<16xf32> to vector<1xf32>
    %squeeze3A_1059 = vector.extract %slice3A_1058[0] : f32 from vector<1xf32>
    %add3A_1060 = arith.addf %add3A_1057, %squeeze3A_1059 : f32
    %slice3A_1061 = vector.extract_strided_slice %add3A_1049 {offsets = [4], sizes = [1], strides = [1]} : vector<16xf32> to vector<1xf32>
    %squeeze3A_1062 = vector.extract %slice3A_1061[0] : f32 from vector<1xf32>
    %add3A_1063 = arith.addf %add3A_1060, %squeeze3A_1062 : f32
    %slice3A_1064 = vector.extract_strided_slice %add3A_1049 {offsets = [5], sizes = [1], strides = [1]} : vector<16xf32> to vector<1xf32>
    %squeeze3A_1065 = vector.extract %slice3A_1064[0] : f32 from vector<1xf32>
    %add3A_1066 = arith.addf %add3A_1063, %squeeze3A_1065 : f32
    %slice3A_1067 = vector.extract_strided_slice %add3A_1049 {offsets = [6], sizes = [1], strides = [1]} : vector<16xf32> to vector<1xf32>
    %squeeze3A_1068 = vector.extract %slice3A_1067[0] : f32 from vector<1xf32>
    %add3A_1069 = arith.addf %add3A_1066, %squeeze3A_1068 : f32
    %slice3A_1070 = vector.extract_strided_slice %add3A_1049 {offsets = [7], sizes = [1], strides = [1]} : vector<16xf32> to vector<1xf32>
    %squeeze3A_1071 = vector.extract %slice3A_1070[0] : f32 from vector<1xf32>
    %add3A_1072 = arith.addf %add3A_1069, %squeeze3A_1071 : f32
    %slice3A_1073 = vector.extract_strided_slice %add3A_1049 {offsets = [8], sizes = [1], strides = [1]} : vector<16xf32> to vector<1xf32>
    %squeeze3A_1074 = vector.extract %slice3A_1073[0] : f32 from vector<1xf32>
    %add3A_1075 = arith.addf %add3A_1072, %squeeze3A_1074 : f32
    %slice3A_1076 = vector.extract_strided_slice %add3A_1049 {offsets = [9], sizes = [1], strides = [1]} : vector<16xf32> to vector<1xf32>
    %squeeze3A_1077 = vector.extract %slice3A_1076[0] : f32 from vector<1xf32>
    %add3A_1078 = arith.addf %add3A_1075, %squeeze3A_1077 : f32
    %slice3A_1079 = vector.extract_strided_slice %add3A_1049 {offsets = [10], sizes = [1], strides = [1]} : vector<16xf32> to vector<1xf32>
    %squeeze3A_1080 = vector.extract %slice3A_1079[0] : f32 from vector<1xf32>
    %add3A_1081 = arith.addf %add3A_1078, %squeeze3A_1080 : f32
    %slice3A_1082 = vector.extract_strided_slice %add3A_1049 {offsets = [11], sizes = [1], strides = [1]} : vector<16xf32> to vector<1xf32>
    %squeeze3A_1083 = vector.extract %slice3A_1082[0] : f32 from vector<1xf32>
    %add3A_1084 = arith.addf %add3A_1081, %squeeze3A_1083 : f32
    %slice3A_1085 = vector.extract_strided_slice %add3A_1049 {offsets = [12], sizes = [1], strides = [1]} : vector<16xf32> to vector<1xf32>
    %squeeze3A_1086 = vector.extract %slice3A_1085[0] : f32 from vector<1xf32>
    %add3A_1087 = arith.addf %add3A_1084, %squeeze3A_1086 : f32
    %slice3A_1088 = vector.extract_strided_slice %add3A_1049 {offsets = [13], sizes = [1], strides = [1]} : vector<16xf32> to vector<1xf32>
    %squeeze3A_1089 = vector.extract %slice3A_1088[0] : f32 from vector<1xf32>
    %add3A_1090 = arith.addf %add3A_1087, %squeeze3A_1089 : f32
    %slice3A_1091 = vector.extract_strided_slice %add3A_1049 {offsets = [14], sizes = [1], strides = [1]} : vector<16xf32> to vector<1xf32>
    %squeeze3A_1092 = vector.extract %slice3A_1091[0] : f32 from vector<1xf32>
    %add3A_1093 = arith.addf %add3A_1090, %squeeze3A_1092 : f32
    %slice3A_1094 = vector.extract_strided_slice %add3A_1049 {offsets = [15], sizes = [1], strides = [1]} : vector<16xf32> to vector<1xf32>
    %squeeze3A_1095 = vector.extract %slice3A_1094[0] : f32 from vector<1xf32>
    %add3A_1096 = arith.addf %add3A_1093, %squeeze3A_1095 : f32
    %broadcast_in_dim3A_1097 = vector.broadcast %add3A_1096 : f32 to vector<16xf32>
    %div3A_1098 = arith.constant 1.000000e+00 : f32
    %div3A_1099 = vector.broadcast %div3A_1098 : f32 to vector<16xf32>
    %div3A_1100 = arith.divf %div3A_1099, %broadcast_in_dim3A_1097 : vector<16xf32>
    %parallel_loop3A_1101 = arith.constant 0 : i32
    %parallel_loop3A_1102 = arith.constant 8192 : i32
    %parallel_loop3A_1103 = arith.constant 32 : i32
    scf.for %parallel_loop3A_1112 = %parallel_loop3A_1101 to %parallel_loop3A_1102 step %parallel_loop3A_1103  : i32 {
      %parallel_loop3A_1113 = arith.constant 0 : i32
      %parallel_loop3A_1114 = arith.addi %parallel_loop3A_1112, %parallel_loop3A_1113 : i32
      %parallel_loop3A_1115 = tpu.assume_multiple %parallel_loop3A_1114, 16 : i32
      %parallel_loop3A_1116 = arith.constant 0 : i32
      %parallel_loop3A_1117 = arith.index_cast %parallel_loop3A_1116 : i32 to index
      %parallel_loop3A_1118 = arith.index_cast %parallel_loop3A_1115 : i32 to index
      %parallel_loop3A_1119 = tpu.vector_load %arg8[%parallel_loop3A_1117, %parallel_loop3A_1118] {strides = array<i32>} : memref<8x8192xf32, #tpu.memory_space<vmem>>, vector<1x16xf32>,
      %parallel_loop3A_1120 = vector.shape_cast %parallel_loop3A_1119 : vector<1x16xf32> to vector<16xf32>
      %parallel_loop3A_1121 = arith.mulf %parallel_loop3A_1120, %div3A_526 : vector<16xf32>
      %parallel_loop3A_1122 = arith.constant 1 : i32
      %parallel_loop3A_1123 = arith.index_cast %parallel_loop3A_1122 : i32 to index
      %parallel_loop3A_1124 = arith.index_cast %parallel_loop3A_1115 : i32 to index
      %parallel_loop3A_1125 = tpu.vector_load %arg8[%parallel_loop3A_1123, %parallel_loop3A_1124] {strides = array<i32>} : memref<8x8192xf32, #tpu.memory_space<vmem>>, vector<1x16xf32>,
      %parallel_loop3A_1126 = vector.shape_cast %parallel_loop3A_1125 : vector<1x16xf32> to vector<16xf32>
      %parallel_loop3A_1127 = arith.mulf %parallel_loop3A_1126, %div3A_608 : vector<16xf32>
      %parallel_loop3A_1128 = arith.constant 2 : i32
      %parallel_loop3A_1129 = arith.index_cast %parallel_loop3A_1128 : i32 to index
      %parallel_loop3A_1130 = arith.index_cast %parallel_loop3A_1115 : i32 to index
      %parallel_loop3A_1131 = tpu.vector_load %arg8[%parallel_loop3A_1129, %parallel_loop3A_1130] {strides = array<i32>} : memref<8x8192xf32, #tpu.memory_space<vmem>>, vector<1x16xf32>,
      %parallel_loop3A_1132 = vector.shape_cast %parallel_loop3A_1131 : vector<1x16xf32> to vector<16xf32>
      %parallel_loop3A_1133 = arith.mulf %parallel_loop3A_1132, %div3A_690 : vector<16xf32>
      %parallel_loop3A_1134 = arith.constant 3 : i32
      %parallel_loop3A_1135 = arith.index_cast %parallel_loop3A_1134 : i32 to index
      %parallel_loop3A_1136 = arith.index_cast %parallel_loop3A_1115 : i32 to index
      %parallel_loop3A_1137 = tpu.vector_load %arg8[%parallel_loop3A_1135, %parallel_loop3A_1136] {strides = array<i32>} : memref<8x8192xf32, #tpu.memory_space<vmem>>, vector<1x16xf32>,
      %parallel_loop3A_1138 = vector.shape_cast %parallel_loop3A_1137 : vector<1x16xf32> to vector<16xf32>
      %parallel_loop3A_1139 = arith.mulf %parallel_loop3A_1138, %div3A_772 : vector<16xf32>
      %parallel_loop3A_1140 = arith.constant 4 : i32
      %parallel_loop3A_1141 = arith.index_cast %parallel_loop3A_1140 : i32 to index
      %parallel_loop3A_1142 = arith.index_cast %parallel_loop3A_1115 : i32 to index
      %parallel_loop3A_1143 = tpu.vector_load %arg8[%parallel_loop3A_1141, %parallel_loop3A_1142] {strides = array<i32>} : memref<8x8192xf32, #tpu.memory_space<vmem>>, vector<1x16xf32>,
      %parallel_loop3A_1144 = vector.shape_cast %parallel_loop3A_1143 : vector<1x16xf32> to vector<16xf32>
      %parallel_loop3A_1145 = arith.mulf %parallel_loop3A_1144, %div3A_854 : vector<16xf32>
      %parallel_loop3A_1146 = arith.constant 5 : i32
      %parallel_loop3A_1147 = arith.index_cast %parallel_loop3A_1146 : i32 to index
      %parallel_loop3A_1148 = arith.index_cast %parallel_loop3A_1115 : i32 to index
      %parallel_loop3A_1149 = tpu.vector_load %arg8[%parallel_loop3A_1147, %parallel_loop3A_1148] {strides = array<i32>} : memref<8x8192xf32, #tpu.memory_space<vmem>>, vector<1x16xf32>,
      %parallel_loop3A_1150 = vector.shape_cast %parallel_loop3A_1149 : vector<1x16xf32> to vector<16xf32>
      %parallel_loop3A_1151 = arith.mulf %parallel_loop3A_1150, %div3A_936 : vector<16xf32>
      %parallel_loop3A_1152 = arith.constant 6 : i32
      %parallel_loop3A_1153 = arith.index_cast %parallel_loop3A_1152 : i32 to index
      %parallel_loop3A_1154 = arith.index_cast %parallel_loop3A_1115 : i32 to index
      %parallel_loop3A_1155 = tpu.vector_load %arg8[%parallel_loop3A_1153, %parallel_loop3A_1154] {strides = array<i32>} : memref<8x8192xf32, #tpu.memory_space<vmem>>, vector<1x16xf32>,
      %parallel_loop3A_1156 = vector.shape_cast %parallel_loop3A_1155 : vector<1x16xf32> to vector<16xf32>
      %parallel_loop3A_1157 = arith.mulf %parallel_loop3A_1156, %div3A_1018 : vector<16xf32>
      %parallel_loop3A_1158 = arith.constant 7 : i32
      %parallel_loop3A_1159 = arith.index_cast %parallel_loop3A_1158 : i32 to index
      %parallel_loop3A_1160 = arith.index_cast %parallel_loop3A_1115 : i32 to index
      %parallel_loop3A_1161 = tpu.vector_load %arg8[%parallel_loop3A_1159, %parallel_loop3A_1160] {strides = array<i32>} : memref<8x8192xf32, #tpu.memory_space<vmem>>, vector<1x16xf32>,
      %parallel_loop3A_1162 = vector.shape_cast %parallel_loop3A_1161 : vector<1x16xf32> to vector<16xf32>
      %parallel_loop3A_1163 = arith.mulf %parallel_loop3A_1162, %div3A_1100 : vector<16xf32>
      %parallel_loop3A_1164 = arith.maximumf %parallel_loop3A_1121, %parallel_loop3A_1127 : vector<16xf32>
      %parallel_loop3A_1165 = arith.maximumf %parallel_loop3A_1133, %parallel_loop3A_1139 : vector<16xf32>
      %parallel_loop3A_1166 = arith.maximumf %parallel_loop3A_1145, %parallel_loop3A_1151 : vector<16xf32>
      %parallel_loop3A_1167 = arith.maximumf %parallel_loop3A_1157, %parallel_loop3A_1163 : vector<16xf32>
      %parallel_loop3A_1168 = arith.maximumf %parallel_loop3A_1164, %parallel_loop3A_1165 : vector<16xf32>
      %parallel_loop3A_1169 = arith.maximumf %parallel_loop3A_1166, %parallel_loop3A_1167 : vector<16xf32>
      %parallel_loop3A_1170 = arith.maximumf %parallel_loop3A_1168, %parallel_loop3A_1169 : vector<16xf32>
      %parallel_loop3A_1171 = arith.index_cast %parallel_loop3A_1115 : i32 to index
      %parallel_loop3A_1172 = tpu.vector_load %arg7[%parallel_loop3A_1171] {strides = array<i32>} : memref<8192xf32, #tpu.memory_space<vmem>>, vector<16xf32>,
      %parallel_loop3A_1173 = vector.shape_cast %parallel_loop3A_1172 : vector<16xf32> to vector<16xf32>
      %parallel_loop3A_1174 = vector.shape_cast %parallel_loop3A_1170 : vector<16xf32> to vector<16xf32>
      tpu.vector_store %arg7[%parallel_loop3A_1171], %parallel_loop3A_1174 {strides = array<i32>} : memref<8192xf32, #tpu.memory_space<vmem>>, vector<16xf32>,
      %parallel_loop3A_1175 = arith.constant 16 : i32
      %parallel_loop3A_1176 = arith.addi %parallel_loop3A_1112, %parallel_loop3A_1175 : i32
      %parallel_loop3A_1177 = tpu.assume_multiple %parallel_loop3A_1176, 16 : i32
      %parallel_loop3A_1178 = arith.constant 0 : i32
      %parallel_loop3A_1179 = arith.index_cast %parallel_loop3A_1178 : i32 to index
      %parallel_loop3A_1180 = arith.index_cast %parallel_loop3A_1177 : i32 to index
      %parallel_loop3A_1181 = tpu.vector_load %arg8[%parallel_loop3A_1179, %parallel_loop3A_1180] {strides = array<i32>} : memref<8x8192xf32, #tpu.memory_space<vmem>>, vector<1x16xf32>,
      %parallel_loop3A_1182 = vector.shape_cast %parallel_loop3A_1181 : vector<1x16xf32> to vector<16xf32>
      %parallel_loop3A_1183 = arith.mulf %parallel_loop3A_1182, %div3A_526 : vector<16xf32>
      %parallel_loop3A_1184 = arith.constant 1 : i32
      %parallel_loop3A_1185 = arith.index_cast %parallel_loop3A_1184 : i32 to index
      %parallel_loop3A_1186 = arith.index_cast %parallel_loop3A_1177 : i32 to index
      %parallel_loop3A_1187 = tpu.vector_load %arg8[%parallel_loop3A_1185, %parallel_loop3A_1186] {strides = array<i32>} : memref<8x8192xf32, #tpu.memory_space<vmem>>, vector<1x16xf32>,
      %parallel_loop3A_1188 = vector.shape_cast %parallel_loop3A_1187 : vector<1x16xf32> to vector<16xf32>
      %parallel_loop3A_1189 = arith.mulf %parallel_loop3A_1188, %div3A_608 : vector<16xf32>
      %parallel_loop3A_1190 = arith.constant 2 : i32
      %parallel_loop3A_1191 = arith.index_cast %parallel_loop3A_1190 : i32 to index
      %parallel_loop3A_1192 = arith.index_cast %parallel_loop3A_1177 : i32 to index
      %parallel_loop3A_1193 = tpu.vector_load %arg8[%parallel_loop3A_1191, %parallel_loop3A_1192] {strides = array<i32>} : memref<8x8192xf32, #tpu.memory_space<vmem>>, vector<1x16xf32>,
      %parallel_loop3A_1194 = vector.shape_cast %parallel_loop3A_1193 : vector<1x16xf32> to vector<16xf32>
      %parallel_loop3A_1195 = arith.mulf %parallel_loop3A_1194, %div3A_690 : vector<16xf32>
      %parallel_loop3A_1196 = arith.constant 3 : i32
      %parallel_loop3A_1197 = arith.index_cast %parallel_loop3A_1196 : i32 to index
      %parallel_loop3A_1198 = arith.index_cast %parallel_loop3A_1177 : i32 to index
      %parallel_loop3A_1199 = tpu.vector_load %arg8[%parallel_loop3A_1197, %parallel_loop3A_1198] {strides = array<i32>} : memref<8x8192xf32, #tpu.memory_space<vmem>>, vector<1x16xf32>,
      %parallel_loop3A_1200 = vector.shape_cast %parallel_loop3A_1199 : vector<1x16xf32> to vector<16xf32>
      %parallel_loop3A_1201 = arith.mulf %parallel_loop3A_1200, %div3A_772 : vector<16xf32>
      %parallel_loop3A_1202 = arith.constant 4 : i32
      %parallel_loop3A_1203 = arith.index_cast %parallel_loop3A_1202 : i32 to index
      %parallel_loop3A_1204 = arith.index_cast %parallel_loop3A_1177 : i32 to index
      %parallel_loop3A_1205 = tpu.vector_load %arg8[%parallel_loop3A_1203, %parallel_loop3A_1204] {strides = array<i32>} : memref<8x8192xf32, #tpu.memory_space<vmem>>, vector<1x16xf32>,
      %parallel_loop3A_1206 = vector.shape_cast %parallel_loop3A_1205 : vector<1x16xf32> to vector<16xf32>
      %parallel_loop3A_1207 = arith.mulf %parallel_loop3A_1206, %div3A_854 : vector<16xf32>
      %parallel_loop3A_1208 = arith.constant 5 : i32
      %parallel_loop3A_1209 = arith.index_cast %parallel_loop3A_1208 : i32 to index
      %parallel_loop3A_1210 = arith.index_cast %parallel_loop3A_1177 : i32 to index
      %parallel_loop3A_1211 = tpu.vector_load %arg8[%parallel_loop3A_1209, %parallel_loop3A_1210] {strides = array<i32>} : memref<8x8192xf32, #tpu.memory_space<vmem>>, vector<1x16xf32>,
      %parallel_loop3A_1212 = vector.shape_cast %parallel_loop3A_1211 : vector<1x16xf32> to vector<16xf32>
      %parallel_loop3A_1213 = arith.mulf %parallel_loop3A_1212, %div3A_936 : vector<16xf32>
      %parallel_loop3A_1214 = arith.constant 6 : i32
      %parallel_loop3A_1215 = arith.index_cast %parallel_loop3A_1214 : i32 to index
      %parallel_loop3A_1216 = arith.index_cast %parallel_loop3A_1177 : i32 to index
      %parallel_loop3A_1217 = tpu.vector_load %arg8[%parallel_loop3A_1215, %parallel_loop3A_1216] {strides = array<i32>} : memref<8x8192xf32, #tpu.memory_space<vmem>>, vector<1x16xf32>,
      %parallel_loop3A_1218 = vector.shape_cast %parallel_loop3A_1217 : vector<1x16xf32> to vector<16xf32>
      %parallel_loop3A_1219 = arith.mulf %parallel_loop3A_1218, %div3A_1018 : vector<16xf32>
      %parallel_loop3A_1220 = arith.constant 7 : i32
      %parallel_loop3A_1221 = arith.index_cast %parallel_loop3A_1220 : i32 to index
      %parallel_loop3A_1222 = arith.index_cast %parallel_loop3A_1177 : i32 to index
      %parallel_loop3A_1223 = tpu.vector_load %arg8[%parallel_loop3A_1221, %parallel_loop3A_1222] {strides = array<i32>} : memref<8x8192xf32, #tpu.memory_space<vmem>>, vector<1x16xf32>,
      %parallel_loop3A_1224 = vector.shape_cast %parallel_loop3A_1223 : vector<1x16xf32> to vector<16xf32>
      %parallel_loop3A_1225 = arith.mulf %parallel_loop3A_1224, %div3A_1100 : vector<16xf32>
      %parallel_loop3A_1226 = arith.maximumf %parallel_loop3A_1183, %parallel_loop3A_1189 : vector<16xf32>
      %parallel_loop3A_1227 = arith.maximumf %parallel_loop3A_1195, %parallel_loop3A_1201 : vector<16xf32>
      %parallel_loop3A_1228 = arith.maximumf %parallel_loop3A_1207, %parallel_loop3A_1213 : vector<16xf32>
      %parallel_loop3A_1229 = arith.maximumf %parallel_loop3A_1219, %parallel_loop3A_1225 : vector<16xf32>
      %parallel_loop3A_1230 = arith.maximumf %parallel_loop3A_1226, %parallel_loop3A_1227 : vector<16xf32>
      %parallel_loop3A_1231 = arith.maximumf %parallel_loop3A_1228, %parallel_loop3A_1229 : vector<16xf32>
      %parallel_loop3A_1232 = arith.maximumf %parallel_loop3A_1230, %parallel_loop3A_1231 : vector<16xf32>
      %parallel_loop3A_1233 = arith.index_cast %parallel_loop3A_1177 : i32 to index
      %parallel_loop3A_1234 = tpu.vector_load %arg7[%parallel_loop3A_1233] {strides = array<i32>} : memref<8192xf32, #tpu.memory_space<vmem>>, vector<16xf32>,
      %parallel_loop3A_1235 = vector.shape_cast %parallel_loop3A_1234 : vector<16xf32> to vector<16xf32>
      %parallel_loop3A_1236 = vector.shape_cast %parallel_loop3A_1232 : vector<16xf32> to vector<16xf32>
      tpu.vector_store %arg7[%parallel_loop3A_1233], %parallel_loop3A_1236 {strides = array<i32>} : memref<8192xf32, #tpu.memory_space<vmem>>, vector<16xf32>,
    } {sc.loop_unroll_factor = 4 : i64, sc.parallel_access}
    %dma_start3A_1104 = tpu.memref_slice %arg4[%add3A_30, %mul3A_32] : memref<8x32768xf32, #tpu.memory_space<hbm>> -> memref<1x8192xf32, #tpu.memory_space<hbm>>
    %dma_start3A_1105 = tpu.memref_squeeze %dma_start3A_1104 : memref<1x8192xf32, #tpu.memory_space<hbm>> -> memref<8192xf32, #tpu.memory_space<hbm>>
    %dma_start3A_1106 = tpu.memref_slice %arg4[%add3A_30, %mul3A_32] : memref<8x32768xf32, #tpu.memory_space<hbm>> -> memref<1x8192xf32, #tpu.memory_space<hbm>>
    %dma_start3A_1107 = tpu.memref_squeeze %dma_start3A_1106 : memref<1x8192xf32, #tpu.memory_space<hbm>> -> memref<8192xf32, #tpu.memory_space<hbm>>
    tpu.enqueue_dma source(%arg7 : memref<8192xf32, #tpu.memory_space<vmem>>) target(%dma_start3A_1107 : memref<8192xf32, #tpu.memory_space<hbm>>) target_semaphore(%arg11 : memref<!tpu.dma_semaphore, #tpu.memory_space<semaphore_mem>>)
    %dma_wait3A_1108 = tpu.memref_slice %arg4[%add3A_30, %mul3A_32] : memref<8x32768xf32, #tpu.memory_space<hbm>> -> memref<1x8192xf32, #tpu.memory_space<hbm>>
    %dma_wait3A_1109 = tpu.memref_squeeze %dma_wait3A_1108 : memref<1x8192xf32, #tpu.memory_space<hbm>> -> memref<8192xf32, #tpu.memory_space<hbm>>
    %dma_wait3A_1110 = tpu.memref_slice %arg4[%add3A_30, %mul3A_32] : memref<8x32768xf32, #tpu.memory_space<hbm>> -> memref<1x8192xf32, #tpu.memory_space<hbm>>
    %dma_wait3A_1111 = tpu.memref_squeeze %dma_wait3A_1110 : memref<1x8192xf32, #tpu.memory_space<hbm>> -> memref<8192xf32, #tpu.memory_space<hbm>>
    tpu.wait_dma2 semaphore(%arg11 : memref<!tpu.dma_semaphore, #tpu.memory_space<semaphore_mem>>) src(%arg7 : memref<8192xf32, #tpu.memory_space<vmem>>) dst(%dma_wait3A_1111 : memref<8192xf32, #tpu.memory_space<hbm>>)
    return
  }
}

module attributes {stable_mosaic.version = 14 : i64} {
  func.func @_tc_body(%arg0: i32, %arg1: memref<8x32768xf32, #tpu.memory_space<vmem>>, %arg2: memref<8x8x32768xf32, #tpu.memory_space<vmem>>, %arg3: memref<8x32768xf32, #tpu.memory_space<vmem>>) attributes {dimension_semantics = [#tpu.dimension_semantics<arbitrary>], iteration_bounds = array<i64: 3>, scalar_prefetch = 0 : i64, scratch_operands = 0 : i64, tpu.core_type = #tpu.core_type<tc>, window_params = [{transform_indices = @transform_0, window_bounds = array<i64: 8, 32768>}, {transform_indices = @transform_1, window_bounds = array<i64: 8, 8, 32768>}, {transform_indices = @transform_2, window_bounds = array<i64: 8, 32768>}]} {
    %get3A = arith.constant 0 : index
    %get3A_0 = arith.constant 0 : index
    %get3A_1 = vector.load %arg1[%get3A, %get3A_0] : memref<8x32768xf32, #tpu.memory_space<vmem>>, vector<8x32768xf32>
    %broadcast_in_dim3A = vector.shape_cast %get3A_1 : vector<8x32768xf32> to vector<1x8x32768xf32>
    %get3A_2 = arith.constant 0 : index
    %get3A_3 = arith.constant 0 : index
    %get3A_4 = arith.constant 0 : index
    %get3A_5 = vector.load %arg2[%get3A_2, %get3A_3, %get3A_4] : memref<8x8x32768xf32, #tpu.memory_space<vmem>>, vector<8x8x32768xf32>
    %add3A = vector.broadcast %broadcast_in_dim3A : vector<1x8x32768xf32> to vector<8x8x32768xf32>
    %add3A_6 = arith.addf %add3A, %get3A_5 : vector<8x8x32768xf32>
    %exp3A = math.exp %add3A_6 : vector<8x8x32768xf32>
    %reduce_sum3A = arith.constant dense<0.000000e+00> : vector<8x8xf32>
    %reduce_sum3A_7 = vector.multi_reduction <add>, %exp3A, %reduce_sum3A [2] : vector<8x8x32768xf32> to vector<8x8xf32>
    %broadcast_in_dim3A_8 = vector.shape_cast %reduce_sum3A_7 : vector<8x8xf32> to vector<8x8x1xf32>
    %div3A = arith.constant 1.000000e+00 : f32
    %div3A_9 = vector.broadcast %div3A : f32 to vector<8x8x1xf32>
    %div3A_10 = arith.divf %div3A_9, %broadcast_in_dim3A_8 : vector<8x8x1xf32>
    %mul3A = vector.broadcast %div3A_10 : vector<8x8x1xf32> to vector<8x8x32768xf32>
    %mul3A_11 = arith.mulf %exp3A, %mul3A : vector<8x8x32768xf32>
    %reduce_max3A = arith.constant dense<0xFF800000> : vector<8x32768xf32>
    %reduce_max3A_12 = vector.multi_reduction <maximumf>, %mul3A_11, %reduce_max3A [0] : vector<8x8x32768xf32> to vector<8x32768xf32>
    %swap3A = arith.constant 0 : index
    %swap3A_13 = arith.constant 0 : index
    %swap3A_14 = vector.load %arg3[%swap3A, %swap3A_13] : memref<8x32768xf32, #tpu.memory_space<vmem>>, vector<8x32768xf32>
    tpu.vector_store %arg3[%swap3A, %swap3A_13], %reduce_max3A_12 {strides = array<i32>} : memref<8x32768xf32, #tpu.memory_space<vmem>>, vector<8x32768xf32>,
    return
  }
  func.func @transform_0(%arg0: i32) -> (i32, i32) {
    %add3A = arith.constant 1 : i32
    %add3A_0 = arith.addi %arg0, %add3A : i32
    %c0_i32 = arith.constant 0 : i32
    %c0_i32_1 = arith.constant 0 : i32
    return %add3A_0, %c0_i32 : i32, i32
  }
  func.func @transform_1(%arg0: i32) -> (i32, i32, i32) {
    %add3A = arith.constant 1 : i32
    %add3A_0 = arith.addi %arg0, %add3A : i32
    %c0_i32 = arith.constant 0 : i32
    %c0_i32_1 = arith.constant 0 : i32
    %c0_i32_2 = arith.constant 0 : i32
    return %c0_i32, %add3A_0, %c0_i32_1 : i32, i32, i32
  }
  func.func @transform_2(%arg0: i32) -> (i32, i32) {
    %add3A = arith.constant 1 : i32
    %add3A_0 = arith.addi %arg0, %add3A : i32
    %c0_i32 = arith.constant 0 : i32
    %c0_i32_1 = arith.constant 0 : i32
    return %add3A_0, %c0_i32 : i32, i32
  }
}

</mosaic_0001>

<sc_bundles>
// kernel: kernel.4.cloned.1.call-start
scs
__scs_entry_jumppad:
0x0: {  	(pc) =	sbr.rel $0x88, $3  }
0x1: {  	(tag) =	ssettag $0x0;
	lr =	simm.s32 $0x1  }
0x2: {  	[smem:$0x3F9F] =	sst lr;
	_ =	strace $0xD0000000  }
0x3: {  	_ = 	snop  }
0x4: {  	_ = 	snop  }
0x5: {  	_ = 	snop  }
0x6: {  	_ = 	snop  }
0x7: {  	_ = 	snop  }
__scs_overlays_trampoline_lowered:
0x8: {  	[smem:$0x3FAE] =	sst s0  }
0x9: {  	[smem:$0x3FAF] =	sst s1  }
0xa: {  	[smem:$0x3FB0] =	sst s2  }
0xb: {  	[smem:$0x3FB1] =	sst s3  }
0xc: {  	[smem:$0x3FB2] =	sst s4  }
0xd: {  	[smem:$0x3FB3] =	sst s5  }
0xe: {  	[smem:$0x3FB4] =	sst s6  }
0xf: {  	[smem:$0x3FB5] =	sst s7  }
0x10: {  	[smem:$0x3FB6] =	sst s8  }
0x11: {  	[smem:$0x3FB7] =	sst s9;
	s0 =	simm.s32 @!p0 $0x0  }
0x12: {  	s1 =	sld [smem:$0x3F9D];
	s0 =	simm.s32 @p0 $0x1  }
0x13: {  	[smem:$0x3FB8] =	sst s0;
	s0 =	simm.s32 @!p1 $0x0  }
0x14: {  	s2 =	sld [smem:$0x3F9C];
	s0 =	simm.s32 @p1 $0x1  }
0x15: {  	[smem:$0x3FB9] =	sst s0;
	s0 =	simm.s32 @!p2 $0x0  }
0x16: {  	s3 =	sld [smem:$0x3FDB];
	s0 =	simm.s32 @p2 $0x1  }
0x17: {  	s4 =	simm.s32 $0x1BF5;
	[smem:$0x3FBB] =	sst s0  }
0x18: {  	s0 =	sld [smem:$0x3F9E];
	_ =	swait.ge [sflag:s4], $0x0  }
0x19: {  	s7 =	sld [smem:$0x3F9F]  }
0x1a: {  	s8 =	sadd.s32 $0xFFFFE003, lr  }
0x1b: {  	s9 =	sadd.s32 $0xFFFFFEF7, lr;
	s5 =	simm.s32 $0xFFFFFFFF;
	p2 =	slt.u32 s8, $0xFFFFF086  }
0x1c: {  	p1 =	slt.u32 s9, $0xF7A;
	s5 =	simm.s32 @!p2 $0x0  }
0x1d: {  	s5 =	simm.s32 @p1 $0x1;
	p0 =	seq.s32 s7, s2  }
0x1e: {  	s7 =	smul.u32 @!p0 $0xF7A, s2;
	p2 =	seq.s32 @!p0 s5, $0x0  }
0x1f: {  	s9 =	smul.u32 $0xF7A, s1;
	s8 =	simm.s32 @!p0 $0x1BF5;
	p2 =	por !p2, p0  }
0x20: {  	[sflag:s8] =	ssyncset.s32 @!p0 $0xFFFFF086;
	s6 =	sadd.s32 @!p0 s3, s7;
	s7 =	simm.s32 @!p0 $0x108  }
0x21: {  	s3 =	sadd.s32 s3, s9;
	s6 =	sadd.s32 @!p0 $0x88, s6;
	s7 =	simm.s32 @p2 $0x1082  }
0x22: {  	[simem:s7], [sflag:s8] =	dma.local @!p0 [hbm:s6], $0xF7A  }
0x23: {  	s9 =	sor.u32 $0xD0000000, s2;
	s6 =	simm.s32 $0x108;
	_ =	swait.ge @!p0 [sflag:s8], $0x0  }
0x24: {  	s3 =	sadd.s32 $0x88, s3;
	s6 =	simm.s32 @!p1 $0x1082;
	[sflag:s4] =	ssyncset.s32 $0xFFFFF086  }
0x25: {  	[simem:s6], [sflag:s4] =	dma.local [hbm:s3], $0xF7A  }
0x26: {  	[smem:$0x3F9F] =	sst s1;
	(tag) =	ssettag s2;
	_ =	strace s9  }
0x27: {  	s1 =	sld [smem:$0x3FAF]  }
0x28: {  	s2 =	sld [smem:$0x3FB0]  }
0x29: {  	s4 =	sld [smem:$0x3FB2]  }
0x2a: {  	p0 =	seq.s32 s5, $0x0;
	s5 =	sld [smem:$0x3FB3]  }
0x2b: {  	s6 =	sld [smem:$0x3FB4]  }
0x2c: {  	s7 =	sld [smem:$0x3FB5]  }
0x2d: {  	s3 =	simm.s32 $0x108;
	s8 =	sld [smem:$0x3FB6]  }
0x2e: {  	s3 =	simm.s32 @!p0 $0x1082;
	s9 =	sld [smem:$0x3FB7]  }
0x2f: {  	lr =	sadd.s32 s0, s3;
	s0 =	sld [smem:$0x3FAE]  }
0x30: {  	s3 =	sld [smem:$0x3FB1]  }
0x31: {  	[smem:$0x3FBA] =	sst s10  }
0x32: {  	s10 =	sld [smem:$0x3FB8];
	_ =	sdelay $0x3  }
0x33: {  	p0 =	seq.s32 s10, $0x1;
	s10 =	sld [smem:$0x3FBA];
	_ =	sdelay $0x3  }
0x34: {  	[smem:$0x3FBA] =	sst s10  }
0x35: {  	s10 =	sld [smem:$0x3FB9];
	_ =	sdelay $0x3  }
0x36: {  	p1 =	seq.s32 s10, $0x1;
	s10 =	sld [smem:$0x3FBA];
	_ =	sdelay $0x3  }
0x37: {  	[smem:$0x3FBA] =	sst s10  }
0x38: {  	s10 =	sld [smem:$0x3FBB]  }
0x39: {  	_ = 	snop;
	(pc) =	sbr.ind lr, $3  }
0x3a: {  	_ = 	snop  }
0x3b: {  	_ = 	snop  }
0x3c: {  	p2 =	seq.s32 s10, $0x1;
	s10 =	sld [smem:$0x3FBA]  }
0x3d: {  	_ =	shalt  }
0x3e: {  	_ =	shalt  }
0x3f: {  	_ =	shalt  }
0x40: {  	_ =	shalt  }
0x41: {  	_ =	shalt  }
0x42: {  	_ =	shalt  }
0x43: {  	_ =	shalt  }
0x44: {  	_ =	shalt  }
0x45: {  	_ =	shalt  }
0x46: {  	_ =	shalt  }
0x47: {  	_ =	shalt  }
0x48: {  	_ =	shalt  }
0x49: {  	_ =	shalt  }
0x4a: {  	_ =	shalt  }
0x4b: {  	_ =	shalt  }
0x4c: {  	_ =	shalt  }
0x4d: {  	_ =	shalt  }
0x4e: {  	_ =	shalt  }
0x4f: {  	_ =	shalt  }
0x50: {  	_ =	shalt  }
0x51: {  	_ =	shalt  }
0x52: {  	_ =	shalt  }
0x53: {  	_ =	shalt  }
0x54: {  	_ =	shalt  }
0x55: {  	_ =	shalt  }
0x56: {  	_ =	shalt  }
0x57: {  	_ =	shalt  }
0x58: {  	_ =	shalt  }
0x59: {  	_ =	shalt  }
0x5a: {  	_ =	shalt  }
0x5b: {  	_ =	shalt  }
0x5c: {  	_ =	shalt  }
0x5d: {  	_ =	shalt  }
0x5e: {  	_ =	shalt  }
0x5f: {  	_ =	shalt  }
0x60: {  	_ =	shalt  }
0x61: {  	_ =	shalt  }
0x62: {  	_ =	shalt  }
0x63: {  	_ =	shalt  }
0x64: {  	_ =	shalt  }
0x65: {  	_ =	shalt  }
0x66: {  	_ =	shalt  }
0x67: {  	_ =	shalt  }
0x68: {  	_ =	shalt  }
0x69: {  	_ =	shalt  }
0x6a: {  	_ =	shalt  }
0x6b: {  	_ =	shalt  }
0x6c: {  	_ =	shalt  }
0x6d: {  	_ =	shalt  }
0x6e: {  	_ =	shalt  }
0x6f: {  	_ =	shalt  }
0x70: {  	_ =	shalt  }
0x71: {  	_ =	shalt  }
0x72: {  	_ =	shalt  }
0x73: {  	_ =	shalt  }
0x74: {  	_ =	shalt  }
0x75: {  	_ =	shalt  }
0x76: {  	_ =	shalt  }
0x77: {  	_ =	shalt  }
0x78: {  	_ =	shalt  }
0x79: {  	_ =	shalt  }
0x7a: {  	_ =	shalt  }
0x7b: {  	_ =	shalt  }
0x7c: {  	_ =	shalt  }
0x7d: {  	_ =	shalt  }
0x7e: {  	_ =	shalt  }
0x7f: {  	_ =	shalt  }
0x80: {  	_ =	shalt  }
0x81: {  	_ =	shalt  }
0x82: {  	_ =	shalt  }
0x83: {  	_ =	shalt  }
0x84: {  	_ =	shalt  }
0x85: {  	_ =	shalt  }
0x86: {  	_ =	shalt  }
0x87: {  	_ =	shalt  }
.Lfunc_end0:
.L_simem_size_0:
called_computation_lowered:
.L_overlay_start_0:
0x88: {  	s2 =	sld [smem:$0x3FD9]  }
0x89: {  	s3 =	sld [smem:$0x3FFE];
	_ =	sdelay $0x1  }
0x8a: {  	s1 =	srdreg.scid  }
0x8b: {  	s0 =	sand.u32 $0x1, s1  }
0x8c: {  	s14 =	sshll.u32 s0, $0xA;
	s2 =	sadd.s32 s3, s2  }
0x8d: {  	s2 =	sadd.s32 s2, s14  }
0x8e: {  	[smem:$0x3FC6] =	sst s2  }
0x8f: {  	_ = 	snop  }
0x90: {  	s2 =	sld [smem:$0x3FD0];
	_ =	sdelay $0x1  }
0x91: {  	s15 =	sld [smem:$0x3FC9]  }
0x92: {  	s5 =	simm.s32 $0xA;
	s6 =	simm.s32 $0x10;
	s4 =	sld [smem:$0x3FC8]  }
0x93: {  	[smem:s6], [sflag:s5] =	dma.local [hbm:s2], $0x1  }
0x94: {  	_ =	swait.eq [sflag:s5], $0x1  }
0x95: {  	[sflag:s5] =	ssyncset.done $0x0  }
0x96: {  	[sflag:s5] =	ssyncadd.s32 $0xFFFFFFFF  }
0x97: {  	s16 =	sld [smem:$0x11];
	(tm) =	ssettm $0x1  }
0x98: {  	s17 =	sld [smem:$0x3FFB];
	_ =	sdelay $0x3  }
0x99: {  	_ =	strace s17  }
0x9a: {  	s5 =	sld [smem:$0x3FFC];
	_ =	sdelay $0x3  }
0x9b: {  	_ =	strace s5  }
0x9c: {  	s5 =	sld [smem:$0x3FFD];
	_ =	sdelay $0x3  }
0x9d: {  	_ =	strace s5  }
0x9e: {  	_ =	strace $0x8FFFFFFF  }
0x9f: {  	s18 =	sld [smem:$0x3FDB];
	_ =	sdelay $0x1  }
0xa0: {  	s19 =	simm.s32 $_scs_section_size  }
0xa1: {  	s7 =	simm.s32 $_size__tile_overlayer_lowered;
	s8 =	simm.s32 $_tile_overlayer_lowered  }
0xa2: {  	s22 =	simm.s32 $0x1BFF;
	s21 =	sshll.u32 s8, $0x1;
	s5 =	sadd.s32 s19, s18  }
0xa3: {  	s9 =	simm.s32 $0x0;
	s20 =	sshll.u32 s7, $0x1;
	s7 =	sadd.s32 s21, s5  }
0xa4: {  	[timem:s9], [sflag:s22] =	dma.local [hbm:s7], s20  }
0xa5: {  	_ =	swait.ge [sflag:s22], s20  }
0xa6: {  	s6 =	ssub.s32 $0x0, s20;
	[sflag:s22] =	ssyncset.done $0x0  }
0xa7: {  	[sflag:s22] =	ssyncadd.s32 s6;
	_ =	sdelay $0x1  }
0xa8: {  	s23 =	simm.s32 $0x1B8B  }
0xa9: {  	_ =	swait.ge [sflag:s23], $0x1  }
0xaa: {  	[sflag:s23] =	ssyncset.done $0x0  }
0xab: {  	s25 =	simm.s32 $0x1B8E;
	s24 =	sld [smem:$0x3FFE];
	[sflag:s23] =	ssyncadd.s32 $0xFFFFFFFF  }
0xac: {  	s26 =	simm.s32 $execute0_lowered;
	[smem:$0x3FD2] =	sst s25  }
0xad: {  	s7 =	sshll.u32 s26, $0x1;
	_ =	strace $0x80000046;
	[dreg:$0x1] =	wrdreg $0xFFFFFFFF  }
0xae: {  	s28 =	simm.s32 $_size_execute0_lowered;
	s5 =	sadd.s32 s5, s7;
	[dreg:$0x0] =	wrdreg $0x0  }
0xaf: {  	s7 =	sshll.u32 s28, $0x1;
	[dreg:$0x2] =	wrdreg s5  }
0xb0: {  	[dreg:$0x3] =	wrdreg s7  }
0xb1: {  	[dreg:$0x4] =	wrdreg $0xC0  }
0xb2: {  	_ =	task [dreg:s9], $0x5FFFF  }
0xb3: {  	[dreg:$0x1] =	wrdreg $0xFFFFFFFF  }
0xb4: {  	[dreg:$0x0] =	wrdreg $0x60  }
0xb5: {  	[dreg:$0x2] =	wrdreg s15  }
0xb6: {  	[dreg:$0x3] =	wrdreg s4  }
0xb7: {  	[dreg:$0x4] =	wrdreg s16  }
0xb8: {  	[dreg:$0x5] =	wrdreg s24  }
0xb9: {  	[dreg:$0x6] =	wrdreg $0x9  }
0xba: {  	_ =	task.clear_ibuf [dreg:s9], $0x7FFFF;
	_ =	strace $0x90000046  }
0xbb: {  	s29 =	simm.s32 $0x9;
	_ =	strace $0x80000048  }
0xbc: {  	_ =	swait.ge [sflag:s29], $0x1  }
0xbd: {  	[sflag:s29] =	ssyncadd.s32 $0xFFFFFFFF  }
0xbe: {  	_ =	strace $0x90000048  }
0xbf: {  	_ =	sfence  }
0xc0: {  	s30 =	sld [smem:$0x0];
	_ =	sdelay $0x2  }
0xc1: {  	s31 =	sshll.u32 s1, $0xD;
	s1 =	sshrl.u32 s1, $0x2  }
0xc2: {  	s3 =	sand.u32 $0x4000, s31;
	s1 =	sadd.s32 s1, s30  }
0xc3: {  	s0 =	sor.u32 s3, s0;
	s1 =	sshll.u32 s1, $0x11  }
0xc4: {  	s0 =	sor.u32 s1, s0  }
0xc5: {  	s0 =	sadd.s32 $0x8F2B, s0  }
0xc6: {  	[sflag:s0] =	ssyncadd.remote.s32 $0x1  }
0xc7: {  	_ =	sfence.sel $0xFFFF  }
0xc8: {  	[dreg:$0x0] =	wrdreg $0xFFFFFFFF;
	(pc) =	sbr.abs _section_cstart, $3  }
0xc9: {  	[dreg:$0x1] =	wrdreg $0xFFFFFFFF  }
0xca: {  	_ =	task.clear_ibuf [dreg:s9], $0x2FFFF;
	_ =	strace $0x9FFFFFFF  }
0xcb: {  	(tm) =	ssettm $0x7FFFFFFF  }
tec
execute0_lowered:
.L_overlay_start_1:
0x0: {  	(tag) =	ssettag $0x1  }
0x1: {  	s0 =	rddreg [dreg:$0x0]  }
0x2: {  	s1 =	rddreg [dreg:$0x1]  }
0x3: {  	s4 =	rddreg [dreg:$0x2]  }
0x4: {  	s3 =	rddreg [dreg:$0x3];
	s5 =	srdreg.scid  }
0x5: {  	s11 =	stileid.u32;
	s2 =	simm.s32 $0x0;
	s9 =	sand.u32 $0x1, s5  }
0x6: {  	s10 =	sshrl.u32 s11, $0x2;
	s24 =	sshll.u32 s11, $0xD;
	[smem:$0x7FF] =	sst s2  }
0x7: {  	s13 =	sadd.s32 $0xA00, s3;
	s11 =	sshll.u32 s11, $0xA;
	s6 =	sshll.u32 s9, $0x6  }
0x8: {  	s7 =	sshll.u32 s10, $0x4;
	s5 =	sand.u32 $0x6000, s24;
	_ =	strace $0x80000047  }
0x9: {  	s25 =	ssub.s32 $0x2, s9;
	s29 =	sshll.u32 s9, $0xE;
	s10 =	sshll.u32 s10, $0xC  }
0xa: {  	s6 =	sor.u32 s6, s7;
	s26 =	sshrl.u32 s25, $0x1;
	s11 =	sor.u32 s11, s29  }
0xb: {  	s12 =	sor.u32 s5, s6;
	s28 =	ssub.s32 s25, s26;
	s14 =	sshrl.u32 s11, $0x3  }
0xc: {  	s3 =	sadd.s32 s1, s12;
	s0 =	sadd.s32 s0, s12;
	s14 =	sadd.s32 s13, s14  }
0xd: {  	s30 =	sadd.s32 s4, s12;
	s31 =	smax.u32 s28, $0x1;
	s1 =	simm.s32 $0x80  }
0xe: {  	s4 =	simm.s32 $0x400;
	s12 =	simm.s32 $0x0;
	[dreg:$0x5] =	wrdreg s0  }
0xf: {  	s5 =	sadd.s32 $0x20000, s3;
	s6 =	sadd.s32 $0x40000, s3;
	s7 =	sadd.s32 $0x60000, s3  }
0x10: {  	s8 =	sadd.s32 $0x80000, s3;
	s0 =	sor.u32 s29, s10;
	[dreg:$0x6] =	wrdreg s14  }
0x11: {  	s9 =	sadd.s32 $0xA0000, s3;
	[dreg:$0x8] =	wrdreg s30;
	s0 =	sshrl.u32 s0, $0x3  }
0x12: {  	s10 =	sadd.s32 $0xC0000, s3;
	[dreg:$0x9] =	wrdreg s31;
	s0 =	sadd.s32 s13, s0  }
0x13: {  	s11 =	sadd.s32 $0xE0000, s3;
	s13 =	simm.s32 $0x1;
	[dreg:$0x7] =	wrdreg s0  }
.LBB2_1:
0x14: {  	[dreg:$0xa] =	wrdreg s12  }
0x15: {  	s0 =	rddreg [dreg:$0x5];
	s12 =	sadd.s32 $0x0, s3  }
0x16: {  	[tilespmem:s2], [sflag:$0x1] =	stream.strided.gather [hbm4b:s0+s1], $0x2000, s4, s1, $0x38;
	[tilespmem:$0x15400] =	vst v63  }
0x17: {  	s0 =	simm.s32 $0x4000;
	s1 =	simm.s32 $0x80;
	s4 =	simm.s32 $0x4400  }
.LBB2_2:
0x18: {  	[tilespmem:s0], [sflag:$0x2] =	stream.linear.gather [hbm4b:s12+s2], $0x80, $0x38;
	[tilespmem:$0x15400] =	vst v63  }
0x19: {  	s12 =	smov.u32 s1;
	s0 =	smov.u32 s4;
	p0 =	sne.s32 s1, $0x1F80  }
.Ltmp0:
0x1a: {  	s1 =	sadd.s32 $0x80, s1;
	(pc) =	sbr.rel @p0 .LBB2_2-.Ltmp0, $2  }
0x1b: {  	_ =	sdelay $0x2  }
0x1c: {  	s4 =	sadd.s32 $0x400, s4;
	s12 =	sadd.s32 s12, s3  }
0x1d: {  	[tilespmem:s0], [sflag:$0x2] =	stream.linear.gather [hbm4b:s12+s2], $0x80, $0x38;
	[tilespmem:$0x15400] =	vst v63  }
0x1e: {  	s0 =	simm.s32 $0x4080  }
0x1f: {  	s1 =	simm.s32 $0x80;
	s12 =	sadd.s32 $0x0, s5;
	s4 =	simm.s32 $0x4480  }
.LBB2_4:
0x20: {  	[tilespmem:s0], [sflag:$0x3] =	stream.linear.gather [hbm4b:s12+s2], $0x80, $0x38;
	[tilespmem:$0x15400] =	vst v63  }
0x21: {  	s12 =	smov.u32 s1;
	s0 =	smov.u32 s4;
	p0 =	sne.s32 s1, $0x1F80  }
.Ltmp1:
0x22: {  	s1 =	sadd.s32 $0x80, s1;
	(pc) =	sbr.rel @p0 .LBB2_4-.Ltmp1, $2  }
0x23: {  	_ =	sdelay $0x2  }
0x24: {  	s4 =	sadd.s32 $0x400, s4;
	s12 =	sadd.s32 s12, s5  }
0x25: {  	[tilespmem:s0], [sflag:$0x3] =	stream.linear.gather [hbm4b:s12+s2], $0x80, $0x38;
	[tilespmem:$0x15400] =	vst v63  }
0x26: {  	s0 =	simm.s32 $0x4100  }
0x27: {  	s1 =	simm.s32 $0x80;
	s12 =	sadd.s32 $0x0, s6;
	s4 =	simm.s32 $0x4500  }
.LBB2_6:
0x28: {  	[tilespmem:s0], [sflag:$0x4] =	stream.linear.gather [hbm4b:s12+s2], $0x80, $0x38;
	[tilespmem:$0x15400] =	vst v63  }
0x29: {  	s12 =	smov.u32 s1;
	s0 =	smov.u32 s4;
	p0 =	sne.s32 s1, $0x1F80  }
.Ltmp2:
0x2a: {  	s1 =	sadd.s32 $0x80, s1;
	(pc) =	sbr.rel @p0 .LBB2_6-.Ltmp2, $2  }
0x2b: {  	_ =	sdelay $0x2  }
0x2c: {  	s4 =	sadd.s32 $0x400, s4;
	s12 =	sadd.s32 s12, s6  }
0x2d: {  	[tilespmem:s0], [sflag:$0x4] =	stream.linear.gather [hbm4b:s12+s2], $0x80, $0x38;
	[tilespmem:$0x15400] =	vst v63  }
0x2e: {  	s0 =	simm.s32 $0x4180  }
0x2f: {  	s1 =	simm.s32 $0x80;
	s12 =	sadd.s32 $0x0, s7;
	s4 =	simm.s32 $0x4580  }
.LBB2_8:
0x30: {  	[tilespmem:s0], [sflag:$0x5] =	stream.linear.gather [hbm4b:s12+s2], $0x80, $0x38;
	[tilespmem:$0x15400] =	vst v63  }
0x31: {  	s12 =	smov.u32 s1;
	s0 =	smov.u32 s4;
	p0 =	sne.s32 s1, $0x1F80  }
.Ltmp3:
0x32: {  	s1 =	sadd.s32 $0x80, s1;
	(pc) =	sbr.rel @p0 .LBB2_8-.Ltmp3, $2  }
0x33: {  	_ =	sdelay $0x2  }
0x34: {  	s4 =	sadd.s32 $0x400, s4;
	s12 =	sadd.s32 s12, s7  }
0x35: {  	[tilespmem:s0], [sflag:$0x5] =	stream.linear.gather [hbm4b:s12+s2], $0x80, $0x38;
	[tilespmem:$0x15400] =	vst v63  }
0x36: {  	s0 =	simm.s32 $0x4200  }
0x37: {  	s1 =	simm.s32 $0x80;
	s12 =	sadd.s32 $0x0, s8;
	s4 =	simm.s32 $0x4600  }
.LBB2_10:
0x38: {  	[tilespmem:s0], [sflag:$0x6] =	stream.linear.gather [hbm4b:s12+s2], $0x80, $0x38;
	[tilespmem:$0x15400] =	vst v63  }
0x39: {  	s12 =	smov.u32 s1;
	s0 =	smov.u32 s4;
	p0 =	sne.s32 s1, $0x1F80  }
.Ltmp4:
0x3a: {  	s1 =	sadd.s32 $0x80, s1;
	(pc) =	sbr.rel @p0 .LBB2_10-.Ltmp4, $2  }
0x3b: {  	_ =	sdelay $0x2  }
0x3c: {  	s4 =	sadd.s32 $0x400, s4;
	s12 =	sadd.s32 s12, s8  }
0x3d: {  	[tilespmem:s0], [sflag:$0x6] =	stream.linear.gather [hbm4b:s12+s2], $0x80, $0x38;
	[tilespmem:$0x15400] =	vst v63  }
0x3e: {  	s0 =	simm.s32 $0x4280  }
0x3f: {  	s1 =	simm.s32 $0x80;
	s12 =	sadd.s32 $0x0, s9;
	s4 =	simm.s32 $0x4680  }
.LBB2_12:
0x40: {  	[tilespmem:s0], [sflag:$0x7] =	stream.linear.gather [hbm4b:s12+s2], $0x80, $0x38;
	[tilespmem:$0x15400] =	vst v63  }
0x41: {  	s12 =	smov.u32 s1;
	s0 =	smov.u32 s4;
	p0 =	sne.s32 s1, $0x1F80  }
.Ltmp5:
0x42: {  	s1 =	sadd.s32 $0x80, s1;
	(pc) =	sbr.rel @p0 .LBB2_12-.Ltmp5, $2  }
0x43: {  	_ =	sdelay $0x2  }
0x44: {  	s4 =	sadd.s32 $0x400, s4;
	s12 =	sadd.s32 s12, s9  }
0x45: {  	[tilespmem:s0], [sflag:$0x7] =	stream.linear.gather [hbm4b:s12+s2], $0x80, $0x38;
	[tilespmem:$0x15400] =	vst v63  }
0x46: {  	s0 =	simm.s32 $0x4300  }
0x47: {  	s1 =	simm.s32 $0x80;
	s12 =	sadd.s32 $0x0, s10;
	s4 =	simm.s32 $0x4700  }
.LBB2_14:
0x48: {  	[tilespmem:s0], [sflag:$0x8] =	stream.linear.gather [hbm4b:s12+s2], $0x80, $0x38;
	[tilespmem:$0x15400] =	vst v63  }
0x49: {  	s12 =	smov.u32 s1;
	s0 =	smov.u32 s4;
	p0 =	sne.s32 s1, $0x1F80  }
.Ltmp6:
0x4a: {  	s1 =	sadd.s32 $0x80, s1;
	(pc) =	sbr.rel @p0 .LBB2_14-.Ltmp6, $2  }
0x4b: {  	_ =	sdelay $0x2  }
0x4c: {  	s4 =	sadd.s32 $0x400, s4;
	s12 =	sadd.s32 s12, s10  }
0x4d: {  	[tilespmem:s0], [sflag:$0x8] =	stream.linear.gather [hbm4b:s12+s2], $0x80, $0x38;
	[tilespmem:$0x15400] =	vst v63  }
0x4e: {  	s0 =	simm.s32 $0x4380  }
0x4f: {  	s1 =	simm.s32 $0x80;
	s12 =	sadd.s32 $0x0, s11;
	s4 =	simm.s32 $0x4780  }
.LBB2_16:
0x50: {  	[tilespmem:s0], [sflag:$0x9] =	stream.linear.gather [hbm4b:s12+s2], $0x80, $0x38;
	[tilespmem:$0x15400] =	vst v63  }
0x51: {  	s12 =	smov.u32 s1;
	s0 =	smov.u32 s4;
	p0 =	sne.s32 s1, $0x1F80  }
.Ltmp7:
0x52: {  	s1 =	sadd.s32 $0x80, s1;
	(pc) =	sbr.rel @p0 .LBB2_16-.Ltmp7, $2  }
0x53: {  	_ =	sdelay $0x2  }
0x54: {  	s4 =	sadd.s32 $0x400, s4;
	s12 =	sadd.s32 s12, s11  }
0x55: {  	[tilespmem:s0], [sflag:$0x9] =	stream.linear.gather [hbm4b:s12+s2], $0x80, $0x38;
	[tilespmem:$0x15400] =	vst v63  }
0x56: {  	_ =	swait.ge [sflag:s13], $0x2000  }
0x57: {  	[sflag:s13] =	ssyncset.done $0x0  }
0x58: {  	s31 =	simm.s32 $0x2;
	[sflag:s13] =	ssyncadd.s32 $0xFFFFE000  }
0x59: {  	_ =	swait.ge [sflag:s31], $0x2000  }
0x5a: {  	[sflag:s31] =	ssyncset.done $0x0  }
0x5b: {  	s1 =	simm.s32 $0x4040;
	[sflag:s31] =	ssyncadd.s32 $0xFFFFE000  }
0x5c: {  	v0 =	vld [tilespmem:s1+$0xFFFFFFF0]  }
0x5d: {  	v1 =	vld [tilespmem:s1+$0xFFFFFFD0]  }
0x5e: {  	v2 =	vld [tilespmem:s1+$0x30]  }
0x5f: {  	v3 =	vld [tilespmem:s1+$0xFFFFFFC0]  }
0x60: {  	v4 =	vld [tilespmem:s1+$0x10]  }
0x61: {  	s16 =	simm.s32 $0x40;
	v5 =	vld [tilespmem:s1+$0x20]  }
0x62: {  	v7 =	vld [tilespmem:s16+$0xFFFFFFF0]  }
0x63: {  	v8 =	vld [tilespmem:s16+$0x30]  }
0x64: {  	v9 =	vld [tilespmem:s16+$0xFFFFFFD0]  }
0x65: {  	v6 =	vld [tilespmem:s1+$0x0]  }
0x66: {  	v11 =	vld [tilespmem:s16+$0xFFFFFFC0]  }
0x67: {  	v13 =	vld [tilespmem:s16+$0x20];
	v7 =	vadd.f32 v0, v7  }
0x68: {  	v10 =	vld [tilespmem:s16+$0x0];
	v2 =	vadd.f32 v2, v8  }
0x69: {  	v12 =	vld [tilespmem:s16+$0x10];
	v1 =	vadd.f32 v1, v9;
	v7 =	vmul.f32 $1.442695020e+00, v7  }
0x6a: {  	v2 =	vmul.f32 $1.442695020e+00, v2  }
0x6b: {  	v1 =	vmul.f32 $1.442695020e+00, v1;
	(erf) = vpow2.f32 v7  }
0x6c: {  	v3 =	vadd.f32 v3, v11;
	v11 =	vadd.f32 v5, v13;
	v13 =	vld [tilespmem:s16+$0xFFFFFFE0];
	(erf) = vpow2.f32 v2  }
0x6d: {  	(erf) = vpow2.f32 v1;
	v1 =	vld [tilespmem:s1+$0xFFFFFFE0]  }
0x6e: {  	v0 =	vimm.f32 $0.0e+00;
	v6 =	vadd.f32 v6, v10;
	v10 =	vadd.f32 v4, v12  }
0x6f: {  	v8 =	vimm.f32 $0.0e+00;
	v4 =	vimm.f32 $0.0e+00;
	v5 =	vimm.f32 $0.0e+00  }
0x70: {  	v9 =	vmul.f32 $1.442695020e+00, v6;
	v12 =	vmul.f32 $1.442695020e+00, v3;
	v3 =	vimm.f32 $0.0e+00  }
0x71: {  	s4 =	simm.s32 $0x0;
	s12 =	simm.s32 $0x4440;
	v6 =	vimm.f32 $0.0e+00;
	v7 =	vimm.f32 $0.0e+00;
	v2 =	vimm.f32 $0.0e+00  }
.LBB2_18:
0x72: {  	s4 =	sadd.s32 $0x80, s4;
	v1 =	vadd.f32 v1, v13;
	v10 =	vmul.f32 $1.442695020e+00, v10;
	s16 =	sadd.s32 $0x80, s16  }
0x73: {  	p0 =	slt.u32 s4, $0x1F80;
	v11 =	vmul.f32 $1.442695020e+00, v11;
	(erf) = vpow2.f32 v12  }
0x74: {  	v12 =	vld [tilespmem:s12+$0xFFFFFFF0];
	v1 =	vmul.f32 $1.442695020e+00, v1;
	(erf) = vpow2.f32 v10  }
0x75: {  	(erf) = vpow2.f32 v11  }
0x76: {  	(erf) = vpow2.f32 v1  }
0x77: {  	(erf) = vpow2.f32 v9  }
0x78: {  	v1 =	vpop (erf)  }
0x79: {  	[tilespmem:s1+$0xFFFFFFF0] =	vst v1;
	v0 =	vadd.f32 v1, v0;
	v1 =	vpop (erf)  }
0x7a: {  	[tilespmem:s1+$0x30] =	vst v1;
	v2 =	vadd.f32 v1, v2;
	v1 =	vpop (erf)  }
0x7b: {  	[tilespmem:s1+$0xFFFFFFD0] =	vst v1;
	v8 =	vadd.f32 v1, v8  }
0x7c: {  	v9 =	vld [tilespmem:s12+$0xFFFFFFD0];
	v1 =	vpop (erf)  }
0x7d: {  	v10 =	vld [tilespmem:s12+$0x30];
	[tilespmem:s1+$0xFFFFFFC0] =	vst v1;
	v3 =	vadd.f32 v1, v3;
	v1 =	vpop (erf)  }
0x7e: {  	v11 =	vld [tilespmem:s12+$0xFFFFFFC0];
	[tilespmem:s1+$0x10] =	vst v1;
	v4 =	vadd.f32 v1, v4;
	v1 =	vpop (erf)  }
0x7f: {  	v14 =	vld [tilespmem:s12+$0x10];
	[tilespmem:s1+$0x20] =	vst v1;
	v5 =	vadd.f32 v1, v5;
	v1 =	vpop (erf)  }
0x80: {  	v15 =	vld [tilespmem:s12+$0x20];
	[tilespmem:s1+$0xFFFFFFE0] =	vst v1;
	v6 =	vadd.f32 v1, v6;
	v13 =	vpop (erf)  }
0x81: {  	v1 =	vld [tilespmem:s12+$0xFFFFFFE0];
	[tilespmem:s1+$0x0] =	vst v13;
	v7 =	vadd.f32 v13, v7;
	s1 =	smov.u32 s12  }
0x82: {  	v16 =	vld [tilespmem:s12+$0x0]  }
0x83: {  	v13 =	vld [tilespmem:s16+$0xFFFFFFF0]  }
0x84: {  	v17 =	vld [tilespmem:s16+$0x30]  }
0x85: {  	v18 =	vld [tilespmem:s16+$0xFFFFFFD0]  }
0x86: {  	v19 =	vld [tilespmem:s16+$0x0]  }
0x87: {  	v20 =	vld [tilespmem:s16+$0xFFFFFFC0]  }
0x88: {  	v12 =	vadd.f32 v12, v13;
	v21 =	vld [tilespmem:s16+$0x10]  }
0x89: {  	v22 =	vld [tilespmem:s16+$0x20];
	v10 =	vadd.f32 v10, v17  }
.Ltmp8:
0x8a: {  	v9 =	vadd.f32 v9, v18;
	v13 =	vld [tilespmem:s16+$0xFFFFFFE0];
	v12 =	vmul.f32 $1.442695020e+00, v12;
	(pc) =	sbr.rel @p0 .LBB2_18-.Ltmp8, $4  }
0x8b: {  	v16 =	vadd.f32 v16, v19;
	v17 =	vmul.f32 $1.442695020e+00, v10  }
0x8c: {  	v18 =	vadd.f32 v11, v20;
	v19 =	vmul.f32 $1.442695020e+00, v9;
	(erf) = vpow2.f32 v12  }
0x8d: {  	v10 =	vadd.f32 v14, v21;
	v9 =	vmul.f32 $1.442695020e+00, v16;
	(erf) = vpow2.f32 v17  }
0x8e: {  	s12 =	sadd.s32 $0x400, s12;
	v11 =	vadd.f32 v15, v22;
	v12 =	vmul.f32 $1.442695020e+00, v18;
	(erf) = vpow2.f32 v19  }
0x8f: {  	v1 =	vadd.f32 v1, v13;
	v10 =	vmul.f32 $1.442695020e+00, v10  }
0x90: {  	v11 =	vmul.f32 $1.442695020e+00, v11;
	(erf) = vpow2.f32 v12  }
0x91: {  	v1 =	vmul.f32 $1.442695020e+00, v1;
	(erf) = vpow2.f32 v10  }
0x92: {  	(erf) = vpow2.f32 v11  }
0x93: {  	(erf) = vpow2.f32 v1  }
0x94: {  	(erf) = vpow2.f32 v9;
	_ =	sdelay $0x1  }
0x95: {  	v1 =	vpop (erf)  }
0x96: {  	[tilespmem:s1+$0xFFFFFFF0] =	vst v1;
	v9 =	vpop (erf)  }
0x97: {  	[tilespmem:s1+$0x30] =	vst v9;
	v10 =	vpop (erf)  }
0x98: {  	[tilespmem:s1+$0xFFFFFFD0] =	vst v10;
	v11 =	vpop (erf)  }
0x99: {  	[tilespmem:s1+$0xFFFFFFC0] =	vst v11;
	v12 =	vpop (erf)  }
0x9a: {  	[tilespmem:s1+$0x10] =	vst v12;
	v13 =	vpop (erf)  }
0x9b: {  	[tilespmem:s1+$0x20] =	vst v13;
	v14 =	vpop (erf)  }
0x9c: {  	[tilespmem:s1+$0xFFFFFFE0] =	vst v14;
	v15 =	vpop (erf)  }
0x9d: {  	s0 =	simm.s32 $0x3;
	[tilespmem:s1+$0x0] =	vst v15  }
0x9e: {  	_ =	swait.ge [sflag:s0], $0x2000  }
0x9f: {  	[sflag:s0] =	ssyncset.done $0x0  }
0xa0: {  	s28 =	simm.s32 $0x40F0;
	[sflag:s0] =	ssyncadd.s32 $0xFFFFE000  }
0xa1: {  	v16 =	vld [tilespmem:s28+$0xFFFFFFF0]  }
0xa2: {  	v17 =	vld [tilespmem:s28+$0xFFFFFFE0]  }
0xa3: {  	s29 =	simm.s32 $0x40;
	v18 =	vld [tilespmem:s28+$0xFFFFFFC0]  }
0xa4: {  	v19 =	vld [tilespmem:s29+$0xFFFFFFF0]  }
0xa5: {  	v20 =	vld [tilespmem:s29+$0x10]  }
0xa6: {  	v21 =	vld [tilespmem:s28+$0x0]  }
0xa7: {  	v22 =	vld [tilespmem:s29+$0x30]  }
0xa8: {  	v23 =	vld [tilespmem:s28+$0xFFFFFF90]  }
0xa9: {  	v24 =	vld [tilespmem:s29+$0x20];
	v18 =	vadd.f32 v18, v19  }
0xaa: {  	v17 =	vadd.f32 v17, v20;
	v20 =	vld [tilespmem:s29+$0xFFFFFFC0]  }
0xab: {  	v18 =	vmul.f32 $1.442695020e+00, v18  }
0xac: {  	v21 =	vadd.f32 v21, v22;
	v17 =	vmul.f32 $1.442695020e+00, v17  }
0xad: {  	v0 =	vadd.f32 v1, v0;
	v60 =	vld [tilespmem:s29+$0xFFFFFFD0];
	(erf) = vpow2.f32 v18  }
0xae: {  	v19 =	vld [tilespmem:s28+$0xFFFFFFA0];
	v16 =	vadd.f32 v16, v24;
	(erf) = vpow2.f32 v17;
	v17 =	vmul.f32 $1.442695020e+00, v21  }
0xaf: {  	[tilespmem:$0x1FF80] =	vst v0;
	v0 =	vadd.f32 v9, v2;
	v18 =	vadd.f32 v23, v20;
	v20 =	vld [tilespmem:s29+$0xFFFFFFE0]  }
0xb0: {  	v16 =	vmul.f32 $1.442695020e+00, v16;
	(erf) = vpow2.f32 v17;
	v17 =	vld [tilespmem:s28+$0xFFFFFFB0]  }
0xb1: {  	v61 =	vld [tilespmem:s29+$0x0];
	[tilespmem:$0x1FF90] =	vst v0;
	v0 =	vadd.f32 v10, v8  }
0xb2: {  	(erf) = vpow2.f32 v16;
	v16 =	vld [tilespmem:s28+$0xFFFFFFD0]  }
0xb3: {  	[tilespmem:$0x1FFA0] =	vst v0;
	v0 =	vadd.f32 v11, v3  }
0xb4: {  	v19 =	vadd.f32 v19, v60  }
0xb5: {  	v3 =	vadd.f32 v12, v4;
	[tilespmem:$0x1FFB0] =	vst v0;
	v18 =	vmul.f32 $1.442695020e+00, v18;
	v0 =	vadd.f32 v17, v20  }
0xb6: {  	v19 =	vmul.f32 $1.442695020e+00, v19  }
0xb7: {  	[tilespmem:$0x1FFC0] =	vst v3;
	(erf) = vpow2.f32 v18;
	v3 =	vadd.f32 v16, v61;
	v8 =	vmul.f32 $1.442695020e+00, v0  }
0xb8: {  	v62 =	vadd.f32 v13, v5;
	(erf) = vpow2.f32 v19;
	v1 =	vpop (erf)  }
0xb9: {  	v63 =	vadd.f32 v14, v6;
	v2 =	vpop (erf);
	v3 =	vmul.f32 $1.442695020e+00, v3;
	(erf) = vpow2.f32 v8  }
0xba: {  	[tilespmem:$0x1FFD0] =	vst v62  }
0xbb: {  	[tilespmem:$0x1FFE0] =	vst v63;
	(erf) = vpow2.f32 v3  }
0xbc: {  	[tilespmem:s28+$0xFFFFFFC0] =	vst v1;
	v0 =	vadd.f32 v15, v7  }
0xbd: {  	[tilespmem:s28+$0xFFFFFFE0] =	vst v2  }
0xbe: {  	s16 =	simm.s32 $0x44F0;
	v12 =	vimm.f32 $0.0e+00;
	v10 =	vpop (erf);
	[tilespmem:$0x1FFF0] =	vst v0  }
0xbf: {  	v9 =	vadd.f32 v1, v12;
	v19 =	vld [tilespmem:s16+$0xFFFFFFF0];
	[tilespmem:s28+$0x0] =	vst v10;
	v13 =	vpop (erf)  }
0xc0: {  	s31 =	simm.s32 $0xC0;
	s17 =	simm.s32 $0x100;
	s4 =	simm.s32 $0x140;
	v14 =	vimm.f32 $0.0e+00;
	v8 =	vadd.f32 v2, v12;
	v11 =	vadd.f32 v10, v12;
	v0 =	vld [tilespmem:s16+$0xFFFFFFE0];
	[tilespmem:s28+$0xFFFFFFF0] =	vst v13;
	v2 =	vpop (erf)  }
0xc1: {  	s12 =	simm.s32 $0x4CF0;
	s30 =	simm.s32 $0x140;
	s1 =	simm.s32 $0x48F0;
	v15 =	vimm.f32 $0.0e+00;
	v10 =	vadd.f32 v13, v12;
	v1 =	vld [tilespmem:s16+$0xFFFFFFC0];
	[tilespmem:s28+$0xFFFFFF90] =	vst v2;
	v13 =	vadd.f32 v2, v12;
	v16 =	vpop (erf)  }
.LBB2_20:
0xc2: {  	s17 =	sadd.s32 $0x80, s17;
	s4 =	sadd.s32 $0x80, s4;
	v2 =	vld [tilespmem:s16+$0xFFFFFF90];
	v3 =	vpop (erf)  }
0xc3: {  	p0 =	slt.u32 s17, $0x1F80;
	v17 =	vld [tilespmem:s16+$0x0];
	[tilespmem:s28+$0xFFFFFFB0] =	vst v3;
	v12 =	vadd.f32 v3, v12  }
0xc4: {  	v3 =	vld [tilespmem:s16+$0xFFFFFFB0];
	[tilespmem:s28+$0xFFFFFFA0] =	vst v16;
	v18 =	vpop (erf)  }
0xc5: {  	v15 =	vadd.f32 v16, v15;
	v20 =	vld [tilespmem:s16+$0xFFFFFFA0];
	[tilespmem:s28+$0xFFFFFFD0] =	vst v18;
	v14 =	vadd.f32 v18, v14;
	s28 =	smov.u32 s16;
	s16 =	smov.u32 s1;
	s1 =	smov.u32 s12  }
0xc6: {  	v16 =	vld [tilespmem:s31+$0xFFFFFFF0]  }
0xc7: {  	v18 =	vld [tilespmem:s31+$0x10]  }
0xc8: {  	v21 =	vld [tilespmem:s31+$0x30]  }
0xc9: {  	v22 =	vld [tilespmem:s31+$0x20]  }
0xca: {  	v23 =	vld [tilespmem:s31+$0xFFFFFFC0]  }
0xcb: {  	v24 =	vld [tilespmem:s31+$0xFFFFFFD0];
	v1 =	vadd.f32 v1, v16  }
0xcc: {  	v16 =	vld [tilespmem:s31+$0xFFFFFFE0];
	v0 =	vadd.f32 v0, v18  }
0xcd: {  	v18 =	vld [tilespmem:s28+$0xFFFFFFD0];
	v17 =	vadd.f32 v17, v21;
	v1 =	vmul.f32 $1.442695020e+00, v1  }
0xce: {  	v21 =	vld [tilespmem:s31+$0x0];
	v19 =	vadd.f32 v19, v22;
	v0 =	vmul.f32 $1.442695020e+00, v0;
	s31 =	smov.u32 s30;
	s30 =	smov.u32 s4  }
0xcf: {  	v2 =	vadd.f32 v2, v23;
	v17 =	vmul.f32 $1.442695020e+00, v17;
	(erf) = vpow2.f32 v1  }
0xd0: {  	v1 =	vadd.f32 v20, v24;
	v19 =	vmul.f32 $1.442695020e+00, v19;
	(erf) = vpow2.f32 v0  }
0xd1: {  	v0 =	vadd.f32 v3, v16;
	v2 =	vmul.f32 $1.442695020e+00, v2;
	(erf) = vpow2.f32 v17  }
0xd2: {  	v1 =	vmul.f32 $1.442695020e+00, v1;
	(erf) = vpow2.f32 v19  }
0xd3: {  	v3 =	vadd.f32 v18, v21;
	v0 =	vmul.f32 $1.442695020e+00, v0;
	(erf) = vpow2.f32 v2  }
0xd4: {  	(erf) = vpow2.f32 v1  }
0xd5: {  	v1 =	vmul.f32 $1.442695020e+00, v3;
	(erf) = vpow2.f32 v0;
	_ =	sdelay $0x1  }
0xd6: {  	(erf) = vpow2.f32 v1  }
0xd7: {  	v0 =	vpop (erf)  }
.Ltmp9:
0xd8: {  	[tilespmem:s28+$0xFFFFFFC0] =	vst v0;
	v9 =	vadd.f32 v0, v9;
	v0 =	vpop (erf);
	(pc) =	sbr.rel @p0 .LBB2_20-.Ltmp9, $4  }
0xd9: {  	[tilespmem:s28+$0xFFFFFFE0] =	vst v0;
	v8 =	vadd.f32 v0, v8;
	v0 =	vpop (erf)  }
0xda: {  	v19 =	vld [tilespmem:s16+$0xFFFFFFF0];
	[tilespmem:s28+$0x0] =	vst v0;
	v11 =	vadd.f32 v0, v11;
	v1 =	vpop (erf)  }
0xdb: {  	v0 =	vld [tilespmem:s16+$0xFFFFFFE0];
	[tilespmem:s28+$0xFFFFFFF0] =	vst v1;
	v10 =	vadd.f32 v1, v10;
	v2 =	vpop (erf)  }
0xdc: {  	s12 =	sadd.s32 $0x400, s12;
	v1 =	vld [tilespmem:s16+$0xFFFFFFC0];
	[tilespmem:s28+$0xFFFFFF90] =	vst v2;
	v13 =	vadd.f32 v2, v13;
	v16 =	vpop (erf)  }
0xdd: {  	v2 =	vld [tilespmem:s16+$0xFFFFFF90];
	v17 =	vpop (erf)  }
0xde: {  	v20 =	vld [tilespmem:s16+$0x0];
	[tilespmem:s28+$0xFFFFFFB0] =	vst v17  }
0xdf: {  	v3 =	vld [tilespmem:s16+$0xFFFFFFB0];
	[tilespmem:s28+$0xFFFFFFA0] =	vst v16;
	v18 =	vpop (erf)  }
0xe0: {  	v21 =	vld [tilespmem:s16+$0xFFFFFFA0];
	[tilespmem:s28+$0xFFFFFFD0] =	vst v18  }
0xe1: {  	v22 =	vld [tilespmem:s31+$0xFFFFFFF0]  }
0xe2: {  	v23 =	vld [tilespmem:s31+$0x10]  }
0xe3: {  	v24 =	vld [tilespmem:s31+$0x30];
	_ =	sdelay $0x1  }
0xe4: {  	v25 =	vld [tilespmem:s31+$0x20]  }
0xe5: {  	v1 =	vadd.f32 v1, v22  }
0xe6: {  	v0 =	vadd.f32 v0, v23  }
0xe7: {  	v22 =	vld [tilespmem:s31+$0xFFFFFFC0];
	v20 =	vadd.f32 v20, v24;
	v1 =	vmul.f32 $1.442695020e+00, v1  }
0xe8: {  	v23 =	vld [tilespmem:s31+$0xFFFFFFD0];
	v0 =	vmul.f32 $1.442695020e+00, v0  }
0xe9: {  	v24 =	vld [tilespmem:s31+$0xFFFFFFE0];
	(erf) = vpow2.f32 v1;
	v1 =	vadd.f32 v19, v25;
	v19 =	vmul.f32 $1.442695020e+00, v20  }
0xea: {  	(erf) = vpow2.f32 v0;
	v0 =	vld [tilespmem:s16+$0xFFFFFFD0]  }
0xeb: {  	(erf) = vpow2.f32 v19;
	v19 =	vld [tilespmem:s31+$0x0]  }
0xec: {  	v2 =	vadd.f32 v2, v22  }
0xed: {  	v20 =	vadd.f32 v21, v23;
	v1 =	vmul.f32 $1.442695020e+00, v1  }
0xee: {  	v3 =	vadd.f32 v3, v24;
	v2 =	vmul.f32 $1.442695020e+00, v2  }
0xef: {  	(erf) = vpow2.f32 v1;
	v1 =	vmul.f32 $1.442695020e+00, v20  }
0xf0: {  	v3 =	vmul.f32 $1.442695020e+00, v3;
	(erf) = vpow2.f32 v2;
	v0 =	vadd.f32 v0, v19  }
0xf1: {  	(erf) = vpow2.f32 v1  }
0xf2: {  	(erf) = vpow2.f32 v3;
	v0 =	vmul.f32 $1.442695020e+00, v0  }
0xf3: {  	v1 =	vpop (erf)  }
0xf4: {  	v2 =	vpop (erf);
	(erf) = vpow2.f32 v0;
	_ =	sdelay $0x1  }
0xf5: {  	[tilespmem:s16+$0xFFFFFFC0] =	vst v1  }
0xf6: {  	[tilespmem:s16+$0xFFFFFFE0] =	vst v2;
	v3 =	vpop (erf)  }
0xf7: {  	v19 =	vld [tilespmem:s1+$0xFFFFFFF0];
	[tilespmem:s16+$0x0] =	vst v3;
	v0 =	vpop (erf)  }
0xf8: {  	v20 =	vld [tilespmem:s1+$0xFFFFFFE0];
	[tilespmem:s16+$0xFFFFFFF0] =	vst v0;
	v21 =	vpop (erf)  }
0xf9: {  	v22 =	vld [tilespmem:s1+$0xFFFFFFC0];
	v23 =	vpop (erf)  }
0xfa: {  	[tilespmem:s16+$0xFFFFFF90] =	vst v21;
	v27 =	vld [tilespmem:s1+$0x0];
	v25 =	vpop (erf)  }
0xfb: {  	v24 =	vld [tilespmem:s1+$0xFFFFFF90];
	[tilespmem:s16+$0xFFFFFFB0] =	vst v25  }
0xfc: {  	v26 =	vld [tilespmem:s1+$0xFFFFFFB0];
	[tilespmem:s16+$0xFFFFFFA0] =	vst v23;
	v28 =	vpop (erf)  }
0xfd: {  	v29 =	vld [tilespmem:s1+$0xFFFFFFA0];
	[tilespmem:s16+$0xFFFFFFD0] =	vst v28  }
0xfe: {  	v30 =	vld [tilespmem:s30+$0xFFFFFFF0]  }
0xff: {  	v31 =	vld [tilespmem:s30+$0x10]  }
0x100: {  	v32 =	vld [tilespmem:s30+$0x30]  }
0x101: {  	v33 =	vld [tilespmem:s30+$0x20]  }
0x102: {  	v34 =	vld [tilespmem:s30+$0xFFFFFFC0]  }
0x103: {  	v35 =	vld [tilespmem:s30+$0xFFFFFFD0]  }
0x104: {  	v48 =	vld [tilespmem:s30+$0xFFFFFFE0];
	v22 =	vadd.f32 v22, v30  }
0x105: {  	v49 =	vld [tilespmem:s1+$0xFFFFFFD0];
	v20 =	vadd.f32 v20, v31  }
0x106: {  	v50 =	vld [tilespmem:s30+$0x0];
	v27 =	vadd.f32 v27, v32;
	v22 =	vmul.f32 $1.442695020e+00, v22  }
0x107: {  	v19 =	vadd.f32 v19, v33;
	v20 =	vmul.f32 $1.442695020e+00, v20  }
0x108: {  	v24 =	vadd.f32 v24, v34;
	v27 =	vmul.f32 $1.442695020e+00, v27;
	(erf) = vpow2.f32 v22  }
0x109: {  	v19 =	vmul.f32 $1.442695020e+00, v19;
	v22 =	vadd.f32 v29, v35;
	(erf) = vpow2.f32 v20  }
0x10a: {  	v24 =	vmul.f32 $1.442695020e+00, v24;
	v20 =	vadd.f32 v26, v48;
	(erf) = vpow2.f32 v27  }
0x10b: {  	v22 =	vmul.f32 $1.442695020e+00, v22;
	(erf) = vpow2.f32 v19;
	v19 =	vadd.f32 v49, v50  }
0x10c: {  	v20 =	vmul.f32 $1.442695020e+00, v20;
	(erf) = vpow2.f32 v24  }
0x10d: {  	(erf) = vpow2.f32 v22;
	v19 =	vmul.f32 $1.442695020e+00, v19  }
0x10e: {  	(erf) = vpow2.f32 v20  }
0x10f: {  	(erf) = vpow2.f32 v19;
	_ =	sdelay $0x1  }
0x110: {  	v19 =	vpop (erf)  }
0x111: {  	v20 =	vpop (erf);
	[tilespmem:s1+$0xFFFFFFC0] =	vst v19  }
0x112: {  	v22 =	vpop (erf);
	[tilespmem:s1+$0xFFFFFFE0] =	vst v20  }
0x113: {  	v24 =	vpop (erf);
	[tilespmem:s1+$0x0] =	vst v22  }
0x114: {  	v26 =	vpop (erf);
	[tilespmem:s1+$0xFFFFFFF0] =	vst v24  }
0x115: {  	v29 =	vpop (erf);
	[tilespmem:s1+$0xFFFFFF90] =	vst v26  }
0x116: {  	v51 =	vpop (erf);
	[tilespmem:s1+$0xFFFFFFA0] =	vst v29  }
0x117: {  	[tilespmem:s1+$0xFFFFFFB0] =	vst v51;
	v52 =	vpop (erf)  }
0x118: {  	s0 =	simm.s32 $0x4;
	[tilespmem:s1+$0xFFFFFFD0] =	vst v52  }
0x119: {  	_ =	swait.ge [sflag:s0], $0x2000  }
0x11a: {  	[sflag:s0] =	ssyncset.done $0x0  }
0x11b: {  	s28 =	simm.s32 $0x4170;
	[sflag:s0] =	ssyncadd.s32 $0xFFFFE000  }
0x11c: {  	v27 =	vld [tilespmem:s28+$0xFFFFFFF0]  }
0x11d: {  	v53 =	vld [tilespmem:s28+$0xFFFFFFE0]  }
0x11e: {  	s29 =	simm.s32 $0x40;
	v54 =	vld [tilespmem:s28+$0xFFFFFFC0]  }
0x11f: {  	v55 =	vld [tilespmem:s29+$0xFFFFFFF0]  }
0x120: {  	v56 =	vld [tilespmem:s29+$0x10]  }
0x121: {  	v36 =	vld [tilespmem:s28+$0x0]  }
0x122: {  	v37 =	vld [tilespmem:s29+$0x30]  }
0x123: {  	v39 =	vld [tilespmem:s29+$0x20]  }
0x124: {  	v38 =	vld [tilespmem:s28+$0xFFFFFF90]  }
0x125: {  	v57 =	vld [tilespmem:s28+$0xFFFFFFA0];
	v33 =	vadd.f32 v54, v55  }
0x126: {  	v58 =	vld [tilespmem:s29+$0xFFFFFFC0];
	v32 =	vadd.f32 v53, v56  }
0x127: {  	v59 =	vld [tilespmem:s29+$0xFFFFFFD0];
	v36 =	vadd.f32 v36, v37;
	v33 =	vmul.f32 $1.442695020e+00, v33  }
0x128: {  	v27 =	vadd.f32 v27, v39;
	v32 =	vmul.f32 $1.442695020e+00, v32  }
0x129: {  	v15 =	vadd.f32 v16, v15;
	v60 =	vmul.f32 $1.442695020e+00, v36;
	(erf) = vpow2.f32 v33  }
0x12a: {  	v12 =	vadd.f32 v17, v12;
	v17 =	vmul.f32 $1.442695020e+00, v27;
	(erf) = vpow2.f32 v32  }
0x12b: {  	v14 =	vadd.f32 v18, v14;
	v16 =	vadd.f32 v38, v58;
	v27 =	vld [tilespmem:s28+$0xFFFFFFB0];
	(erf) = vpow2.f32 v60  }
0x12c: {  	v2 =	vadd.f32 v2, v8;
	v18 =	vadd.f32 v57, v59;
	(erf) = vpow2.f32 v17;
	v17 =	vld [tilespmem:s29+$0xFFFFFFE0]  }
0x12d: {  	v1 =	vadd.f32 v1, v9;
	v0 =	vadd.f32 v0, v10;
	v61 =	vmul.f32 $1.442695020e+00, v16;
	v16 =	vld [tilespmem:s28+$0xFFFFFFD0]  }
0x12e: {  	v3 =	vadd.f32 v3, v11;
	v2 =	vadd.f32 v20, v2;
	v62 =	vmul.f32 $1.442695020e+00, v18;
	v18 =	vld [tilespmem:s29+$0x0]  }
0x12f: {  	v13 =	vadd.f32 v21, v13;
	v0 =	vadd.f32 v24, v0  }
0x130: {  	v1 =	vadd.f32 v19, v1;
	[tilespmem:$0x1FF10] =	vst v2;
	v2 =	vadd.f32 v22, v3  }
0x131: {  	[tilespmem:$0x1FF30] =	vst v0;
	v3 =	vadd.f32 v26, v13;
	v0 =	vadd.f32 v27, v17  }
0x132: {  	v15 =	vadd.f32 v23, v15;
	v21 =	vadd.f32 v25, v12  }
0x133: {  	[tilespmem:$0x1FF40] =	vst v3;
	v3 =	vadd.f32 v16, v18;
	(erf) = vpow2.f32 v61;
	v16 =	vmul.f32 $1.442695020e+00, v0  }
0x134: {  	v4 =	vadd.f32 v51, v21;
	[tilespmem:$0x1FF00] =	vst v1;
	(erf) = vpow2.f32 v62;
	v1 =	vpop (erf)  }
0x135: {  	v63 =	vadd.f32 v29, v15;
	[tilespmem:$0x1FF20] =	vst v2;
	v3 =	vmul.f32 $1.442695020e+00, v3;
	v2 =	vpop (erf);
	(erf) = vpow2.f32 v16  }
0x136: {  	[tilespmem:$0x1FF50] =	vst v4  }
0x137: {  	v23 =	vadd.f32 v28, v14;
	[tilespmem:$0x1FF60] =	vst v63;
	(erf) = vpow2.f32 v3  }
0x138: {  	[tilespmem:s28+$0xFFFFFFC0] =	vst v1  }
0x139: {  	s16 =	simm.s32 $0x4570;
	v0 =	vadd.f32 v52, v23;
	[tilespmem:s28+$0xFFFFFFE0] =	vst v2;
	v18 =	vpop (erf)  }
0x13a: {  	v20 =	vimm.f32 $0.0e+00;
	v27 =	vld [tilespmem:s16+$0xFFFFFFF0];
	[tilespmem:s28+$0x0] =	vst v18  }
0x13b: {  	v17 =	vadd.f32 v1, v20;
	[tilespmem:$0x1FF70] =	vst v0;
	v21 =	vpop (erf)  }
0x13c: {  	s17 =	simm.s32 $0x100;
	s4 =	simm.s32 $0x140;
	s12 =	simm.s32 $0x4D70;
	v22 =	vimm.f32 $0.0e+00;
	v16 =	vadd.f32 v2, v20;
	v19 =	vadd.f32 v18, v20;
	v0 =	vld [tilespmem:s16+$0xFFFFFFE0];
	[tilespmem:s28+$0xFFFFFFF0] =	vst v21;
	v2 =	vpop (erf)  }
0x13d: {  	s31 =	simm.s32 $0xC0;
	s30 =	simm.s32 $0x140;
	s1 =	simm.s32 $0x4970;
	v23 =	vimm.f32 $0.0e+00;
	v18 =	vadd.f32 v21, v20;
	v1 =	vld [tilespmem:s16+$0xFFFFFFC0];
	[tilespmem:s28+$0xFFFFFF90] =	vst v2;
	v21 =	vadd.f32 v2, v20;
	v24 =	vpop (erf)  }
.LBB2_22:
0x13e: {  	s17 =	sadd.s32 $0x80, s17;
	s4 =	sadd.s32 $0x80, s4;
	v2 =	vld [tilespmem:s16+$0xFFFFFF90];
	v3 =	vpop (erf)  }
0x13f: {  	p0 =	slt.u32 s17, $0x1F80;
	v25 =	vld [tilespmem:s16+$0x0];
	[tilespmem:s28+$0xFFFFFFB0] =	vst v3;
	v20 =	vadd.f32 v3, v20  }
0x140: {  	v3 =	vld [tilespmem:s16+$0xFFFFFFB0];
	[tilespmem:s28+$0xFFFFFFA0] =	vst v24;
	v26 =	vpop (erf)  }
0x141: {  	v23 =	vadd.f32 v24, v23;
	v28 =	vld [tilespmem:s16+$0xFFFFFFA0];
	[tilespmem:s28+$0xFFFFFFD0] =	vst v26;
	v22 =	vadd.f32 v26, v22;
	s28 =	smov.u32 s16;
	s16 =	smov.u32 s1;
	s1 =	smov.u32 s12  }
0x142: {  	v24 =	vld [tilespmem:s31+$0xFFFFFFF0]  }
0x143: {  	v26 =	vld [tilespmem:s31+$0x10]  }
0x144: {  	v29 =	vld [tilespmem:s31+$0x30]  }
0x145: {  	v30 =	vld [tilespmem:s31+$0x20]  }
0x146: {  	v31 =	vld [tilespmem:s31+$0xFFFFFFC0]  }
0x147: {  	v32 =	vld [tilespmem:s31+$0xFFFFFFD0];
	v1 =	vadd.f32 v1, v24  }
0x148: {  	v24 =	vld [tilespmem:s31+$0xFFFFFFE0];
	v0 =	vadd.f32 v0, v26  }
0x149: {  	v26 =	vld [tilespmem:s28+$0xFFFFFFD0];
	v25 =	vadd.f32 v25, v29;
	v1 =	vmul.f32 $1.442695020e+00, v1  }
0x14a: {  	v29 =	vld [tilespmem:s31+$0x0];
	v27 =	vadd.f32 v27, v30;
	v0 =	vmul.f32 $1.442695020e+00, v0;
	s31 =	smov.u32 s30;
	s30 =	smov.u32 s4  }
0x14b: {  	v2 =	vadd.f32 v2, v31;
	v25 =	vmul.f32 $1.442695020e+00, v25;
	(erf) = vpow2.f32 v1  }
0x14c: {  	v1 =	vadd.f32 v28, v32;
	v27 =	vmul.f32 $1.442695020e+00, v27;
	(erf) = vpow2.f32 v0  }
0x14d: {  	v0 =	vadd.f32 v3, v24;
	v2 =	vmul.f32 $1.442695020e+00, v2;
	(erf) = vpow2.f32 v25  }
0x14e: {  	v1 =	vmul.f32 $1.442695020e+00, v1;
	(erf) = vpow2.f32 v27  }
0x14f: {  	v3 =	vadd.f32 v26, v29;
	v0 =	vmul.f32 $1.442695020e+00, v0;
	(erf) = vpow2.f32 v2  }
0x150: {  	(erf) = vpow2.f32 v1  }
0x151: {  	v1 =	vmul.f32 $1.442695020e+00, v3;
	(erf) = vpow2.f32 v0;
	_ =	sdelay $0x1  }
0x152: {  	(erf) = vpow2.f32 v1  }
0x153: {  	v0 =	vpop (erf)  }
.Ltmp10:
0x154: {  	[tilespmem:s28+$0xFFFFFFC0] =	vst v0;
	v17 =	vadd.f32 v0, v17;
	v0 =	vpop (erf);
	(pc) =	sbr.rel @p0 .LBB2_22-.Ltmp10, $4  }
0x155: {  	[tilespmem:s28+$0xFFFFFFE0] =	vst v0;
	v16 =	vadd.f32 v0, v16;
	v0 =	vpop (erf)  }
0x156: {  	v27 =	vld [tilespmem:s16+$0xFFFFFFF0];
	[tilespmem:s28+$0x0] =	vst v0;
	v19 =	vadd.f32 v0, v19;
	v1 =	vpop (erf)  }
0x157: {  	v0 =	vld [tilespmem:s16+$0xFFFFFFE0];
	[tilespmem:s28+$0xFFFFFFF0] =	vst v1;
	v18 =	vadd.f32 v1, v18;
	v2 =	vpop (erf)  }
0x158: {  	s12 =	sadd.s32 $0x400, s12;
	v1 =	vld [tilespmem:s16+$0xFFFFFFC0];
	[tilespmem:s28+$0xFFFFFF90] =	vst v2;
	v21 =	vadd.f32 v2, v21;
	v24 =	vpop (erf)  }
0x159: {  	v2 =	vld [tilespmem:s16+$0xFFFFFF90];
	v25 =	vpop (erf)  }
0x15a: {  	v28 =	vld [tilespmem:s16+$0x0];
	[tilespmem:s28+$0xFFFFFFB0] =	vst v25  }
0x15b: {  	v3 =	vld [tilespmem:s16+$0xFFFFFFB0];
	[tilespmem:s28+$0xFFFFFFA0] =	vst v24;
	v26 =	vpop (erf)  }
0x15c: {  	v29 =	vld [tilespmem:s16+$0xFFFFFFA0];
	[tilespmem:s28+$0xFFFFFFD0] =	vst v26  }
0x15d: {  	v30 =	vld [tilespmem:s31+$0xFFFFFFF0]  }
0x15e: {  	v31 =	vld [tilespmem:s31+$0x10]  }
0x15f: {  	v32 =	vld [tilespmem:s31+$0x30];
	_ =	sdelay $0x1  }
0x160: {  	v33 =	vld [tilespmem:s31+$0x20]  }
0x161: {  	v1 =	vadd.f32 v1, v30  }
0x162: {  	v0 =	vadd.f32 v0, v31  }
0x163: {  	v30 =	vld [tilespmem:s31+$0xFFFFFFC0];
	v28 =	vadd.f32 v28, v32;
	v1 =	vmul.f32 $1.442695020e+00, v1  }
0x164: {  	v31 =	vld [tilespmem:s31+$0xFFFFFFD0];
	v0 =	vmul.f32 $1.442695020e+00, v0  }
0x165: {  	v8 =	vld [tilespmem:s31+$0xFFFFFFE0];
	(erf) = vpow2.f32 v1;
	v1 =	vadd.f32 v27, v33;
	v27 =	vmul.f32 $1.442695020e+00, v28  }
0x166: {  	(erf) = vpow2.f32 v0;
	v0 =	vld [tilespmem:s16+$0xFFFFFFD0]  }
0x167: {  	(erf) = vpow2.f32 v27;
	v27 =	vld [tilespmem:s31+$0x0]  }
0x168: {  	v2 =	vadd.f32 v2, v30  }
0x169: {  	v28 =	vadd.f32 v29, v31;
	v1 =	vmul.f32 $1.442695020e+00, v1  }
0x16a: {  	v3 =	vadd.f32 v3, v8;
	v2 =	vmul.f32 $1.442695020e+00, v2  }
0x16b: {  	(erf) = vpow2.f32 v1;
	v1 =	vmul.f32 $1.442695020e+00, v28  }
0x16c: {  	v3 =	vmul.f32 $1.442695020e+00, v3;
	(erf) = vpow2.f32 v2;
	v0 =	vadd.f32 v0, v27  }
0x16d: {  	(erf) = vpow2.f32 v1  }
0x16e: {  	(erf) = vpow2.f32 v3;
	v0 =	vmul.f32 $1.442695020e+00, v0  }
0x16f: {  	v1 =	vpop (erf)  }
0x170: {  	v2 =	vpop (erf);
	(erf) = vpow2.f32 v0;
	_ =	sdelay $0x1  }
0x171: {  	[tilespmem:s16+$0xFFFFFFC0] =	vst v1  }
0x172: {  	[tilespmem:s16+$0xFFFFFFE0] =	vst v2;
	v3 =	vpop (erf)  }
0x173: {  	v27 =	vld [tilespmem:s1+$0xFFFFFFF0];
	[tilespmem:s16+$0x0] =	vst v3;
	v0 =	vpop (erf)  }
0x174: {  	v28 =	vld [tilespmem:s1+$0xFFFFFFE0];
	[tilespmem:s16+$0xFFFFFFF0] =	vst v0;
	v29 =	vpop (erf)  }
0x175: {  	v30 =	vld [tilespmem:s1+$0xFFFFFFC0];
	v31 =	vpop (erf)  }
0x176: {  	[tilespmem:s16+$0xFFFFFF90] =	vst v29;
	v35 =	vld [tilespmem:s1+$0x0];
	v10 =	vpop (erf)  }
0x177: {  	v9 =	vld [tilespmem:s1+$0xFFFFFF90];
	[tilespmem:s16+$0xFFFFFFB0] =	vst v10  }
0x178: {  	v34 =	vld [tilespmem:s1+$0xFFFFFFB0];
	[tilespmem:s16+$0xFFFFFFA0] =	vst v31;
	v36 =	vpop (erf)  }
0x179: {  	v37 =	vld [tilespmem:s1+$0xFFFFFFA0];
	[tilespmem:s16+$0xFFFFFFD0] =	vst v36  }
0x17a: {  	v38 =	vld [tilespmem:s30+$0xFFFFFFF0]  }
0x17b: {  	v39 =	vld [tilespmem:s30+$0x10]  }
0x17c: {  	v40 =	vld [tilespmem:s30+$0x30]  }
0x17d: {  	v41 =	vld [tilespmem:s30+$0x20]  }
0x17e: {  	v42 =	vld [tilespmem:s30+$0xFFFFFFC0]  }
0x17f: {  	v43 =	vld [tilespmem:s30+$0xFFFFFFD0]  }
0x180: {  	v11 =	vld [tilespmem:s30+$0xFFFFFFE0];
	v30 =	vadd.f32 v30, v38  }
0x181: {  	v12 =	vld [tilespmem:s1+$0xFFFFFFD0];
	v28 =	vadd.f32 v28, v39  }
0x182: {  	v13 =	vld [tilespmem:s30+$0x0];
	v35 =	vadd.f32 v35, v40;
	v30 =	vmul.f32 $1.442695020e+00, v30  }
0x183: {  	v27 =	vadd.f32 v27, v41;
	v28 =	vmul.f32 $1.442695020e+00, v28  }
0x184: {  	v32 =	vadd.f32 v9, v42;
	v35 =	vmul.f32 $1.442695020e+00, v35;
	(erf) = vpow2.f32 v30  }
0x185: {  	v27 =	vmul.f32 $1.442695020e+00, v27;
	v30 =	vadd.f32 v37, v43;
	(erf) = vpow2.f32 v28  }
0x186: {  	v32 =	vmul.f32 $1.442695020e+00, v32;
	v28 =	vadd.f32 v34, v11;
	(erf) = vpow2.f32 v35  }
0x187: {  	v30 =	vmul.f32 $1.442695020e+00, v30;
	(erf) = vpow2.f32 v27;
	v27 =	vadd.f32 v12, v13  }
0x188: {  	v28 =	vmul.f32 $1.442695020e+00, v28;
	(erf) = vpow2.f32 v32  }
0x189: {  	(erf) = vpow2.f32 v30;
	v27 =	vmul.f32 $1.442695020e+00, v27  }
0x18a: {  	(erf) = vpow2.f32 v28  }
0x18b: {  	(erf) = vpow2.f32 v27;
	_ =	sdelay $0x1  }
0x18c: {  	v27 =	vpop (erf)  }
0x18d: {  	v28 =	vpop (erf);
	[tilespmem:s1+$0xFFFFFFC0] =	vst v27  }
0x18e: {  	v30 =	vpop (erf);
	[tilespmem:s1+$0xFFFFFFE0] =	vst v28  }
0x18f: {  	v14 =	vpop (erf);
	[tilespmem:s1+$0x0] =	vst v30  }
0x190: {  	v48 =	vpop (erf);
	[tilespmem:s1+$0xFFFFFFF0] =	vst v14  }
0x191: {  	v49 =	vpop (erf);
	[tilespmem:s1+$0xFFFFFF90] =	vst v48  }
0x192: {  	v50 =	vpop (erf);
	[tilespmem:s1+$0xFFFFFFA0] =	vst v49  }
0x193: {  	[tilespmem:s1+$0xFFFFFFB0] =	vst v50;
	v51 =	vpop (erf)  }
0x194: {  	s0 =	simm.s32 $0x5;
	[tilespmem:s1+$0xFFFFFFD0] =	vst v51  }
0x195: {  	_ =	swait.ge [sflag:s0], $0x2000  }
0x196: {  	[sflag:s0] =	ssyncset.done $0x0  }
0x197: {  	s28 =	simm.s32 $0x41F0;
	[sflag:s0] =	ssyncadd.s32 $0xFFFFE000  }
0x198: {  	v52 =	vld [tilespmem:s28+$0xFFFFFFF0]  }
0x199: {  	v53 =	vld [tilespmem:s28+$0xFFFFFFE0]  }
0x19a: {  	s29 =	simm.s32 $0x40;
	v54 =	vld [tilespmem:s28+$0xFFFFFFC0]  }
0x19b: {  	v55 =	vld [tilespmem:s29+$0xFFFFFFF0]  }
0x19c: {  	v56 =	vld [tilespmem:s29+$0x10]  }
0x19d: {  	v44 =	vld [tilespmem:s28+$0x0]  }
0x19e: {  	v45 =	vld [tilespmem:s29+$0x30]  }
0x19f: {  	v47 =	vld [tilespmem:s29+$0x20]  }
0x1a0: {  	v46 =	vld [tilespmem:s28+$0xFFFFFF90]  }
0x1a1: {  	v57 =	vld [tilespmem:s28+$0xFFFFFFA0];
	v41 =	vadd.f32 v54, v55  }
0x1a2: {  	v58 =	vld [tilespmem:s29+$0xFFFFFFC0];
	v40 =	vadd.f32 v53, v56  }
0x1a3: {  	v59 =	vld [tilespmem:s29+$0xFFFFFFD0];
	v44 =	vadd.f32 v44, v45;
	v41 =	vmul.f32 $1.442695020e+00, v41  }
0x1a4: {  	v35 =	vadd.f32 v52, v47;
	v40 =	vmul.f32 $1.442695020e+00, v40  }
0x1a5: {  	v23 =	vadd.f32 v24, v23;
	v60 =	vmul.f32 $1.442695020e+00, v44;
	(erf) = vpow2.f32 v41  }
0x1a6: {  	v20 =	vadd.f32 v25, v20;
	v25 =	vmul.f32 $1.442695020e+00, v35;
	(erf) = vpow2.f32 v40  }
0x1a7: {  	v22 =	vadd.f32 v26, v22;
	v61 =	vld [tilespmem:s28+$0xFFFFFFB0];
	v24 =	vadd.f32 v46, v58;
	(erf) = vpow2.f32 v60  }
0x1a8: {  	v2 =	vadd.f32 v2, v16;
	v26 =	vadd.f32 v57, v59;
	(erf) = vpow2.f32 v25;
	v25 =	vld [tilespmem:s29+$0xFFFFFFE0]  }
0x1a9: {  	v1 =	vadd.f32 v1, v17;
	v0 =	vadd.f32 v0, v18;
	v62 =	vmul.f32 $1.442695020e+00, v24;
	v24 =	vld [tilespmem:s28+$0xFFFFFFD0]  }
0x1aa: {  	v3 =	vadd.f32 v3, v19;
	v2 =	vadd.f32 v28, v2;
	v63 =	vmul.f32 $1.442695020e+00, v26;
	v26 =	vld [tilespmem:s29+$0x0]  }
0x1ab: {  	v21 =	vadd.f32 v29, v21;
	v0 =	vadd.f32 v14, v0  }
0x1ac: {  	v1 =	vadd.f32 v27, v1;
	[tilespmem:$0x1FEC0] =	vst v2;
	v2 =	vadd.f32 v30, v3  }
0x1ad: {  	[tilespmem:$0x1FEE0] =	vst v0;
	v3 =	vadd.f32 v48, v21;
	v0 =	vadd.f32 v61, v25;
	_ =	sdelay $0x1  }
0x1ae: {  	[tilespmem:$0x1FEF0] =	vst v3;
	v3 =	vadd.f32 v24, v26;
	(erf) = vpow2.f32 v62;
	v24 =	vmul.f32 $1.442695020e+00, v0  }
0x1af: {  	[tilespmem:$0x1FEB0] =	vst v1;
	(erf) = vpow2.f32 v63;
	v1 =	vpop (erf)  }
0x1b0: {  	[tilespmem:$0x1FED0] =	vst v2;
	v3 =	vmul.f32 $1.442695020e+00, v3;
	v2 =	vpop (erf);
	(erf) = vpow2.f32 v24;
	_ =	sdelay $0x1  }
0x1b1: {  	v29 =	vadd.f32 v10, v20;
	(erf) = vpow2.f32 v3  }
0x1b2: {  	v23 =	vadd.f32 v31, v23;
	v31 =	vadd.f32 v36, v22  }
0x1b3: {  	[tilespmem:s28+$0xFFFFFFC0] =	vst v1  }
0x1b4: {  	s16 =	simm.s32 $0x45F0;
	v28 =	vimm.f32 $0.0e+00;
	v22 =	vadd.f32 v49, v23;
	v23 =	vadd.f32 v51, v31;
	[tilespmem:s28+$0xFFFFFFE0] =	vst v2;
	v26 =	vpop (erf)  }
0x1b5: {  	v21 =	vadd.f32 v50, v29;
	v25 =	vadd.f32 v1, v28;
	v35 =	vld [tilespmem:s16+$0xFFFFFFF0];
	[tilespmem:s28+$0x0] =	vst v26;
	v29 =	vpop (erf)  }
0x1b6: {  	s17 =	simm.s32 $0x100;
	s4 =	simm.s32 $0x140;
	s12 =	simm.s32 $0x4DF0;
	v31 =	vimm.f32 $0.0e+00;
	v24 =	vadd.f32 v2, v28;
	v27 =	vadd.f32 v26, v28;
	v0 =	vld [tilespmem:s16+$0xFFFFFFE0];
	[tilespmem:s28+$0xFFFFFFF0] =	vst v29;
	v2 =	vpop (erf)  }
0x1b7: {  	s31 =	simm.s32 $0xC0;
	s30 =	simm.s32 $0x140;
	s1 =	simm.s32 $0x49F0;
	v30 =	vimm.f32 $0.0e+00;
	v26 =	vadd.f32 v29, v28;
	v1 =	vld [tilespmem:s16+$0xFFFFFFC0];
	[tilespmem:s28+$0xFFFFFF90] =	vst v2;
	v29 =	vadd.f32 v2, v28;
	v32 =	vpop (erf)  }
.LBB2_24:
0x1b8: {  	s17 =	sadd.s32 $0x80, s17;
	s4 =	sadd.s32 $0x80, s4;
	v2 =	vld [tilespmem:s16+$0xFFFFFF90];
	v3 =	vpop (erf)  }
0x1b9: {  	p0 =	slt.u32 s17, $0x1F80;
	v33 =	vld [tilespmem:s16+$0x0];
	[tilespmem:s28+$0xFFFFFFB0] =	vst v3;
	v28 =	vadd.f32 v3, v28  }
0x1ba: {  	v3 =	vld [tilespmem:s16+$0xFFFFFFB0];
	[tilespmem:s28+$0xFFFFFFA0] =	vst v32;
	v34 =	vpop (erf)  }
0x1bb: {  	v31 =	vadd.f32 v32, v31;
	v36 =	vld [tilespmem:s16+$0xFFFFFFA0];
	[tilespmem:s28+$0xFFFFFFD0] =	vst v34;
	v30 =	vadd.f32 v34, v30;
	s28 =	smov.u32 s16;
	s16 =	smov.u32 s1;
	s1 =	smov.u32 s12  }
0x1bc: {  	v32 =	vld [tilespmem:s31+$0xFFFFFFF0]  }
0x1bd: {  	v34 =	vld [tilespmem:s31+$0x10]  }
0x1be: {  	v37 =	vld [tilespmem:s31+$0x30]  }
0x1bf: {  	v38 =	vld [tilespmem:s31+$0x20]  }
0x1c0: {  	v39 =	vld [tilespmem:s31+$0xFFFFFFC0]  }
0x1c1: {  	v40 =	vld [tilespmem:s31+$0xFFFFFFD0];
	v1 =	vadd.f32 v1, v32  }
0x1c2: {  	v32 =	vld [tilespmem:s31+$0xFFFFFFE0];
	v0 =	vadd.f32 v0, v34  }
0x1c3: {  	v34 =	vld [tilespmem:s28+$0xFFFFFFD0];
	v33 =	vadd.f32 v33, v37;
	v1 =	vmul.f32 $1.442695020e+00, v1  }
0x1c4: {  	v37 =	vld [tilespmem:s31+$0x0];
	v35 =	vadd.f32 v35, v38;
	v0 =	vmul.f32 $1.442695020e+00, v0;
	s31 =	smov.u32 s30;
	s30 =	smov.u32 s4  }
0x1c5: {  	v2 =	vadd.f32 v2, v39;
	v33 =	vmul.f32 $1.442695020e+00, v33;
	(erf) = vpow2.f32 v1  }
0x1c6: {  	v1 =	vadd.f32 v36, v40;
	v35 =	vmul.f32 $1.442695020e+00, v35;
	(erf) = vpow2.f32 v0  }
0x1c7: {  	v0 =	vadd.f32 v3, v32;
	v2 =	vmul.f32 $1.442695020e+00, v2;
	(erf) = vpow2.f32 v33  }
0x1c8: {  	v1 =	vmul.f32 $1.442695020e+00, v1;
	(erf) = vpow2.f32 v35  }
0x1c9: {  	v3 =	vadd.f32 v34, v37;
	v0 =	vmul.f32 $1.442695020e+00, v0;
	(erf) = vpow2.f32 v2  }
0x1ca: {  	(erf) = vpow2.f32 v1  }
0x1cb: {  	v1 =	vmul.f32 $1.442695020e+00, v3;
	(erf) = vpow2.f32 v0;
	_ =	sdelay $0x1  }
0x1cc: {  	(erf) = vpow2.f32 v1  }
0x1cd: {  	v0 =	vpop (erf)  }
.Ltmp11:
0x1ce: {  	[tilespmem:s28+$0xFFFFFFC0] =	vst v0;
	v25 =	vadd.f32 v0, v25;
	v0 =	vpop (erf);
	(pc) =	sbr.rel @p0 .LBB2_24-.Ltmp11, $4  }
0x1cf: {  	[tilespmem:s28+$0xFFFFFFE0] =	vst v0;
	v24 =	vadd.f32 v0, v24;
	v0 =	vpop (erf)  }
0x1d0: {  	v35 =	vld [tilespmem:s16+$0xFFFFFFF0];
	[tilespmem:s28+$0x0] =	vst v0;
	v27 =	vadd.f32 v0, v27;
	v1 =	vpop (erf)  }
0x1d1: {  	v0 =	vld [tilespmem:s16+$0xFFFFFFE0];
	[tilespmem:s28+$0xFFFFFFF0] =	vst v1;
	v26 =	vadd.f32 v1, v26;
	v2 =	vpop (erf)  }
0x1d2: {  	s12 =	sadd.s32 $0x400, s12;
	v1 =	vld [tilespmem:s16+$0xFFFFFFC0];
	[tilespmem:s28+$0xFFFFFF90] =	vst v2;
	v29 =	vadd.f32 v2, v29;
	v32 =	vpop (erf)  }
0x1d3: {  	v2 =	vld [tilespmem:s16+$0xFFFFFF90];
	v33 =	vpop (erf)  }
0x1d4: {  	v36 =	vld [tilespmem:s16+$0x0];
	[tilespmem:s28+$0xFFFFFFB0] =	vst v33  }
0x1d5: {  	v3 =	vld [tilespmem:s16+$0xFFFFFFB0];
	[tilespmem:s28+$0xFFFFFFA0] =	vst v32;
	v34 =	vpop (erf)  }
0x1d6: {  	v37 =	vld [tilespmem:s16+$0xFFFFFFA0];
	[tilespmem:s28+$0xFFFFFFD0] =	vst v34  }
0x1d7: {  	v38 =	vld [tilespmem:s31+$0xFFFFFFF0]  }
0x1d8: {  	v39 =	vld [tilespmem:s31+$0x10];
	_ =	sdelay $0x2  }
0x1d9: {  	v40 =	vld [tilespmem:s31+$0x30]  }
0x1da: {  	v41 =	vld [tilespmem:s31+$0x20];
	v1 =	vadd.f32 v1, v38  }
0x1db: {  	v11 =	vld [tilespmem:s31+$0xFFFFFFC0];
	v0 =	vadd.f32 v0, v39  }
0x1dc: {  	v12 =	vld [tilespmem:s31+$0xFFFFFFD0];
	v1 =	vmul.f32 $1.442695020e+00, v1  }
0x1dd: {  	v13 =	vld [tilespmem:s31+$0xFFFFFFE0];
	v0 =	vmul.f32 $1.442695020e+00, v0  }
0x1de: {  	v15 =	vld [tilespmem:s31+$0x0];
	v36 =	vadd.f32 v36, v40;
	(erf) = vpow2.f32 v1  }
0x1df: {  	v1 =	vadd.f32 v35, v41;
	(erf) = vpow2.f32 v0;
	v0 =	vld [tilespmem:s16+$0xFFFFFFD0]  }
0x1e0: {  	v2 =	vadd.f32 v2, v11;
	v14 =	vmul.f32 $1.442695020e+00, v36  }
0x1e1: {  	v16 =	vadd.f32 v37, v12;
	v1 =	vmul.f32 $1.442695020e+00, v1  }
0x1e2: {  	v3 =	vadd.f32 v3, v13;
	v2 =	vmul.f32 $1.442695020e+00, v2;
	(erf) = vpow2.f32 v14  }
0x1e3: {  	(erf) = vpow2.f32 v1;
	v1 =	vmul.f32 $1.442695020e+00, v16  }
0x1e4: {  	v3 =	vmul.f32 $1.442695020e+00, v3;
	(erf) = vpow2.f32 v2;
	v0 =	vadd.f32 v0, v15  }
0x1e5: {  	(erf) = vpow2.f32 v1  }
0x1e6: {  	(erf) = vpow2.f32 v3;
	v0 =	vmul.f32 $1.442695020e+00, v0  }
0x1e7: {  	v1 =	vpop (erf)  }
0x1e8: {  	v2 =	vpop (erf);
	(erf) = vpow2.f32 v0;
	_ =	sdelay $0x1  }
0x1e9: {  	[tilespmem:s16+$0xFFFFFFC0] =	vst v1  }
0x1ea: {  	[tilespmem:s16+$0xFFFFFFE0] =	vst v2;
	v3 =	vpop (erf)  }
0x1eb: {  	v17 =	vld [tilespmem:s1+$0xFFFFFFF0];
	[tilespmem:s16+$0x0] =	vst v3;
	v0 =	vpop (erf)  }
0x1ec: {  	v18 =	vld [tilespmem:s1+$0xFFFFFFE0];
	[tilespmem:s16+$0xFFFFFFF0] =	vst v0;
	v37 =	vpop (erf)  }
0x1ed: {  	v19 =	vld [tilespmem:s1+$0xFFFFFFC0];
	v39 =	vpop (erf)  }
0x1ee: {  	[tilespmem:s16+$0xFFFFFF90] =	vst v37;
	v43 =	vld [tilespmem:s1+$0x0];
	v41 =	vpop (erf)  }
0x1ef: {  	v54 =	vld [tilespmem:s1+$0xFFFFFF90];
	[tilespmem:s16+$0xFFFFFFB0] =	vst v41  }
0x1f0: {  	v42 =	vld [tilespmem:s1+$0xFFFFFFB0];
	[tilespmem:s16+$0xFFFFFFA0] =	vst v39;
	v44 =	vpop (erf)  }
0x1f1: {  	v45 =	vld [tilespmem:s1+$0xFFFFFFA0];
	[tilespmem:s16+$0xFFFFFFD0] =	vst v44  }
0x1f2: {  	v46 =	vld [tilespmem:s30+$0xFFFFFFF0]  }
0x1f3: {  	v47 =	vld [tilespmem:s30+$0x10]  }
0x1f4: {  	v48 =	vld [tilespmem:s30+$0x30]  }
0x1f5: {  	v49 =	vld [tilespmem:s30+$0x20]  }
0x1f6: {  	v50 =	vld [tilespmem:s30+$0xFFFFFFC0]  }
0x1f7: {  	v51 =	vld [tilespmem:s30+$0xFFFFFFD0]  }
0x1f8: {  	v55 =	vld [tilespmem:s30+$0xFFFFFFE0];
	v38 =	vadd.f32 v19, v46  }
0x1f9: {  	v56 =	vld [tilespmem:s1+$0xFFFFFFD0];
	v36 =	vadd.f32 v18, v47  }
0x1fa: {  	v57 =	vld [tilespmem:s30+$0x0];
	v43 =	vadd.f32 v43, v48;
	v38 =	vmul.f32 $1.442695020e+00, v38  }
0x1fb: {  	v35 =	vadd.f32 v17, v49;
	v36 =	vmul.f32 $1.442695020e+00, v36  }
0x1fc: {  	v40 =	vadd.f32 v54, v50;
	v43 =	vmul.f32 $1.442695020e+00, v43;
	(erf) = vpow2.f32 v38  }
0x1fd: {  	v58 =	vadd.f32 v45, v51;
	v35 =	vmul.f32 $1.442695020e+00, v35;
	(erf) = vpow2.f32 v36  }
0x1fe: {  	v59 =	vadd.f32 v42, v55;
	v40 =	vmul.f32 $1.442695020e+00, v40;
	(erf) = vpow2.f32 v43  }
0x1ff: {  	v60 =	vadd.f32 v56, v57;
	v38 =	vmul.f32 $1.442695020e+00, v58;
	(erf) = vpow2.f32 v35  }
0x200: {  	v36 =	vmul.f32 $1.442695020e+00, v59;
	(erf) = vpow2.f32 v40  }
0x201: {  	v35 =	vmul.f32 $1.442695020e+00, v60;
	(erf) = vpow2.f32 v38  }
0x202: {  	(erf) = vpow2.f32 v36  }
0x203: {  	(erf) = vpow2.f32 v35;
	_ =	sdelay $0x1  }
0x204: {  	v61 =	vpop (erf)  }
0x205: {  	v62 =	vpop (erf);
	[tilespmem:s1+$0xFFFFFFC0] =	vst v61  }
0x206: {  	v63 =	vpop (erf);
	[tilespmem:s1+$0xFFFFFFE0] =	vst v62  }
0x207: {  	v6 =	vpop (erf);
	[tilespmem:s1+$0x0] =	vst v63  }
0x208: {  	v7 =	vpop (erf);
	[tilespmem:s1+$0xFFFFFFF0] =	vst v6  }
0x209: {  	v8 =	vpop (erf);
	[tilespmem:s1+$0xFFFFFF90] =	vst v7  }
0x20a: {  	v9 =	vpop (erf);
	[tilespmem:s1+$0xFFFFFFA0] =	vst v8  }
0x20b: {  	[tilespmem:s1+$0xFFFFFFB0] =	vst v9;
	v10 =	vpop (erf)  }
0x20c: {  	s0 =	simm.s32 $0x6;
	[tilespmem:s1+$0xFFFFFFD0] =	vst v10  }
0x20d: {  	_ =	swait.ge [sflag:s0], $0x2000  }
0x20e: {  	[sflag:s0] =	ssyncset.done $0x0  }
0x20f: {  	s28 =	simm.s32 $0x4270;
	[sflag:s0] =	ssyncadd.s32 $0xFFFFE000  }
0x210: {  	v11 =	vld [tilespmem:s28+$0xFFFFFFF0]  }
0x211: {  	v12 =	vld [tilespmem:s28+$0xFFFFFFE0]  }
0x212: {  	s29 =	simm.s32 $0x40;
	v13 =	vld [tilespmem:s28+$0xFFFFFFC0]  }
0x213: {  	v14 =	vld [tilespmem:s29+$0xFFFFFFF0]  }
0x214: {  	v15 =	vld [tilespmem:s29+$0x10]  }
0x215: {  	v52 =	vld [tilespmem:s28+$0x0]  }
0x216: {  	v53 =	vld [tilespmem:s29+$0x30]  }
0x217: {  	v54 =	vld [tilespmem:s28+$0xFFFFFF90]  }
0x218: {  	v55 =	vld [tilespmem:s29+$0x20]  }
0x219: {  	v16 =	vld [tilespmem:s28+$0xFFFFFFA0];
	v49 =	vadd.f32 v13, v14  }
0x21a: {  	v17 =	vld [tilespmem:s29+$0xFFFFFFC0];
	v48 =	vadd.f32 v12, v15  }
0x21b: {  	v18 =	vld [tilespmem:s29+$0xFFFFFFD0];
	v49 =	vmul.f32 $1.442695020e+00, v49  }
0x21c: {  	v56 =	vld [tilespmem:s28+$0xFFFFFFB0];
	v48 =	vmul.f32 $1.442695020e+00, v48  }
0x21d: {  	v57 =	vld [tilespmem:s29+$0xFFFFFFE0];
	(erf) = vpow2.f32 v49  }
0x21e: {  	v1 =	vadd.f32 v1, v25;
	v58 =	vld [tilespmem:s28+$0xFFFFFFD0];
	v52 =	vadd.f32 v52, v53;
	(erf) = vpow2.f32 v48  }
0x21f: {  	v2 =	vadd.f32 v2, v24;
	v59 =	vld [tilespmem:s29+$0x0];
	v43 =	vadd.f32 v11, v55  }
0x220: {  	v0 =	vadd.f32 v0, v26;
	v19 =	vmul.f32 $1.442695020e+00, v52;
	v52 =	vadd.f32 v54, v17  }
0x221: {  	v3 =	vadd.f32 v3, v27;
	v55 =	vadd.f32 v16, v18;
	v54 =	vmul.f32 $1.442695020e+00, v43  }
0x222: {  	v27 =	vadd.f32 v6, v0;
	v25 =	vmul.f32 $1.442695020e+00, v52;
	(erf) = vpow2.f32 v19  }
0x223: {  	v0 =	vadd.f32 v56, v57;
	v24 =	vmul.f32 $1.442695020e+00, v55;
	(erf) = vpow2.f32 v54  }
0x224: {  	(erf) = vpow2.f32 v25;
	v25 =	vadd.f32 v63, v3;
	v3 =	vadd.f32 v58, v59  }
0x225: {  	(erf) = vpow2.f32 v24;
	v24 =	vadd.f32 v62, v2;
	v62 =	vmul.f32 $1.442695020e+00, v0  }
0x226: {  	v26 =	vadd.f32 v61, v1;
	v1 =	vpop (erf)  }
0x227: {  	v3 =	vmul.f32 $1.442695020e+00, v3;
	v2 =	vpop (erf);
	(erf) = vpow2.f32 v62  }
0x228: {  	v31 =	vadd.f32 v32, v31;
	v28 =	vadd.f32 v33, v28  }
0x229: {  	v30 =	vadd.f32 v34, v30;
	v29 =	vadd.f32 v37, v29;
	(erf) = vpow2.f32 v3  }
0x22a: {  	v31 =	vadd.f32 v39, v31;
	v60 =	vadd.f32 v41, v28  }
0x22b: {  	v30 =	vadd.f32 v44, v30;
	v28 =	vadd.f32 v7, v29;
	[tilespmem:s28+$0xFFFFFFC0] =	vst v1  }
0x22c: {  	s16 =	simm.s32 $0x4670;
	v36 =	vimm.f32 $0.0e+00;
	v31 =	vadd.f32 v8, v31;
	v29 =	vadd.f32 v9, v60;
	[tilespmem:s28+$0xFFFFFFE0] =	vst v2;
	v61 =	vpop (erf)  }
0x22d: {  	v30 =	vadd.f32 v10, v30;
	v33 =	vadd.f32 v1, v36;
	v43 =	vld [tilespmem:s16+$0xFFFFFFF0];
	[tilespmem:s28+$0x0] =	vst v61;
	v63 =	vpop (erf)  }
0x22e: {  	s17 =	simm.s32 $0x100;
	s4 =	simm.s32 $0x140;
	s12 =	simm.s32 $0x4E70;
	v39 =	vimm.f32 $0.0e+00;
	v32 =	vadd.f32 v2, v36;
	v35 =	vadd.f32 v61, v36;
	v0 =	vld [tilespmem:s16+$0xFFFFFFE0];
	[tilespmem:s28+$0xFFFFFFF0] =	vst v63;
	v2 =	vpop (erf)  }
0x22f: {  	s31 =	simm.s32 $0xC0;
	s30 =	simm.s32 $0x140;
	v38 =	vimm.f32 $0.0e+00;
	s1 =	simm.s32 $0x4A70;
	v34 =	vadd.f32 v63, v36;
	v1 =	vld [tilespmem:s16+$0xFFFFFFC0];
	[tilespmem:s28+$0xFFFFFF90] =	vst v2;
	v37 =	vadd.f32 v2, v36;
	v40 =	vpop (erf)  }
.LBB2_26:
0x230: {  	s17 =	sadd.s32 $0x80, s17;
	s4 =	sadd.s32 $0x80, s4;
	v2 =	vld [tilespmem:s16+$0xFFFFFF90];
	v3 =	vpop (erf)  }
0x231: {  	p0 =	slt.u32 s17, $0x1F80;
	v41 =	vld [tilespmem:s16+$0x0];
	[tilespmem:s28+$0xFFFFFFB0] =	vst v3;
	v36 =	vadd.f32 v3, v36  }
0x232: {  	v3 =	vld [tilespmem:s16+$0xFFFFFFB0];
	[tilespmem:s28+$0xFFFFFFA0] =	vst v40;
	v42 =	vpop (erf)  }
0x233: {  	v39 =	vadd.f32 v40, v39;
	v44 =	vld [tilespmem:s16+$0xFFFFFFA0];
	[tilespmem:s28+$0xFFFFFFD0] =	vst v42;
	v38 =	vadd.f32 v42, v38;
	s28 =	smov.u32 s16;
	s16 =	smov.u32 s1;
	s1 =	smov.u32 s12  }
0x234: {  	v40 =	vld [tilespmem:s31+$0xFFFFFFF0]  }
0x235: {  	v42 =	vld [tilespmem:s31+$0x10]  }
0x236: {  	v45 =	vld [tilespmem:s31+$0x30]  }
0x237: {  	v46 =	vld [tilespmem:s31+$0x20]  }
0x238: {  	v47 =	vld [tilespmem:s31+$0xFFFFFFC0]  }
0x239: {  	v48 =	vld [tilespmem:s31+$0xFFFFFFD0];
	v1 =	vadd.f32 v1, v40  }
0x23a: {  	v40 =	vld [tilespmem:s31+$0xFFFFFFE0];
	v0 =	vadd.f32 v0, v42  }
0x23b: {  	v42 =	vld [tilespmem:s28+$0xFFFFFFD0];
	v41 =	vadd.f32 v41, v45;
	v1 =	vmul.f32 $1.442695020e+00, v1  }
0x23c: {  	v45 =	vld [tilespmem:s31+$0x0];
	v43 =	vadd.f32 v43, v46;
	v0 =	vmul.f32 $1.442695020e+00, v0;
	s31 =	smov.u32 s30;
	s30 =	smov.u32 s4  }
0x23d: {  	v2 =	vadd.f32 v2, v47;
	v41 =	vmul.f32 $1.442695020e+00, v41;
	(erf) = vpow2.f32 v1  }
0x23e: {  	v1 =	vadd.f32 v44, v48;
	v43 =	vmul.f32 $1.442695020e+00, v43;
	(erf) = vpow2.f32 v0  }
0x23f: {  	v0 =	vadd.f32 v3, v40;
	v2 =	vmul.f32 $1.442695020e+00, v2;
	(erf) = vpow2.f32 v41  }
0x240: {  	v1 =	vmul.f32 $1.442695020e+00, v1;
	(erf) = vpow2.f32 v43  }
0x241: {  	v3 =	vadd.f32 v42, v45;
	v0 =	vmul.f32 $1.442695020e+00, v0;
	(erf) = vpow2.f32 v2  }
0x242: {  	(erf) = vpow2.f32 v1  }
0x243: {  	v1 =	vmul.f32 $1.442695020e+00, v3;
	(erf) = vpow2.f32 v0;
	_ =	sdelay $0x1  }
0x244: {  	(erf) = vpow2.f32 v1  }
0x245: {  	v0 =	vpop (erf)  }
.Ltmp12:
0x246: {  	[tilespmem:s28+$0xFFFFFFC0] =	vst v0;
	v33 =	vadd.f32 v0, v33;
	v0 =	vpop (erf);
	(pc) =	sbr.rel @p0 .LBB2_26-.Ltmp12, $4  }
0x247: {  	[tilespmem:s28+$0xFFFFFFE0] =	vst v0;
	v32 =	vadd.f32 v0, v32;
	v0 =	vpop (erf)  }
0x248: {  	v43 =	vld [tilespmem:s16+$0xFFFFFFF0];
	[tilespmem:s28+$0x0] =	vst v0;
	v35 =	vadd.f32 v0, v35;
	v1 =	vpop (erf)  }
0x249: {  	v0 =	vld [tilespmem:s16+$0xFFFFFFE0];
	[tilespmem:s28+$0xFFFFFFF0] =	vst v1;
	v34 =	vadd.f32 v1, v34;
	v2 =	vpop (erf)  }
0x24a: {  	s12 =	sadd.s32 $0x400, s12;
	v1 =	vld [tilespmem:s16+$0xFFFFFFC0];
	[tilespmem:s28+$0xFFFFFF90] =	vst v2;
	v37 =	vadd.f32 v2, v37;
	v40 =	vpop (erf)  }
0x24b: {  	v2 =	vld [tilespmem:s16+$0xFFFFFF90];
	v41 =	vpop (erf)  }
0x24c: {  	v44 =	vld [tilespmem:s16+$0x0];
	[tilespmem:s28+$0xFFFFFFB0] =	vst v41  }
0x24d: {  	v3 =	vld [tilespmem:s16+$0xFFFFFFB0];
	[tilespmem:s28+$0xFFFFFFA0] =	vst v40;
	v42 =	vpop (erf)  }
0x24e: {  	v45 =	vld [tilespmem:s16+$0xFFFFFFA0];
	[tilespmem:s28+$0xFFFFFFD0] =	vst v42  }
0x24f: {  	v46 =	vld [tilespmem:s31+$0xFFFFFFF0]  }
0x250: {  	v47 =	vld [tilespmem:s31+$0x10];
	_ =	sdelay $0x2  }
0x251: {  	v48 =	vld [tilespmem:s31+$0x30]  }
0x252: {  	v49 =	vld [tilespmem:s31+$0x20];
	v1 =	vadd.f32 v1, v46  }
0x253: {  	v9 =	vld [tilespmem:s31+$0xFFFFFFC0];
	v0 =	vadd.f32 v0, v47  }
0x254: {  	v10 =	vld [tilespmem:s31+$0xFFFFFFD0];
	v1 =	vmul.f32 $1.442695020e+00, v1  }
0x255: {  	v11 =	vld [tilespmem:s31+$0xFFFFFFE0];
	v0 =	vmul.f32 $1.442695020e+00, v0  }
0x256: {  	v13 =	vld [tilespmem:s31+$0x0];
	v44 =	vadd.f32 v44, v48;
	(erf) = vpow2.f32 v1  }
0x257: {  	v1 =	vadd.f32 v43, v49;
	(erf) = vpow2.f32 v0;
	v0 =	vld [tilespmem:s16+$0xFFFFFFD0]  }
0x258: {  	v2 =	vadd.f32 v2, v9;
	v12 =	vmul.f32 $1.442695020e+00, v44  }
0x259: {  	v14 =	vadd.f32 v45, v10;
	v1 =	vmul.f32 $1.442695020e+00, v1  }
0x25a: {  	v3 =	vadd.f32 v3, v11;
	v2 =	vmul.f32 $1.442695020e+00, v2;
	(erf) = vpow2.f32 v12  }
0x25b: {  	(erf) = vpow2.f32 v1;
	v1 =	vmul.f32 $1.442695020e+00, v14  }
0x25c: {  	v3 =	vmul.f32 $1.442695020e+00, v3;
	(erf) = vpow2.f32 v2;
	v0 =	vadd.f32 v0, v13  }
0x25d: {  	(erf) = vpow2.f32 v1  }
0x25e: {  	(erf) = vpow2.f32 v3;
	v0 =	vmul.f32 $1.442695020e+00, v0  }
0x25f: {  	v1 =	vpop (erf)  }
0x260: {  	v2 =	vpop (erf);
	(erf) = vpow2.f32 v0;
	_ =	sdelay $0x1  }
0x261: {  	[tilespmem:s16+$0xFFFFFFC0] =	vst v1  }
0x262: {  	[tilespmem:s16+$0xFFFFFFE0] =	vst v2;
	v3 =	vpop (erf)  }
0x263: {  	v15 =	vld [tilespmem:s1+$0xFFFFFFF0];
	[tilespmem:s16+$0x0] =	vst v3;
	v0 =	vpop (erf)  }
0x264: {  	v16 =	vld [tilespmem:s1+$0xFFFFFFE0];
	[tilespmem:s16+$0xFFFFFFF0] =	vst v0;
	v45 =	vpop (erf)  }
0x265: {  	v17 =	vld [tilespmem:s1+$0xFFFFFFC0];
	v47 =	vpop (erf)  }
0x266: {  	[tilespmem:s16+$0xFFFFFF90] =	vst v45;
	v51 =	vld [tilespmem:s1+$0x0];
	v49 =	vpop (erf)  }
0x267: {  	v18 =	vld [tilespmem:s1+$0xFFFFFF90];
	[tilespmem:s16+$0xFFFFFFB0] =	vst v49  }
0x268: {  	v50 =	vld [tilespmem:s1+$0xFFFFFFB0];
	[tilespmem:s16+$0xFFFFFFA0] =	vst v47;
	v52 =	vpop (erf)  }
0x269: {  	v53 =	vld [tilespmem:s1+$0xFFFFFFA0];
	[tilespmem:s16+$0xFFFFFFD0] =	vst v52  }
0x26a: {  	v54 =	vld [tilespmem:s30+$0xFFFFFFF0]  }
0x26b: {  	v55 =	vld [tilespmem:s30+$0x10]  }
0x26c: {  	v56 =	vld [tilespmem:s30+$0x30]  }
0x26d: {  	v57 =	vld [tilespmem:s30+$0x20]  }
0x26e: {  	v58 =	vld [tilespmem:s30+$0xFFFFFFC0]  }
0x26f: {  	v59 =	vld [tilespmem:s30+$0xFFFFFFD0]  }
0x270: {  	v19 =	vld [tilespmem:s30+$0xFFFFFFE0];
	v46 =	vadd.f32 v17, v54  }
0x271: {  	v60 =	vld [tilespmem:s1+$0xFFFFFFD0];
	v44 =	vadd.f32 v16, v55  }
0x272: {  	v61 =	vld [tilespmem:s30+$0x0];
	v51 =	vadd.f32 v51, v56;
	v46 =	vmul.f32 $1.442695020e+00, v46  }
0x273: {  	v43 =	vadd.f32 v15, v57;
	v44 =	vmul.f32 $1.442695020e+00, v44  }
0x274: {  	v48 =	vadd.f32 v18, v58;
	v51 =	vmul.f32 $1.442695020e+00, v51;
	(erf) = vpow2.f32 v46  }
0x275: {  	v62 =	vadd.f32 v53, v59;
	v43 =	vmul.f32 $1.442695020e+00, v43;
	(erf) = vpow2.f32 v44  }
0x276: {  	v63 =	vadd.f32 v50, v19;
	v48 =	vmul.f32 $1.442695020e+00, v48;
	(erf) = vpow2.f32 v51  }
0x277: {  	v4 =	vadd.f32 v60, v61;
	v46 =	vmul.f32 $1.442695020e+00, v62;
	(erf) = vpow2.f32 v43  }
0x278: {  	v44 =	vmul.f32 $1.442695020e+00, v63;
	(erf) = vpow2.f32 v48  }
0x279: {  	v43 =	vmul.f32 $1.442695020e+00, v4;
	(erf) = vpow2.f32 v46  }
0x27a: {  	(erf) = vpow2.f32 v44  }
0x27b: {  	(erf) = vpow2.f32 v43;
	_ =	sdelay $0x1  }
0x27c: {  	v43 =	vpop (erf)  }
0x27d: {  	v44 =	vpop (erf);
	[tilespmem:s1+$0xFFFFFFC0] =	vst v43  }
0x27e: {  	v46 =	vpop (erf);
	[tilespmem:s1+$0xFFFFFFE0] =	vst v44  }
0x27f: {  	v48 =	vpop (erf);
	[tilespmem:s1+$0x0] =	vst v46  }
0x280: {  	v50 =	vpop (erf);
	[tilespmem:s1+$0xFFFFFFF0] =	vst v48  }
0x281: {  	v53 =	vpop (erf);
	[tilespmem:s1+$0xFFFFFF90] =	vst v50  }
0x282: {  	v54 =	vpop (erf);
	[tilespmem:s1+$0xFFFFFFA0] =	vst v53  }
0x283: {  	[tilespmem:s1+$0xFFFFFFB0] =	vst v54;
	v55 =	vpop (erf)  }
0x284: {  	s0 =	simm.s32 $0x7;
	[tilespmem:s1+$0xFFFFFFD0] =	vst v55  }
0x285: {  	_ =	swait.ge [sflag:s0], $0x2000  }
0x286: {  	[sflag:s0] =	ssyncset.done $0x0  }
0x287: {  	s28 =	simm.s32 $0x42F0;
	[sflag:s0] =	ssyncadd.s32 $0xFFFFE000  }
0x288: {  	v5 =	vld [tilespmem:s28+$0xFFFFFFF0]  }
0x289: {  	v6 =	vld [tilespmem:s28+$0xFFFFFFE0]  }
0x28a: {  	s29 =	simm.s32 $0x40;
	v7 =	vld [tilespmem:s28+$0xFFFFFFC0]  }
0x28b: {  	v8 =	vld [tilespmem:s29+$0xFFFFFFF0]  }
0x28c: {  	v9 =	vld [tilespmem:s29+$0x10]  }
0x28d: {  	v60 =	vld [tilespmem:s28+$0x0]  }
0x28e: {  	v61 =	vld [tilespmem:s29+$0x30]  }
0x28f: {  	v62 =	vld [tilespmem:s28+$0xFFFFFF90]  }
0x290: {  	v63 =	vld [tilespmem:s29+$0x20];
	v57 =	vadd.f32 v7, v8  }
0x291: {  	v10 =	vld [tilespmem:s28+$0xFFFFFFA0];
	v56 =	vadd.f32 v6, v9  }
0x292: {  	v11 =	vld [tilespmem:s29+$0xFFFFFFC0];
	v57 =	vmul.f32 $1.442695020e+00, v57  }
0x293: {  	v12 =	vld [tilespmem:s29+$0xFFFFFFD0];
	v56 =	vmul.f32 $1.442695020e+00, v56  }
0x294: {  	v17 =	vld [tilespmem:s28+$0xFFFFFFB0];
	(erf) = vpow2.f32 v57  }
0x295: {  	v1 =	vadd.f32 v1, v33;
	v18 =	vld [tilespmem:s29+$0xFFFFFFE0];
	(erf) = vpow2.f32 v56  }
0x296: {  	v2 =	vadd.f32 v2, v32;
	v58 =	vld [tilespmem:s29+$0x0];
	v60 =	vadd.f32 v60, v61  }
0x297: {  	v0 =	vadd.f32 v0, v34;
	v51 =	vadd.f32 v5, v63;
	v56 =	vld [tilespmem:s28+$0xFFFFFFD0]  }
0x298: {  	v3 =	vadd.f32 v3, v35;
	v14 =	vadd.f32 v62, v11;
	v13 =	vmul.f32 $1.442695020e+00, v60  }
0x299: {  	v35 =	vadd.f32 v48, v0;
	v16 =	vadd.f32 v10, v12;
	v15 =	vmul.f32 $1.442695020e+00, v51  }
0x29a: {  	v0 =	vadd.f32 v17, v18;
	v19 =	vmul.f32 $1.442695020e+00, v14;
	(erf) = vpow2.f32 v13  }
0x29b: {  	v34 =	vadd.f32 v46, v3;
	v57 =	vmul.f32 $1.442695020e+00, v16;
	(erf) = vpow2.f32 v15  }
0x29c: {  	v62 =	vmul.f32 $1.442695020e+00, v0;
	(erf) = vpow2.f32 v19;
	v3 =	vadd.f32 v56, v58  }
0x29d: {  	v32 =	vadd.f32 v43, v1;
	(erf) = vpow2.f32 v57;
	v1 =	vpop (erf)  }
0x29e: {  	v33 =	vadd.f32 v44, v2;
	v3 =	vmul.f32 $1.442695020e+00, v3;
	v2 =	vpop (erf);
	(erf) = vpow2.f32 v62  }
0x29f: {  	v39 =	vadd.f32 v40, v39;
	v36 =	vadd.f32 v41, v36  }
0x2a0: {  	v38 =	vadd.f32 v42, v38;
	v37 =	vadd.f32 v45, v37;
	(erf) = vpow2.f32 v3  }
0x2a1: {  	v39 =	vadd.f32 v47, v39;
	v59 =	vadd.f32 v49, v36  }
0x2a2: {  	v36 =	vadd.f32 v50, v37;
	v60 =	vadd.f32 v52, v38;
	[tilespmem:s28+$0xFFFFFFC0] =	vst v1  }
0x2a3: {  	s16 =	simm.s32 $0x46F0;
	v44 =	vimm.f32 $0.0e+00;
	v37 =	vadd.f32 v54, v59;
	v38 =	vadd.f32 v53, v39;
	[tilespmem:s28+$0xFFFFFFE0] =	vst v2;
	v61 =	vpop (erf)  }
0x2a4: {  	v39 =	vadd.f32 v55, v60;
	v41 =	vadd.f32 v1, v44;
	v51 =	vld [tilespmem:s16+$0xFFFFFFF0];
	[tilespmem:s28+$0x0] =	vst v61;
	v63 =	vpop (erf)  }
0x2a5: {  	s17 =	simm.s32 $0x100;
	s4 =	simm.s32 $0x140;
	s12 =	simm.s32 $0x4EF0;
	v47 =	vimm.f32 $0.0e+00;
	v40 =	vadd.f32 v2, v44;
	v43 =	vadd.f32 v61, v44;
	v0 =	vld [tilespmem:s16+$0xFFFFFFE0];
	[tilespmem:s28+$0xFFFFFFF0] =	vst v63;
	v2 =	vpop (erf)  }
0x2a6: {  	s31 =	simm.s32 $0xC0;
	s30 =	simm.s32 $0x140;
	v46 =	vimm.f32 $0.0e+00;
	s1 =	simm.s32 $0x4AF0;
	v42 =	vadd.f32 v63, v44;
	v1 =	vld [tilespmem:s16+$0xFFFFFFC0];
	[tilespmem:s28+$0xFFFFFF90] =	vst v2;
	v45 =	vadd.f32 v2, v44;
	v48 =	vpop (erf)  }
.LBB2_28:
0x2a7: {  	s17 =	sadd.s32 $0x80, s17;
	s4 =	sadd.s32 $0x80, s4;
	v2 =	vld [tilespmem:s16+$0xFFFFFF90];
	v3 =	vpop (erf)  }
0x2a8: {  	p0 =	slt.u32 s17, $0x1F80;
	v49 =	vld [tilespmem:s16+$0x0];
	[tilespmem:s28+$0xFFFFFFB0] =	vst v3;
	v44 =	vadd.f32 v3, v44  }
0x2a9: {  	v3 =	vld [tilespmem:s16+$0xFFFFFFB0];
	[tilespmem:s28+$0xFFFFFFA0] =	vst v48;
	v50 =	vpop (erf)  }
0x2aa: {  	v47 =	vadd.f32 v48, v47;
	v52 =	vld [tilespmem:s16+$0xFFFFFFA0];
	[tilespmem:s28+$0xFFFFFFD0] =	vst v50;
	v46 =	vadd.f32 v50, v46;
	s28 =	smov.u32 s16;
	s16 =	smov.u32 s1;
	s1 =	smov.u32 s12  }
0x2ab: {  	v48 =	vld [tilespmem:s31+$0xFFFFFFF0]  }
0x2ac: {  	v50 =	vld [tilespmem:s31+$0x10]  }
0x2ad: {  	v53 =	vld [tilespmem:s31+$0x30]  }
0x2ae: {  	v54 =	vld [tilespmem:s31+$0x20]  }
0x2af: {  	v55 =	vld [tilespmem:s31+$0xFFFFFFC0]  }
0x2b0: {  	v56 =	vld [tilespmem:s31+$0xFFFFFFD0];
	v1 =	vadd.f32 v1, v48  }
0x2b1: {  	v48 =	vld [tilespmem:s31+$0xFFFFFFE0];
	v0 =	vadd.f32 v0, v50  }
0x2b2: {  	v50 =	vld [tilespmem:s28+$0xFFFFFFD0];
	v49 =	vadd.f32 v49, v53;
	v1 =	vmul.f32 $1.442695020e+00, v1  }
0x2b3: {  	v53 =	vld [tilespmem:s31+$0x0];
	v51 =	vadd.f32 v51, v54;
	v0 =	vmul.f32 $1.442695020e+00, v0;
	s31 =	smov.u32 s30;
	s30 =	smov.u32 s4  }
0x2b4: {  	v2 =	vadd.f32 v2, v55;
	v49 =	vmul.f32 $1.442695020e+00, v49;
	(erf) = vpow2.f32 v1  }
0x2b5: {  	v1 =	vadd.f32 v52, v56;
	v51 =	vmul.f32 $1.442695020e+00, v51;
	(erf) = vpow2.f32 v0  }
0x2b6: {  	v0 =	vadd.f32 v3, v48;
	v2 =	vmul.f32 $1.442695020e+00, v2;
	(erf) = vpow2.f32 v49  }
0x2b7: {  	v1 =	vmul.f32 $1.442695020e+00, v1;
	(erf) = vpow2.f32 v51  }
0x2b8: {  	v3 =	vadd.f32 v50, v53;
	v0 =	vmul.f32 $1.442695020e+00, v0;
	(erf) = vpow2.f32 v2  }
0x2b9: {  	(erf) = vpow2.f32 v1  }
0x2ba: {  	v1 =	vmul.f32 $1.442695020e+00, v3;
	(erf) = vpow2.f32 v0;
	_ =	sdelay $0x1  }
0x2bb: {  	(erf) = vpow2.f32 v1  }
0x2bc: {  	v0 =	vpop (erf)  }
.Ltmp13:
0x2bd: {  	[tilespmem:s28+$0xFFFFFFC0] =	vst v0;
	v41 =	vadd.f32 v0, v41;
	v0 =	vpop (erf);
	(pc) =	sbr.rel @p0 .LBB2_28-.Ltmp13, $4  }
0x2be: {  	[tilespmem:s28+$0xFFFFFFE0] =	vst v0;
	v40 =	vadd.f32 v0, v40;
	v0 =	vpop (erf)  }
0x2bf: {  	v51 =	vld [tilespmem:s16+$0xFFFFFFF0];
	[tilespmem:s28+$0x0] =	vst v0;
	v43 =	vadd.f32 v0, v43;
	v1 =	vpop (erf)  }
0x2c0: {  	v0 =	vld [tilespmem:s16+$0xFFFFFFE0];
	[tilespmem:s28+$0xFFFFFFF0] =	vst v1;
	v42 =	vadd.f32 v1, v42;
	v2 =	vpop (erf)  }
0x2c1: {  	s12 =	sadd.s32 $0x400, s12;
	v1 =	vld [tilespmem:s16+$0xFFFFFFC0];
	[tilespmem:s28+$0xFFFFFF90] =	vst v2;
	v45 =	vadd.f32 v2, v45;
	v48 =	vpop (erf)  }
0x2c2: {  	v2 =	vld [tilespmem:s16+$0xFFFFFF90];
	v49 =	vpop (erf)  }
0x2c3: {  	v52 =	vld [tilespmem:s16+$0x0];
	[tilespmem:s28+$0xFFFFFFB0] =	vst v49  }
0x2c4: {  	v3 =	vld [tilespmem:s16+$0xFFFFFFB0];
	[tilespmem:s28+$0xFFFFFFA0] =	vst v48;
	v50 =	vpop (erf)  }
0x2c5: {  	v53 =	vld [tilespmem:s16+$0xFFFFFFA0];
	[tilespmem:s28+$0xFFFFFFD0] =	vst v50  }
0x2c6: {  	v54 =	vld [tilespmem:s31+$0xFFFFFFF0]  }
0x2c7: {  	v55 =	vld [tilespmem:s31+$0x10];
	_ =	sdelay $0x2  }
0x2c8: {  	v56 =	vld [tilespmem:s31+$0x30]  }
0x2c9: {  	v57 =	vld [tilespmem:s31+$0x20];
	v1 =	vadd.f32 v1, v54  }
0x2ca: {  	v8 =	vld [tilespmem:s31+$0xFFFFFFC0];
	v0 =	vadd.f32 v0, v55  }
0x2cb: {  	v9 =	vld [tilespmem:s31+$0xFFFFFFD0];
	v1 =	vmul.f32 $1.442695020e+00, v1  }
0x2cc: {  	v10 =	vld [tilespmem:s31+$0xFFFFFFE0];
	v0 =	vmul.f32 $1.442695020e+00, v0  }
0x2cd: {  	v12 =	vld [tilespmem:s31+$0x0];
	v52 =	vadd.f32 v52, v56;
	(erf) = vpow2.f32 v1  }
0x2ce: {  	v1 =	vadd.f32 v51, v57;
	(erf) = vpow2.f32 v0;
	v0 =	vld [tilespmem:s16+$0xFFFFFFD0]  }
0x2cf: {  	v2 =	vadd.f32 v2, v8;
	v11 =	vmul.f32 $1.442695020e+00, v52  }
0x2d0: {  	v13 =	vadd.f32 v53, v9;
	v1 =	vmul.f32 $1.442695020e+00, v1  }
0x2d1: {  	v3 =	vadd.f32 v3, v10;
	v2 =	vmul.f32 $1.442695020e+00, v2;
	(erf) = vpow2.f32 v11  }
0x2d2: {  	(erf) = vpow2.f32 v1;
	v1 =	vmul.f32 $1.442695020e+00, v13  }
0x2d3: {  	v3 =	vmul.f32 $1.442695020e+00, v3;
	(erf) = vpow2.f32 v2;
	v0 =	vadd.f32 v0, v12  }
0x2d4: {  	(erf) = vpow2.f32 v1  }
0x2d5: {  	(erf) = vpow2.f32 v3;
	v0 =	vmul.f32 $1.442695020e+00, v0  }
0x2d6: {  	v1 =	vpop (erf)  }
0x2d7: {  	v2 =	vpop (erf);
	(erf) = vpow2.f32 v0;
	_ =	sdelay $0x1  }
0x2d8: {  	[tilespmem:s16+$0xFFFFFFC0] =	vst v1  }
0x2d9: {  	[tilespmem:s16+$0xFFFFFFE0] =	vst v2;
	v3 =	vpop (erf)  }
0x2da: {  	v14 =	vld [tilespmem:s1+$0xFFFFFFF0];
	[tilespmem:s16+$0x0] =	vst v3;
	v0 =	vpop (erf)  }
0x2db: {  	v15 =	vld [tilespmem:s1+$0xFFFFFFE0];
	[tilespmem:s16+$0xFFFFFFF0] =	vst v0;
	v53 =	vpop (erf)  }
0x2dc: {  	v16 =	vld [tilespmem:s1+$0xFFFFFFC0];
	v55 =	vpop (erf)  }
0x2dd: {  	[tilespmem:s16+$0xFFFFFF90] =	vst v53;
	v59 =	vld [tilespmem:s1+$0x0];
	v57 =	vpop (erf)  }
0x2de: {  	v17 =	vld [tilespmem:s1+$0xFFFFFF90];
	[tilespmem:s16+$0xFFFFFFB0] =	vst v57  }
0x2df: {  	v58 =	vld [tilespmem:s1+$0xFFFFFFB0];
	[tilespmem:s16+$0xFFFFFFA0] =	vst v55;
	v60 =	vpop (erf)  }
0x2e0: {  	v61 =	vld [tilespmem:s1+$0xFFFFFFA0];
	[tilespmem:s16+$0xFFFFFFD0] =	vst v60  }
0x2e1: {  	v62 =	vld [tilespmem:s30+$0xFFFFFFF0]  }
0x2e2: {  	v63 =	vld [tilespmem:s30+$0x10]  }
0x2e3: {  	v4 =	vld [tilespmem:s30+$0x30]  }
0x2e4: {  	v5 =	vld [tilespmem:s30+$0x20]  }
0x2e5: {  	v6 =	vld [tilespmem:s30+$0xFFFFFFC0]  }
0x2e6: {  	v7 =	vld [tilespmem:s30+$0xFFFFFFD0]  }
0x2e7: {  	v18 =	vld [tilespmem:s30+$0xFFFFFFE0];
	v54 =	vadd.f32 v16, v62  }
0x2e8: {  	v19 =	vld [tilespmem:s1+$0xFFFFFFD0];
	v52 =	vadd.f32 v15, v63  }
0x2e9: {  	v9 =	vld [tilespmem:s30+$0x0];
	v4 =	vadd.f32 v59, v4;
	v54 =	vmul.f32 $1.442695020e+00, v54  }
0x2ea: {  	v5 =	vadd.f32 v14, v5;
	v10 =	vmul.f32 $1.442695020e+00, v52  }
0x2eb: {  	v6 =	vadd.f32 v17, v6;
	v4 =	vmul.f32 $1.442695020e+00, v4;
	(erf) = vpow2.f32 v54  }
0x2ec: {  	v7 =	vadd.f32 v61, v7;
	v5 =	vmul.f32 $1.442695020e+00, v5;
	(erf) = vpow2.f32 v10  }
0x2ed: {  	v11 =	vadd.f32 v58, v18;
	v6 =	vmul.f32 $1.442695020e+00, v6;
	(erf) = vpow2.f32 v4  }
0x2ee: {  	v13 =	vadd.f32 v19, v9;
	v12 =	vmul.f32 $1.442695020e+00, v7;
	(erf) = vpow2.f32 v5  }
0x2ef: {  	v14 =	vmul.f32 $1.442695020e+00, v11;
	(erf) = vpow2.f32 v6  }
0x2f0: {  	v15 =	vmul.f32 $1.442695020e+00, v13;
	(erf) = vpow2.f32 v12  }
0x2f1: {  	(erf) = vpow2.f32 v14  }
0x2f2: {  	(erf) = vpow2.f32 v15;
	_ =	sdelay $0x1  }
0x2f3: {  	v4 =	vpop (erf)  }
0x2f4: {  	v5 =	vpop (erf);
	[tilespmem:s1+$0xFFFFFFC0] =	vst v4  }
0x2f5: {  	v6 =	vpop (erf);
	[tilespmem:s1+$0xFFFFFFE0] =	vst v5  }
0x2f6: {  	v7 =	vpop (erf);
	[tilespmem:s1+$0x0] =	vst v6  }
0x2f7: {  	v51 =	vpop (erf);
	[tilespmem:s1+$0xFFFFFFF0] =	vst v7  }
0x2f8: {  	v52 =	vpop (erf);
	[tilespmem:s1+$0xFFFFFF90] =	vst v51  }
0x2f9: {  	v54 =	vpop (erf);
	[tilespmem:s1+$0xFFFFFFA0] =	vst v52  }
0x2fa: {  	[tilespmem:s1+$0xFFFFFFB0] =	vst v54;
	v56 =	vpop (erf)  }
0x2fb: {  	s0 =	simm.s32 $0x8;
	[tilespmem:s1+$0xFFFFFFD0] =	vst v56  }
0x2fc: {  	_ =	swait.ge [sflag:s0], $0x2000  }
0x2fd: {  	[sflag:s0] =	ssyncset.done $0x0  }
0x2fe: {  	s28 =	simm.s32 $0x4370;
	[sflag:s0] =	ssyncadd.s32 $0xFFFFE000  }
0x2ff: {  	v16 =	vld [tilespmem:s28+$0xFFFFFFF0]  }
0x300: {  	v17 =	vld [tilespmem:s28+$0xFFFFFFE0]  }
0x301: {  	s29 =	simm.s32 $0x40;
	v18 =	vld [tilespmem:s28+$0xFFFFFFC0]  }
0x302: {  	v19 =	vld [tilespmem:s29+$0xFFFFFFF0]  }
0x303: {  	v12 =	vld [tilespmem:s29+$0x10]  }
0x304: {  	v8 =	vld [tilespmem:s28+$0x0]  }
0x305: {  	v9 =	vld [tilespmem:s29+$0x30]  }
0x306: {  	v10 =	vld [tilespmem:s28+$0xFFFFFF90]  }
0x307: {  	v11 =	vld [tilespmem:s29+$0x20];
	v61 =	vadd.f32 v18, v19  }
0x308: {  	v13 =	vld [tilespmem:s28+$0xFFFFFFA0];
	v59 =	vadd.f32 v17, v12  }
0x309: {  	v14 =	vld [tilespmem:s29+$0xFFFFFFC0];
	v61 =	vmul.f32 $1.442695020e+00, v61  }
0x30a: {  	v15 =	vld [tilespmem:s29+$0xFFFFFFD0];
	v59 =	vmul.f32 $1.442695020e+00, v59  }
0x30b: {  	v18 =	vld [tilespmem:s28+$0xFFFFFFB0];
	(erf) = vpow2.f32 v61  }
0x30c: {  	v1 =	vadd.f32 v1, v41;
	v19 =	vld [tilespmem:s29+$0xFFFFFFE0];
	(erf) = vpow2.f32 v59  }
0x30d: {  	v2 =	vadd.f32 v2, v40;
	v58 =	vld [tilespmem:s28+$0xFFFFFFD0];
	v8 =	vadd.f32 v8, v9  }
0x30e: {  	v0 =	vadd.f32 v0, v42;
	v11 =	vadd.f32 v16, v11;
	v59 =	vld [tilespmem:s29+$0x0]  }
0x30f: {  	v3 =	vadd.f32 v3, v43;
	v10 =	vadd.f32 v10, v14;
	v8 =	vmul.f32 $1.442695020e+00, v8  }
0x310: {  	v42 =	vadd.f32 v7, v0;
	v9 =	vadd.f32 v13, v15;
	v16 =	vmul.f32 $1.442695020e+00, v11  }
0x311: {  	v10 =	vmul.f32 $1.442695020e+00, v10;
	v0 =	vadd.f32 v18, v19;
	(erf) = vpow2.f32 v8  }
0x312: {  	v40 =	vadd.f32 v6, v3;
	v9 =	vmul.f32 $1.442695020e+00, v9;
	(erf) = vpow2.f32 v16  }
0x313: {  	v62 =	vmul.f32 $1.442695020e+00, v0;
	(erf) = vpow2.f32 v10;
	v3 =	vadd.f32 v58, v59  }
0x314: {  	v43 =	vadd.f32 v4, v1;
	(erf) = vpow2.f32 v9;
	v1 =	vpop (erf)  }
0x315: {  	v41 =	vadd.f32 v5, v2;
	v3 =	vmul.f32 $1.442695020e+00, v3;
	v2 =	vpop (erf);
	(erf) = vpow2.f32 v62  }
0x316: {  	v47 =	vadd.f32 v48, v47;
	v44 =	vadd.f32 v49, v44  }
0x317: {  	v45 =	vadd.f32 v53, v45;
	v17 =	vadd.f32 v50, v46;
	(erf) = vpow2.f32 v3  }
0x318: {  	v47 =	vadd.f32 v55, v47;
	v49 =	vadd.f32 v57, v44  }
0x319: {  	v44 =	vadd.f32 v51, v45;
	v60 =	vadd.f32 v60, v17;
	[tilespmem:s28+$0xFFFFFFC0] =	vst v1  }
0x31a: {  	s16 =	simm.s32 $0x4770;
	v47 =	vadd.f32 v52, v47;
	v52 =	vimm.f32 $0.0e+00;
	v45 =	vadd.f32 v54, v49;
	[tilespmem:s28+$0xFFFFFFE0] =	vst v2;
	v61 =	vpop (erf)  }
0x31b: {  	v46 =	vadd.f32 v56, v60;
	v49 =	vadd.f32 v1, v52;
	v59 =	vld [tilespmem:s16+$0xFFFFFFF0];
	[tilespmem:s28+$0x0] =	vst v61;
	v63 =	vpop (erf)  }
0x31c: {  	s17 =	simm.s32 $0x100;
	s4 =	simm.s32 $0x140;
	s12 =	simm.s32 $0x4F70;
	v55 =	vimm.f32 $0.0e+00;
	v48 =	vadd.f32 v2, v52;
	v51 =	vadd.f32 v61, v52;
	v0 =	vld [tilespmem:s16+$0xFFFFFFE0];
	[tilespmem:s28+$0xFFFFFFF0] =	vst v63;
	v2 =	vpop (erf)  }
0x31d: {  	s31 =	simm.s32 $0xC0;
	s30 =	simm.s32 $0x140;
	v54 =	vimm.f32 $0.0e+00;
	s1 =	simm.s32 $0x4B70;
	v50 =	vadd.f32 v63, v52;
	v1 =	vld [tilespmem:s16+$0xFFFFFFC0];
	[tilespmem:s28+$0xFFFFFF90] =	vst v2;
	v53 =	vadd.f32 v2, v52;
	v56 =	vpop (erf)  }
.LBB2_30:
0x31e: {  	s17 =	sadd.s32 $0x80, s17;
	s4 =	sadd.s32 $0x80, s4;
	v2 =	vld [tilespmem:s16+$0xFFFFFF90];
	v3 =	vpop (erf)  }
0x31f: {  	p0 =	slt.u32 s17, $0x1F80;
	v4 =	vld [tilespmem:s16+$0x0];
	[tilespmem:s28+$0xFFFFFFB0] =	vst v3;
	v52 =	vadd.f32 v3, v52  }
0x320: {  	v3 =	vld [tilespmem:s16+$0xFFFFFFB0];
	[tilespmem:s28+$0xFFFFFFA0] =	vst v56;
	v5 =	vpop (erf)  }
0x321: {  	v55 =	vadd.f32 v56, v55;
	v6 =	vld [tilespmem:s16+$0xFFFFFFA0];
	[tilespmem:s28+$0xFFFFFFD0] =	vst v5;
	v54 =	vadd.f32 v5, v54;
	s28 =	smov.u32 s16;
	s16 =	smov.u32 s1;
	s1 =	smov.u32 s12  }
0x322: {  	v5 =	vld [tilespmem:s31+$0xFFFFFFF0]  }
0x323: {  	v7 =	vld [tilespmem:s31+$0x10]  }
0x324: {  	v8 =	vld [tilespmem:s31+$0x30]  }
0x325: {  	v9 =	vld [tilespmem:s31+$0x20]  }
0x326: {  	v10 =	vld [tilespmem:s31+$0xFFFFFFC0]  }
0x327: {  	v11 =	vld [tilespmem:s31+$0xFFFFFFD0];
	v1 =	vadd.f32 v1, v5  }
0x328: {  	v5 =	vld [tilespmem:s31+$0xFFFFFFE0];
	v0 =	vadd.f32 v0, v7  }
0x329: {  	v7 =	vld [tilespmem:s28+$0xFFFFFFD0];
	v4 =	vadd.f32 v4, v8;
	v1 =	vmul.f32 $1.442695020e+00, v1  }
0x32a: {  	v8 =	vld [tilespmem:s31+$0x0];
	v9 =	vadd.f32 v59, v9;
	v0 =	vmul.f32 $1.442695020e+00, v0;
	s31 =	smov.u32 s30;
	s30 =	smov.u32 s4  }
0x32b: {  	v2 =	vadd.f32 v2, v10;
	v4 =	vmul.f32 $1.442695020e+00, v4;
	(erf) = vpow2.f32 v1  }
0x32c: {  	v1 =	vadd.f32 v6, v11;
	v6 =	vmul.f32 $1.442695020e+00, v9;
	(erf) = vpow2.f32 v0  }
0x32d: {  	v0 =	vadd.f32 v3, v5;
	v2 =	vmul.f32 $1.442695020e+00, v2;
	(erf) = vpow2.f32 v4  }
0x32e: {  	v1 =	vmul.f32 $1.442695020e+00, v1;
	(erf) = vpow2.f32 v6  }
0x32f: {  	v3 =	vadd.f32 v7, v8;
	v0 =	vmul.f32 $1.442695020e+00, v0;
	(erf) = vpow2.f32 v2  }
0x330: {  	(erf) = vpow2.f32 v1  }
0x331: {  	v1 =	vmul.f32 $1.442695020e+00, v3;
	(erf) = vpow2.f32 v0;
	_ =	sdelay $0x1  }
0x332: {  	(erf) = vpow2.f32 v1  }
0x333: {  	v0 =	vpop (erf)  }
.Ltmp14:
0x334: {  	[tilespmem:s28+$0xFFFFFFC0] =	vst v0;
	v49 =	vadd.f32 v0, v49;
	v0 =	vpop (erf);
	(pc) =	sbr.rel @p0 .LBB2_30-.Ltmp14, $4  }
0x335: {  	[tilespmem:s28+$0xFFFFFFE0] =	vst v0;
	v48 =	vadd.f32 v0, v48;
	v0 =	vpop (erf)  }
0x336: {  	v59 =	vld [tilespmem:s16+$0xFFFFFFF0];
	[tilespmem:s28+$0x0] =	vst v0;
	v51 =	vadd.f32 v0, v51;
	v1 =	vpop (erf)  }
0x337: {  	v0 =	vld [tilespmem:s16+$0xFFFFFFE0];
	[tilespmem:s28+$0xFFFFFFF0] =	vst v1;
	v50 =	vadd.f32 v1, v50;
	v2 =	vpop (erf)  }
0x338: {  	s12 =	sadd.s32 $0x400, s12;
	v1 =	vld [tilespmem:s16+$0xFFFFFFC0];
	[tilespmem:s28+$0xFFFFFF90] =	vst v2;
	v53 =	vadd.f32 v2, v53;
	v56 =	vpop (erf)  }
0x339: {  	v2 =	vld [tilespmem:s16+$0xFFFFFF90];
	v57 =	vpop (erf)  }
0x33a: {  	v4 =	vld [tilespmem:s16+$0x0];
	[tilespmem:s28+$0xFFFFFFB0] =	vst v57  }
0x33b: {  	v3 =	vld [tilespmem:s16+$0xFFFFFFB0];
	[tilespmem:s28+$0xFFFFFFA0] =	vst v56;
	v58 =	vpop (erf)  }
0x33c: {  	v5 =	vld [tilespmem:s16+$0xFFFFFFA0];
	[tilespmem:s28+$0xFFFFFFD0] =	vst v58  }
0x33d: {  	v6 =	vld [tilespmem:s31+$0xFFFFFFF0]  }
0x33e: {  	v7 =	vld [tilespmem:s31+$0x10]  }
0x33f: {  	v8 =	vld [tilespmem:s31+$0x30];
	_ =	sdelay $0x2  }
0x340: {  	v1 =	vadd.f32 v1, v6  }
0x341: {  	v9 =	vld [tilespmem:s31+$0x20];
	v0 =	vadd.f32 v0, v7  }
0x342: {  	v15 =	vld [tilespmem:s31+$0xFFFFFFC0];
	v4 =	vadd.f32 v4, v8;
	v1 =	vmul.f32 $1.442695020e+00, v1  }
0x343: {  	v16 =	vld [tilespmem:s31+$0xFFFFFFD0];
	v0 =	vmul.f32 $1.442695020e+00, v0  }
0x344: {  	v17 =	vld [tilespmem:s31+$0xFFFFFFE0];
	v4 =	vmul.f32 $1.442695020e+00, v4;
	(erf) = vpow2.f32 v1  }
0x345: {  	(erf) = vpow2.f32 v0;
	v0 =	vld [tilespmem:s16+$0xFFFFFFD0]  }
0x346: {  	v1 =	vadd.f32 v59, v9;
	(erf) = vpow2.f32 v4;
	v4 =	vld [tilespmem:s31+$0x0]  }
0x347: {  	v2 =	vadd.f32 v2, v15  }
0x348: {  	v5 =	vadd.f32 v5, v16;
	v1 =	vmul.f32 $1.442695020e+00, v1  }
0x349: {  	v3 =	vadd.f32 v3, v17;
	v2 =	vmul.f32 $1.442695020e+00, v2  }
0x34a: {  	(erf) = vpow2.f32 v1;
	v1 =	vmul.f32 $1.442695020e+00, v5  }
0x34b: {  	v3 =	vmul.f32 $1.442695020e+00, v3;
	(erf) = vpow2.f32 v2;
	v0 =	vadd.f32 v0, v4  }
0x34c: {  	(erf) = vpow2.f32 v1  }
0x34d: {  	(erf) = vpow2.f32 v3;
	v0 =	vmul.f32 $1.442695020e+00, v0  }
0x34e: {  	v1 =	vpop (erf)  }
0x34f: {  	v2 =	vpop (erf);
	(erf) = vpow2.f32 v0;
	_ =	sdelay $0x1  }
0x350: {  	[tilespmem:s16+$0xFFFFFFC0] =	vst v1  }
0x351: {  	[tilespmem:s16+$0xFFFFFFE0] =	vst v2;
	v3 =	vpop (erf)  }
0x352: {  	v4 =	vld [tilespmem:s1+$0xFFFFFFF0];
	[tilespmem:s16+$0x0] =	vst v3;
	v0 =	vpop (erf)  }
0x353: {  	v5 =	vld [tilespmem:s1+$0xFFFFFFE0];
	[tilespmem:s16+$0xFFFFFFF0] =	vst v0;
	v6 =	vpop (erf)  }
0x354: {  	v18 =	vld [tilespmem:s1+$0xFFFFFFC0];
	v8 =	vpop (erf)  }
0x355: {  	[tilespmem:s16+$0xFFFFFF90] =	vst v6;
	v19 =	vld [tilespmem:s1+$0x0];
	v10 =	vpop (erf)  }
0x356: {  	v9 =	vld [tilespmem:s1+$0xFFFFFF90];
	[tilespmem:s16+$0xFFFFFFB0] =	vst v10  }
0x357: {  	v11 =	vld [tilespmem:s1+$0xFFFFFFB0];
	[tilespmem:s16+$0xFFFFFFA0] =	vst v8;
	v60 =	vpop (erf)  }
0x358: {  	v61 =	vld [tilespmem:s1+$0xFFFFFFA0];
	[tilespmem:s16+$0xFFFFFFD0] =	vst v60  }
0x359: {  	v62 =	vld [tilespmem:s30+$0xFFFFFFF0]  }
0x35a: {  	v63 =	vld [tilespmem:s30+$0x10]  }
0x35b: {  	v12 =	vld [tilespmem:s30+$0x30]  }
0x35c: {  	v13 =	vld [tilespmem:s30+$0x20]  }
0x35d: {  	v14 =	vld [tilespmem:s30+$0xFFFFFFC0]  }
0x35e: {  	v15 =	vld [tilespmem:s30+$0xFFFFFFD0]  }
0x35f: {  	v16 =	vld [tilespmem:s30+$0xFFFFFFE0];
	v7 =	vadd.f32 v18, v62  }
0x360: {  	v17 =	vld [tilespmem:s1+$0xFFFFFFD0];
	v5 =	vadd.f32 v5, v63  }
0x361: {  	v12 =	vadd.f32 v19, v12;
	v18 =	vld [tilespmem:s30+$0x0];
	v7 =	vmul.f32 $1.442695020e+00, v7  }
0x362: {  	v4 =	vadd.f32 v4, v13;
	v5 =	vmul.f32 $1.442695020e+00, v5  }
0x363: {  	v9 =	vadd.f32 v9, v14;
	v12 =	vmul.f32 $1.442695020e+00, v12;
	(erf) = vpow2.f32 v7  }
0x364: {  	v19 =	vadd.f32 v61, v15;
	v4 =	vmul.f32 $1.442695020e+00, v4;
	(erf) = vpow2.f32 v5  }
0x365: {  	v9 =	vmul.f32 $1.442695020e+00, v9;
	v5 =	vadd.f32 v11, v16;
	(erf) = vpow2.f32 v12  }
0x366: {  	v7 =	vmul.f32 $1.442695020e+00, v19;
	(erf) = vpow2.f32 v4;
	v4 =	vadd.f32 v17, v18  }
0x367: {  	v5 =	vmul.f32 $1.442695020e+00, v5;
	(erf) = vpow2.f32 v9  }
0x368: {  	(erf) = vpow2.f32 v7;
	v4 =	vmul.f32 $1.442695020e+00, v4  }
0x369: {  	(erf) = vpow2.f32 v5  }
0x36a: {  	(erf) = vpow2.f32 v4;
	_ =	sdelay $0x1  }
0x36b: {  	v4 =	vpop (erf)  }
0x36c: {  	v5 =	vpop (erf);
	[tilespmem:s1+$0xFFFFFFC0] =	vst v4  }
0x36d: {  	v7 =	vpop (erf);
	[tilespmem:s1+$0xFFFFFFE0] =	vst v5  }
0x36e: {  	v9 =	vpop (erf);
	[tilespmem:s1+$0x0] =	vst v7  }
0x36f: {  	v11 =	vpop (erf);
	[tilespmem:s1+$0xFFFFFFF0] =	vst v9  }
0x370: {  	v12 =	vpop (erf);
	[tilespmem:s1+$0xFFFFFF90] =	vst v11  }
0x371: {  	v13 =	vpop (erf);
	[tilespmem:s1+$0xFFFFFFA0] =	vst v12  }
0x372: {  	[tilespmem:s1+$0xFFFFFFB0] =	vst v13;
	v14 =	vpop (erf)  }
0x373: {  	s0 =	simm.s32 $0x9;
	[tilespmem:s1+$0xFFFFFFD0] =	vst v14  }
0x374: {  	_ =	swait.ge [sflag:s0], $0x2000  }
0x375: {  	[sflag:s0] =	ssyncset.done $0x0  }
0x376: {  	s30 =	simm.s32 $0x43F0;
	[sflag:s0] =	ssyncadd.s32 $0xFFFFE000  }
0x377: {  	v59 =	vld [tilespmem:s30+$0xFFFFFFE0]  }
0x378: {  	s29 =	simm.s32 $0x40;
	v61 =	vld [tilespmem:s30+$0xFFFFFFC0]  }
0x379: {  	v62 =	vld [tilespmem:s29+$0xFFFFFFF0]  }
0x37a: {  	v63 =	vld [tilespmem:s29+$0x10]  }
0x37b: {  	v16 =	vld [tilespmem:s30+$0x0]  }
0x37c: {  	v17 =	vld [tilespmem:s29+$0x30]  }
0x37d: {  	v15 =	vld [tilespmem:s30+$0xFFFFFFF0]  }
0x37e: {  	v18 =	vld [tilespmem:s30+$0xFFFFFF90]  }
0x37f: {  	v19 =	vld [tilespmem:s29+$0x20]  }
0x380: {  	v61 =	vadd.f32 v61, v62;
	v62 =	vld [tilespmem:s30+$0xFFFFFFA0]  }
0x381: {  	v59 =	vadd.f32 v59, v63;
	v16 =	vadd.f32 v16, v17;
	v17 =	vld [tilespmem:s29+$0xFFFFFFD0]  }
0x382: {  	v63 =	vld [tilespmem:s29+$0xFFFFFFC0];
	v61 =	vmul.f32 $1.442695020e+00, v61  }
0x383: {  	v59 =	vmul.f32 $1.442695020e+00, v59  }
0x384: {  	(erf) = vpow2.f32 v61;
	v61 =	vld [tilespmem:s29+$0xFFFFFFE0]  }
0x385: {  	(erf) = vpow2.f32 v59;
	v59 =	vld [tilespmem:s30+$0xFFFFFFB0]  }
0x386: {  	v2 =	vadd.f32 v2, v48;
	v17 =	vadd.f32 v62, v17;
	v62 =	vld [tilespmem:s30+$0xFFFFFFD0]  }
0x387: {  	v15 =	vadd.f32 v15, v19;
	v18 =	vadd.f32 v18, v63;
	v63 =	vld [tilespmem:s29+$0x0]  }
0x388: {  	v1 =	vadd.f32 v1, v49;
	v16 =	vmul.f32 $1.442695020e+00, v16  }
0x389: {  	v3 =	vadd.f32 v3, v51;
	v49 =	vadd.f32 v5, v2;
	v15 =	vmul.f32 $1.442695020e+00, v15  }
0x38a: {  	(erf) = vpow2.f32 v16;
	v18 =	vmul.f32 $1.442695020e+00, v18;
	v2 =	vadd.f32 v59, v61  }
0x38b: {  	v48 =	vadd.f32 v4, v1;
	(erf) = vpow2.f32 v15;
	v17 =	vmul.f32 $1.442695020e+00, v17  }
0x38c: {  	(erf) = vpow2.f32 v18;
	v4 =	vadd.f32 v62, v63;
	v18 =	vmul.f32 $1.442695020e+00, v2  }
0x38d: {  	v58 =	vadd.f32 v58, v54;
	v0 =	vadd.f32 v0, v50;
	(erf) = vpow2.f32 v17;
	v1 =	vpop (erf)  }
0x38e: {  	v50 =	vadd.f32 v7, v3;
	v4 =	vmul.f32 $1.442695020e+00, v4;
	v3 =	vpop (erf);
	(erf) = vpow2.f32 v18  }
0x38f: {  	v19 =	vadd.f32 v57, v52;
	v57 =	vadd.f32 v56, v55  }
0x390: {  	v6 =	vadd.f32 v6, v53;
	v51 =	vadd.f32 v9, v0;
	(erf) = vpow2.f32 v4  }
0x391: {  	v10 =	vadd.f32 v10, v19;
	v8 =	vadd.f32 v8, v57  }
0x392: {  	v52 =	vadd.f32 v11, v6;
	v16 =	vadd.f32 v60, v58;
	[tilespmem:s30+$0xFFFFFFC0] =	vst v1  }
0x393: {  	s16 =	simm.s32 $0x47F0;
	v56 =	vimm.f32 $0.0e+00;
	v53 =	vadd.f32 v13, v10;
	v54 =	vadd.f32 v12, v8;
	[tilespmem:s30+$0xFFFFFFE0] =	vst v3;
	v5 =	vpop (erf)  }
0x394: {  	v55 =	vadd.f32 v14, v16;
	v58 =	vadd.f32 v1, v56;
	v0 =	vld [tilespmem:s16+$0xFFFFFFF0];
	[tilespmem:s30+$0x0] =	vst v5;
	v19 =	vpop (erf)  }
0x395: {  	s17 =	simm.s32 $0x100;
	s4 =	simm.s32 $0x140;
	s12 =	simm.s32 $0x4FF0;
	v63 =	vimm.f32 $0.0e+00;
	v57 =	vadd.f32 v3, v56;
	v60 =	vadd.f32 v5, v56;
	v2 =	vld [tilespmem:s16+$0xFFFFFFE0];
	[tilespmem:s30+$0xFFFFFFF0] =	vst v19;
	v1 =	vpop (erf)  }
0x396: {  	s28 =	simm.s32 $0x140;
	s31 =	simm.s32 $0xC0;
	s1 =	simm.s32 $0x4BF0;
	v62 =	vimm.f32 $0.0e+00;
	v59 =	vadd.f32 v19, v56;
	v3 =	vld [tilespmem:s16+$0xFFFFFFC0];
	[tilespmem:s30+$0xFFFFFF90] =	vst v1;
	v61 =	vadd.f32 v1, v56;
	v1 =	vpop (erf)  }
.LBB2_32:
0x397: {  	s17 =	sadd.s32 $0x80, s17;
	s4 =	sadd.s32 $0x80, s4;
	v4 =	vld [tilespmem:s16+$0xFFFFFF90];
	v5 =	vpop (erf)  }
0x398: {  	p0 =	slt.u32 s17, $0x1F80;
	v6 =	vld [tilespmem:s16+$0x0];
	[tilespmem:s30+$0xFFFFFFB0] =	vst v5;
	v56 =	vadd.f32 v5, v56  }
0x399: {  	v5 =	vld [tilespmem:s16+$0xFFFFFFB0];
	[tilespmem:s30+$0xFFFFFFA0] =	vst v1;
	v7 =	vpop (erf)  }
0x39a: {  	v63 =	vadd.f32 v1, v63;
	v8 =	vld [tilespmem:s16+$0xFFFFFFA0];
	[tilespmem:s30+$0xFFFFFFD0] =	vst v7;
	v62 =	vadd.f32 v7, v62;
	s30 =	smov.u32 s16;
	s16 =	smov.u32 s1;
	s1 =	smov.u32 s12  }
0x39b: {  	v1 =	vld [tilespmem:s31+$0xFFFFFFF0]  }
0x39c: {  	v7 =	vld [tilespmem:s31+$0x10]  }
0x39d: {  	v9 =	vld [tilespmem:s31+$0x30]  }
0x39e: {  	v10 =	vld [tilespmem:s31+$0x20]  }
0x39f: {  	v11 =	vld [tilespmem:s31+$0xFFFFFFC0]  }
0x3a0: {  	v12 =	vld [tilespmem:s31+$0xFFFFFFD0];
	v1 =	vadd.f32 v3, v1  }
0x3a1: {  	v3 =	vld [tilespmem:s31+$0xFFFFFFE0];
	v2 =	vadd.f32 v2, v7  }
0x3a2: {  	v7 =	vld [tilespmem:s30+$0xFFFFFFD0];
	v6 =	vadd.f32 v6, v9;
	v1 =	vmul.f32 $1.442695020e+00, v1  }
0x3a3: {  	v9 =	vld [tilespmem:s31+$0x0];
	v0 =	vadd.f32 v0, v10;
	v2 =	vmul.f32 $1.442695020e+00, v2;
	s31 =	smov.u32 s28;
	s28 =	smov.u32 s4  }
0x3a4: {  	v4 =	vadd.f32 v4, v11;
	v6 =	vmul.f32 $1.442695020e+00, v6;
	(erf) = vpow2.f32 v1  }
0x3a5: {  	v1 =	vadd.f32 v8, v12;
	v0 =	vmul.f32 $1.442695020e+00, v0;
	(erf) = vpow2.f32 v2  }
0x3a6: {  	v2 =	vadd.f32 v5, v3;
	v3 =	vmul.f32 $1.442695020e+00, v4;
	(erf) = vpow2.f32 v6  }
0x3a7: {  	v1 =	vmul.f32 $1.442695020e+00, v1;
	(erf) = vpow2.f32 v0  }
0x3a8: {  	v0 =	vadd.f32 v7, v9;
	v2 =	vmul.f32 $1.442695020e+00, v2;
	(erf) = vpow2.f32 v3  }
0x3a9: {  	(erf) = vpow2.f32 v1  }
0x3aa: {  	v1 =	vmul.f32 $1.442695020e+00, v0;
	(erf) = vpow2.f32 v2;
	_ =	sdelay $0x1  }
0x3ab: {  	(erf) = vpow2.f32 v1  }
0x3ac: {  	v0 =	vpop (erf)  }
.Ltmp15:
0x3ad: {  	[tilespmem:s30+$0xFFFFFFC0] =	vst v0;
	v58 =	vadd.f32 v0, v58;
	v0 =	vpop (erf);
	(pc) =	sbr.rel @p0 .LBB2_32-.Ltmp15, $4  }
0x3ae: {  	[tilespmem:s30+$0xFFFFFFE0] =	vst v0;
	v57 =	vadd.f32 v0, v57;
	v1 =	vpop (erf)  }
0x3af: {  	v0 =	vld [tilespmem:s16+$0xFFFFFFF0];
	[tilespmem:s30+$0x0] =	vst v1;
	v60 =	vadd.f32 v1, v60;
	v1 =	vpop (erf)  }
0x3b0: {  	v2 =	vld [tilespmem:s16+$0xFFFFFFE0];
	[tilespmem:s30+$0xFFFFFFF0] =	vst v1;
	v59 =	vadd.f32 v1, v59;
	v1 =	vpop (erf)  }
0x3b1: {  	s12 =	sadd.s32 $0x400, s12;
	v3 =	vld [tilespmem:s16+$0xFFFFFFC0];
	[tilespmem:s30+$0xFFFFFF90] =	vst v1;
	v61 =	vadd.f32 v1, v61;
	v1 =	vpop (erf)  }
0x3b2: {  	v4 =	vld [tilespmem:s16+$0xFFFFFF90];
	v5 =	vpop (erf)  }
0x3b3: {  	v7 =	vld [tilespmem:s16+$0x0];
	[tilespmem:s30+$0xFFFFFFB0] =	vst v5  }
0x3b4: {  	v6 =	vld [tilespmem:s16+$0xFFFFFFB0];
	[tilespmem:s30+$0xFFFFFFA0] =	vst v1;
	v8 =	vpop (erf)  }
0x3b5: {  	v9 =	vld [tilespmem:s16+$0xFFFFFFA0];
	[tilespmem:s30+$0xFFFFFFD0] =	vst v8  }
0x3b6: {  	v10 =	vld [tilespmem:s31+$0xFFFFFFF0];
	_ =	sdelay $0x1  }
0x3b7: {  	v11 =	vld [tilespmem:s31+$0x10]  }
0x3b8: {  	v12 =	vld [tilespmem:s31+$0x30];
	_ =	sdelay $0x1  }
0x3b9: {  	v3 =	vadd.f32 v3, v10  }
0x3ba: {  	v10 =	vld [tilespmem:s31+$0x20]  }
0x3bb: {  	v2 =	vadd.f32 v2, v11;
	v11 =	vld [tilespmem:s31+$0xFFFFFFC0];
	v3 =	vmul.f32 $1.442695020e+00, v3  }
0x3bc: {  	v7 =	vadd.f32 v7, v12;
	v12 =	vld [tilespmem:s31+$0xFFFFFFD0]  }
0x3bd: {  	(erf) = vpow2.f32 v3  }
0x3be: {  	v2 =	vmul.f32 $1.442695020e+00, v2;
	v3 =	vld [tilespmem:s31+$0xFFFFFFE0]  }
0x3bf: {  	v0 =	vadd.f32 v0, v10  }
0x3c0: {  	(erf) = vpow2.f32 v2;
	v2 =	vmul.f32 $1.442695020e+00, v7  }
0x3c1: {  	v4 =	vadd.f32 v4, v11;
	v7 =	vadd.f32 v9, v12;
	v9 =	vld [tilespmem:s31+$0x0];
	v0 =	vmul.f32 $1.442695020e+00, v0  }
0x3c2: {  	(erf) = vpow2.f32 v2;
	v2 =	vld [tilespmem:s16+$0xFFFFFFD0]  }
0x3c3: {  	(erf) = vpow2.f32 v0;
	v0 =	vmul.f32 $1.442695020e+00, v4;
	v3 =	vadd.f32 v6, v3  }
0x3c4: {  	v4 =	vmul.f32 $1.442695020e+00, v7  }
0x3c5: {  	(erf) = vpow2.f32 v0;
	v0 =	vmul.f32 $1.442695020e+00, v3;
	_ =	sdelay $0x1  }
0x3c6: {  	(erf) = vpow2.f32 v4;
	v2 =	vadd.f32 v2, v9  }
0x3c7: {  	(erf) = vpow2.f32 v0  }
0x3c8: {  	v2 =	vmul.f32 $1.442695020e+00, v2;
	v0 =	vpop (erf)  }
0x3c9: {  	[tilespmem:s16+$0xFFFFFFC0] =	vst v0;
	v3 =	vpop (erf)  }
0x3ca: {  	(erf) = vpow2.f32 v2;
	[tilespmem:s16+$0xFFFFFFE0] =	vst v3  }
0x3cb: {  	v4 =	vpop (erf);
	v6 =	vld [tilespmem:s1+$0xFFFFFFF0]  }
0x3cc: {  	[tilespmem:s16+$0x0] =	vst v4;
	v2 =	vpop (erf);
	v4 =	vadd.f32 v4, v60;
	v60 =	vld [tilespmem:$0x1FF50]  }
0x3cd: {  	v7 =	vld [tilespmem:s1+$0xFFFFFFE0];
	[tilespmem:s16+$0xFFFFFFF0] =	vst v2  }
0x3ce: {  	v9 =	vpop (erf);
	v10 =	vld [tilespmem:s1+$0xFFFFFFC0]  }
0x3cf: {  	v11 =	vpop (erf);
	v15 =	vld [tilespmem:s1+$0x0]  }
0x3d0: {  	[tilespmem:s16+$0xFFFFFF90] =	vst v9;
	v9 =	vadd.f32 v9, v61;
	v61 =	vld [tilespmem:$0x1FF70];
	v13 =	vpop (erf)  }
0x3d1: {  	v12 =	vld [tilespmem:s1+$0xFFFFFF90];
	[tilespmem:s16+$0xFFFFFFB0] =	vst v13  }
0x3d2: {  	v8 =	vadd.f32 v8, v62;
	v14 =	vld [tilespmem:s1+$0xFFFFFFB0];
	[tilespmem:s16+$0xFFFFFFA0] =	vst v11  }
0x3d3: {  	v16 =	vpop (erf);
	v17 =	vld [tilespmem:s1+$0xFFFFFFA0]  }
0x3d4: {  	[tilespmem:s16+$0xFFFFFFD0] =	vst v16;
	v8 =	vadd.f32 v16, v8;
	v16 =	vld [tilespmem:$0x1FFE0]  }
0x3d5: {  	v18 =	vld [tilespmem:s28+$0xFFFFFFF0]  }
0x3d6: {  	v19 =	vld [tilespmem:s28+$0x10]  }
0x3d7: {  	v1 =	vadd.f32 v1, v63;
	v63 =	vld [tilespmem:s28+$0xFFFFFFE0]  }
0x3d8: {  	v20 =	vld [tilespmem:s28+$0x30]  }
0x3d9: {  	v5 =	vadd.f32 v5, v56;
	v56 =	vld [tilespmem:s28+$0x20]  }
0x3da: {  	v0 =	vadd.f32 v0, v58;
	v58 =	vld [tilespmem:s28+$0xFFFFFFC0]  }
0x3db: {  	v1 =	vadd.f32 v11, v1;
	v62 =	vld [tilespmem:s28+$0xFFFFFFD0]  }
0x3dc: {  	v5 =	vadd.f32 v13, v5;
	v13 =	vadd.f32 v14, v63;
	v14 =	vld [tilespmem:$0x1FFA0]  }
0x3dd: {  	v10 =	vadd.f32 v10, v18;
	v11 =	vadd.f32 v15, v20;
	v15 =	vld [tilespmem:$0x1FFB0]  }
0x3de: {  	v18 =	vld [tilespmem:$0x1FFF0]  }
0x3df: {  	v7 =	vadd.f32 v7, v19;
	v19 =	vld [tilespmem:$0x1FFD0];
	v10 =	vmul.f32 $1.442695020e+00, v10  }
0x3e0: {  	v20 =	vld [tilespmem:$0x1FF60]  }
0x3e1: {  	v7 =	vmul.f32 $1.442695020e+00, v7;
	(erf) = vpow2.f32 v10;
	v10 =	vadd.f32 v17, v62;
	v17 =	vld [tilespmem:$0x1FFC0]  }
0x3e2: {  	v63 =	vld [tilespmem:$0x1FF30]  }
0x3e3: {  	(erf) = vpow2.f32 v7;
	v7 =	vld [tilespmem:$0x1FF40]  }
0x3e4: {  	v62 =	vld [tilespmem:$0x1FF20]  }
0x3e5: {  	v11 =	vmul.f32 $1.442695020e+00, v11;
	v14 =	vadd.f32 v14, v15;
	v15 =	vld [tilespmem:$0x1FF80]  }
0x3e6: {  	v17 =	vadd.f32 v17, v18;
	v18 =	vld [tilespmem:$0x1FF90]  }
0x3e7: {  	v6 =	vadd.f32 v6, v56;
	(erf) = vpow2.f32 v11;
	v11 =	vld [tilespmem:$0x1FF10]  }
0x3e8: {  	v12 =	vadd.f32 v12, v58;
	v7 =	vadd.f32 v20, v7;
	v20 =	vld [tilespmem:$0x1FF00];
	_ =	sdelay $0x1  }
0x3e9: {  	v6 =	vmul.f32 $1.442695020e+00, v6;
	v12 =	vmul.f32 $1.442695020e+00, v12;
	v15 =	vadd.f32 v15, v16  }
0x3ea: {  	v10 =	vmul.f32 $1.442695020e+00, v10;
	v56 =	vadd.f32 v62, v63;
	v18 =	vadd.f32 v18, v19  }
0x3eb: {  	(erf) = vpow2.f32 v6;
	v16 =	vld [tilespmem:s1+$0xFFFFFFD0];
	v11 =	vadd.f32 v11, v61;
	v14 =	vadd.f32 v15, v14  }
0x3ec: {  	(erf) = vpow2.f32 v12;
	v19 =	vld [tilespmem:s28+$0x0];
	v20 =	vadd.f32 v20, v60;
	v15 =	vadd.f32 v18, v17  }
0x3ed: {  	(erf) = vpow2.f32 v10;
	v10 =	vld [tilespmem:$0x1FEF0];
	v11 =	vadd.f32 v56, v11  }
0x3ee: {  	v7 =	vadd.f32 v20, v7;
	v12 =	vadd.f32 v15, v14;
	v14 =	vld [tilespmem:$0x1FEC0]  }
0x3ef: {  	v15 =	vld [tilespmem:$0x1FED0]  }
0x3f0: {  	v7 =	vadd.f32 v11, v7;
	v11 =	vld [tilespmem:$0x1FEB0]  }
0x3f1: {  	v13 =	vmul.f32 $1.442695020e+00, v13;
	v6 =	vadd.f32 v16, v19;
	v16 =	vld [tilespmem:$0x1FEE0]  }
0x3f2: {  	v3 =	vadd.f32 v3, v57;
	v57 =	vadd.f32 v43, v45  }
0x3f3: {  	(erf) = vpow2.f32 v13;
	v13 =	vadd.f32 v24, v30;
	v18 =	vadd.f32 v25, v27  }
0x3f4: {  	v10 =	vadd.f32 v22, v10;
	v17 =	vadd.f32 v26, v29  }
0x3f5: {  	v13 =	vadd.f32 v18, v13;
	v14 =	vadd.f32 v14, v23  }
0x3f6: {  	v6 =	vmul.f32 $1.442695020e+00, v6;
	v11 =	vadd.f32 v11, v21;
	v15 =	vadd.f32 v15, v16  }
0x3f7: {  	v18 =	vadd.f32 v34, v35;
	v16 =	vadd.f32 v31, v28  }
0x3f8: {  	(erf) = vpow2.f32 v6;
	v6 =	vadd.f32 v11, v10;
	v10 =	vadd.f32 v15, v14  }
0x3f9: {  	v11 =	vadd.f32 v17, v16;
	v14 =	vadd.f32 v38, v36  }
0x3fa: {  	v15 =	vadd.f32 v32, v37;
	v17 =	vadd.f32 v33, v39  }
0x3fb: {  	v2 =	vadd.f32 v2, v59;
	v20 =	vadd.f32 v47, v44  }
0x3fc: {  	v14 =	vadd.f32 v15, v14;
	v17 =	vadd.f32 v18, v17  }
0x3fd: {  	v16 =	vpop (erf);
	v6 =	vadd.f32 v10, v6;
	v10 =	vadd.f32 v13, v11  }
0x3fe: {  	v19 =	vpop (erf);
	v0 =	vadd.f32 v16, v0;
	[tilespmem:s1+$0xFFFFFFC0] =	vst v16;
	v16 =	vadd.f32 v41, v46  }
0x3ff: {  	v3 =	vadd.f32 v19, v3;
	[tilespmem:s1+$0xFFFFFFE0] =	vst v19;
	v19 =	vadd.f32 v40, v42  }
0x400: {  	v15 =	vpop (erf);
	v11 =	vadd.f32 v17, v14;
	v14 =	vadd.f32 v54, v52  }
0x401: {  	v17 =	vadd.f32 v50, v51;
	v18 =	vpop (erf);
	v4 =	vadd.f32 v15, v4;
	[tilespmem:s1+$0x0] =	vst v15  }
0x402: {  	v15 =	vadd.f32 v57, v20;
	v56 =	vpop (erf);
	[tilespmem:s1+$0xFFFFFFF0] =	vst v18;
	v16 =	vadd.f32 v19, v16  }
0x403: {  	v2 =	vadd.f32 v18, v2;
	v58 =	vpop (erf);
	v9 =	vadd.f32 v56, v9;
	[tilespmem:s1+$0xFFFFFF90] =	vst v56  }
0x404: {  	v59 =	vpop (erf);
	v1 =	vadd.f32 v58, v1;
	v13 =	vadd.f32 v16, v15;
	[tilespmem:s1+$0xFFFFFFA0] =	vst v58  }
0x405: {  	v15 =	vadd.f32 v48, v53;
	v16 =	vadd.f32 v49, v55;
	v60 =	vpop (erf);
	[tilespmem:s1+$0xFFFFFFB0] =	vst v59  }
0x406: {  	v5 =	vadd.f32 v59, v5;
	v8 =	vadd.f32 v60, v8;
	[tilespmem:s1+$0xFFFFFFD0] =	vst v60  }
0x407: {  	v2 =	vadd.f32 v4, v2;
	v1 =	vadd.f32 v1, v9;
	[tilespmem:$0x14000] =	vst v12  }
0x408: {  	v0 =	vadd.f32 v0, v5;
	[tilespmem:$0x14080] =	vst v7;
	v3 =	vadd.f32 v3, v8  }
0x409: {  	v4 =	vadd.f32 v15, v14;
	v5 =	vadd.f32 v17, v16;
	[tilespmem:$0x14100] =	vst v6  }
0x40a: {  	[tilespmem:$0x14180] =	vst v10;
	v0 =	vadd.f32 v0, v1;
	v1 =	vadd.f32 v2, v3  }
0x40b: {  	[tilespmem:$0x14200] =	vst v11;
	v2 =	vadd.f32 v5, v4  }
0x40c: {  	[tilespmem:$0x14280] =	vst v13;
	v0 =	vadd.f32 v1, v0  }
0x40d: {  	[tilespmem:$0x14300] =	vst v2  }
0x40e: {  	s25 =	simm.s32 $0x14000;
	s26 =	simm.s32 $0xA;
	s0 =	rddreg [dreg:$0x6];
	[tilespmem:$0x14380] =	vst v0  }
0x40f: {  	[hbm4b:s0+s2] =	stream.linear.scatter [tilespmem:s25], [sflag:$0xA], $0x400, $0x38;
	[tilespmem:$0x15400] =	vst v63  }
0x410: {  	_ =	swait.ge [sflag:s26], $0x400  }
0x411: {  	[sflag:s26] =	ssyncset.done $0x0  }
0x412: {  	[sflag:s26] =	ssyncadd.s32 $0xFFFFFC00  }
0x413: {  	[bflag:$0x0] =	sbarrier.arrive $0xFFFF  }
0x414: {  	s4 =	simm.s32 $0x14400;
	s29 =	rddreg [dreg:$0x7]  }
0x415: {  	[tilespmem:s4], [sflag:$0xA] =	stream.linear.gather [hbm4b:s29+s2], $0x1000, $0x38;
	[tilespmem:$0x15400] =	vst v63  }
0x416: {  	_ =	swait.ge [sflag:s26], $0x1000  }
0x417: {  	[sflag:s26] =	ssyncset.done $0x0  }
0x418: {  	[sflag:s26] =	ssyncadd.s32 $0xFFFFF000  }
0x419: {  	v0 =	vld [tilespmem:$0x14400]  }
0x41a: {  	v1 =	vld [tilespmem:$0x14800];
	_ =	sdelay $0x1  }
0x41b: {  	v2 =	vld [tilespmem:$0x14C00];
	_ =	sdelay $0x1  }
0x41c: {  	v3 =	vld [tilespmem:$0x15000]  }
0x41d: {  	v0 =	vadd.f32 v1, v0;
	_ =	sdelay $0x1  }
0x41e: {  	v0 =	vadd.f32 v2, v0;
	_ =	sdelay $0x1  }
0x41f: {  	v0 =	vadd.f32 v3, v0;
	_ =	sdelay $0x1  }
0x420: {  	(v2sf) =	vpush v0, $0x0  }
0x421: {  	(v2sf) =	vpush v0, $0x1  }
0x422: {  	(v2sf) =	vpush v0, $0x2  }
0x423: {  	(v2sf) =	vpush v0, $0x3  }
0x424: {  	v1 =	vld [tilespmem:$0x14480];
	(v2sf) =	vpush v0, $0x4  }
0x425: {  	v2 =	vld [tilespmem:$0x14880];
	(v2sf) =	vpush v0, $0x5  }
0x426: {  	(v2sf) =	vpush v0, $0x6  }
0x427: {  	v3 =	vld [tilespmem:$0x14C80];
	(v2sf) =	vpush v0, $0x7  }
0x428: {  	(v2sf) =	vpush v0, $0x8  }
0x429: {  	v4 =	vld [tilespmem:$0x15080];
	(v2sf) =	vpush v0, $0x9  }
0x42a: {  	v1 =	vadd.f32 v2, v1;
	(v2sf) =	vpush v0, $0xA  }
0x42b: {  	(v2sf) =	vpush v0, $0xB  }
0x42c: {  	v1 =	vadd.f32 v3, v1;
	(v2sf) =	vpush v0, $0xC  }
0x42d: {  	(v2sf) =	vpush v0, $0xD  }
0x42e: {  	v1 =	vadd.f32 v4, v1;
	(v2sf) =	vpush v0, $0xE  }
0x42f: {  	s18 =	spop (v2sf);
	(v2sf) =	vpush v0, $0xF  }
0x430: {  	s23 =	spop (v2sf);
	(v2sf) =	vpush v1, $0x0  }
0x431: {  	s24 =	spop (v2sf);
	(v2sf) =	vpush v1, $0x1  }
0x432: {  	s13 =	spop (v2sf)  }
0x433: {  	(v2sf) =	vpush v1, $0x2;
	s22 =	spop (v2sf)  }
0x434: {  	s18 =	sadd.f32 s23, s18;
	s21 =	spop (v2sf)  }
0x435: {  	(v2sf) =	vpush v1, $0x3;
	s20 =	spop (v2sf)  }
0x436: {  	v2 =	vld [tilespmem:$0x14900];
	s18 =	sadd.f32 s18, s24;
	(v2sf) =	vpush v1, $0x4;
	s19 =	spop (v2sf)  }
0x437: {  	v0 =	vld [tilespmem:$0x14500];
	(v2sf) =	vpush v1, $0x5;
	s16 =	spop (v2sf)  }
0x438: {  	s13 =	sadd.f32 s18, s13;
	(v2sf) =	vpush v1, $0x6;
	s1 =	spop (v2sf)  }
0x439: {  	v3 =	vld [tilespmem:$0x14D00];
	(v2sf) =	vpush v1, $0x7;
	s4 =	spop (v2sf)  }
0x43a: {  	s13 =	sadd.f32 s13, s22;
	(v2sf) =	vpush v1, $0x8;
	s12 =	spop (v2sf)  }
0x43b: {  	v4 =	vld [tilespmem:$0x15100];
	[dreg:$0x16] =	wrdreg s1;
	(v2sf) =	vpush v1, $0x9;
	s14 =	spop (v2sf)  }
0x43c: {  	v0 =	vadd.f32 v2, v0;
	s13 =	sadd.f32 s13, s21;
	(v2sf) =	vpush v1, $0xA;
	s15 =	spop (v2sf)  }
0x43d: {  	[dreg:$0x15] =	wrdreg s4;
	(v2sf) =	vpush v1, $0xB;
	s17 =	spop (v2sf)  }
0x43e: {  	v0 =	vadd.f32 v3, v0;
	[dreg:$0x14] =	wrdreg s12;
	(v2sf) =	vpush v1, $0xC;
	s25 =	spop (v2sf)  }
0x43f: {  	(v2sf) =	vpush v1, $0xD;
	[dreg:$0xe] =	wrdreg s25;
	s25 =	spop (v2sf)  }
0x440: {  	v0 =	vadd.f32 v4, v0;
	s13 =	sadd.f32 s13, s20;
	(v2sf) =	vpush v1, $0xE;
	s26 =	spop (v2sf)  }
0x441: {  	(v2sf) =	vpush v1, $0xF;
	s25 =	sadd.f32 s26, s25  }
0x442: {  	[dreg:$0x13] =	wrdreg s14;
	(v2sf) =	vpush v0, $0x0;
	s28 =	spop (v2sf)  }
0x443: {  	(v2sf) =	vpush v0, $0x1;
	s26 =	sadd.f32 s25, s28  }
0x444: {  	[dreg:$0x12] =	wrdreg s15;
	s29 =	spop (v2sf);
	(v2sf) =	vpush v0, $0x2  }
0x445: {  	s30 =	spop (v2sf);
	(v2sf) =	vpush v0, $0x3;
	s29 =	sadd.f32 s26, s29  }
0x446: {  	[dreg:$0x10] =	wrdreg s17;
	s31 =	spop (v2sf);
	(v2sf) =	vpush v0, $0x4  }
0x447: {  	s0 =	spop (v2sf);
	(v2sf) =	vpush v0, $0x5;
	s17 =	sadd.f32 s29, s30  }
0x448: {  	s13 =	sadd.f32 s13, s19;
	s23 =	spop (v2sf);
	(v2sf) =	vpush v0, $0x6  }
0x449: {  	s1 =	spop (v2sf);
	(v2sf) =	vpush v0, $0x7;
	s24 =	sadd.f32 s17, s31  }
0x44a: {  	s13 =	sadd.f32 s13, s16;
	s4 =	spop (v2sf);
	(v2sf) =	vpush v0, $0x8  }
0x44b: {  	v2 =	vld [tilespmem:$0x14980];
	s12 =	spop (v2sf);
	(v2sf) =	vpush v0, $0x9;
	s0 =	sadd.f32 s24, s0  }
0x44c: {  	v1 =	vld [tilespmem:$0x14580];
	s16 =	rddreg [dreg:$0x15];
	s14 =	spop (v2sf);
	(v2sf) =	vpush v0, $0xA  }
0x44d: {  	s15 =	spop (v2sf);
	(v2sf) =	vpush v0, $0xB;
	s20 =	sadd.f32 s0, s23  }
0x44e: {  	v3 =	vld [tilespmem:$0x14D80];
	s28 =	spop (v2sf);
	(v2sf) =	vpush v0, $0xC;
	s23 =	rddreg [dreg:$0x16]  }
0x44f: {  	s18 =	spop (v2sf);
	(v2sf) =	vpush v0, $0xD;
	s1 =	sadd.f32 s20, s1  }
0x450: {  	v4 =	vld [tilespmem:$0x15180];
	s25 =	spop (v2sf);
	(v2sf) =	vpush v0, $0xE;
	s13 =	sadd.f32 s13, s23  }
0x451: {  	v1 =	vadd.f32 v2, v1;
	s26 =	spop (v2sf);
	s4 =	sadd.f32 s1, s4  }
0x452: {  	(v2sf) =	vpush v0, $0xF;
	s29 =	spop (v2sf);
	s1 =	sadd.f32 s13, s16  }
0x453: {  	v1 =	vadd.f32 v3, v1;
	s24 =	spop (v2sf);
	s4 =	sadd.f32 s4, s12  }
0x454: {  	s17 =	spop (v2sf);
	s12 =	rddreg [dreg:$0x14]  }
0x455: {  	v1 =	vadd.f32 v4, v1;
	s22 =	spop (v2sf);
	s1 =	sadd.f32 s1, s12  }
0x456: {  	s21 =	spop (v2sf);
	s12 =	rddreg [dreg:$0x12]  }
0x457: {  	(v2sf) =	vpush v1, $0x0;
	s20 =	spop (v2sf);
	s4 =	sadd.f32 s4, s14  }
0x458: {  	(v2sf) =	vpush v1, $0x1;
	s14 =	rddreg [dreg:$0x13];
	s19 =	spop (v2sf)  }
0x459: {  	s14 =	sadd.f32 s1, s14;
	s23 =	spop (v2sf)  }
0x45a: {  	s15 =	sadd.f32 s4, s15;
	s13 =	spop (v2sf)  }
0x45b: {  	(v2sf) =	vpush v1, $0x2;
	s14 =	sadd.f32 s14, s12;
	s30 =	spop (v2sf)  }
0x45c: {  	s15 =	sadd.f32 s15, s28;
	s31 =	spop (v2sf)  }
0x45d: {  	(v2sf) =	vpush v1, $0x3;
	s12 =	rddreg [dreg:$0xe];
	s16 =	spop (v2sf)  }
0x45e: {  	s15 =	sadd.f32 s15, s18;
	s1 =	spop (v2sf)  }
0x45f: {  	v2 =	vld [tilespmem:$0x14A00];
	(v2sf) =	vpush v1, $0x4;
	[dreg:$0x11] =	wrdreg s1;
	s4 =	spop (v2sf)  }
0x460: {  	v0 =	vld [tilespmem:$0x14600];
	(v2sf) =	vpush v1, $0x5;
	[dreg:$0xf] =	wrdreg s4  }
0x461: {  	(v2sf) =	vpush v1, $0x6;
	s1 =	spop (v2sf);
	s4 =	rddreg [dreg:$0x10]  }
0x462: {  	v3 =	vld [tilespmem:$0x14E00];
	(v2sf) =	vpush v1, $0x7;
	[dreg:$0xd] =	wrdreg s1  }
0x463: {  	(v2sf) =	vpush v1, $0x8;
	s14 =	sadd.f32 s14, s4  }
0x464: {  	v4 =	vld [tilespmem:$0x15200];
	(v2sf) =	vpush v1, $0x9;
	s4 =	sadd.f32 s15, s25  }
0x465: {  	v0 =	vadd.f32 v2, v0;
	(v2sf) =	vpush v1, $0xA;
	s1 =	sadd.f32 s14, s12  }
0x466: {  	(v2sf) =	vpush v1, $0xB;
	s28 =	spop (v2sf);
	[dreg:$0xc] =	wrdreg s4  }
0x467: {  	v0 =	vadd.f32 v3, v0;
	(v2sf) =	vpush v1, $0xC;
	s0 =	spop (v2sf);
	s12 =	sadd.f32 s29, s26  }
0x468: {  	(v2sf) =	vpush v1, $0xD;
	s0 =	sadd.f32 s0, s28  }
0x469: {  	v0 =	vadd.f32 v4, v0;
	(v2sf) =	vpush v1, $0xE;
	[dreg:$0xb] =	wrdreg s1  }
0x46a: {  	(v2sf) =	vpush v1, $0xF;
	s18 =	spop (v2sf);
	s24 =	sadd.f32 s12, s24  }
0x46b: {  	(v2sf) =	vpush v0, $0x0;
	s0 =	sadd.f32 s0, s18  }
0x46c: {  	(v2sf) =	vpush v0, $0x1;
	s14 =	spop (v2sf);
	s17 =	sadd.f32 s24, s17  }
0x46d: {  	(v2sf) =	vpush v0, $0x2;
	s0 =	sadd.f32 s0, s14  }
0x46e: {  	s15 =	spop (v2sf);
	(v2sf) =	vpush v0, $0x3;
	s17 =	sadd.f32 s17, s22  }
0x46f: {  	v2 =	vld [tilespmem:$0x14A80];
	s26 =	spop (v2sf);
	(v2sf) =	vpush v0, $0x4;
	s0 =	sadd.f32 s0, s15  }
0x470: {  	v1 =	vld [tilespmem:$0x14680];
	s28 =	spop (v2sf);
	(v2sf) =	vpush v0, $0x5;
	s24 =	sadd.f32 s17, s21  }
0x471: {  	s25 =	spop (v2sf);
	(v2sf) =	vpush v0, $0x6;
	s26 =	sadd.f32 s0, s26  }
0x472: {  	v3 =	vld [tilespmem:$0x14E80];
	s29 =	spop (v2sf);
	(v2sf) =	vpush v0, $0x7;
	s15 =	sadd.f32 s24, s20  }
0x473: {  	s1 =	spop (v2sf);
	(v2sf) =	vpush v0, $0x8;
	s22 =	sadd.f32 s26, s28  }
0x474: {  	v4 =	vld [tilespmem:$0x15280];
	s14 =	spop (v2sf);
	(v2sf) =	vpush v0, $0x9;
	s15 =	sadd.f32 s15, s19  }
0x475: {  	v1 =	vadd.f32 v2, v1;
	s4 =	spop (v2sf);
	(v2sf) =	vpush v0, $0xA;
	s24 =	sadd.f32 s22, s25  }
0x476: {  	s12 =	spop (v2sf);
	(v2sf) =	vpush v0, $0xB;
	s15 =	sadd.f32 s15, s23  }
0x477: {  	v1 =	vadd.f32 v3, v1;
	s17 =	spop (v2sf);
	(v2sf) =	vpush v0, $0xC;
	s19 =	sadd.f32 s24, s29  }
0x478: {  	s21 =	spop (v2sf);
	(v2sf) =	vpush v0, $0xD;
	s13 =	sadd.f32 s15, s13  }
0x479: {  	v1 =	vadd.f32 v4, v1;
	s0 =	spop (v2sf);
	(v2sf) =	vpush v0, $0xE;
	s29 =	sadd.f32 s19, s1  }
0x47a: {  	s18 =	spop (v2sf);
	(v2sf) =	vpush v0, $0xF;
	s13 =	sadd.f32 s13, s30  }
0x47b: {  	s28 =	spop (v2sf);
	(v2sf) =	vpush v1, $0x0;
	s14 =	sadd.f32 s29, s14  }
0x47c: {  	s26 =	spop (v2sf);
	(v2sf) =	vpush v1, $0x1;
	s29 =	rddreg [dreg:$0xf]  }
0x47d: {  	s25 =	spop (v2sf);
	s13 =	sadd.f32 s13, s31  }
0x47e: {  	(v2sf) =	vpush v1, $0x2;
	s24 =	spop (v2sf);
	s4 =	sadd.f32 s14, s4  }
0x47f: {  	s23 =	spop (v2sf);
	s13 =	sadd.f32 s13, s16  }
0x480: {  	(v2sf) =	vpush v1, $0x3;
	s22 =	spop (v2sf);
	s4 =	sadd.f32 s4, s12  }
0x481: {  	v2 =	vld [tilespmem:$0x14B00];
	(v2sf) =	vpush v1, $0x4;
	s1 =	spop (v2sf);
	s16 =	rddreg [dreg:$0x11]  }
0x482: {  	v0 =	vld [tilespmem:$0x14700];
	(v2sf) =	vpush v1, $0x5;
	s20 =	spop (v2sf);
	s16 =	sadd.f32 s13, s16  }
0x483: {  	(v2sf) =	vpush v1, $0x6;
	s19 =	spop (v2sf);
	s17 =	sadd.f32 s4, s17  }
0x484: {  	v3 =	vld [tilespmem:$0x14F00];
	(v2sf) =	vpush v1, $0x7;
	s31 =	spop (v2sf);
	s16 =	sadd.f32 s16, s29  }
0x485: {  	(v2sf) =	vpush v1, $0x8;
	s15 =	spop (v2sf);
	s17 =	sadd.f32 s17, s21  }
0x486: {  	v4 =	vld [tilespmem:$0x15300];
	(v2sf) =	vpush v1, $0x9;
	s14 =	spop (v2sf);
	s29 =	rddreg [dreg:$0xd]  }
0x487: {  	v0 =	vadd.f32 v2, v0;
	(v2sf) =	vpush v1, $0xA;
	s13 =	spop (v2sf);
	s30 =	sadd.f32 s16, s29  }
0x488: {  	(v2sf) =	vpush v1, $0xB;
	s12 =	spop (v2sf);
	s16 =	sadd.f32 s17, s0  }
0x489: {  	v0 =	vadd.f32 v3, v0;
	(v2sf) =	vpush v1, $0xC;
	s17 =	sadd.f32 s28, s18;
	s4 =	spop (v2sf)  }
0x48a: {  	(v2sf) =	vpush v1, $0xD;
	s21 =	spop (v2sf)  }
0x48b: {  	v0 =	vadd.f32 v4, v0;
	(v2sf) =	vpush v1, $0xE;
	s17 =	sadd.f32 s17, s26;
	s29 =	spop (v2sf)  }
0x48c: {  	(v2sf) =	vpush v1, $0xF;
	s21 =	sadd.f32 s29, s21  }
0x48d: {  	(v2sf) =	vpush v0, $0x0;
	s0 =	spop (v2sf);
	s17 =	sadd.f32 s17, s25  }
0x48e: {  	(v2sf) =	vpush v0, $0x1;
	s0 =	sadd.f32 s21, s0  }
0x48f: {  	s18 =	spop (v2sf);
	s17 =	sadd.f32 s17, s24  }
0x490: {  	(v2sf) =	vpush v0, $0x2;
	s28 =	spop (v2sf);
	s0 =	sadd.f32 s0, s18  }
0x491: {  	(v2sf) =	vpush v0, $0x3;
	s26 =	spop (v2sf);
	s17 =	sadd.f32 s17, s23  }
0x492: {  	v2 =	vld [tilespmem:$0x14B80];
	(v2sf) =	vpush v0, $0x4;
	s21 =	spop (v2sf);
	s0 =	sadd.f32 s0, s28  }
0x493: {  	v1 =	vld [tilespmem:$0x14780];
	(v2sf) =	vpush v0, $0x5;
	s25 =	spop (v2sf);
	s17 =	sadd.f32 s17, s22  }
0x494: {  	(v2sf) =	vpush v0, $0x6;
	s18 =	spop (v2sf);
	s0 =	sadd.f32 s0, s26  }
0x495: {  	v3 =	vld [tilespmem:$0x14F80];
	(v2sf) =	vpush v0, $0x7;
	s29 =	spop (v2sf);
	s1 =	sadd.f32 s17, s1  }
0x496: {  	(v2sf) =	vpush v0, $0x8;
	s28 =	spop (v2sf);
	s0 =	sadd.f32 s0, s21  }
0x497: {  	v4 =	vld [tilespmem:$0x15380];
	(v2sf) =	vpush v0, $0x9;
	s23 =	spop (v2sf);
	s1 =	sadd.f32 s1, s20  }
0x498: {  	v1 =	vadd.f32 v2, v1;
	(v2sf) =	vpush v0, $0xA;
	s26 =	spop (v2sf);
	s0 =	sadd.f32 s0, s25  }
0x499: {  	(v2sf) =	vpush v0, $0xB;
	s22 =	spop (v2sf);
	s1 =	sadd.f32 s1, s19  }
0x49a: {  	v1 =	vadd.f32 v3, v1;
	(v2sf) =	vpush v0, $0xC;
	s21 =	spop (v2sf);
	s0 =	sadd.f32 s0, s18  }
0x49b: {  	(v2sf) =	vpush v0, $0xD;
	s17 =	spop (v2sf);
	s1 =	sadd.f32 s1, s31  }
0x49c: {  	v1 =	vadd.f32 v4, v1;
	(v2sf) =	vpush v0, $0xE;
	s25 =	spop (v2sf);
	s0 =	sadd.f32 s0, s29  }
0x49d: {  	(v2sf) =	vpush v0, $0xF;
	s20 =	spop (v2sf);
	s1 =	sadd.f32 s1, s15  }
0x49e: {  	(v2sf) =	vpush v1, $0x0;
	s20 =	sadd.f32 s20, s25  }
0x49f: {  	s18 =	spop (v2sf);
	(v2sf) =	vpush v1, $0x1;
	s0 =	sadd.f32 s0, s28  }
0x4a0: {  	s19 =	spop (v2sf);
	s1 =	sadd.f32 s1, s14  }
0x4a1: {  	(v2sf) =	vpush v1, $0x2;
	s24 =	spop (v2sf);
	s18 =	sadd.f32 s20, s18  }
0x4a2: {  	s29 =	spop (v2sf);
	s0 =	sadd.f32 s0, s23  }
0x4a3: {  	(v2sf) =	vpush v1, $0x3;
	s28 =	spop (v2sf);
	s1 =	sadd.f32 s1, s13  }
0x4a4: {  	s18 =	sadd.f32 s18, s19;
	s15 =	spop (v2sf)  }
0x4a5: {  	(v2sf) =	vpush v1, $0x4;
	s23 =	spop (v2sf);
	s0 =	sadd.f32 s0, s26  }
0x4a6: {  	s1 =	sadd.f32 s1, s12;
	s14 =	spop (v2sf)  }
0x4a7: {  	s18 =	sadd.f32 s18, s24;
	(v2sf) =	vpush v1, $0x5;
	s26 =	spop (v2sf)  }
0x4a8: {  	s0 =	sadd.f32 s0, s22;
	s13 =	spop (v2sf)  }
0x4a9: {  	(v2sf) =	vpush v1, $0x6;
	s1 =	sadd.f32 s1, s4;
	s22 =	spop (v2sf)  }
0x4aa: {  	s18 =	sadd.f32 s18, s29;
	s12 =	spop (v2sf)  }
0x4ab: {  	(v2sf) =	vpush v1, $0x7;
	s0 =	sadd.f32 s0, s21;
	s21 =	spop (v2sf)  }
0x4ac: {  	s18 =	sadd.f32 s18, s28;
	s4 =	spop (v2sf)  }
0x4ad: {  	(v2sf) =	vpush v1, $0x8;
	s0 =	sadd.f32 s0, s17;
	s17 =	spop (v2sf)  }
0x4ae: {  	s15 =	sadd.f32 s18, s15;
	s25 =	spop (v2sf)  }
0x4af: {  	(v2sf) =	vpush v1, $0x9;
	s17 =	sadd.f32 s25, s17  }
0x4b0: {  	s15 =	sadd.f32 s15, s23;
	s25 =	spop (v2sf)  }
0x4b1: {  	(v2sf) =	vpush v1, $0xA;
	s17 =	sadd.f32 s17, s25  }
0x4b2: {  	s14 =	sadd.f32 s15, s14;
	s20 =	spop (v2sf)  }
0x4b3: {  	(v2sf) =	vpush v1, $0xB;
	s17 =	sadd.f32 s17, s20  }
0x4b4: {  	s25 =	spop (v2sf);
	s14 =	sadd.f32 s14, s26  }
0x4b5: {  	(v2sf) =	vpush v1, $0xC;
	s17 =	sadd.f32 s17, s25  }
0x4b6: {  	s13 =	sadd.f32 s14, s13;
	s29 =	spop (v2sf)  }
0x4b7: {  	(v2sf) =	vpush v1, $0xD;
	s17 =	sadd.f32 s17, s29  }
0x4b8: {  	s13 =	sadd.f32 s13, s22;
	s20 =	spop (v2sf)  }
0x4b9: {  	(v2sf) =	vpush v1, $0xE;
	s17 =	sadd.f32 s17, s20  }
0x4ba: {  	s22 =	rddreg [dreg:$0xb];
	s24 =	spop (v2sf)  }
0x4bb: {  	(v2sf) =	vpush v1, $0xF;
	s17 =	sadd.f32 s17, s24  }
0x4bc: {  	v0 =	vmov s22;
	s25 =	spop (v2sf);
	s24 =	rddreg [dreg:$0xc]  }
0x4bd: {  	(erf) = vrcp.f32 v0;
	v1 =	vmov s24;
	s17 =	sadd.f32 s17, s25  }
0x4be: {  	v0 =	vmov s30;
	s29 =	spop (v2sf);
	(erf) = vrcp.f32 v1  }
0x4bf: {  	(erf) = vrcp.f32 v0;
	v0 =	vmov s1;
	s1 =	simm.s32 $0x4200;
	s15 =	sadd.f32 s17, s29  }
0x4c0: {  	s18 =	spop (v2sf);
	v6 =	vld [tilespmem:s1+$0xFFFFFE60]  }
0x4c1: {  	v7 =	vld [tilespmem:s1+$0xFFFFFEE0];
	s15 =	sadd.f32 s15, s18  }
0x4c2: {  	s19 =	spop (v2sf);
	v8 =	vld [tilespmem:s1+$0xFFFFFF60]  }
0x4c3: {  	v9 =	vld [tilespmem:s1+$0xFFFFFFE0];
	s14 =	sadd.f32 s15, s19  }
0x4c4: {  	s20 =	spop (v2sf);
	v10 =	vld [tilespmem:s1+$0x60]  }
0x4c5: {  	v11 =	vld [tilespmem:s1+$0xE0];
	s14 =	sadd.f32 s14, s20  }
0x4c6: {  	s12 =	sadd.f32 s13, s12;
	v12 =	vld [tilespmem:s1+$0x160];
	s23 =	spop (v2sf)  }
0x4c7: {  	v13 =	vld [tilespmem:s1+$0x1E0];
	s13 =	sadd.f32 s14, s23  }
0x4c8: {  	s12 =	sadd.f32 s12, s21;
	v14 =	vld [tilespmem:s1+$0xFFFFFE80];
	s25 =	spop (v2sf)  }
0x4c9: {  	v1 =	vmov s16;
	v15 =	vld [tilespmem:s1+$0xFFFFFF00];
	s13 =	sadd.f32 s13, s25  }
0x4ca: {  	s4 =	sadd.f32 s12, s4;
	(erf) = vrcp.f32 v1;
	v18 =	vld [tilespmem:s1+$0xFFFFFF80];
	s26 =	spop (v2sf)  }
0x4cb: {  	v19 =	vld [tilespmem:s1+$0x0];
	(erf) = vrcp.f32 v0;
	v0 =	vmov s0;
	s29 =	sadd.f32 s13, s26  }
0x4cc: {  	v20 =	vld [tilespmem:s1+$0x80];
	(erf) = vrcp.f32 v0;
	v0 =	vmov s4  }
0x4cd: {  	v61 =	vld [tilespmem:s1+$0x100];
	(erf) = vrcp.f32 v0;
	v0 =	vmov s29  }
0x4ce: {  	v37 =	vld [tilespmem:s1+$0xFFFFFFA0];
	(erf) = vrcp.f32 v0  }
0x4cf: {  	v38 =	vld [tilespmem:s1+$0x20]  }
0x4d0: {  	v39 =	vld [tilespmem:s1+$0xA0];
	v0 =	vpop (erf)  }
0x4d1: {  	v40 =	vld [tilespmem:s1+$0x120];
	v2 =	vpop (erf)  }
0x4d2: {  	v41 =	vld [tilespmem:s1+$0x1A0];
	v1 =	vpop (erf)  }
0x4d3: {  	v42 =	vld [tilespmem:s1+$0xFFFFFE40];
	v3 =	vpop (erf)  }
0x4d4: {  	v43 =	vld [tilespmem:s1+$0xFFFFFEC0];
	v4 =	vpop (erf)  }
0x4d5: {  	v44 =	vld [tilespmem:s1+$0xFFFFFF40];
	v16 =	vmul.f32 v6, v0;
	v17 =	vmul.f32 v7, v2;
	v5 =	vpop (erf)  }
0x4d6: {  	v46 =	vld [tilespmem:s1+$0xFFFFFFC0];
	v8 =	vmul.f32 v8, v1;
	v9 =	vmul.f32 v9, v3;
	v6 =	vpop (erf)  }
0x4d7: {  	v47 =	vld [tilespmem:s1+$0x40];
	v10 =	vmul.f32 v10, v4;
	v11 =	vmul.f32 v11, v5;
	v7 =	vpop (erf)  }
0x4d8: {  	v49 =	vld [tilespmem:s1+$0x140];
	v12 =	vmul.f32 v12, v6;
	v13 =	vmul.f32 v13, v7  }
0x4d9: {  	v50 =	vld [tilespmem:s1+$0x1C0];
	v16 =	vmax.f32 v16, v17  }
0x4da: {  	v8 =	vmax.f32 v8, v9;
	v9 =	vmax.f32 v10, v11;
	v11 =	vld [tilespmem:s1+$0xFFFFFE20];
	v10 =	vmax.f32 v12, v13  }
0x4db: {  	v8 =	vmax.f32 v16, v8;
	v9 =	vmax.f32 v9, v10;
	v10 =	vld [tilespmem:s1+$0xFFFFFEA0]  }
0x4dc: {  	s28 =	simm.s32 $0x2040;
	v17 =	vld [tilespmem:s1+$0x180];
	v8 =	vmax.f32 v8, v9  }
0x4dd: {  	v9 =	vld [tilespmem:s1+$0xFFFFFF20];
	[tilespmem:s28+$0x20] =	vst v8  }
0x4de: {  	v51 =	vmul.f32 v42, v0;
	v52 =	vmul.f32 v43, v2;
	v8 =	vld [tilespmem:s1+$0xFFFFFE70]  }
0x4df: {  	v25 =	vmul.f32 v37, v3;
	v45 =	vmul.f32 v39, v5;
	v12 =	vld [tilespmem:s1+$0xFFFFFEF0]  }
0x4e0: {  	v11 =	vmul.f32 v11, v0;
	v13 =	vld [tilespmem:s1+$0xFFFFFF70];
	v10 =	vmul.f32 v10, v2  }
0x4e1: {  	v28 =	vmul.f32 v40, v6;
	v29 =	vmul.f32 v41, v7;
	v16 =	vld [tilespmem:s1+$0xFFFFFFF0]  }
0x4e2: {  	v62 =	vld [tilespmem:s1+$0x70];
	v9 =	vmul.f32 v9, v1;
	v10 =	vmax.f32 v11, v10;
	v11 =	vmul.f32 v38, v4  }
0x4e3: {  	v14 =	vmul.f32 v14, v2;
	v15 =	vmul.f32 v15, v1;
	v63 =	vld [tilespmem:s1+$0xF0]  }
0x4e4: {  	v48 =	vmax.f32 v28, v29;
	v36 =	vld [tilespmem:s1+$0x170];
	v9 =	vmax.f32 v9, v25;
	v11 =	vmax.f32 v11, v45  }
0x4e5: {  	v18 =	vmul.f32 v18, v3;
	v9 =	vmax.f32 v10, v9;
	v10 =	vld [tilespmem:s1+$0xC0];
	v11 =	vmax.f32 v11, v48  }
0x4e6: {  	v27 =	vmul.f32 v46, v3;
	v19 =	vmul.f32 v19, v4;
	v9 =	vmax.f32 v9, v11;
	v11 =	vld [tilespmem:s1+$0xFFFFFE00]  }
0x4e7: {  	v20 =	vmul.f32 v20, v5;
	v15 =	vmax.f32 v15, v18;
	v18 =	vmul.f32 v44, v1;
	[tilespmem:s28+$0xFFFFFFE0] =	vst v9;
	v9 =	vld [tilespmem:s1+$0x1F0]  }
0x4e8: {  	v21 =	vmul.f32 v61, v6;
	v55 =	vmul.f32 v49, v6;
	v53 =	vld [tilespmem:s1+$0xFFFFFE30]  }
0x4e9: {  	v19 =	vmax.f32 v19, v20;
	v20 =	vmul.f32 v47, v4;
	v26 =	vmul.f32 v50, v7;
	v54 =	vld [tilespmem:s1+$0xFFFFFEB0]  }
0x4ea: {  	v17 =	vmul.f32 v17, v7;
	v56 =	vld [tilespmem:s1+$0xFFFFFF30];
	v10 =	vmul.f32 v10, v5  }
0x4eb: {  	v18 =	vmax.f32 v18, v27;
	v29 =	vmax.f32 v51, v52;
	v57 =	vld [tilespmem:s1+$0xFFFFFFB0];
	v11 =	vmul.f32 v11, v0  }
0x4ec: {  	v17 =	vmax.f32 v21, v17;
	v58 =	vld [tilespmem:s1+$0x30];
	v10 =	vmax.f32 v20, v10;
	v20 =	vmax.f32 v55, v26  }
0x4ed: {  	v18 =	vmax.f32 v29, v18;
	v10 =	vmax.f32 v10, v20;
	v11 =	vmax.f32 v11, v14;
	v14 =	vld [tilespmem:s1+$0xB0]  }
0x4ee: {  	v17 =	vmax.f32 v19, v17;
	v10 =	vmax.f32 v18, v10;
	v11 =	vmax.f32 v11, v15;
	v15 =	vld [tilespmem:s1+$0x130]  }
0x4ef: {  	v8 =	vmul.f32 v8, v0;
	v12 =	vmul.f32 v12, v2;
	[tilespmem:s28+$0x0] =	vst v10;
	v11 =	vmax.f32 v11, v17;
	v17 =	vld [tilespmem:s1+$0x1B0]  }
0x4f0: {  	v10 =	vmul.f32 v13, v1;
	v13 =	vmul.f32 v16, v3;
	v16 =	vld [tilespmem:s1+$0xFFFFFE50];
	[tilespmem:s28+$0xFFFFFFC0] =	vst v11  }
0x4f1: {  	v20 =	vmul.f32 v36, v6;
	v9 =	vmul.f32 v9, v7;
	v19 =	vld [tilespmem:s1+$0xFFFFFE10]  }
0x4f2: {  	v18 =	vmul.f32 v63, v5;
	v11 =	vmul.f32 v62, v4;
	v59 =	vld [tilespmem:s1+$0xFFFFFE90]  }
0x4f3: {  	v8 =	vmax.f32 v8, v12;
	v9 =	vmax.f32 v20, v9;
	v10 =	vmax.f32 v10, v13;
	v12 =	vld [tilespmem:s1+$0xFFFFFF10]  }
0x4f4: {  	v13 =	vmul.f32 v53, v0;
	v20 =	vld [tilespmem:s1+$0xFFFFFF90];
	v11 =	vmax.f32 v11, v18;
	v18 =	vmul.f32 v54, v2  }
0x4f5: {  	v60 =	vmul.f32 v57, v3;
	v8 =	vmax.f32 v8, v10;
	v10 =	vmul.f32 v56, v1;
	v61 =	vld [tilespmem:s1+$0x10]  }
0x4f6: {  	v62 =	vld [tilespmem:s1+$0x90];
	v14 =	vmul.f32 v14, v5;
	v13 =	vmax.f32 v13, v18;
	v18 =	vmul.f32 v58, v4  }
0x4f7: {  	v63 =	vld [tilespmem:s1+$0x110];
	v10 =	vmax.f32 v10, v60;
	v15 =	vmul.f32 v15, v6;
	v17 =	vmul.f32 v17, v7  }
0x4f8: {  	v9 =	vmax.f32 v11, v9;
	v11 =	vmax.f32 v13, v10;
	v10 =	vmax.f32 v18, v14;
	v14 =	vld [tilespmem:s1+$0x190]  }
0x4f9: {  	v13 =	vmul.f32 v19, v0;
	v15 =	vmax.f32 v15, v17;
	v17 =	vmul.f32 v59, v2;
	v19 =	vld [tilespmem:s1+$0xFFFFFED0]  }
0x4fa: {  	v12 =	vmul.f32 v12, v1;
	v18 =	vmul.f32 v20, v3;
	v15 =	vmax.f32 v10, v15;
	v10 =	vld [tilespmem:s1+$0xFFFFFF50]  }
0x4fb: {  	v8 =	vmax.f32 v8, v9;
	v21 =	vmul.f32 v62, v5;
	v20 =	vmax.f32 v11, v15;
	v11 =	vld [tilespmem:s1+$0xFFFFFFD0]  }
0x4fc: {  	v9 =	vmax.f32 v13, v17;
	v17 =	vmul.f32 v61, v4;
	v13 =	vmax.f32 v12, v18;
	v12 =	vld [tilespmem:s1+$0x50]  }
0x4fd: {  	[tilespmem:s28+$0x30] =	vst v8;
	v15 =	vmul.f32 v63, v6;
	v9 =	vmax.f32 v9, v13;
	v13 =	vld [tilespmem:s1+$0xD0];
	v18 =	vmul.f32 v14, v7  }
0x4fe: {  	s31 =	simm.s32 $0x0;
	s30 =	simm.s32 $0x2040;
	s16 =	simm.s32 $0x4600;
	v8 =	vmul.f32 v16, v0;
	[tilespmem:s28+$0xFFFFFFF0] =	vst v20;
	v16 =	vmax.f32 v17, v21;
	v17 =	vmul.f32 v19, v2;
	v14 =	vld [tilespmem:s1+$0x150]  }
.LBB2_34:
0x4ff: {  	v19 =	vld [tilespmem:s16+$0xFFFFFE60];
	v15 =	vmax.f32 v15, v18;
	v10 =	vmul.f32 v10, v1  }
0x500: {  	v18 =	vld [tilespmem:s16+$0xFFFFFEE0];
	v15 =	vmax.f32 v16, v15;
	v11 =	vmul.f32 v11, v3;
	v8 =	vmax.f32 v8, v17  }
0x501: {  	v16 =	vld [tilespmem:s16+$0xFFFFFF60];
	v9 =	vmax.f32 v9, v15;
	v12 =	vmul.f32 v12, v4  }
0x502: {  	v15 =	vld [tilespmem:s16+$0xFFFFFFE0];
	[tilespmem:s28+$0xFFFFFFD0] =	vst v9;
	v9 =	vmul.f32 v13, v5;
	v11 =	vmax.f32 v10, v11  }
0x503: {  	v13 =	vld [tilespmem:s16+$0x60];
	v10 =	vmul.f32 v14, v6;
	v8 =	vmax.f32 v8, v11  }
0x504: {  	v11 =	vld [tilespmem:s16+$0xE0];
	v9 =	vmax.f32 v12, v9  }
0x505: {  	v12 =	vld [tilespmem:s16+$0x160]  }
0x506: {  	v14 =	vld [tilespmem:s16+$0x1E0]  }
0x507: {  	v17 =	vld [tilespmem:s16+$0xFFFFFE80]  }
0x508: {  	v19 =	vmul.f32 v19, v0;
	v18 =	vmul.f32 v18, v2;
	v20 =	vld [tilespmem:s16+$0xFFFFFF00]  }
0x509: {  	v16 =	vmul.f32 v16, v1;
	v15 =	vmul.f32 v15, v3;
	v21 =	vld [tilespmem:s16+$0xFFFFFF80]  }
0x50a: {  	v13 =	vmul.f32 v13, v4;
	v23 =	vmul.f32 v11, v5;
	v22 =	vld [tilespmem:s16+$0x0]  }
0x50b: {  	v12 =	vmul.f32 v12, v6;
	v24 =	vld [tilespmem:s16+$0x80];
	v14 =	vmul.f32 v14, v7  }
0x50c: {  	v18 =	vmax.f32 v19, v18;
	v11 =	vmul.f32 v17, v2;
	v17 =	vld [tilespmem:s16+$0x100]  }
0x50d: {  	s31 =	sadd.s32 $0x80, s31;
	v15 =	vmax.f32 v16, v15;
	v13 =	vmax.f32 v13, v23;
	v19 =	vld [tilespmem:s16+$0x180];
	v12 =	vmax.f32 v12, v14  }
0x50e: {  	p0 =	slt.u32 s31, $0x1F80;
	v15 =	vmax.f32 v18, v15;
	v14 =	vmul.f32 v20, v1;
	v16 =	vld [tilespmem:s16+$0xFFFFFE20];
	v12 =	vmax.f32 v13, v12  }
0x50f: {  	s28 =	sadd.s32 $0x80, s28;
	v13 =	vmul.f32 v21, v3;
	v18 =	vmul.f32 v22, v4;
	v20 =	vld [tilespmem:s16+$0xFFFFFEA0];
	v12 =	vmax.f32 v15, v12  }
0x510: {  	v15 =	vmul.f32 v24, v5;
	v21 =	vld [tilespmem:s16+$0xFFFFFF20];
	[tilespmem:s28+$0x20] =	vst v12  }
0x511: {  	v13 =	vmax.f32 v14, v13;
	v12 =	vmul.f32 v17, v6;
	v14 =	vld [tilespmem:s16+$0xFFFFFE70]  }
0x512: {  	v17 =	vmul.f32 v19, v7;
	v15 =	vmax.f32 v18, v15;
	v18 =	vld [tilespmem:s16+$0xFFFFFEF0]  }
0x513: {  	v16 =	vmul.f32 v16, v0;
	v19 =	vld [tilespmem:s16+$0xFFFFFF70]  }
0x514: {  	v12 =	vmax.f32 v12, v17;
	v17 =	vmul.f32 v20, v2;
	v20 =	vld [tilespmem:s16+$0xFFFFFFF0]  }
0x515: {  	v12 =	vmax.f32 v15, v12;
	v15 =	vmul.f32 v21, v1;
	v21 =	vld [tilespmem:s16+$0x70]  }
0x516: {  	v16 =	vmax.f32 v16, v17;
	v17 =	vld [tilespmem:s16+$0xF0]  }
0x517: {  	v22 =	vld [tilespmem:s16+$0x170]  }
0x518: {  	v23 =	vld [tilespmem:s16+$0x1F0]  }
0x519: {  	v24 =	vld [tilespmem:s16+$0xFFFFFFA0]  }
0x51a: {  	v14 =	vmul.f32 v14, v0;
	v18 =	vmul.f32 v18, v2;
	v25 =	vld [tilespmem:s16+$0x20]  }
0x51b: {  	v19 =	vmul.f32 v19, v1;
	v20 =	vmul.f32 v20, v3;
	v26 =	vld [tilespmem:s16+$0xA0]  }
0x51c: {  	v21 =	vmul.f32 v21, v4;
	v17 =	vmul.f32 v17, v5;
	v27 =	vld [tilespmem:s16+$0x120]  }
0x51d: {  	v22 =	vmul.f32 v22, v6;
	v28 =	vld [tilespmem:s16+$0x1A0];
	v23 =	vmul.f32 v23, v7  }
0x51e: {  	v14 =	vmax.f32 v14, v18;
	v24 =	vmul.f32 v24, v3;
	v29 =	vld [tilespmem:s16+$0xFFFFFE40]  }
0x51f: {  	v19 =	vmax.f32 v19, v20;
	v17 =	vmax.f32 v21, v17;
	v18 =	vld [tilespmem:s16+$0xFFFFFEC0];
	v20 =	vmax.f32 v22, v23  }
0x520: {  	v14 =	vmax.f32 v14, v19;
	v21 =	vmul.f32 v25, v4;
	v22 =	vld [tilespmem:s16+$0xFFFFFF40];
	v17 =	vmax.f32 v17, v20  }
0x521: {  	v19 =	vmul.f32 v26, v5;
	v20 =	vmul.f32 v27, v6;
	v23 =	vld [tilespmem:s16+$0xFFFFFFC0];
	v14 =	vmax.f32 v14, v17  }
0x522: {  	v15 =	vmax.f32 v15, v24;
	v17 =	vmul.f32 v28, v7;
	v24 =	vld [tilespmem:s16+$0x40];
	[tilespmem:s28+$0x30] =	vst v14  }
0x523: {  	v15 =	vmax.f32 v16, v15;
	v14 =	vmax.f32 v21, v19;
	v16 =	vmul.f32 v29, v0;
	v19 =	vld [tilespmem:s16+$0xC0]  }
0x524: {  	v17 =	vmax.f32 v20, v17;
	v18 =	vmul.f32 v18, v2;
	v20 =	vld [tilespmem:s16+$0x140]  }
0x525: {  	v14 =	vmax.f32 v14, v17;
	v17 =	vmul.f32 v22, v1;
	v21 =	vld [tilespmem:s16+$0x1C0]  }
0x526: {  	v22 =	vld [tilespmem:s16+$0xFFFFFE00];
	v14 =	vmax.f32 v15, v14;
	v15 =	vmul.f32 v23, v3;
	v16 =	vmax.f32 v16, v18  }
0x527: {  	[tilespmem:s28+$0xFFFFFFE0] =	vst v14;
	v14 =	vmul.f32 v24, v4;
	v18 =	vld [tilespmem:s1+$0x1D0];
	s1 =	smov.u32 s16  }
0x528: {  	v23 =	vld [tilespmem:s16+$0xFFFFFE30];
	v19 =	vmul.f32 v19, v5;
	v15 =	vmax.f32 v17, v15  }
0x529: {  	v17 =	vld [tilespmem:s16+$0xFFFFFEB0];
	v20 =	vmul.f32 v20, v6;
	v15 =	vmax.f32 v16, v15  }
0x52a: {  	v16 =	vld [tilespmem:s16+$0xFFFFFF30];
	v21 =	vmul.f32 v21, v7;
	v14 =	vmax.f32 v14, v19  }
0x52b: {  	v19 =	vmul.f32 v22, v0;
	v22 =	vld [tilespmem:s16+$0xFFFFFFB0]  }
0x52c: {  	v24 =	vld [tilespmem:s16+$0x30];
	v20 =	vmax.f32 v20, v21;
	v18 =	vmul.f32 v18, v7  }
0x52d: {  	v11 =	vmax.f32 v19, v11;
	v19 =	vmul.f32 v23, v0;
	v21 =	vld [tilespmem:s16+$0xB0];
	v14 =	vmax.f32 v14, v20  }
0x52e: {  	v11 =	vmax.f32 v11, v13;
	v13 =	vmul.f32 v17, v2;
	v17 =	vld [tilespmem:s16+$0x130];
	v14 =	vmax.f32 v15, v14  }
0x52f: {  	v10 =	vmax.f32 v10, v18;
	v11 =	vmax.f32 v11, v12;
	v12 =	vmul.f32 v16, v1;
	v15 =	vld [tilespmem:s16+$0x1B0];
	[tilespmem:s28+$0x0] =	vst v14  }
0x530: {  	v9 =	vmax.f32 v9, v10;
	[tilespmem:s28+$0xFFFFFFC0] =	vst v11;
	v11 =	vmul.f32 v22, v3;
	v13 =	vmax.f32 v19, v13;
	v14 =	vld [tilespmem:s16+$0xFFFFFE50]  }
0x531: {  	v8 =	vmax.f32 v8, v9;
	v10 =	vld [tilespmem:s16+$0xFFFFFE10];
	v16 =	vmul.f32 v24, v4  }
0x532: {  	v9 =	vld [tilespmem:s16+$0xFFFFFE90];
	v18 =	vmul.f32 v21, v5;
	v11 =	vmax.f32 v12, v11;
	[tilespmem:s30+$0x10] =	vst v8;
	s30 =	smov.u32 s28  }
0x533: {  	v12 =	vld [tilespmem:s16+$0xFFFFFF10];
	v17 =	vmul.f32 v17, v6;
	v11 =	vmax.f32 v13, v11  }
0x534: {  	v13 =	vld [tilespmem:s16+$0xFFFFFF90];
	v15 =	vmul.f32 v15, v7;
	v16 =	vmax.f32 v16, v18  }
0x535: {  	v18 =	vld [tilespmem:s16+$0x10];
	v8 =	vmul.f32 v14, v0  }
0x536: {  	v10 =	vmul.f32 v10, v0;
	v14 =	vld [tilespmem:s16+$0x90];
	v15 =	vmax.f32 v17, v15  }
0x537: {  	v9 =	vmul.f32 v9, v2;
	v17 =	vld [tilespmem:s16+$0x110];
	v15 =	vmax.f32 v16, v15  }
0x538: {  	v12 =	vmul.f32 v12, v1;
	v16 =	vld [tilespmem:s16+$0x190];
	v11 =	vmax.f32 v11, v15  }
0x539: {  	v13 =	vmul.f32 v13, v3;
	v9 =	vmax.f32 v10, v9;
	[tilespmem:s28+$0xFFFFFFF0] =	vst v11;
	v19 =	vld [tilespmem:s16+$0xFFFFFED0]  }
.Ltmp16:
0x53a: {  	v20 =	vmul.f32 v18, v4;
	v10 =	vld [tilespmem:s16+$0xFFFFFF50];
	(pc) =	sbr.rel @p0 .LBB2_34-.Ltmp16, $4  }
0x53b: {  	v14 =	vmul.f32 v14, v5;
	v12 =	vmax.f32 v12, v13;
	v11 =	vld [tilespmem:s16+$0xFFFFFFD0]  }
0x53c: {  	v15 =	vmul.f32 v17, v6;
	v9 =	vmax.f32 v9, v12;
	v12 =	vld [tilespmem:s16+$0x50]  }
0x53d: {  	v18 =	vmul.f32 v16, v7;
	v16 =	vmax.f32 v20, v14;
	v13 =	vld [tilespmem:s16+$0xD0]  }
0x53e: {  	s16 =	sadd.s32 $0x400, s16;
	v17 =	vmul.f32 v19, v2;
	v14 =	vld [tilespmem:s1+$0x150]  }
0x53f: {  	v0 =	vld [tilespmem:s1+$0x1D0];
	_ =	sdelay $0x2  }
0x540: {  	v1 =	vmul.f32 v10, v1;
	v2 =	vmul.f32 v11, v3  }
0x541: {  	v58 =	vmul.f32 v12, v4;
	v59 =	vmul.f32 v13, v5  }
0x542: {  	v60 =	vmax.f32 v15, v18;
	v6 =	vmul.f32 v14, v6;
	v0 =	vmul.f32 v0, v7  }
0x543: {  	v61 =	vmax.f32 v8, v17;
	v5 =	vmax.f32 v16, v60  }
0x544: {  	v1 =	vmax.f32 v1, v2;
	v62 =	vmax.f32 v58, v59;
	v0 =	vmax.f32 v6, v0  }
0x545: {  	v63 =	vmax.f32 v9, v5;
	v1 =	vmax.f32 v61, v1;
	v0 =	vmax.f32 v62, v0  }
0x546: {  	[tilespmem:s28+$0xFFFFFFD0] =	vst v63;
	v0 =	vmax.f32 v1, v0  }
0x547: {  	s1 =	simm.s32 $0x80;
	s4 =	simm.s32 $0x400;
	[tilespmem:s30+$0x10] =	vst v0  }
0x548: {  	s12 =	simm.s32 $0x2000;
	s13 =	simm.s32 $0x1;
	s0 =	rddreg [dreg:$0x8]  }
0x549: {  	[hbm4b:s0+s1] =	stream.strided.scatter [tilespmem:s12], [sflag:$0x1], $0x2000, s4, s1, $0x38;
	[tilespmem:$0x15400] =	vst v63  }
0x54a: {  	_ =	swait.ge [sflag:s13], $0x2000  }
0x54b: {  	s30 =	rddreg [dreg:$0xa]  }
0x54c: {  	s31 =	rddreg [dreg:$0x9];
	s12 =	sadd.s32 $0x1, s30  }
0x54d: {  	p0 =	sne.s32 s12, s31  }
.Ltmp17:
0x54e: {  	_ = 	snop;
	(pc) =	sbr.rel @p0 .LBB2_1-.Ltmp17, $3  }
0x54f: {  	_ =	sdelay $0x1  }
0x550: {  	[sflag:s13] =	ssyncset.done $0x0  }
0x551: {  	[sflag:s13] =	ssyncadd.s32 $0xFFFFE000  }
0x552: {  	_ =	sfence.sel $0x180000  }
0x553: {  	[bflag:$0x0] =	sbarrier.arrive $0xFFFF  }
0x554: {  	_ =	strace $0x90000047  }
0x555: {  	s0 =	stileid.u32;
	[bflag:$0x2] =	sbarrier.arrive $0xFFFF  }
0x556: {  	p0 =	sne.s32 s0, $0x0;
	s0 =	rddreg [dreg:$0x4]  }
0x557: {  	s0 =	sadd.s32 @!p0 $0x100000, s0  }
0x558: {  	[sflag:s0] =	ssyncadd.tile.s32 @!p0 $0x1;
	_ =	shalt  }
.Lfunc_end2:
_tile_overlayer_lowered:
.L_overlay_start_2:
0x559: {  	(tag) =	ssettag $0x2  }
0x55a: {  	s0 =	rddreg [dreg:$0x0];
	s2 =	stileid.u32  }
0x55b: {  	s1 =	rddreg [dreg:$0x1];
	p0 =	sne.s32 s2, $0x0  }
0x55c: {  	s3 =	rddreg [dreg:$0x2];
	[bflag:$0x3] =	sbarrier.arrive $0xFFFF;
	s2 =	simm.s32 @!p0 $0x1C0B  }
0x55d: {  	[timem:s3], [sflag:s2] =	dma.local @!p0 [hbm:s0], s1  }
0x55e: {  	s0 =	simm.s32 @!p0 $0xB  }
0x55f: {  	_ =	swait.ge @!p0 [sflag:s0], s1  }
0x560: {  	s1 =	ssub.s32 @!p0 $0x0, s1;
	[sflag:s0] =	ssyncset.done @!p0 $0x0  }
0x561: {  	[sflag:s0] =	ssyncadd.s32 @!p0 s1  }
0x562: {  	[bflag:$0x3] =	sbarrier.arrive $0xFFFF  }
0x563: {  	_ =	shalt  }

</sc_bundles>
